<compile_context>
chip_gen: v7x
topology: tpu7x:2x2x1
jax: 0.10.2.dev20260603
libtpu: 0.0.44.dev20260713+nightly
codegen_flags: <defaults>
</compile_context>

<pallas_src>
import functools

import jax
import jax.numpy as jnp
from jax import lax
from jax.experimental import pallas as pl
from jax.experimental.pallas import tpu as pltpu
from jax.experimental.pallas import tpu_sc as plsc

N = 10000
D = 256
F = 16
C = 7
E = 160000

NC = 2
NS = 16
NW = NC * NS
CHUNK = 128
CPS0 = 40
CPS1 = 40
ROWS0 = NS * CPS0
E_ROWS = E // CHUNK
ROW0_LAST = ROWS0 + (NS - 1) * CPS1
REAL_ROWS_LAST = E_ROWS - ROW0_LAST
PAD_ROWS = CPS1 - REAL_ROWS_LAST
N_PAD = 10240
RPS = N_PAD // NS
NB = 8
NP = N * F // 128
NP_PAD = N_PAD * F // 128


def _sc_mesh():
    return plsc.VectorSubcoreMesh(core_axis_name="c", subcore_axis_name="s")


_SC_PARAMS = pltpu.CompilerParams(use_tc_tiling_on_sc=False)


def _load_idx(idx_hbm, pad_hbm, idx_vmem, cid, sid):

    @pl.when(cid == 0)
    def _():
        pltpu.sync_copy(idx_hbm.at[pl.ds(sid * CPS0, CPS0)],
                        idx_vmem.at[pl.ds(0, CPS0)])

    @pl.when((cid == 1) & (sid < NS - 1))
    def _():
        pltpu.sync_copy(idx_hbm.at[pl.ds(ROWS0 + sid * CPS1, CPS1)], idx_vmem)

    @pl.when((cid == 1) & (sid == NS - 1))
    def _():
        pltpu.sync_copy(idx_hbm.at[pl.ds(ROW0_LAST, REAL_ROWS_LAST)],
                        idx_vmem.at[pl.ds(0, REAL_ROWS_LAST)])
        pltpu.sync_copy(pad_hbm, idx_vmem.at[pl.ds(REAL_ROWS_LAST, PAD_ROWS)])


def _sc_hist(dst2d, dpad, ones, zeros):

    @functools.partial(
        pl.kernel,
        out_type=jax.ShapeDtypeStruct((NC, N_PAD, F), jnp.float32),
        mesh=_sc_mesh(),
        scratch_types=[
            pltpu.VMEM((CPS1, CHUNK), jnp.int32),
            pltpu.VMEM((CHUNK, F), jnp.float32),
            pltpu.VMEM_SHARED((N_PAD, F), jnp.float32),
            pltpu.SemaphoreType.DMA,
        ],
        compiler_params=_SC_PARAMS,
    )
    def k(dst_hbm, dpad_hbm, ones_hbm, z_hbm, out_hbm, didx, obuf, acc, hsem):
        cid = lax.axis_index("c")
        sid = lax.axis_index("s")
        pltpu.sync_copy(z_hbm, acc.at[pl.ds(sid * RPS, RPS)])
        pltpu.sync_copy(ones_hbm, obuf)
        _load_idx(dst_hbm, dpad_hbm, didx, cid, sid)
        plsc.subcore_barrier()

        def ring(cps):
            for k in range(NB):
                pltpu.async_copy(obuf, acc.at[didx.at[k]], hsem, add=True)

            @pl.loop(NB, cps)
            def _(j):
                pltpu.make_async_copy(obuf, acc.at[didx.at[j - NB]],
                                      hsem).wait()
                pltpu.async_copy(obuf, acc.at[didx.at[j]], hsem, add=True)

            @pl.loop(cps - NB, cps)
            def _(j):
                pltpu.make_async_copy(obuf, acc.at[didx.at[j]], hsem).wait()

        @pl.when(cid == 0)
        def _():
            ring(CPS0)

        @pl.when(cid == 1)
        def _():
            ring(CPS1)

        plsc.subcore_barrier()
        pltpu.sync_copy(acc.at[pl.ds(sid * RPS, RPS)],
                        out_hbm.at[cid].at[pl.ds(sid * RPS, RPS)])

    return k(dst2d, dpad, ones, zeros)


def _sc_segsum(g, src2d, dst2d, spad, dpad, zeros):

    @functools.partial(
        pl.kernel,
        out_type=jax.ShapeDtypeStruct((NC, N_PAD, F), jnp.float32),
        mesh=_sc_mesh(),
        scratch_types=[
            pltpu.VMEM((CPS1, CHUNK), jnp.int32),
            pltpu.VMEM((CPS1, CHUNK), jnp.int32),
            [pltpu.VMEM((CHUNK, F), jnp.float32)] * NB,
            pltpu.VMEM_SHARED((N_PAD, F), jnp.float32),
            [pltpu.SemaphoreType.DMA] * NB,
            [pltpu.SemaphoreType.DMA] * NB,
        ],
        compiler_params=_SC_PARAMS,
    )
    def k(g_hbm, src_hbm, dst_hbm, spad_hbm, dpad_hbm, z_hbm, out_hbm,
          sidx, didx, rows, acc, gsem, ssem):
        cid = lax.axis_index("c")
        sid = lax.axis_index("s")
        pltpu.sync_copy(z_hbm, acc.at[pl.ds(sid * RPS, RPS)])
        _load_idx(src_hbm, spad_hbm, sidx, cid, sid)
        _load_idx(dst_hbm, dpad_hbm, didx, cid, sid)
        plsc.subcore_barrier()

        def ring(cps):
            for k in range(NB):
                pltpu.async_copy(g_hbm.at[sidx.at[k]], rows[k], gsem[k])

            @pl.loop(0, cps, step=NB)
            def _(j):
                for k in range(NB):
                    pltpu.make_async_copy(g_hbm.at[sidx.at[j + k]],
                                          rows[k], gsem[k]).wait()
                    pltpu.async_copy(rows[k], acc.at[didx.at[j + k]], ssem[k],
                                     add=True)
                for k in range(NB):
                    pltpu.make_async_copy(rows[k], acc.at[didx.at[j + k]],
                                          ssem[k]).wait()

                    @pl.when(j + k + NB < cps)
                    def _():
                        pltpu.async_copy(g_hbm.at[sidx.at[j + k + NB]],
                                         rows[k], gsem[k])

        @pl.when(cid == 0)
        def _():
            ring(CPS0)

        @pl.when(cid == 1)
        def _():
            ring(CPS1)

        plsc.subcore_barrier()
        pltpu.sync_copy(acc.at[pl.ds(sid * RPS, RPS)],
                        out_hbm.at[cid].at[pl.ds(sid * RPS, RPS)])

    return k(g, src2d, dst2d, spad, dpad, zeros)


def _tc_l1(counts_p, x_g, x, W1big):

    def body(c_ref, xg_ref, x_ref, w_ref, dis_ref, g_ref, xo_ref):
        deg = c_ref[0, :NP, :] + c_ref[1, :NP, :] + 1.0
        dis = 1.0 / jnp.sqrt(deg)
        dis_ref[...] = dis
        h1p = jnp.dot(xg_ref[...], w_ref[...],
                      preferred_element_type=jnp.float32,
                      precision=lax.Precision.HIGHEST)
        g_ref[...] = h1p * dis
        xo_ref[...] = x_ref[...]

    return pl.pallas_call(
        body,
        out_shape=(jax.ShapeDtypeStruct((NP, 128), jnp.float32),
                   jax.ShapeDtypeStruct((NP, 128), jnp.float32),
                   jax.ShapeDtypeStruct((N, D), jnp.float32)),
    )(counts_p, x_g, x, W1big)


def _tc_mid(s1_p, g1_p, dis_p, b1_128, W2big):

    def body(s_ref, g_ref, d_ref, b_ref, w_ref, h1_ref, g2_ref):
        pre = (d_ref[...] * (s_ref[0, :NP, :] + s_ref[1, :NP, :] + g_ref[...])
               + b_ref[...])
        H1p = jnp.maximum(pre, 0.0)
        h2 = jnp.dot(H1p, w_ref[...], preferred_element_type=jnp.float32,
                     precision=lax.Precision.HIGHEST)
        g2_ref[...] = h2 * d_ref[...]
        h1_ref[...] = H1p

    return pl.pallas_call(
        body,
        out_shape=(jax.ShapeDtypeStruct((NP, 128), jnp.float32),
                   jax.ShapeDtypeStruct((NP, 128), jnp.float32)),
    )(s1_p, g1_p, dis_p, b1_128, W2big)


def _tc_post(s2_p, g2_p, dis_p, b2_128, Gones):

    def body(s_ref, g_ref, d_ref, b_ref, o_ref, h2_ref, lp_ref):
        t = (d_ref[...] * (s_ref[0, :NP, :] + s_ref[1, :NP, :] + g_ref[...])
             + b_ref[...])
        h2_ref[...] = t
        r = jnp.maximum(t, 0.0)
        col = lax.broadcasted_iota(jnp.int32, r.shape, 1)
        mask = (col % F) < C
        rm = jnp.where(mask, r, 0.0)
        m = jnp.max(rm)
        e = jnp.where(mask, jnp.exp(r - m), 0.0)
        se = jnp.dot(e, o_ref[...], preferred_element_type=jnp.float32,
                     precision=lax.Precision.HIGHEST)
        lp_ref[...] = r - (m + jnp.log(se))

    return pl.pallas_call(
        body,
        out_shape=(jax.ShapeDtypeStruct((NP, 128), jnp.float32),
                   jax.ShapeDtypeStruct((NP, 128), jnp.float32)),
    )(s2_p, g2_p, dis_p, b2_128, Gones)


def kernel(x, edge_index, W1, b1, W2, b2):
    ei = edge_index.astype(jnp.int32)
    src2d = ei[0].reshape(E_ROWS, CHUNK)
    dst2d = ei[1].reshape(E_ROWS, CHUNK)
    spad = jnp.zeros((PAD_ROWS, CHUNK), jnp.int32)
    dpad = jnp.full((PAD_ROWS, CHUNK), N, jnp.int32)
    zeros = jnp.zeros((RPS, F), jnp.float32)
    ones = jnp.ones((CHUNK, F), jnp.float32)
    eye8 = jnp.eye(8, dtype=jnp.float32)
    W2p = jnp.pad(W2, ((0, 0), (0, F - C)))
    W1big = jnp.kron(eye8, W1)
    W2big = jnp.kron(eye8, W2p)
    Gones = jnp.kron(eye8, jnp.ones((F, F), jnp.float32))
    b1_128 = jnp.tile(b1, 8).reshape(1, 128)
    b2_128 = jnp.tile(jnp.pad(b2, (0, F - C)), 8).reshape(1, 128)
    x_g = x.reshape(NP, 8 * D)

    counts = _sc_hist(dst2d, dpad, ones, zeros)
    counts_p = counts.reshape(NC, NP_PAD, 128)
    dis_p, g1_p, H0 = _tc_l1(counts_p, x_g, x, W1big)
    g1 = g1_p.reshape(N, F)
    s1 = _sc_segsum(g1, src2d, dst2d, spad, dpad, zeros)
    s1_p = s1.reshape(NC, NP_PAD, 128)
    H1_p, g2_p = _tc_mid(s1_p, g1_p, dis_p, b1_128, W2big)
    g2 = g2_p.reshape(N, F)
    s2 = _sc_segsum(g2, src2d, dst2d, spad, dpad, zeros)
    s2_p = s2.reshape(NC, NP_PAD, 128)
    H2_p, lp_p = _tc_post(s2_p, g2_p, dis_p, b2_128, Gones)
    return (lp_p.reshape(N, F)[:, :C], H0, H1_p.reshape(N, F),
            H2_p.reshape(N, F)[:, :C])

# --- scband reference (transcript-rebuilt; emitter-appended) ---
"""Pipeline reference for scband-gcn-8418135900272 (READ-ONLY COPY).

The authoritative reference and input builder live on the scoring server;
editing this copy changes nothing except your own understanding.
"""

import jax, jax.numpy as jnp
import numpy as np

N_NODES = 10000
D_FEAT = 256
HIDDEN = 16
N_CLASSES = 7
N_EDGES = 160000


def setup_inputs(seed: int = 0) -> dict:
    key = jax.random.key(seed)
    k_x, k_ei, k_w1, k_b1, k_w2, k_b2 = jax.random.split(key, 6)
    x = jax.random.normal(k_x, (N_NODES, D_FEAT), dtype=jnp.float32)
    edge_index = jax.random.randint(k_ei, (2, N_EDGES), 0, N_NODES, dtype=jnp.int64)
    # Glorot-style init for GCNConv linear weights
    W1 = jax.random.normal(k_w1, (D_FEAT, HIDDEN), dtype=jnp.float32) * (1.0 / np.sqrt(D_FEAT))
    b1 = jnp.zeros((HIDDEN,), dtype=jnp.float32)
    W2 = jax.random.normal(k_w2, (HIDDEN, N_CLASSES), dtype=jnp.float32) * (1.0 / np.sqrt(HIDDEN))
    b2 = jnp.zeros((N_CLASSES,), dtype=jnp.float32)
    return {"x": x, "edge_index": edge_index, "W1": W1, "b1": b1, "W2": W2, "b2": b2}


def _gcn_conv(x, edge_index, W, b):
    # GCNConv: x' = D^{-1/2} (A + I) D^{-1/2} (x W) + b
    N = x.shape[0]
    src = edge_index[0]
    dst = edge_index[1]
    loop = jnp.arange(N, dtype=src.dtype)
    src = jnp.concatenate([src, loop])
    dst = jnp.concatenate([dst, loop])
    deg = jax.ops.segment_sum(jnp.ones(src.shape[0], dtype=x.dtype), dst, num_segments=N)
    deg_inv_sqrt = jnp.where(deg > 0, 1.0 / jnp.sqrt(deg), 0.0)
    norm = deg_inv_sqrt[src] * deg_inv_sqrt[dst]
    h = x @ W
    msg = h[src] * norm[:, None]
    out = jax.ops.segment_sum(msg, dst, num_segments=N)
    return out + b


def reference(x, edge_index, W1, b1, W2, b2):
    # Faithful translation of GCN.forward (eval mode: dropout is identity)
    H0 = x
    h = _gcn_conv(x, edge_index, W1, b1)
    h = jax.nn.relu(h)
    H1 = h
    h = _gcn_conv(h, edge_index, W2, b2)
    H2 = h
    h = jax.nn.relu(h)
    logp = jax.nn.log_softmax(h, axis=1)
    return (logp, H0, H1, H2)

if __name__ == "__main__":
    import jax
    _d = setup_inputs()
    print(jax.jit(kernel)(*tuple(_d.values())))

</pallas_src>

<mosaic_0001>
#map = affine_map<(d0, d1) -> (0, 0)>
#map1 = affine_map<(d0, d1) -> (0, 0, 0)>
module attributes {stable_mosaic.version = 14 : i64} {
  func.func @k(%arg0: i32, %arg1: i32, %arg2: memref<1250x128xi32, #tpu.memory_space<hbm>>, %arg3: memref<30x128xi32, #tpu.memory_space<hbm>>, %arg4: memref<128x16xf32, #tpu.memory_space<hbm>>, %arg5: memref<640x16xf32, #tpu.memory_space<hbm>>, %arg6: memref<2x10240x16xf32, #tpu.memory_space<hbm>>, %arg7: memref<40x128xi32, #tpu.memory_space<vmem>>, %arg8: memref<128x16xf32, #tpu.memory_space<vmem>>, %arg9: memref<10240x16xf32, #tpu.memory_space<vmem_shared>>, %arg10: memref<!tpu.dma_semaphore, #tpu.memory_space<semaphore_mem>>) attributes {dimension_semantics = [#tpu.dimension_semantics<core_parallel>, #tpu.dimension_semantics<subcore_parallel>], iteration_bounds = array<i64: 2, 16>, scalar_prefetch = 0 : i64, scratch_operands = 4 : i64, tpu.core_type = #tpu.core_type<sc_vector_subcore>, window_params = [{transform_indices = #map}, {transform_indices = #map}, {transform_indices = #map}, {transform_indices = #map}, {transform_indices = #map1}]} {
    %mul3A = arith.constant 640 : i32
    %mul3A_0 = arith.muli %arg1, %mul3A : i32
    "tpu.region"() ({
      %run_scoped3A = tpu.sem_alloc : memref<!tpu.dma_semaphore, #tpu.memory_space<semaphore_mem>>
      %dma_start3A = arith.constant 0 : i32
      %dma_start3A_32 = tpu.memref_slice %arg9[%mul3A_0, %dma_start3A] : memref<10240x16xf32, #tpu.memory_space<vmem_shared>> -> memref<640x16xf32, #tpu.memory_space<vmem_shared>>
      tpu.enqueue_dma source(%arg5 : memref<640x16xf32, #tpu.memory_space<hbm>>) target(%dma_start3A_32 : memref<640x16xf32, #tpu.memory_space<vmem_shared>>) target_semaphore(%run_scoped3A : memref<!tpu.dma_semaphore, #tpu.memory_space<semaphore_mem>>)
      %dma_wait3A = arith.constant 0 : i32
      %dma_wait3A_33 = tpu.memref_slice %arg9[%mul3A_0, %dma_wait3A] : memref<10240x16xf32, #tpu.memory_space<vmem_shared>> -> memref<640x16xf32, #tpu.memory_space<vmem_shared>>
      tpu.wait_dma2 semaphore(%run_scoped3A : memref<!tpu.dma_semaphore, #tpu.memory_space<semaphore_mem>>) src(%arg5 : memref<640x16xf32, #tpu.memory_space<hbm>>) dst(%dma_wait3A_33 : memref<640x16xf32, #tpu.memory_space<vmem_shared>>)
      tpu.yield
    }) : () -> ()
    "tpu.region"() ({
      %run_scoped3A = tpu.sem_alloc : memref<!tpu.dma_semaphore, #tpu.memory_space<semaphore_mem>>
      tpu.enqueue_dma source(%arg4 : memref<128x16xf32, #tpu.memory_space<hbm>>) target(%arg8 : memref<128x16xf32, #tpu.memory_space<vmem>>) target_semaphore(%run_scoped3A : memref<!tpu.dma_semaphore, #tpu.memory_space<semaphore_mem>>)
      tpu.wait_dma2 semaphore(%run_scoped3A : memref<!tpu.dma_semaphore, #tpu.memory_space<semaphore_mem>>) src(%arg4 : memref<128x16xf32, #tpu.memory_space<hbm>>) dst(%arg8 : memref<128x16xf32, #tpu.memory_space<vmem>>)
      tpu.yield
    }) : () -> ()
    %eq3A = arith.constant 0 : i32
    %eq3A_1 = arith.cmpi eq, %arg0, %eq3A : i32
    %convert_element_type3A = arith.extui %eq3A_1 : i1 to i32
    %cond3A = arith.constant 0 : i32
    %cond3A_2 = arith.cmpi ne, %convert_element_type3A, %cond3A : i32
    scf.if %cond3A_2 {
      %mul3A_32 = arith.constant 40 : i32
      %mul3A_33 = arith.muli %arg1, %mul3A_32 : i32
      "tpu.region"() ({
        %run_scoped3A = tpu.sem_alloc : memref<!tpu.dma_semaphore, #tpu.memory_space<semaphore_mem>>
        %dma_start3A = arith.constant 0 : i32
        %dma_start3A_34 = arith.constant 0 : i32
        %dma_start3A_35 = tpu.memref_slice %arg7[%dma_start3A, %dma_start3A_34] : memref<40x128xi32, #tpu.memory_space<vmem>> -> memref<40x128xi32, #tpu.memory_space<vmem>>
        %dma_start3A_36 = arith.constant 0 : i32
        %dma_start3A_37 = tpu.memref_slice %arg2[%mul3A_33, %dma_start3A_36] : memref<1250x128xi32, #tpu.memory_space<hbm>> -> memref<40x128xi32, #tpu.memory_space<hbm>>
        %dma_start3A_38 = arith.constant 0 : i32
        %dma_start3A_39 = arith.constant 0 : i32
        %dma_start3A_40 = tpu.memref_slice %arg7[%dma_start3A_38, %dma_start3A_39] : memref<40x128xi32, #tpu.memory_space<vmem>> -> memref<40x128xi32, #tpu.memory_space<vmem>>
        %dma_start3A_41 = arith.constant 0 : i32
        %dma_start3A_42 = tpu.memref_slice %arg2[%mul3A_33, %dma_start3A_41] : memref<1250x128xi32, #tpu.memory_space<hbm>> -> memref<40x128xi32, #tpu.memory_space<hbm>>
        tpu.enqueue_dma source(%dma_start3A_42 : memref<40x128xi32, #tpu.memory_space<hbm>>) target(%dma_start3A_40 : memref<40x128xi32, #tpu.memory_space<vmem>>) target_semaphore(%run_scoped3A : memref<!tpu.dma_semaphore, #tpu.memory_space<semaphore_mem>>)
        %dma_wait3A = arith.constant 0 : i32
        %dma_wait3A_43 = arith.constant 0 : i32
        %dma_wait3A_44 = tpu.memref_slice %arg7[%dma_wait3A, %dma_wait3A_43] : memref<40x128xi32, #tpu.memory_space<vmem>> -> memref<40x128xi32, #tpu.memory_space<vmem>>
        %dma_wait3A_45 = arith.constant 0 : i32
        %dma_wait3A_46 = tpu.memref_slice %arg2[%mul3A_33, %dma_wait3A_45] : memref<1250x128xi32, #tpu.memory_space<hbm>> -> memref<40x128xi32, #tpu.memory_space<hbm>>
        %dma_wait3A_47 = arith.constant 0 : i32
        %dma_wait3A_48 = arith.constant 0 : i32
        %dma_wait3A_49 = tpu.memref_slice %arg7[%dma_wait3A_47, %dma_wait3A_48] : memref<40x128xi32, #tpu.memory_space<vmem>> -> memref<40x128xi32, #tpu.memory_space<vmem>>
        %dma_wait3A_50 = arith.constant 0 : i32
        %dma_wait3A_51 = tpu.memref_slice %arg2[%mul3A_33, %dma_wait3A_50] : memref<1250x128xi32, #tpu.memory_space<hbm>> -> memref<40x128xi32, #tpu.memory_space<hbm>>
        tpu.wait_dma2 semaphore(%run_scoped3A : memref<!tpu.dma_semaphore, #tpu.memory_space<semaphore_mem>>) src(%dma_wait3A_51 : memref<40x128xi32, #tpu.memory_space<hbm>>) dst(%dma_wait3A_49 : memref<40x128xi32, #tpu.memory_space<vmem>>)
        tpu.yield
      }) : () -> ()
    } else {
    }
    %eq3A_3 = arith.constant 1 : i32
    %eq3A_4 = arith.cmpi eq, %arg0, %eq3A_3 : i32
    %lt3A = arith.constant 15 : i32
    %lt3A_5 = arith.cmpi slt, %arg1, %lt3A : i32
    %and3A = arith.andi %eq3A_4, %lt3A_5 : i1
    %convert_element_type3A_6 = arith.extui %and3A : i1 to i32
    %cond3A_7 = arith.constant 0 : i32
    %cond3A_8 = arith.cmpi ne, %convert_element_type3A_6, %cond3A_7 : i32
    scf.if %cond3A_8 {
      %mul3A_32 = arith.constant 40 : i32
      %mul3A_33 = arith.muli %arg1, %mul3A_32 : i32
      %add3A = arith.constant 640 : i32
      %add3A_34 = arith.addi %add3A, %mul3A_33 : i32
      "tpu.region"() ({
        %run_scoped3A = tpu.sem_alloc : memref<!tpu.dma_semaphore, #tpu.memory_space<semaphore_mem>>
        %dma_start3A = arith.constant 0 : i32
        %dma_start3A_35 = tpu.memref_slice %arg2[%add3A_34, %dma_start3A] : memref<1250x128xi32, #tpu.memory_space<hbm>> -> memref<40x128xi32, #tpu.memory_space<hbm>>
        %dma_start3A_36 = arith.constant 0 : i32
        %dma_start3A_37 = tpu.memref_slice %arg2[%add3A_34, %dma_start3A_36] : memref<1250x128xi32, #tpu.memory_space<hbm>> -> memref<40x128xi32, #tpu.memory_space<hbm>>
        tpu.enqueue_dma source(%dma_start3A_37 : memref<40x128xi32, #tpu.memory_space<hbm>>) target(%arg7 : memref<40x128xi32, #tpu.memory_space<vmem>>) target_semaphore(%run_scoped3A : memref<!tpu.dma_semaphore, #tpu.memory_space<semaphore_mem>>)
        %dma_wait3A = arith.constant 0 : i32
        %dma_wait3A_38 = tpu.memref_slice %arg2[%add3A_34, %dma_wait3A] : memref<1250x128xi32, #tpu.memory_space<hbm>> -> memref<40x128xi32, #tpu.memory_space<hbm>>
        %dma_wait3A_39 = arith.constant 0 : i32
        %dma_wait3A_40 = tpu.memref_slice %arg2[%add3A_34, %dma_wait3A_39] : memref<1250x128xi32, #tpu.memory_space<hbm>> -> memref<40x128xi32, #tpu.memory_space<hbm>>
        tpu.wait_dma2 semaphore(%run_scoped3A : memref<!tpu.dma_semaphore, #tpu.memory_space<semaphore_mem>>) src(%dma_wait3A_40 : memref<40x128xi32, #tpu.memory_space<hbm>>) dst(%arg7 : memref<40x128xi32, #tpu.memory_space<vmem>>)
        tpu.yield
      }) : () -> ()
    } else {
    }
    %eq3A_9 = arith.constant 1 : i32
    %eq3A_10 = arith.cmpi eq, %arg0, %eq3A_9 : i32
    %eq3A_11 = arith.constant 15 : i32
    %eq3A_12 = arith.cmpi eq, %arg1, %eq3A_11 : i32
    %and3A_13 = arith.andi %eq3A_10, %eq3A_12 : i1
    %convert_element_type3A_14 = arith.extui %and3A_13 : i1 to i32
    %cond3A_15 = arith.constant 0 : i32
    %cond3A_16 = arith.cmpi ne, %convert_element_type3A_14, %cond3A_15 : i32
    scf.if %cond3A_16 {
      "tpu.region"() ({
        %run_scoped3A = tpu.sem_alloc : memref<!tpu.dma_semaphore, #tpu.memory_space<semaphore_mem>>
        %dma_start3A = arith.constant 0 : i32
        %dma_start3A_32 = arith.constant 0 : i32
        %dma_start3A_33 = tpu.memref_slice %arg7[%dma_start3A, %dma_start3A_32] : memref<40x128xi32, #tpu.memory_space<vmem>> -> memref<10x128xi32, #tpu.memory_space<vmem>>
        %dma_start3A_34 = arith.constant 1240 : i32
        %dma_start3A_35 = arith.constant 0 : i32
        %dma_start3A_36 = tpu.memref_slice %arg2[%dma_start3A_34, %dma_start3A_35] : memref<1250x128xi32, #tpu.memory_space<hbm>> -> memref<10x128xi32, #tpu.memory_space<hbm>>
        %dma_start3A_37 = arith.constant 0 : i32
        %dma_start3A_38 = arith.constant 0 : i32
        %dma_start3A_39 = tpu.memref_slice %arg7[%dma_start3A_37, %dma_start3A_38] : memref<40x128xi32, #tpu.memory_space<vmem>> -> memref<10x128xi32, #tpu.memory_space<vmem>>
        %dma_start3A_40 = arith.constant 1240 : i32
        %dma_start3A_41 = arith.constant 0 : i32
        %dma_start3A_42 = tpu.memref_slice %arg2[%dma_start3A_40, %dma_start3A_41] : memref<1250x128xi32, #tpu.memory_space<hbm>> -> memref<10x128xi32, #tpu.memory_space<hbm>>
        tpu.enqueue_dma source(%dma_start3A_42 : memref<10x128xi32, #tpu.memory_space<hbm>>) target(%dma_start3A_39 : memref<10x128xi32, #tpu.memory_space<vmem>>) target_semaphore(%run_scoped3A : memref<!tpu.dma_semaphore, #tpu.memory_space<semaphore_mem>>)
        %dma_wait3A = arith.constant 0 : i32
        %dma_wait3A_43 = arith.constant 0 : i32
        %dma_wait3A_44 = tpu.memref_slice %arg7[%dma_wait3A, %dma_wait3A_43] : memref<40x128xi32, #tpu.memory_space<vmem>> -> memref<10x128xi32, #tpu.memory_space<vmem>>
        %dma_wait3A_45 = arith.constant 1240 : i32
        %dma_wait3A_46 = arith.constant 0 : i32
        %dma_wait3A_47 = tpu.memref_slice %arg2[%dma_wait3A_45, %dma_wait3A_46] : memref<1250x128xi32, #tpu.memory_space<hbm>> -> memref<10x128xi32, #tpu.memory_space<hbm>>
        %dma_wait3A_48 = arith.constant 0 : i32
        %dma_wait3A_49 = arith.constant 0 : i32
        %dma_wait3A_50 = tpu.memref_slice %arg7[%dma_wait3A_48, %dma_wait3A_49] : memref<40x128xi32, #tpu.memory_space<vmem>> -> memref<10x128xi32, #tpu.memory_space<vmem>>
        %dma_wait3A_51 = arith.constant 1240 : i32
        %dma_wait3A_52 = arith.constant 0 : i32
        %dma_wait3A_53 = tpu.memref_slice %arg2[%dma_wait3A_51, %dma_wait3A_52] : memref<1250x128xi32, #tpu.memory_space<hbm>> -> memref<10x128xi32, #tpu.memory_space<hbm>>
        tpu.wait_dma2 semaphore(%run_scoped3A : memref<!tpu.dma_semaphore, #tpu.memory_space<semaphore_mem>>) src(%dma_wait3A_53 : memref<10x128xi32, #tpu.memory_space<hbm>>) dst(%dma_wait3A_50 : memref<10x128xi32, #tpu.memory_space<vmem>>)
        tpu.yield
      }) : () -> ()
      "tpu.region"() ({
        %run_scoped3A = tpu.sem_alloc : memref<!tpu.dma_semaphore, #tpu.memory_space<semaphore_mem>>
        %dma_start3A = arith.constant 10 : i32
        %dma_start3A_32 = arith.constant 0 : i32
        %dma_start3A_33 = tpu.memref_slice %arg7[%dma_start3A, %dma_start3A_32] : memref<40x128xi32, #tpu.memory_space<vmem>> -> memref<30x128xi32, #tpu.memory_space<vmem>>
        %dma_start3A_34 = arith.constant 10 : i32
        %dma_start3A_35 = arith.constant 0 : i32
        %dma_start3A_36 = tpu.memref_slice %arg7[%dma_start3A_34, %dma_start3A_35] : memref<40x128xi32, #tpu.memory_space<vmem>> -> memref<30x128xi32, #tpu.memory_space<vmem>>
        tpu.enqueue_dma source(%arg3 : memref<30x128xi32, #tpu.memory_space<hbm>>) target(%dma_start3A_36 : memref<30x128xi32, #tpu.memory_space<vmem>>) target_semaphore(%run_scoped3A : memref<!tpu.dma_semaphore, #tpu.memory_space<semaphore_mem>>)
        %dma_wait3A = arith.constant 10 : i32
        %dma_wait3A_37 = arith.constant 0 : i32
        %dma_wait3A_38 = tpu.memref_slice %arg7[%dma_wait3A, %dma_wait3A_37] : memref<40x128xi32, #tpu.memory_space<vmem>> -> memref<30x128xi32, #tpu.memory_space<vmem>>
        %dma_wait3A_39 = arith.constant 10 : i32
        %dma_wait3A_40 = arith.constant 0 : i32
        %dma_wait3A_41 = tpu.memref_slice %arg7[%dma_wait3A_39, %dma_wait3A_40] : memref<40x128xi32, #tpu.memory_space<vmem>> -> memref<30x128xi32, #tpu.memory_space<vmem>>
        tpu.wait_dma2 semaphore(%run_scoped3A : memref<!tpu.dma_semaphore, #tpu.memory_space<semaphore_mem>>) src(%arg3 : memref<30x128xi32, #tpu.memory_space<hbm>>) dst(%dma_wait3A_41 : memref<30x128xi32, #tpu.memory_space<vmem>>)
        tpu.yield
      }) : () -> ()
    } else {
    }
    %barrier3A = arith.constant 0 : index
    tpu.barrier barrier_id(%barrier3A)
    %eq3A_17 = arith.constant 0 : i32
    %eq3A_18 = arith.cmpi eq, %arg0, %eq3A_17 : i32
    %convert_element_type3A_19 = arith.extui %eq3A_18 : i1 to i32
    %cond3A_20 = arith.constant 0 : i32
    %cond3A_21 = arith.cmpi ne, %convert_element_type3A_19, %cond3A_20 : i32
    scf.if %cond3A_21 {
      %dma_start3A = arith.constant 0 : i32
      %dma_start3A_32 = arith.constant 0 : i32
      %dma_start3A_33 = tpu.memref_slice %arg7[%dma_start3A, %dma_start3A_32] : memref<40x128xi32, #tpu.memory_space<vmem>> -> memref<1x128xi32, #tpu.memory_space<vmem>>
      %dma_start3A_34 = tpu.memref_squeeze %dma_start3A_33 : memref<1x128xi32, #tpu.memory_space<vmem>> -> memref<128xi32, #tpu.memory_space<vmem>>
      %dma_start3A_35 = arith.constant 0 : i32
      %dma_start3A_36 = arith.constant 0 : i32
      %dma_start3A_37 = tpu.memref_slice %arg9[%dma_start3A_35, %dma_start3A_36] : memref<10240x16xf32, #tpu.memory_space<vmem_shared>> -> memref<10240x16xf32, #tpu.memory_space<vmem_shared>>
      tpu.enqueue_indirect_dma source(%arg8 : memref<128x16xf32, #tpu.memory_space<vmem>>) target(%dma_start3A_37 : memref<10240x16xf32, #tpu.memory_space<vmem_shared>>) offsets(%dma_start3A_34 : memref<128xi32, #tpu.memory_space<vmem>>) semaphore(%arg10 : memref<!tpu.dma_semaphore, #tpu.memory_space<semaphore_mem>>) {add = true}
      %dma_start3A_38 = arith.constant 1 : i32
      %dma_start3A_39 = arith.constant 0 : i32
      %dma_start3A_40 = tpu.memref_slice %arg7[%dma_start3A_38, %dma_start3A_39] : memref<40x128xi32, #tpu.memory_space<vmem>> -> memref<1x128xi32, #tpu.memory_space<vmem>>
      %dma_start3A_41 = tpu.memref_squeeze %dma_start3A_40 : memref<1x128xi32, #tpu.memory_space<vmem>> -> memref<128xi32, #tpu.memory_space<vmem>>
      %dma_start3A_42 = arith.constant 0 : i32
      %dma_start3A_43 = arith.constant 0 : i32
      %dma_start3A_44 = tpu.memref_slice %arg9[%dma_start3A_42, %dma_start3A_43] : memref<10240x16xf32, #tpu.memory_space<vmem_shared>> -> memref<10240x16xf32, #tpu.memory_space<vmem_shared>>
      tpu.enqueue_indirect_dma source(%arg8 : memref<128x16xf32, #tpu.memory_space<vmem>>) target(%dma_start3A_44 : memref<10240x16xf32, #tpu.memory_space<vmem_shared>>) offsets(%dma_start3A_41 : memref<128xi32, #tpu.memory_space<vmem>>) semaphore(%arg10 : memref<!tpu.dma_semaphore, #tpu.memory_space<semaphore_mem>>) {add = true}
      %dma_start3A_45 = arith.constant 2 : i32
      %dma_start3A_46 = arith.constant 0 : i32
      %dma_start3A_47 = tpu.memref_slice %arg7[%dma_start3A_45, %dma_start3A_46] : memref<40x128xi32, #tpu.memory_space<vmem>> -> memref<1x128xi32, #tpu.memory_space<vmem>>
      %dma_start3A_48 = tpu.memref_squeeze %dma_start3A_47 : memref<1x128xi32, #tpu.memory_space<vmem>> -> memref<128xi32, #tpu.memory_space<vmem>>
      %dma_start3A_49 = arith.constant 0 : i32
      %dma_start3A_50 = arith.constant 0 : i32
      %dma_start3A_51 = tpu.memref_slice %arg9[%dma_start3A_49, %dma_start3A_50] : memref<10240x16xf32, #tpu.memory_space<vmem_shared>> -> memref<10240x16xf32, #tpu.memory_space<vmem_shared>>
      tpu.enqueue_indirect_dma source(%arg8 : memref<128x16xf32, #tpu.memory_space<vmem>>) target(%dma_start3A_51 : memref<10240x16xf32, #tpu.memory_space<vmem_shared>>) offsets(%dma_start3A_48 : memref<128xi32, #tpu.memory_space<vmem>>) semaphore(%arg10 : memref<!tpu.dma_semaphore, #tpu.memory_space<semaphore_mem>>) {add = true}
      %dma_start3A_52 = arith.constant 3 : i32
      %dma_start3A_53 = arith.constant 0 : i32
      %dma_start3A_54 = tpu.memref_slice %arg7[%dma_start3A_52, %dma_start3A_53] : memref<40x128xi32, #tpu.memory_space<vmem>> -> memref<1x128xi32, #tpu.memory_space<vmem>>
      %dma_start3A_55 = tpu.memref_squeeze %dma_start3A_54 : memref<1x128xi32, #tpu.memory_space<vmem>> -> memref<128xi32, #tpu.memory_space<vmem>>
      %dma_start3A_56 = arith.constant 0 : i32
      %dma_start3A_57 = arith.constant 0 : i32
      %dma_start3A_58 = tpu.memref_slice %arg9[%dma_start3A_56, %dma_start3A_57] : memref<10240x16xf32, #tpu.memory_space<vmem_shared>> -> memref<10240x16xf32, #tpu.memory_space<vmem_shared>>
      tpu.enqueue_indirect_dma source(%arg8 : memref<128x16xf32, #tpu.memory_space<vmem>>) target(%dma_start3A_58 : memref<10240x16xf32, #tpu.memory_space<vmem_shared>>) offsets(%dma_start3A_55 : memref<128xi32, #tpu.memory_space<vmem>>) semaphore(%arg10 : memref<!tpu.dma_semaphore, #tpu.memory_space<semaphore_mem>>) {add = true}
      %dma_start3A_59 = arith.constant 4 : i32
      %dma_start3A_60 = arith.constant 0 : i32
      %dma_start3A_61 = tpu.memref_slice %arg7[%dma_start3A_59, %dma_start3A_60] : memref<40x128xi32, #tpu.memory_space<vmem>> -> memref<1x128xi32, #tpu.memory_space<vmem>>
      %dma_start3A_62 = tpu.memref_squeeze %dma_start3A_61 : memref<1x128xi32, #tpu.memory_space<vmem>> -> memref<128xi32, #tpu.memory_space<vmem>>
      %dma_start3A_63 = arith.constant 0 : i32
      %dma_start3A_64 = arith.constant 0 : i32
      %dma_start3A_65 = tpu.memref_slice %arg9[%dma_start3A_63, %dma_start3A_64] : memref<10240x16xf32, #tpu.memory_space<vmem_shared>> -> memref<10240x16xf32, #tpu.memory_space<vmem_shared>>
      tpu.enqueue_indirect_dma source(%arg8 : memref<128x16xf32, #tpu.memory_space<vmem>>) target(%dma_start3A_65 : memref<10240x16xf32, #tpu.memory_space<vmem_shared>>) offsets(%dma_start3A_62 : memref<128xi32, #tpu.memory_space<vmem>>) semaphore(%arg10 : memref<!tpu.dma_semaphore, #tpu.memory_space<semaphore_mem>>) {add = true}
      %dma_start3A_66 = arith.constant 5 : i32
      %dma_start3A_67 = arith.constant 0 : i32
      %dma_start3A_68 = tpu.memref_slice %arg7[%dma_start3A_66, %dma_start3A_67] : memref<40x128xi32, #tpu.memory_space<vmem>> -> memref<1x128xi32, #tpu.memory_space<vmem>>
      %dma_start3A_69 = tpu.memref_squeeze %dma_start3A_68 : memref<1x128xi32, #tpu.memory_space<vmem>> -> memref<128xi32, #tpu.memory_space<vmem>>
      %dma_start3A_70 = arith.constant 0 : i32
      %dma_start3A_71 = arith.constant 0 : i32
      %dma_start3A_72 = tpu.memref_slice %arg9[%dma_start3A_70, %dma_start3A_71] : memref<10240x16xf32, #tpu.memory_space<vmem_shared>> -> memref<10240x16xf32, #tpu.memory_space<vmem_shared>>
      tpu.enqueue_indirect_dma source(%arg8 : memref<128x16xf32, #tpu.memory_space<vmem>>) target(%dma_start3A_72 : memref<10240x16xf32, #tpu.memory_space<vmem_shared>>) offsets(%dma_start3A_69 : memref<128xi32, #tpu.memory_space<vmem>>) semaphore(%arg10 : memref<!tpu.dma_semaphore, #tpu.memory_space<semaphore_mem>>) {add = true}
      %dma_start3A_73 = arith.constant 6 : i32
      %dma_start3A_74 = arith.constant 0 : i32
      %dma_start3A_75 = tpu.memref_slice %arg7[%dma_start3A_73, %dma_start3A_74] : memref<40x128xi32, #tpu.memory_space<vmem>> -> memref<1x128xi32, #tpu.memory_space<vmem>>
      %dma_start3A_76 = tpu.memref_squeeze %dma_start3A_75 : memref<1x128xi32, #tpu.memory_space<vmem>> -> memref<128xi32, #tpu.memory_space<vmem>>
      %dma_start3A_77 = arith.constant 0 : i32
      %dma_start3A_78 = arith.constant 0 : i32
      %dma_start3A_79 = tpu.memref_slice %arg9[%dma_start3A_77, %dma_start3A_78] : memref<10240x16xf32, #tpu.memory_space<vmem_shared>> -> memref<10240x16xf32, #tpu.memory_space<vmem_shared>>
      tpu.enqueue_indirect_dma source(%arg8 : memref<128x16xf32, #tpu.memory_space<vmem>>) target(%dma_start3A_79 : memref<10240x16xf32, #tpu.memory_space<vmem_shared>>) offsets(%dma_start3A_76 : memref<128xi32, #tpu.memory_space<vmem>>) semaphore(%arg10 : memref<!tpu.dma_semaphore, #tpu.memory_space<semaphore_mem>>) {add = true}
      %dma_start3A_80 = arith.constant 7 : i32
      %dma_start3A_81 = arith.constant 0 : i32
      %dma_start3A_82 = tpu.memref_slice %arg7[%dma_start3A_80, %dma_start3A_81] : memref<40x128xi32, #tpu.memory_space<vmem>> -> memref<1x128xi32, #tpu.memory_space<vmem>>
      %dma_start3A_83 = tpu.memref_squeeze %dma_start3A_82 : memref<1x128xi32, #tpu.memory_space<vmem>> -> memref<128xi32, #tpu.memory_space<vmem>>
      %dma_start3A_84 = arith.constant 0 : i32
      %dma_start3A_85 = arith.constant 0 : i32
      %dma_start3A_86 = tpu.memref_slice %arg9[%dma_start3A_84, %dma_start3A_85] : memref<10240x16xf32, #tpu.memory_space<vmem_shared>> -> memref<10240x16xf32, #tpu.memory_space<vmem_shared>>
      tpu.enqueue_indirect_dma source(%arg8 : memref<128x16xf32, #tpu.memory_space<vmem>>) target(%dma_start3A_86 : memref<10240x16xf32, #tpu.memory_space<vmem_shared>>) offsets(%dma_start3A_83 : memref<128xi32, #tpu.memory_space<vmem>>) semaphore(%arg10 : memref<!tpu.dma_semaphore, #tpu.memory_space<semaphore_mem>>) {add = true}
      %scan3A = arith.constant 0 : i32
      %scan3A_87 = arith.constant 32 : i32
      %scan3A_88 = arith.addi %scan3A, %scan3A_87 : i32
      %scan3A_89 = arith.constant 1 : i32
      scf.for %scan3A_96 = %scan3A to %scan3A_88 step %scan3A_89  : i32 {
        %mul3A_97 = arith.constant 1 : i32
        %mul3A_98 = arith.muli %scan3A_96, %mul3A_97 : i32
        %add3A = arith.constant 8 : i32
        %add3A_99 = arith.addi %add3A, %mul3A_98 : i32
        %sub3A = arith.constant 8 : i32
        %sub3A_100 = arith.subi %add3A_99, %sub3A : i32
        %dma_wait3A = arith.constant 0 : i32
        %dma_wait3A_101 = tpu.memref_slice %arg7[%sub3A_100, %dma_wait3A] : memref<40x128xi32, #tpu.memory_space<vmem>> -> memref<1x128xi32, #tpu.memory_space<vmem>>
        %dma_wait3A_102 = tpu.memref_squeeze %dma_wait3A_101 : memref<1x128xi32, #tpu.memory_space<vmem>> -> memref<128xi32, #tpu.memory_space<vmem>>
        %dma_wait3A_103 = arith.constant 0 : i32
        %dma_wait3A_104 = arith.constant 0 : i32
        %dma_wait3A_105 = tpu.memref_slice %arg9[%dma_wait3A_103, %dma_wait3A_104] : memref<10240x16xf32, #tpu.memory_space<vmem_shared>> -> memref<10240x16xf32, #tpu.memory_space<vmem_shared>>
        tpu.wait_indirect_dma semaphore(%arg10 : memref<!tpu.dma_semaphore, #tpu.memory_space<semaphore_mem>>) src(%arg8 : memref<128x16xf32, #tpu.memory_space<vmem>>) dst(%dma_wait3A_105 : memref<10240x16xf32, #tpu.memory_space<vmem_shared>>)
        %dma_start3A_106 = arith.constant 0 : i32
        %dma_start3A_107 = tpu.memref_slice %arg7[%add3A_99, %dma_start3A_106] : memref<40x128xi32, #tpu.memory_space<vmem>> -> memref<1x128xi32, #tpu.memory_space<vmem>>
        %dma_start3A_108 = tpu.memref_squeeze %dma_start3A_107 : memref<1x128xi32, #tpu.memory_space<vmem>> -> memref<128xi32, #tpu.memory_space<vmem>>
        %dma_start3A_109 = arith.constant 0 : i32
        %dma_start3A_110 = arith.constant 0 : i32
        %dma_start3A_111 = tpu.memref_slice %arg9[%dma_start3A_109, %dma_start3A_110] : memref<10240x16xf32, #tpu.memory_space<vmem_shared>> -> memref<10240x16xf32, #tpu.memory_space<vmem_shared>>
        tpu.enqueue_indirect_dma source(%arg8 : memref<128x16xf32, #tpu.memory_space<vmem>>) target(%dma_start3A_111 : memref<10240x16xf32, #tpu.memory_space<vmem_shared>>) offsets(%dma_start3A_108 : memref<128xi32, #tpu.memory_space<vmem>>) semaphore(%arg10 : memref<!tpu.dma_semaphore, #tpu.memory_space<semaphore_mem>>) {add = true}
      }
      %scan3A_90 = arith.constant 32 : i32
      %scan3A_91 = arith.constant 0 : i32
      %scan3A_92 = arith.constant 8 : i32
      %scan3A_93 = arith.addi %scan3A_91, %scan3A_92 : i32
      %scan3A_94 = arith.constant 1 : i32
      scf.for %scan3A_96 = %scan3A_91 to %scan3A_93 step %scan3A_94  : i32 {
        %mul3A_97 = arith.constant 1 : i32
        %mul3A_98 = arith.muli %scan3A_96, %mul3A_97 : i32
        %add3A = arith.constant 32 : i32
        %add3A_99 = arith.addi %add3A, %mul3A_98 : i32
        %dma_wait3A = arith.constant 0 : i32
        %dma_wait3A_100 = tpu.memref_slice %arg7[%add3A_99, %dma_wait3A] : memref<40x128xi32, #tpu.memory_space<vmem>> -> memref<1x128xi32, #tpu.memory_space<vmem>>
        %dma_wait3A_101 = tpu.memref_squeeze %dma_wait3A_100 : memref<1x128xi32, #tpu.memory_space<vmem>> -> memref<128xi32, #tpu.memory_space<vmem>>
        %dma_wait3A_102 = arith.constant 0 : i32
        %dma_wait3A_103 = arith.constant 0 : i32
        %dma_wait3A_104 = tpu.memref_slice %arg9[%dma_wait3A_102, %dma_wait3A_103] : memref<10240x16xf32, #tpu.memory_space<vmem_shared>> -> memref<10240x16xf32, #tpu.memory_space<vmem_shared>>
        tpu.wait_indirect_dma semaphore(%arg10 : memref<!tpu.dma_semaphore, #tpu.memory_space<semaphore_mem>>) src(%arg8 : memref<128x16xf32, #tpu.memory_space<vmem>>) dst(%dma_wait3A_104 : memref<10240x16xf32, #tpu.memory_space<vmem_shared>>)
      }
      %scan3A_95 = arith.constant 8 : i32
    } else {
    }
    %eq3A_22 = arith.constant 1 : i32
    %eq3A_23 = arith.cmpi eq, %arg0, %eq3A_22 : i32
    %convert_element_type3A_24 = arith.extui %eq3A_23 : i1 to i32
    %cond3A_25 = arith.constant 0 : i32
    %cond3A_26 = arith.cmpi ne, %convert_element_type3A_24, %cond3A_25 : i32
    scf.if %cond3A_26 {
      %dma_start3A = arith.constant 0 : i32
      %dma_start3A_32 = arith.constant 0 : i32
      %dma_start3A_33 = tpu.memref_slice %arg7[%dma_start3A, %dma_start3A_32] : memref<40x128xi32, #tpu.memory_space<vmem>> -> memref<1x128xi32, #tpu.memory_space<vmem>>
      %dma_start3A_34 = tpu.memref_squeeze %dma_start3A_33 : memref<1x128xi32, #tpu.memory_space<vmem>> -> memref<128xi32, #tpu.memory_space<vmem>>
      %dma_start3A_35 = arith.constant 0 : i32
      %dma_start3A_36 = arith.constant 0 : i32
      %dma_start3A_37 = tpu.memref_slice %arg9[%dma_start3A_35, %dma_start3A_36] : memref<10240x16xf32, #tpu.memory_space<vmem_shared>> -> memref<10240x16xf32, #tpu.memory_space<vmem_shared>>
      tpu.enqueue_indirect_dma source(%arg8 : memref<128x16xf32, #tpu.memory_space<vmem>>) target(%dma_start3A_37 : memref<10240x16xf32, #tpu.memory_space<vmem_shared>>) offsets(%dma_start3A_34 : memref<128xi32, #tpu.memory_space<vmem>>) semaphore(%arg10 : memref<!tpu.dma_semaphore, #tpu.memory_space<semaphore_mem>>) {add = true}
      %dma_start3A_38 = arith.constant 1 : i32
      %dma_start3A_39 = arith.constant 0 : i32
      %dma_start3A_40 = tpu.memref_slice %arg7[%dma_start3A_38, %dma_start3A_39] : memref<40x128xi32, #tpu.memory_space<vmem>> -> memref<1x128xi32, #tpu.memory_space<vmem>>
      %dma_start3A_41 = tpu.memref_squeeze %dma_start3A_40 : memref<1x128xi32, #tpu.memory_space<vmem>> -> memref<128xi32, #tpu.memory_space<vmem>>
      %dma_start3A_42 = arith.constant 0 : i32
      %dma_start3A_43 = arith.constant 0 : i32
      %dma_start3A_44 = tpu.memref_slice %arg9[%dma_start3A_42, %dma_start3A_43] : memref<10240x16xf32, #tpu.memory_space<vmem_shared>> -> memref<10240x16xf32, #tpu.memory_space<vmem_shared>>
      tpu.enqueue_indirect_dma source(%arg8 : memref<128x16xf32, #tpu.memory_space<vmem>>) target(%dma_start3A_44 : memref<10240x16xf32, #tpu.memory_space<vmem_shared>>) offsets(%dma_start3A_41 : memref<128xi32, #tpu.memory_space<vmem>>) semaphore(%arg10 : memref<!tpu.dma_semaphore, #tpu.memory_space<semaphore_mem>>) {add = true}
      %dma_start3A_45 = arith.constant 2 : i32
      %dma_start3A_46 = arith.constant 0 : i32
      %dma_start3A_47 = tpu.memref_slice %arg7[%dma_start3A_45, %dma_start3A_46] : memref<40x128xi32, #tpu.memory_space<vmem>> -> memref<1x128xi32, #tpu.memory_space<vmem>>
      %dma_start3A_48 = tpu.memref_squeeze %dma_start3A_47 : memref<1x128xi32, #tpu.memory_space<vmem>> -> memref<128xi32, #tpu.memory_space<vmem>>
      %dma_start3A_49 = arith.constant 0 : i32
      %dma_start3A_50 = arith.constant 0 : i32
      %dma_start3A_51 = tpu.memref_slice %arg9[%dma_start3A_49, %dma_start3A_50] : memref<10240x16xf32, #tpu.memory_space<vmem_shared>> -> memref<10240x16xf32, #tpu.memory_space<vmem_shared>>
      tpu.enqueue_indirect_dma source(%arg8 : memref<128x16xf32, #tpu.memory_space<vmem>>) target(%dma_start3A_51 : memref<10240x16xf32, #tpu.memory_space<vmem_shared>>) offsets(%dma_start3A_48 : memref<128xi32, #tpu.memory_space<vmem>>) semaphore(%arg10 : memref<!tpu.dma_semaphore, #tpu.memory_space<semaphore_mem>>) {add = true}
      %dma_start3A_52 = arith.constant 3 : i32
      %dma_start3A_53 = arith.constant 0 : i32
      %dma_start3A_54 = tpu.memref_slice %arg7[%dma_start3A_52, %dma_start3A_53] : memref<40x128xi32, #tpu.memory_space<vmem>> -> memref<1x128xi32, #tpu.memory_space<vmem>>
      %dma_start3A_55 = tpu.memref_squeeze %dma_start3A_54 : memref<1x128xi32, #tpu.memory_space<vmem>> -> memref<128xi32, #tpu.memory_space<vmem>>
      %dma_start3A_56 = arith.constant 0 : i32
      %dma_start3A_57 = arith.constant 0 : i32
      %dma_start3A_58 = tpu.memref_slice %arg9[%dma_start3A_56, %dma_start3A_57] : memref<10240x16xf32, #tpu.memory_space<vmem_shared>> -> memref<10240x16xf32, #tpu.memory_space<vmem_shared>>
      tpu.enqueue_indirect_dma source(%arg8 : memref<128x16xf32, #tpu.memory_space<vmem>>) target(%dma_start3A_58 : memref<10240x16xf32, #tpu.memory_space<vmem_shared>>) offsets(%dma_start3A_55 : memref<128xi32, #tpu.memory_space<vmem>>) semaphore(%arg10 : memref<!tpu.dma_semaphore, #tpu.memory_space<semaphore_mem>>) {add = true}
      %dma_start3A_59 = arith.constant 4 : i32
      %dma_start3A_60 = arith.constant 0 : i32
      %dma_start3A_61 = tpu.memref_slice %arg7[%dma_start3A_59, %dma_start3A_60] : memref<40x128xi32, #tpu.memory_space<vmem>> -> memref<1x128xi32, #tpu.memory_space<vmem>>
      %dma_start3A_62 = tpu.memref_squeeze %dma_start3A_61 : memref<1x128xi32, #tpu.memory_space<vmem>> -> memref<128xi32, #tpu.memory_space<vmem>>
      %dma_start3A_63 = arith.constant 0 : i32
      %dma_start3A_64 = arith.constant 0 : i32
      %dma_start3A_65 = tpu.memref_slice %arg9[%dma_start3A_63, %dma_start3A_64] : memref<10240x16xf32, #tpu.memory_space<vmem_shared>> -> memref<10240x16xf32, #tpu.memory_space<vmem_shared>>
      tpu.enqueue_indirect_dma source(%arg8 : memref<128x16xf32, #tpu.memory_space<vmem>>) target(%dma_start3A_65 : memref<10240x16xf32, #tpu.memory_space<vmem_shared>>) offsets(%dma_start3A_62 : memref<128xi32, #tpu.memory_space<vmem>>) semaphore(%arg10 : memref<!tpu.dma_semaphore, #tpu.memory_space<semaphore_mem>>) {add = true}
      %dma_start3A_66 = arith.constant 5 : i32
      %dma_start3A_67 = arith.constant 0 : i32
      %dma_start3A_68 = tpu.memref_slice %arg7[%dma_start3A_66, %dma_start3A_67] : memref<40x128xi32, #tpu.memory_space<vmem>> -> memref<1x128xi32, #tpu.memory_space<vmem>>
      %dma_start3A_69 = tpu.memref_squeeze %dma_start3A_68 : memref<1x128xi32, #tpu.memory_space<vmem>> -> memref<128xi32, #tpu.memory_space<vmem>>
      %dma_start3A_70 = arith.constant 0 : i32
      %dma_start3A_71 = arith.constant 0 : i32
      %dma_start3A_72 = tpu.memref_slice %arg9[%dma_start3A_70, %dma_start3A_71] : memref<10240x16xf32, #tpu.memory_space<vmem_shared>> -> memref<10240x16xf32, #tpu.memory_space<vmem_shared>>
      tpu.enqueue_indirect_dma source(%arg8 : memref<128x16xf32, #tpu.memory_space<vmem>>) target(%dma_start3A_72 : memref<10240x16xf32, #tpu.memory_space<vmem_shared>>) offsets(%dma_start3A_69 : memref<128xi32, #tpu.memory_space<vmem>>) semaphore(%arg10 : memref<!tpu.dma_semaphore, #tpu.memory_space<semaphore_mem>>) {add = true}
      %dma_start3A_73 = arith.constant 6 : i32
      %dma_start3A_74 = arith.constant 0 : i32
      %dma_start3A_75 = tpu.memref_slice %arg7[%dma_start3A_73, %dma_start3A_74] : memref<40x128xi32, #tpu.memory_space<vmem>> -> memref<1x128xi32, #tpu.memory_space<vmem>>
      %dma_start3A_76 = tpu.memref_squeeze %dma_start3A_75 : memref<1x128xi32, #tpu.memory_space<vmem>> -> memref<128xi32, #tpu.memory_space<vmem>>
      %dma_start3A_77 = arith.constant 0 : i32
      %dma_start3A_78 = arith.constant 0 : i32
      %dma_start3A_79 = tpu.memref_slice %arg9[%dma_start3A_77, %dma_start3A_78] : memref<10240x16xf32, #tpu.memory_space<vmem_shared>> -> memref<10240x16xf32, #tpu.memory_space<vmem_shared>>
      tpu.enqueue_indirect_dma source(%arg8 : memref<128x16xf32, #tpu.memory_space<vmem>>) target(%dma_start3A_79 : memref<10240x16xf32, #tpu.memory_space<vmem_shared>>) offsets(%dma_start3A_76 : memref<128xi32, #tpu.memory_space<vmem>>) semaphore(%arg10 : memref<!tpu.dma_semaphore, #tpu.memory_space<semaphore_mem>>) {add = true}
      %dma_start3A_80 = arith.constant 7 : i32
      %dma_start3A_81 = arith.constant 0 : i32
      %dma_start3A_82 = tpu.memref_slice %arg7[%dma_start3A_80, %dma_start3A_81] : memref<40x128xi32, #tpu.memory_space<vmem>> -> memref<1x128xi32, #tpu.memory_space<vmem>>
      %dma_start3A_83 = tpu.memref_squeeze %dma_start3A_82 : memref<1x128xi32, #tpu.memory_space<vmem>> -> memref<128xi32, #tpu.memory_space<vmem>>
      %dma_start3A_84 = arith.constant 0 : i32
      %dma_start3A_85 = arith.constant 0 : i32
      %dma_start3A_86 = tpu.memref_slice %arg9[%dma_start3A_84, %dma_start3A_85] : memref<10240x16xf32, #tpu.memory_space<vmem_shared>> -> memref<10240x16xf32, #tpu.memory_space<vmem_shared>>
      tpu.enqueue_indirect_dma source(%arg8 : memref<128x16xf32, #tpu.memory_space<vmem>>) target(%dma_start3A_86 : memref<10240x16xf32, #tpu.memory_space<vmem_shared>>) offsets(%dma_start3A_83 : memref<128xi32, #tpu.memory_space<vmem>>) semaphore(%arg10 : memref<!tpu.dma_semaphore, #tpu.memory_space<semaphore_mem>>) {add = true}
      %scan3A = arith.constant 0 : i32
      %scan3A_87 = arith.constant 32 : i32
      %scan3A_88 = arith.addi %scan3A, %scan3A_87 : i32
      %scan3A_89 = arith.constant 1 : i32
      scf.for %scan3A_96 = %scan3A to %scan3A_88 step %scan3A_89  : i32 {
        %mul3A_97 = arith.constant 1 : i32
        %mul3A_98 = arith.muli %scan3A_96, %mul3A_97 : i32
        %add3A = arith.constant 8 : i32
        %add3A_99 = arith.addi %add3A, %mul3A_98 : i32
        %sub3A = arith.constant 8 : i32
        %sub3A_100 = arith.subi %add3A_99, %sub3A : i32
        %dma_wait3A = arith.constant 0 : i32
        %dma_wait3A_101 = tpu.memref_slice %arg7[%sub3A_100, %dma_wait3A] : memref<40x128xi32, #tpu.memory_space<vmem>> -> memref<1x128xi32, #tpu.memory_space<vmem>>
        %dma_wait3A_102 = tpu.memref_squeeze %dma_wait3A_101 : memref<1x128xi32, #tpu.memory_space<vmem>> -> memref<128xi32, #tpu.memory_space<vmem>>
        %dma_wait3A_103 = arith.constant 0 : i32
        %dma_wait3A_104 = arith.constant 0 : i32
        %dma_wait3A_105 = tpu.memref_slice %arg9[%dma_wait3A_103, %dma_wait3A_104] : memref<10240x16xf32, #tpu.memory_space<vmem_shared>> -> memref<10240x16xf32, #tpu.memory_space<vmem_shared>>
        tpu.wait_indirect_dma semaphore(%arg10 : memref<!tpu.dma_semaphore, #tpu.memory_space<semaphore_mem>>) src(%arg8 : memref<128x16xf32, #tpu.memory_space<vmem>>) dst(%dma_wait3A_105 : memref<10240x16xf32, #tpu.memory_space<vmem_shared>>)
        %dma_start3A_106 = arith.constant 0 : i32
        %dma_start3A_107 = tpu.memref_slice %arg7[%add3A_99, %dma_start3A_106] : memref<40x128xi32, #tpu.memory_space<vmem>> -> memref<1x128xi32, #tpu.memory_space<vmem>>
        %dma_start3A_108 = tpu.memref_squeeze %dma_start3A_107 : memref<1x128xi32, #tpu.memory_space<vmem>> -> memref<128xi32, #tpu.memory_space<vmem>>
        %dma_start3A_109 = arith.constant 0 : i32
        %dma_start3A_110 = arith.constant 0 : i32
        %dma_start3A_111 = tpu.memref_slice %arg9[%dma_start3A_109, %dma_start3A_110] : memref<10240x16xf32, #tpu.memory_space<vmem_shared>> -> memref<10240x16xf32, #tpu.memory_space<vmem_shared>>
        tpu.enqueue_indirect_dma source(%arg8 : memref<128x16xf32, #tpu.memory_space<vmem>>) target(%dma_start3A_111 : memref<10240x16xf32, #tpu.memory_space<vmem_shared>>) offsets(%dma_start3A_108 : memref<128xi32, #tpu.memory_space<vmem>>) semaphore(%arg10 : memref<!tpu.dma_semaphore, #tpu.memory_space<semaphore_mem>>) {add = true}
      }
      %scan3A_90 = arith.constant 32 : i32
      %scan3A_91 = arith.constant 0 : i32
      %scan3A_92 = arith.constant 8 : i32
      %scan3A_93 = arith.addi %scan3A_91, %scan3A_92 : i32
      %scan3A_94 = arith.constant 1 : i32
      scf.for %scan3A_96 = %scan3A_91 to %scan3A_93 step %scan3A_94  : i32 {
        %mul3A_97 = arith.constant 1 : i32
        %mul3A_98 = arith.muli %scan3A_96, %mul3A_97 : i32
        %add3A = arith.constant 32 : i32
        %add3A_99 = arith.addi %add3A, %mul3A_98 : i32
        %dma_wait3A = arith.constant 0 : i32
        %dma_wait3A_100 = tpu.memref_slice %arg7[%add3A_99, %dma_wait3A] : memref<40x128xi32, #tpu.memory_space<vmem>> -> memref<1x128xi32, #tpu.memory_space<vmem>>
        %dma_wait3A_101 = tpu.memref_squeeze %dma_wait3A_100 : memref<1x128xi32, #tpu.memory_space<vmem>> -> memref<128xi32, #tpu.memory_space<vmem>>
        %dma_wait3A_102 = arith.constant 0 : i32
        %dma_wait3A_103 = arith.constant 0 : i32
        %dma_wait3A_104 = tpu.memref_slice %arg9[%dma_wait3A_102, %dma_wait3A_103] : memref<10240x16xf32, #tpu.memory_space<vmem_shared>> -> memref<10240x16xf32, #tpu.memory_space<vmem_shared>>
        tpu.wait_indirect_dma semaphore(%arg10 : memref<!tpu.dma_semaphore, #tpu.memory_space<semaphore_mem>>) src(%arg8 : memref<128x16xf32, #tpu.memory_space<vmem>>) dst(%dma_wait3A_104 : memref<10240x16xf32, #tpu.memory_space<vmem_shared>>)
      }
      %scan3A_95 = arith.constant 8 : i32
    } else {
    }
    %barrier3A_27 = arith.constant 0 : index
    tpu.barrier barrier_id(%barrier3A_27)
    %mul3A_28 = arith.constant 640 : i32
    %mul3A_29 = arith.muli %arg1, %mul3A_28 : i32
    %mul3A_30 = arith.constant 640 : i32
    %mul3A_31 = arith.muli %arg1, %mul3A_30 : i32
    "tpu.region"() ({
      %run_scoped3A = tpu.sem_alloc : memref<!tpu.dma_semaphore, #tpu.memory_space<semaphore_mem>>
      %dma_start3A = arith.constant 0 : i32
      %dma_start3A_32 = arith.constant 0 : i32
      %dma_start3A_33 = tpu.memref_slice %arg6[%arg0, %dma_start3A, %dma_start3A_32] : memref<2x10240x16xf32, #tpu.memory_space<hbm>> -> memref<1x10240x16xf32, #tpu.memory_space<hbm>>
      %dma_start3A_34 = tpu.memref_squeeze %dma_start3A_33 : memref<1x10240x16xf32, #tpu.memory_space<hbm>> -> memref<10240x16xf32, #tpu.memory_space<hbm>>
      %dma_start3A_35 = arith.constant 0 : i32
      %dma_start3A_36 = tpu.memref_slice %dma_start3A_34[%mul3A_31, %dma_start3A_35] : memref<10240x16xf32, #tpu.memory_space<hbm>> -> memref<640x16xf32, #tpu.memory_space<hbm>>
      %dma_start3A_37 = arith.constant 0 : i32
      %dma_start3A_38 = tpu.memref_slice %arg9[%mul3A_29, %dma_start3A_37] : memref<10240x16xf32, #tpu.memory_space<vmem_shared>> -> memref<640x16xf32, #tpu.memory_space<vmem_shared>>
      tpu.enqueue_dma source(%dma_start3A_38 : memref<640x16xf32, #tpu.memory_space<vmem_shared>>) target(%dma_start3A_36 : memref<640x16xf32, #tpu.memory_space<hbm>>) target_semaphore(%run_scoped3A : memref<!tpu.dma_semaphore, #tpu.memory_space<semaphore_mem>>)
      %dma_wait3A = arith.constant 0 : i32
      %dma_wait3A_39 = arith.constant 0 : i32
      %dma_wait3A_40 = tpu.memref_slice %arg6[%arg0, %dma_wait3A, %dma_wait3A_39] : memref<2x10240x16xf32, #tpu.memory_space<hbm>> -> memref<1x10240x16xf32, #tpu.memory_space<hbm>>
      %dma_wait3A_41 = tpu.memref_squeeze %dma_wait3A_40 : memref<1x10240x16xf32, #tpu.memory_space<hbm>> -> memref<10240x16xf32, #tpu.memory_space<hbm>>
      %dma_wait3A_42 = arith.constant 0 : i32
      %dma_wait3A_43 = tpu.memref_slice %dma_wait3A_41[%mul3A_31, %dma_wait3A_42] : memref<10240x16xf32, #tpu.memory_space<hbm>> -> memref<640x16xf32, #tpu.memory_space<hbm>>
      %dma_wait3A_44 = arith.constant 0 : i32
      %dma_wait3A_45 = tpu.memref_slice %arg9[%mul3A_29, %dma_wait3A_44] : memref<10240x16xf32, #tpu.memory_space<vmem_shared>> -> memref<640x16xf32, #tpu.memory_space<vmem_shared>>
      tpu.wait_dma2 semaphore(%run_scoped3A : memref<!tpu.dma_semaphore, #tpu.memory_space<semaphore_mem>>) src(%dma_wait3A_45 : memref<640x16xf32, #tpu.memory_space<vmem_shared>>) dst(%dma_wait3A_43 : memref<640x16xf32, #tpu.memory_space<hbm>>)
      tpu.yield
    }) : () -> ()
    return
  }
}

#map = affine_map<(d0, d1) -> (0, 0)>
#map1 = affine_map<(d0, d1) -> (0, 0, 0)>
module attributes {stable_mosaic.version = 14 : i64} {
  func.func @k(%arg0: i32, %arg1: i32, %arg2: memref<10000x16xf32, #tpu.memory_space<hbm>>, %arg3: memref<1250x128xi32, #tpu.memory_space<hbm>>, %arg4: memref<1250x128xi32, #tpu.memory_space<hbm>>, %arg5: memref<30x128xi32, #tpu.memory_space<hbm>>, %arg6: memref<30x128xi32, #tpu.memory_space<hbm>>, %arg7: memref<640x16xf32, #tpu.memory_space<hbm>>, %arg8: memref<2x10240x16xf32, #tpu.memory_space<hbm>>, %arg9: memref<40x128xi32, #tpu.memory_space<vmem>>, %arg10: memref<40x128xi32, #tpu.memory_space<vmem>>, %arg11: memref<128x16xf32, #tpu.memory_space<vmem>>, %arg12: memref<128x16xf32, #tpu.memory_space<vmem>>, %arg13: memref<128x16xf32, #tpu.memory_space<vmem>>, %arg14: memref<128x16xf32, #tpu.memory_space<vmem>>, %arg15: memref<128x16xf32, #tpu.memory_space<vmem>>, %arg16: memref<128x16xf32, #tpu.memory_space<vmem>>, %arg17: memref<128x16xf32, #tpu.memory_space<vmem>>, %arg18: memref<128x16xf32, #tpu.memory_space<vmem>>, %arg19: memref<10240x16xf32, #tpu.memory_space<vmem_shared>>, %arg20: memref<!tpu.dma_semaphore, #tpu.memory_space<semaphore_mem>>, %arg21: memref<!tpu.dma_semaphore, #tpu.memory_space<semaphore_mem>>, %arg22: memref<!tpu.dma_semaphore, #tpu.memory_space<semaphore_mem>>, %arg23: memref<!tpu.dma_semaphore, #tpu.memory_space<semaphore_mem>>, %arg24: memref<!tpu.dma_semaphore, #tpu.memory_space<semaphore_mem>>, %arg25: memref<!tpu.dma_semaphore, #tpu.memory_space<semaphore_mem>>, %arg26: memref<!tpu.dma_semaphore, #tpu.memory_space<semaphore_mem>>, %arg27: memref<!tpu.dma_semaphore, #tpu.memory_space<semaphore_mem>>, %arg28: memref<!tpu.dma_semaphore, #tpu.memory_space<semaphore_mem>>, %arg29: memref<!tpu.dma_semaphore, #tpu.memory_space<semaphore_mem>>, %arg30: memref<!tpu.dma_semaphore, #tpu.memory_space<semaphore_mem>>, %arg31: memref<!tpu.dma_semaphore, #tpu.memory_space<semaphore_mem>>, %arg32: memref<!tpu.dma_semaphore, #tpu.memory_space<semaphore_mem>>, %arg33: memref<!tpu.dma_semaphore, #tpu.memory_space<semaphore_mem>>, %arg34: memref<!tpu.dma_semaphore, #tpu.memory_space<semaphore_mem>>, %arg35: memref<!tpu.dma_semaphore, #tpu.memory_space<semaphore_mem>>) attributes {dimension_semantics = [#tpu.dimension_semantics<core_parallel>, #tpu.dimension_semantics<subcore_parallel>], iteration_bounds = array<i64: 2, 16>, scalar_prefetch = 0 : i64, scratch_operands = 27 : i64, tpu.core_type = #tpu.core_type<sc_vector_subcore>, window_params = [{transform_indices = #map}, {transform_indices = #map}, {transform_indices = #map}, {transform_indices = #map}, {transform_indices = #map}, {transform_indices = #map}, {transform_indices = #map1}]} {
    %mul3A = arith.constant 640 : i32
    %mul3A_0 = arith.muli %arg1, %mul3A : i32
    "tpu.region"() ({
      %run_scoped3A = tpu.sem_alloc : memref<!tpu.dma_semaphore, #tpu.memory_space<semaphore_mem>>
      %dma_start3A = arith.constant 0 : i32
      %dma_start3A_53 = tpu.memref_slice %arg19[%mul3A_0, %dma_start3A] : memref<10240x16xf32, #tpu.memory_space<vmem_shared>> -> memref<640x16xf32, #tpu.memory_space<vmem_shared>>
      tpu.enqueue_dma source(%arg7 : memref<640x16xf32, #tpu.memory_space<hbm>>) target(%dma_start3A_53 : memref<640x16xf32, #tpu.memory_space<vmem_shared>>) target_semaphore(%run_scoped3A : memref<!tpu.dma_semaphore, #tpu.memory_space<semaphore_mem>>)
      %dma_wait3A = arith.constant 0 : i32
      %dma_wait3A_54 = tpu.memref_slice %arg19[%mul3A_0, %dma_wait3A] : memref<10240x16xf32, #tpu.memory_space<vmem_shared>> -> memref<640x16xf32, #tpu.memory_space<vmem_shared>>
      tpu.wait_dma2 semaphore(%run_scoped3A : memref<!tpu.dma_semaphore, #tpu.memory_space<semaphore_mem>>) src(%arg7 : memref<640x16xf32, #tpu.memory_space<hbm>>) dst(%dma_wait3A_54 : memref<640x16xf32, #tpu.memory_space<vmem_shared>>)
      tpu.yield
    }) : () -> ()
    %eq3A = arith.constant 0 : i32
    %eq3A_1 = arith.cmpi eq, %arg0, %eq3A : i32
    %convert_element_type3A = arith.extui %eq3A_1 : i1 to i32
    %cond3A = arith.constant 0 : i32
    %cond3A_2 = arith.cmpi ne, %convert_element_type3A, %cond3A : i32
    scf.if %cond3A_2 {
      %mul3A_53 = arith.constant 40 : i32
      %mul3A_54 = arith.muli %arg1, %mul3A_53 : i32
      "tpu.region"() ({
        %run_scoped3A = tpu.sem_alloc : memref<!tpu.dma_semaphore, #tpu.memory_space<semaphore_mem>>
        %dma_start3A = arith.constant 0 : i32
        %dma_start3A_55 = arith.constant 0 : i32
        %dma_start3A_56 = tpu.memref_slice %arg9[%dma_start3A, %dma_start3A_55] : memref<40x128xi32, #tpu.memory_space<vmem>> -> memref<40x128xi32, #tpu.memory_space<vmem>>
        %dma_start3A_57 = arith.constant 0 : i32
        %dma_start3A_58 = tpu.memref_slice %arg3[%mul3A_54, %dma_start3A_57] : memref<1250x128xi32, #tpu.memory_space<hbm>> -> memref<40x128xi32, #tpu.memory_space<hbm>>
        %dma_start3A_59 = arith.constant 0 : i32
        %dma_start3A_60 = arith.constant 0 : i32
        %dma_start3A_61 = tpu.memref_slice %arg9[%dma_start3A_59, %dma_start3A_60] : memref<40x128xi32, #tpu.memory_space<vmem>> -> memref<40x128xi32, #tpu.memory_space<vmem>>
        %dma_start3A_62 = arith.constant 0 : i32
        %dma_start3A_63 = tpu.memref_slice %arg3[%mul3A_54, %dma_start3A_62] : memref<1250x128xi32, #tpu.memory_space<hbm>> -> memref<40x128xi32, #tpu.memory_space<hbm>>
        tpu.enqueue_dma source(%dma_start3A_63 : memref<40x128xi32, #tpu.memory_space<hbm>>) target(%dma_start3A_61 : memref<40x128xi32, #tpu.memory_space<vmem>>) target_semaphore(%run_scoped3A : memref<!tpu.dma_semaphore, #tpu.memory_space<semaphore_mem>>)
        %dma_wait3A = arith.constant 0 : i32
        %dma_wait3A_64 = arith.constant 0 : i32
        %dma_wait3A_65 = tpu.memref_slice %arg9[%dma_wait3A, %dma_wait3A_64] : memref<40x128xi32, #tpu.memory_space<vmem>> -> memref<40x128xi32, #tpu.memory_space<vmem>>
        %dma_wait3A_66 = arith.constant 0 : i32
        %dma_wait3A_67 = tpu.memref_slice %arg3[%mul3A_54, %dma_wait3A_66] : memref<1250x128xi32, #tpu.memory_space<hbm>> -> memref<40x128xi32, #tpu.memory_space<hbm>>
        %dma_wait3A_68 = arith.constant 0 : i32
        %dma_wait3A_69 = arith.constant 0 : i32
        %dma_wait3A_70 = tpu.memref_slice %arg9[%dma_wait3A_68, %dma_wait3A_69] : memref<40x128xi32, #tpu.memory_space<vmem>> -> memref<40x128xi32, #tpu.memory_space<vmem>>
        %dma_wait3A_71 = arith.constant 0 : i32
        %dma_wait3A_72 = tpu.memref_slice %arg3[%mul3A_54, %dma_wait3A_71] : memref<1250x128xi32, #tpu.memory_space<hbm>> -> memref<40x128xi32, #tpu.memory_space<hbm>>
        tpu.wait_dma2 semaphore(%run_scoped3A : memref<!tpu.dma_semaphore, #tpu.memory_space<semaphore_mem>>) src(%dma_wait3A_72 : memref<40x128xi32, #tpu.memory_space<hbm>>) dst(%dma_wait3A_70 : memref<40x128xi32, #tpu.memory_space<vmem>>)
        tpu.yield
      }) : () -> ()
    } else {
    }
    %eq3A_3 = arith.constant 1 : i32
    %eq3A_4 = arith.cmpi eq, %arg0, %eq3A_3 : i32
    %lt3A = arith.constant 15 : i32
    %lt3A_5 = arith.cmpi slt, %arg1, %lt3A : i32
    %and3A = arith.andi %eq3A_4, %lt3A_5 : i1
    %convert_element_type3A_6 = arith.extui %and3A : i1 to i32
    %cond3A_7 = arith.constant 0 : i32
    %cond3A_8 = arith.cmpi ne, %convert_element_type3A_6, %cond3A_7 : i32
    scf.if %cond3A_8 {
      %mul3A_53 = arith.constant 40 : i32
      %mul3A_54 = arith.muli %arg1, %mul3A_53 : i32
      %add3A = arith.constant 640 : i32
      %add3A_55 = arith.addi %add3A, %mul3A_54 : i32
      "tpu.region"() ({
        %run_scoped3A = tpu.sem_alloc : memref<!tpu.dma_semaphore, #tpu.memory_space<semaphore_mem>>
        %dma_start3A = arith.constant 0 : i32
        %dma_start3A_56 = tpu.memref_slice %arg3[%add3A_55, %dma_start3A] : memref<1250x128xi32, #tpu.memory_space<hbm>> -> memref<40x128xi32, #tpu.memory_space<hbm>>
        %dma_start3A_57 = arith.constant 0 : i32
        %dma_start3A_58 = tpu.memref_slice %arg3[%add3A_55, %dma_start3A_57] : memref<1250x128xi32, #tpu.memory_space<hbm>> -> memref<40x128xi32, #tpu.memory_space<hbm>>
        tpu.enqueue_dma source(%dma_start3A_58 : memref<40x128xi32, #tpu.memory_space<hbm>>) target(%arg9 : memref<40x128xi32, #tpu.memory_space<vmem>>) target_semaphore(%run_scoped3A : memref<!tpu.dma_semaphore, #tpu.memory_space<semaphore_mem>>)
        %dma_wait3A = arith.constant 0 : i32
        %dma_wait3A_59 = tpu.memref_slice %arg3[%add3A_55, %dma_wait3A] : memref<1250x128xi32, #tpu.memory_space<hbm>> -> memref<40x128xi32, #tpu.memory_space<hbm>>
        %dma_wait3A_60 = arith.constant 0 : i32
        %dma_wait3A_61 = tpu.memref_slice %arg3[%add3A_55, %dma_wait3A_60] : memref<1250x128xi32, #tpu.memory_space<hbm>> -> memref<40x128xi32, #tpu.memory_space<hbm>>
        tpu.wait_dma2 semaphore(%run_scoped3A : memref<!tpu.dma_semaphore, #tpu.memory_space<semaphore_mem>>) src(%dma_wait3A_61 : memref<40x128xi32, #tpu.memory_space<hbm>>) dst(%arg9 : memref<40x128xi32, #tpu.memory_space<vmem>>)
        tpu.yield
      }) : () -> ()
    } else {
    }
    %eq3A_9 = arith.constant 1 : i32
    %eq3A_10 = arith.cmpi eq, %arg0, %eq3A_9 : i32
    %eq3A_11 = arith.constant 15 : i32
    %eq3A_12 = arith.cmpi eq, %arg1, %eq3A_11 : i32
    %and3A_13 = arith.andi %eq3A_10, %eq3A_12 : i1
    %convert_element_type3A_14 = arith.extui %and3A_13 : i1 to i32
    %cond3A_15 = arith.constant 0 : i32
    %cond3A_16 = arith.cmpi ne, %convert_element_type3A_14, %cond3A_15 : i32
    scf.if %cond3A_16 {
      "tpu.region"() ({
        %run_scoped3A = tpu.sem_alloc : memref<!tpu.dma_semaphore, #tpu.memory_space<semaphore_mem>>
        %dma_start3A = arith.constant 0 : i32
        %dma_start3A_53 = arith.constant 0 : i32
        %dma_start3A_54 = tpu.memref_slice %arg9[%dma_start3A, %dma_start3A_53] : memref<40x128xi32, #tpu.memory_space<vmem>> -> memref<10x128xi32, #tpu.memory_space<vmem>>
        %dma_start3A_55 = arith.constant 1240 : i32
        %dma_start3A_56 = arith.constant 0 : i32
        %dma_start3A_57 = tpu.memref_slice %arg3[%dma_start3A_55, %dma_start3A_56] : memref<1250x128xi32, #tpu.memory_space<hbm>> -> memref<10x128xi32, #tpu.memory_space<hbm>>
        %dma_start3A_58 = arith.constant 0 : i32
        %dma_start3A_59 = arith.constant 0 : i32
        %dma_start3A_60 = tpu.memref_slice %arg9[%dma_start3A_58, %dma_start3A_59] : memref<40x128xi32, #tpu.memory_space<vmem>> -> memref<10x128xi32, #tpu.memory_space<vmem>>
        %dma_start3A_61 = arith.constant 1240 : i32
        %dma_start3A_62 = arith.constant 0 : i32
        %dma_start3A_63 = tpu.memref_slice %arg3[%dma_start3A_61, %dma_start3A_62] : memref<1250x128xi32, #tpu.memory_space<hbm>> -> memref<10x128xi32, #tpu.memory_space<hbm>>
        tpu.enqueue_dma source(%dma_start3A_63 : memref<10x128xi32, #tpu.memory_space<hbm>>) target(%dma_start3A_60 : memref<10x128xi32, #tpu.memory_space<vmem>>) target_semaphore(%run_scoped3A : memref<!tpu.dma_semaphore, #tpu.memory_space<semaphore_mem>>)
        %dma_wait3A = arith.constant 0 : i32
        %dma_wait3A_64 = arith.constant 0 : i32
        %dma_wait3A_65 = tpu.memref_slice %arg9[%dma_wait3A, %dma_wait3A_64] : memref<40x128xi32, #tpu.memory_space<vmem>> -> memref<10x128xi32, #tpu.memory_space<vmem>>
        %dma_wait3A_66 = arith.constant 1240 : i32
        %dma_wait3A_67 = arith.constant 0 : i32
        %dma_wait3A_68 = tpu.memref_slice %arg3[%dma_wait3A_66, %dma_wait3A_67] : memref<1250x128xi32, #tpu.memory_space<hbm>> -> memref<10x128xi32, #tpu.memory_space<hbm>>
        %dma_wait3A_69 = arith.constant 0 : i32
        %dma_wait3A_70 = arith.constant 0 : i32
        %dma_wait3A_71 = tpu.memref_slice %arg9[%dma_wait3A_69, %dma_wait3A_70] : memref<40x128xi32, #tpu.memory_space<vmem>> -> memref<10x128xi32, #tpu.memory_space<vmem>>
        %dma_wait3A_72 = arith.constant 1240 : i32
        %dma_wait3A_73 = arith.constant 0 : i32
        %dma_wait3A_74 = tpu.memref_slice %arg3[%dma_wait3A_72, %dma_wait3A_73] : memref<1250x128xi32, #tpu.memory_space<hbm>> -> memref<10x128xi32, #tpu.memory_space<hbm>>
        tpu.wait_dma2 semaphore(%run_scoped3A : memref<!tpu.dma_semaphore, #tpu.memory_space<semaphore_mem>>) src(%dma_wait3A_74 : memref<10x128xi32, #tpu.memory_space<hbm>>) dst(%dma_wait3A_71 : memref<10x128xi32, #tpu.memory_space<vmem>>)
        tpu.yield
      }) : () -> ()
      "tpu.region"() ({
        %run_scoped3A = tpu.sem_alloc : memref<!tpu.dma_semaphore, #tpu.memory_space<semaphore_mem>>
        %dma_start3A = arith.constant 10 : i32
        %dma_start3A_53 = arith.constant 0 : i32
        %dma_start3A_54 = tpu.memref_slice %arg9[%dma_start3A, %dma_start3A_53] : memref<40x128xi32, #tpu.memory_space<vmem>> -> memref<30x128xi32, #tpu.memory_space<vmem>>
        %dma_start3A_55 = arith.constant 10 : i32
        %dma_start3A_56 = arith.constant 0 : i32
        %dma_start3A_57 = tpu.memref_slice %arg9[%dma_start3A_55, %dma_start3A_56] : memref<40x128xi32, #tpu.memory_space<vmem>> -> memref<30x128xi32, #tpu.memory_space<vmem>>
        tpu.enqueue_dma source(%arg5 : memref<30x128xi32, #tpu.memory_space<hbm>>) target(%dma_start3A_57 : memref<30x128xi32, #tpu.memory_space<vmem>>) target_semaphore(%run_scoped3A : memref<!tpu.dma_semaphore, #tpu.memory_space<semaphore_mem>>)
        %dma_wait3A = arith.constant 10 : i32
        %dma_wait3A_58 = arith.constant 0 : i32
        %dma_wait3A_59 = tpu.memref_slice %arg9[%dma_wait3A, %dma_wait3A_58] : memref<40x128xi32, #tpu.memory_space<vmem>> -> memref<30x128xi32, #tpu.memory_space<vmem>>
        %dma_wait3A_60 = arith.constant 10 : i32
        %dma_wait3A_61 = arith.constant 0 : i32
        %dma_wait3A_62 = tpu.memref_slice %arg9[%dma_wait3A_60, %dma_wait3A_61] : memref<40x128xi32, #tpu.memory_space<vmem>> -> memref<30x128xi32, #tpu.memory_space<vmem>>
        tpu.wait_dma2 semaphore(%run_scoped3A : memref<!tpu.dma_semaphore, #tpu.memory_space<semaphore_mem>>) src(%arg5 : memref<30x128xi32, #tpu.memory_space<hbm>>) dst(%dma_wait3A_62 : memref<30x128xi32, #tpu.memory_space<vmem>>)
        tpu.yield
      }) : () -> ()
    } else {
    }
    %eq3A_17 = arith.constant 0 : i32
    %eq3A_18 = arith.cmpi eq, %arg0, %eq3A_17 : i32
    %convert_element_type3A_19 = arith.extui %eq3A_18 : i1 to i32
    %cond3A_20 = arith.constant 0 : i32
    %cond3A_21 = arith.cmpi ne, %convert_element_type3A_19, %cond3A_20 : i32
    scf.if %cond3A_21 {
      %mul3A_53 = arith.constant 40 : i32
      %mul3A_54 = arith.muli %arg1, %mul3A_53 : i32
      "tpu.region"() ({
        %run_scoped3A = tpu.sem_alloc : memref<!tpu.dma_semaphore, #tpu.memory_space<semaphore_mem>>
        %dma_start3A = arith.constant 0 : i32
        %dma_start3A_55 = arith.constant 0 : i32
        %dma_start3A_56 = tpu.memref_slice %arg10[%dma_start3A, %dma_start3A_55] : memref<40x128xi32, #tpu.memory_space<vmem>> -> memref<40x128xi32, #tpu.memory_space<vmem>>
        %dma_start3A_57 = arith.constant 0 : i32
        %dma_start3A_58 = tpu.memref_slice %arg4[%mul3A_54, %dma_start3A_57] : memref<1250x128xi32, #tpu.memory_space<hbm>> -> memref<40x128xi32, #tpu.memory_space<hbm>>
        %dma_start3A_59 = arith.constant 0 : i32
        %dma_start3A_60 = arith.constant 0 : i32
        %dma_start3A_61 = tpu.memref_slice %arg10[%dma_start3A_59, %dma_start3A_60] : memref<40x128xi32, #tpu.memory_space<vmem>> -> memref<40x128xi32, #tpu.memory_space<vmem>>
        %dma_start3A_62 = arith.constant 0 : i32
        %dma_start3A_63 = tpu.memref_slice %arg4[%mul3A_54, %dma_start3A_62] : memref<1250x128xi32, #tpu.memory_space<hbm>> -> memref<40x128xi32, #tpu.memory_space<hbm>>
        tpu.enqueue_dma source(%dma_start3A_63 : memref<40x128xi32, #tpu.memory_space<hbm>>) target(%dma_start3A_61 : memref<40x128xi32, #tpu.memory_space<vmem>>) target_semaphore(%run_scoped3A : memref<!tpu.dma_semaphore, #tpu.memory_space<semaphore_mem>>)
        %dma_wait3A = arith.constant 0 : i32
        %dma_wait3A_64 = arith.constant 0 : i32
        %dma_wait3A_65 = tpu.memref_slice %arg10[%dma_wait3A, %dma_wait3A_64] : memref<40x128xi32, #tpu.memory_space<vmem>> -> memref<40x128xi32, #tpu.memory_space<vmem>>
        %dma_wait3A_66 = arith.constant 0 : i32
        %dma_wait3A_67 = tpu.memref_slice %arg4[%mul3A_54, %dma_wait3A_66] : memref<1250x128xi32, #tpu.memory_space<hbm>> -> memref<40x128xi32, #tpu.memory_space<hbm>>
        %dma_wait3A_68 = arith.constant 0 : i32
        %dma_wait3A_69 = arith.constant 0 : i32
        %dma_wait3A_70 = tpu.memref_slice %arg10[%dma_wait3A_68, %dma_wait3A_69] : memref<40x128xi32, #tpu.memory_space<vmem>> -> memref<40x128xi32, #tpu.memory_space<vmem>>
        %dma_wait3A_71 = arith.constant 0 : i32
        %dma_wait3A_72 = tpu.memref_slice %arg4[%mul3A_54, %dma_wait3A_71] : memref<1250x128xi32, #tpu.memory_space<hbm>> -> memref<40x128xi32, #tpu.memory_space<hbm>>
        tpu.wait_dma2 semaphore(%run_scoped3A : memref<!tpu.dma_semaphore, #tpu.memory_space<semaphore_mem>>) src(%dma_wait3A_72 : memref<40x128xi32, #tpu.memory_space<hbm>>) dst(%dma_wait3A_70 : memref<40x128xi32, #tpu.memory_space<vmem>>)
        tpu.yield
      }) : () -> ()
    } else {
    }
    %eq3A_22 = arith.constant 1 : i32
    %eq3A_23 = arith.cmpi eq, %arg0, %eq3A_22 : i32
    %lt3A_24 = arith.constant 15 : i32
    %lt3A_25 = arith.cmpi slt, %arg1, %lt3A_24 : i32
    %and3A_26 = arith.andi %eq3A_23, %lt3A_25 : i1
    %convert_element_type3A_27 = arith.extui %and3A_26 : i1 to i32
    %cond3A_28 = arith.constant 0 : i32
    %cond3A_29 = arith.cmpi ne, %convert_element_type3A_27, %cond3A_28 : i32
    scf.if %cond3A_29 {
      %mul3A_53 = arith.constant 40 : i32
      %mul3A_54 = arith.muli %arg1, %mul3A_53 : i32
      %add3A = arith.constant 640 : i32
      %add3A_55 = arith.addi %add3A, %mul3A_54 : i32
      "tpu.region"() ({
        %run_scoped3A = tpu.sem_alloc : memref<!tpu.dma_semaphore, #tpu.memory_space<semaphore_mem>>
        %dma_start3A = arith.constant 0 : i32
        %dma_start3A_56 = tpu.memref_slice %arg4[%add3A_55, %dma_start3A] : memref<1250x128xi32, #tpu.memory_space<hbm>> -> memref<40x128xi32, #tpu.memory_space<hbm>>
        %dma_start3A_57 = arith.constant 0 : i32
        %dma_start3A_58 = tpu.memref_slice %arg4[%add3A_55, %dma_start3A_57] : memref<1250x128xi32, #tpu.memory_space<hbm>> -> memref<40x128xi32, #tpu.memory_space<hbm>>
        tpu.enqueue_dma source(%dma_start3A_58 : memref<40x128xi32, #tpu.memory_space<hbm>>) target(%arg10 : memref<40x128xi32, #tpu.memory_space<vmem>>) target_semaphore(%run_scoped3A : memref<!tpu.dma_semaphore, #tpu.memory_space<semaphore_mem>>)
        %dma_wait3A = arith.constant 0 : i32
        %dma_wait3A_59 = tpu.memref_slice %arg4[%add3A_55, %dma_wait3A] : memref<1250x128xi32, #tpu.memory_space<hbm>> -> memref<40x128xi32, #tpu.memory_space<hbm>>
        %dma_wait3A_60 = arith.constant 0 : i32
        %dma_wait3A_61 = tpu.memref_slice %arg4[%add3A_55, %dma_wait3A_60] : memref<1250x128xi32, #tpu.memory_space<hbm>> -> memref<40x128xi32, #tpu.memory_space<hbm>>
        tpu.wait_dma2 semaphore(%run_scoped3A : memref<!tpu.dma_semaphore, #tpu.memory_space<semaphore_mem>>) src(%dma_wait3A_61 : memref<40x128xi32, #tpu.memory_space<hbm>>) dst(%arg10 : memref<40x128xi32, #tpu.memory_space<vmem>>)
        tpu.yield
      }) : () -> ()
    } else {
    }
    %eq3A_30 = arith.constant 1 : i32
    %eq3A_31 = arith.cmpi eq, %arg0, %eq3A_30 : i32
    %eq3A_32 = arith.constant 15 : i32
    %eq3A_33 = arith.cmpi eq, %arg1, %eq3A_32 : i32
    %and3A_34 = arith.andi %eq3A_31, %eq3A_33 : i1
    %convert_element_type3A_35 = arith.extui %and3A_34 : i1 to i32
    %cond3A_36 = arith.constant 0 : i32
    %cond3A_37 = arith.cmpi ne, %convert_element_type3A_35, %cond3A_36 : i32
    scf.if %cond3A_37 {
      "tpu.region"() ({
        %run_scoped3A = tpu.sem_alloc : memref<!tpu.dma_semaphore, #tpu.memory_space<semaphore_mem>>
        %dma_start3A = arith.constant 0 : i32
        %dma_start3A_53 = arith.constant 0 : i32
        %dma_start3A_54 = tpu.memref_slice %arg10[%dma_start3A, %dma_start3A_53] : memref<40x128xi32, #tpu.memory_space<vmem>> -> memref<10x128xi32, #tpu.memory_space<vmem>>
        %dma_start3A_55 = arith.constant 1240 : i32
        %dma_start3A_56 = arith.constant 0 : i32
        %dma_start3A_57 = tpu.memref_slice %arg4[%dma_start3A_55, %dma_start3A_56] : memref<1250x128xi32, #tpu.memory_space<hbm>> -> memref<10x128xi32, #tpu.memory_space<hbm>>
        %dma_start3A_58 = arith.constant 0 : i32
        %dma_start3A_59 = arith.constant 0 : i32
        %dma_start3A_60 = tpu.memref_slice %arg10[%dma_start3A_58, %dma_start3A_59] : memref<40x128xi32, #tpu.memory_space<vmem>> -> memref<10x128xi32, #tpu.memory_space<vmem>>
        %dma_start3A_61 = arith.constant 1240 : i32
        %dma_start3A_62 = arith.constant 0 : i32
        %dma_start3A_63 = tpu.memref_slice %arg4[%dma_start3A_61, %dma_start3A_62] : memref<1250x128xi32, #tpu.memory_space<hbm>> -> memref<10x128xi32, #tpu.memory_space<hbm>>
        tpu.enqueue_dma source(%dma_start3A_63 : memref<10x128xi32, #tpu.memory_space<hbm>>) target(%dma_start3A_60 : memref<10x128xi32, #tpu.memory_space<vmem>>) target_semaphore(%run_scoped3A : memref<!tpu.dma_semaphore, #tpu.memory_space<semaphore_mem>>)
        %dma_wait3A = arith.constant 0 : i32
        %dma_wait3A_64 = arith.constant 0 : i32
        %dma_wait3A_65 = tpu.memref_slice %arg10[%dma_wait3A, %dma_wait3A_64] : memref<40x128xi32, #tpu.memory_space<vmem>> -> memref<10x128xi32, #tpu.memory_space<vmem>>
        %dma_wait3A_66 = arith.constant 1240 : i32
        %dma_wait3A_67 = arith.constant 0 : i32
        %dma_wait3A_68 = tpu.memref_slice %arg4[%dma_wait3A_66, %dma_wait3A_67] : memref<1250x128xi32, #tpu.memory_space<hbm>> -> memref<10x128xi32, #tpu.memory_space<hbm>>
        %dma_wait3A_69 = arith.constant 0 : i32
        %dma_wait3A_70 = arith.constant 0 : i32
        %dma_wait3A_71 = tpu.memref_slice %arg10[%dma_wait3A_69, %dma_wait3A_70] : memref<40x128xi32, #tpu.memory_space<vmem>> -> memref<10x128xi32, #tpu.memory_space<vmem>>
        %dma_wait3A_72 = arith.constant 1240 : i32
        %dma_wait3A_73 = arith.constant 0 : i32
        %dma_wait3A_74 = tpu.memref_slice %arg4[%dma_wait3A_72, %dma_wait3A_73] : memref<1250x128xi32, #tpu.memory_space<hbm>> -> memref<10x128xi32, #tpu.memory_space<hbm>>
        tpu.wait_dma2 semaphore(%run_scoped3A : memref<!tpu.dma_semaphore, #tpu.memory_space<semaphore_mem>>) src(%dma_wait3A_74 : memref<10x128xi32, #tpu.memory_space<hbm>>) dst(%dma_wait3A_71 : memref<10x128xi32, #tpu.memory_space<vmem>>)
        tpu.yield
      }) : () -> ()
      "tpu.region"() ({
        %run_scoped3A = tpu.sem_alloc : memref<!tpu.dma_semaphore, #tpu.memory_space<semaphore_mem>>
        %dma_start3A = arith.constant 10 : i32
        %dma_start3A_53 = arith.constant 0 : i32
        %dma_start3A_54 = tpu.memref_slice %arg10[%dma_start3A, %dma_start3A_53] : memref<40x128xi32, #tpu.memory_space<vmem>> -> memref<30x128xi32, #tpu.memory_space<vmem>>
        %dma_start3A_55 = arith.constant 10 : i32
        %dma_start3A_56 = arith.constant 0 : i32
        %dma_start3A_57 = tpu.memref_slice %arg10[%dma_start3A_55, %dma_start3A_56] : memref<40x128xi32, #tpu.memory_space<vmem>> -> memref<30x128xi32, #tpu.memory_space<vmem>>
        tpu.enqueue_dma source(%arg6 : memref<30x128xi32, #tpu.memory_space<hbm>>) target(%dma_start3A_57 : memref<30x128xi32, #tpu.memory_space<vmem>>) target_semaphore(%run_scoped3A : memref<!tpu.dma_semaphore, #tpu.memory_space<semaphore_mem>>)
        %dma_wait3A = arith.constant 10 : i32
        %dma_wait3A_58 = arith.constant 0 : i32
        %dma_wait3A_59 = tpu.memref_slice %arg10[%dma_wait3A, %dma_wait3A_58] : memref<40x128xi32, #tpu.memory_space<vmem>> -> memref<30x128xi32, #tpu.memory_space<vmem>>
        %dma_wait3A_60 = arith.constant 10 : i32
        %dma_wait3A_61 = arith.constant 0 : i32
        %dma_wait3A_62 = tpu.memref_slice %arg10[%dma_wait3A_60, %dma_wait3A_61] : memref<40x128xi32, #tpu.memory_space<vmem>> -> memref<30x128xi32, #tpu.memory_space<vmem>>
        tpu.wait_dma2 semaphore(%run_scoped3A : memref<!tpu.dma_semaphore, #tpu.memory_space<semaphore_mem>>) src(%arg6 : memref<30x128xi32, #tpu.memory_space<hbm>>) dst(%dma_wait3A_62 : memref<30x128xi32, #tpu.memory_space<vmem>>)
        tpu.yield
      }) : () -> ()
    } else {
    }
    %barrier3A = arith.constant 0 : index
    tpu.barrier barrier_id(%barrier3A)
    %eq3A_38 = arith.constant 0 : i32
    %eq3A_39 = arith.cmpi eq, %arg0, %eq3A_38 : i32
    %convert_element_type3A_40 = arith.extui %eq3A_39 : i1 to i32
    %cond3A_41 = arith.constant 0 : i32
    %cond3A_42 = arith.cmpi ne, %convert_element_type3A_40, %cond3A_41 : i32
    scf.if %cond3A_42 {
      %dma_start3A = arith.constant 0 : i32
      %dma_start3A_53 = arith.constant 0 : i32
      %dma_start3A_54 = tpu.memref_slice %arg9[%dma_start3A, %dma_start3A_53] : memref<40x128xi32, #tpu.memory_space<vmem>> -> memref<1x128xi32, #tpu.memory_space<vmem>>
      %dma_start3A_55 = tpu.memref_squeeze %dma_start3A_54 : memref<1x128xi32, #tpu.memory_space<vmem>> -> memref<128xi32, #tpu.memory_space<vmem>>
      %dma_start3A_56 = arith.constant 0 : i32
      %dma_start3A_57 = arith.constant 0 : i32
      %dma_start3A_58 = tpu.memref_slice %arg2[%dma_start3A_56, %dma_start3A_57] : memref<10000x16xf32, #tpu.memory_space<hbm>> -> memref<10000x16xf32, #tpu.memory_space<hbm>>
      tpu.enqueue_indirect_dma source(%dma_start3A_58 : memref<10000x16xf32, #tpu.memory_space<hbm>>) target(%arg11 : memref<128x16xf32, #tpu.memory_space<vmem>>) offsets(%dma_start3A_55 : memref<128xi32, #tpu.memory_space<vmem>>) semaphore(%arg20 : memref<!tpu.dma_semaphore, #tpu.memory_space<semaphore_mem>>)
      %dma_start3A_59 = arith.constant 1 : i32
      %dma_start3A_60 = arith.constant 0 : i32
      %dma_start3A_61 = tpu.memref_slice %arg9[%dma_start3A_59, %dma_start3A_60] : memref<40x128xi32, #tpu.memory_space<vmem>> -> memref<1x128xi32, #tpu.memory_space<vmem>>
      %dma_start3A_62 = tpu.memref_squeeze %dma_start3A_61 : memref<1x128xi32, #tpu.memory_space<vmem>> -> memref<128xi32, #tpu.memory_space<vmem>>
      %dma_start3A_63 = arith.constant 0 : i32
      %dma_start3A_64 = arith.constant 0 : i32
      %dma_start3A_65 = tpu.memref_slice %arg2[%dma_start3A_63, %dma_start3A_64] : memref<10000x16xf32, #tpu.memory_space<hbm>> -> memref<10000x16xf32, #tpu.memory_space<hbm>>
      tpu.enqueue_indirect_dma source(%dma_start3A_65 : memref<10000x16xf32, #tpu.memory_space<hbm>>) target(%arg12 : memref<128x16xf32, #tpu.memory_space<vmem>>) offsets(%dma_start3A_62 : memref<128xi32, #tpu.memory_space<vmem>>) semaphore(%arg21 : memref<!tpu.dma_semaphore, #tpu.memory_space<semaphore_mem>>)
      %dma_start3A_66 = arith.constant 2 : i32
      %dma_start3A_67 = arith.constant 0 : i32
      %dma_start3A_68 = tpu.memref_slice %arg9[%dma_start3A_66, %dma_start3A_67] : memref<40x128xi32, #tpu.memory_space<vmem>> -> memref<1x128xi32, #tpu.memory_space<vmem>>
      %dma_start3A_69 = tpu.memref_squeeze %dma_start3A_68 : memref<1x128xi32, #tpu.memory_space<vmem>> -> memref<128xi32, #tpu.memory_space<vmem>>
      %dma_start3A_70 = arith.constant 0 : i32
      %dma_start3A_71 = arith.constant 0 : i32
      %dma_start3A_72 = tpu.memref_slice %arg2[%dma_start3A_70, %dma_start3A_71] : memref<10000x16xf32, #tpu.memory_space<hbm>> -> memref<10000x16xf32, #tpu.memory_space<hbm>>
      tpu.enqueue_indirect_dma source(%dma_start3A_72 : memref<10000x16xf32, #tpu.memory_space<hbm>>) target(%arg13 : memref<128x16xf32, #tpu.memory_space<vmem>>) offsets(%dma_start3A_69 : memref<128xi32, #tpu.memory_space<vmem>>) semaphore(%arg22 : memref<!tpu.dma_semaphore, #tpu.memory_space<semaphore_mem>>)
      %dma_start3A_73 = arith.constant 3 : i32
      %dma_start3A_74 = arith.constant 0 : i32
      %dma_start3A_75 = tpu.memref_slice %arg9[%dma_start3A_73, %dma_start3A_74] : memref<40x128xi32, #tpu.memory_space<vmem>> -> memref<1x128xi32, #tpu.memory_space<vmem>>
      %dma_start3A_76 = tpu.memref_squeeze %dma_start3A_75 : memref<1x128xi32, #tpu.memory_space<vmem>> -> memref<128xi32, #tpu.memory_space<vmem>>
      %dma_start3A_77 = arith.constant 0 : i32
      %dma_start3A_78 = arith.constant 0 : i32
      %dma_start3A_79 = tpu.memref_slice %arg2[%dma_start3A_77, %dma_start3A_78] : memref<10000x16xf32, #tpu.memory_space<hbm>> -> memref<10000x16xf32, #tpu.memory_space<hbm>>
      tpu.enqueue_indirect_dma source(%dma_start3A_79 : memref<10000x16xf32, #tpu.memory_space<hbm>>) target(%arg14 : memref<128x16xf32, #tpu.memory_space<vmem>>) offsets(%dma_start3A_76 : memref<128xi32, #tpu.memory_space<vmem>>) semaphore(%arg23 : memref<!tpu.dma_semaphore, #tpu.memory_space<semaphore_mem>>)
      %dma_start3A_80 = arith.constant 4 : i32
      %dma_start3A_81 = arith.constant 0 : i32
      %dma_start3A_82 = tpu.memref_slice %arg9[%dma_start3A_80, %dma_start3A_81] : memref<40x128xi32, #tpu.memory_space<vmem>> -> memref<1x128xi32, #tpu.memory_space<vmem>>
      %dma_start3A_83 = tpu.memref_squeeze %dma_start3A_82 : memref<1x128xi32, #tpu.memory_space<vmem>> -> memref<128xi32, #tpu.memory_space<vmem>>
      %dma_start3A_84 = arith.constant 0 : i32
      %dma_start3A_85 = arith.constant 0 : i32
      %dma_start3A_86 = tpu.memref_slice %arg2[%dma_start3A_84, %dma_start3A_85] : memref<10000x16xf32, #tpu.memory_space<hbm>> -> memref<10000x16xf32, #tpu.memory_space<hbm>>
      tpu.enqueue_indirect_dma source(%dma_start3A_86 : memref<10000x16xf32, #tpu.memory_space<hbm>>) target(%arg15 : memref<128x16xf32, #tpu.memory_space<vmem>>) offsets(%dma_start3A_83 : memref<128xi32, #tpu.memory_space<vmem>>) semaphore(%arg24 : memref<!tpu.dma_semaphore, #tpu.memory_space<semaphore_mem>>)
      %dma_start3A_87 = arith.constant 5 : i32
      %dma_start3A_88 = arith.constant 0 : i32
      %dma_start3A_89 = tpu.memref_slice %arg9[%dma_start3A_87, %dma_start3A_88] : memref<40x128xi32, #tpu.memory_space<vmem>> -> memref<1x128xi32, #tpu.memory_space<vmem>>
      %dma_start3A_90 = tpu.memref_squeeze %dma_start3A_89 : memref<1x128xi32, #tpu.memory_space<vmem>> -> memref<128xi32, #tpu.memory_space<vmem>>
      %dma_start3A_91 = arith.constant 0 : i32
      %dma_start3A_92 = arith.constant 0 : i32
      %dma_start3A_93 = tpu.memref_slice %arg2[%dma_start3A_91, %dma_start3A_92] : memref<10000x16xf32, #tpu.memory_space<hbm>> -> memref<10000x16xf32, #tpu.memory_space<hbm>>
      tpu.enqueue_indirect_dma source(%dma_start3A_93 : memref<10000x16xf32, #tpu.memory_space<hbm>>) target(%arg16 : memref<128x16xf32, #tpu.memory_space<vmem>>) offsets(%dma_start3A_90 : memref<128xi32, #tpu.memory_space<vmem>>) semaphore(%arg25 : memref<!tpu.dma_semaphore, #tpu.memory_space<semaphore_mem>>)
      %dma_start3A_94 = arith.constant 6 : i32
      %dma_start3A_95 = arith.constant 0 : i32
      %dma_start3A_96 = tpu.memref_slice %arg9[%dma_start3A_94, %dma_start3A_95] : memref<40x128xi32, #tpu.memory_space<vmem>> -> memref<1x128xi32, #tpu.memory_space<vmem>>
      %dma_start3A_97 = tpu.memref_squeeze %dma_start3A_96 : memref<1x128xi32, #tpu.memory_space<vmem>> -> memref<128xi32, #tpu.memory_space<vmem>>
      %dma_start3A_98 = arith.constant 0 : i32
      %dma_start3A_99 = arith.constant 0 : i32
      %dma_start3A_100 = tpu.memref_slice %arg2[%dma_start3A_98, %dma_start3A_99] : memref<10000x16xf32, #tpu.memory_space<hbm>> -> memref<10000x16xf32, #tpu.memory_space<hbm>>
      tpu.enqueue_indirect_dma source(%dma_start3A_100 : memref<10000x16xf32, #tpu.memory_space<hbm>>) target(%arg17 : memref<128x16xf32, #tpu.memory_space<vmem>>) offsets(%dma_start3A_97 : memref<128xi32, #tpu.memory_space<vmem>>) semaphore(%arg26 : memref<!tpu.dma_semaphore, #tpu.memory_space<semaphore_mem>>)
      %dma_start3A_101 = arith.constant 7 : i32
      %dma_start3A_102 = arith.constant 0 : i32
      %dma_start3A_103 = tpu.memref_slice %arg9[%dma_start3A_101, %dma_start3A_102] : memref<40x128xi32, #tpu.memory_space<vmem>> -> memref<1x128xi32, #tpu.memory_space<vmem>>
      %dma_start3A_104 = tpu.memref_squeeze %dma_start3A_103 : memref<1x128xi32, #tpu.memory_space<vmem>> -> memref<128xi32, #tpu.memory_space<vmem>>
      %dma_start3A_105 = arith.constant 0 : i32
      %dma_start3A_106 = arith.constant 0 : i32
      %dma_start3A_107 = tpu.memref_slice %arg2[%dma_start3A_105, %dma_start3A_106] : memref<10000x16xf32, #tpu.memory_space<hbm>> -> memref<10000x16xf32, #tpu.memory_space<hbm>>
      tpu.enqueue_indirect_dma source(%dma_start3A_107 : memref<10000x16xf32, #tpu.memory_space<hbm>>) target(%arg18 : memref<128x16xf32, #tpu.memory_space<vmem>>) offsets(%dma_start3A_104 : memref<128xi32, #tpu.memory_space<vmem>>) semaphore(%arg27 : memref<!tpu.dma_semaphore, #tpu.memory_space<semaphore_mem>>)
      %scan3A = arith.constant 0 : i32
      %scan3A_108 = arith.constant 5 : i32
      %scan3A_109 = arith.addi %scan3A, %scan3A_108 : i32
      %scan3A_110 = arith.constant 1 : i32
      scf.for %scan3A_112 = %scan3A to %scan3A_109 step %scan3A_110  : i32 {
        %mul3A_113 = arith.constant 8 : i32
        %mul3A_114 = arith.muli %scan3A_112, %mul3A_113 : i32
        %add3A = arith.constant 0 : i32
        %add3A_115 = arith.addi %add3A, %mul3A_114 : i32
        %add3A_116 = arith.constant 0 : i32
        %add3A_117 = arith.addi %add3A_115, %add3A_116 : i32
        %dma_wait3A = arith.constant 0 : i32
        %dma_wait3A_118 = tpu.memref_slice %arg9[%add3A_117, %dma_wait3A] : memref<40x128xi32, #tpu.memory_space<vmem>> -> memref<1x128xi32, #tpu.memory_space<vmem>>
        %dma_wait3A_119 = tpu.memref_squeeze %dma_wait3A_118 : memref<1x128xi32, #tpu.memory_space<vmem>> -> memref<128xi32, #tpu.memory_space<vmem>>
        %dma_wait3A_120 = arith.constant 0 : i32
        %dma_wait3A_121 = arith.constant 0 : i32
        %dma_wait3A_122 = tpu.memref_slice %arg2[%dma_wait3A_120, %dma_wait3A_121] : memref<10000x16xf32, #tpu.memory_space<hbm>> -> memref<10000x16xf32, #tpu.memory_space<hbm>>
        tpu.wait_indirect_dma semaphore(%arg20 : memref<!tpu.dma_semaphore, #tpu.memory_space<semaphore_mem>>) src(%dma_wait3A_122 : memref<10000x16xf32, #tpu.memory_space<hbm>>) dst(%arg11 : memref<128x16xf32, #tpu.memory_space<vmem>>)
        %add3A_123 = arith.constant 0 : i32
        %add3A_124 = arith.addi %add3A_115, %add3A_123 : i32
        %dma_start3A_125 = arith.constant 0 : i32
        %dma_start3A_126 = tpu.memref_slice %arg10[%add3A_124, %dma_start3A_125] : memref<40x128xi32, #tpu.memory_space<vmem>> -> memref<1x128xi32, #tpu.memory_space<vmem>>
        %dma_start3A_127 = tpu.memref_squeeze %dma_start3A_126 : memref<1x128xi32, #tpu.memory_space<vmem>> -> memref<128xi32, #tpu.memory_space<vmem>>
        %dma_start3A_128 = arith.constant 0 : i32
        %dma_start3A_129 = arith.constant 0 : i32
        %dma_start3A_130 = tpu.memref_slice %arg19[%dma_start3A_128, %dma_start3A_129] : memref<10240x16xf32, #tpu.memory_space<vmem_shared>> -> memref<10240x16xf32, #tpu.memory_space<vmem_shared>>
        tpu.enqueue_indirect_dma source(%arg11 : memref<128x16xf32, #tpu.memory_space<vmem>>) target(%dma_start3A_130 : memref<10240x16xf32, #tpu.memory_space<vmem_shared>>) offsets(%dma_start3A_127 : memref<128xi32, #tpu.memory_space<vmem>>) semaphore(%arg28 : memref<!tpu.dma_semaphore, #tpu.memory_space<semaphore_mem>>) {add = true}
        %add3A_131 = arith.constant 1 : i32
        %add3A_132 = arith.addi %add3A_115, %add3A_131 : i32
        %dma_wait3A_133 = arith.constant 0 : i32
        %dma_wait3A_134 = tpu.memref_slice %arg9[%add3A_132, %dma_wait3A_133] : memref<40x128xi32, #tpu.memory_space<vmem>> -> memref<1x128xi32, #tpu.memory_space<vmem>>
        %dma_wait3A_135 = tpu.memref_squeeze %dma_wait3A_134 : memref<1x128xi32, #tpu.memory_space<vmem>> -> memref<128xi32, #tpu.memory_space<vmem>>
        %dma_wait3A_136 = arith.constant 0 : i32
        %dma_wait3A_137 = arith.constant 0 : i32
        %dma_wait3A_138 = tpu.memref_slice %arg2[%dma_wait3A_136, %dma_wait3A_137] : memref<10000x16xf32, #tpu.memory_space<hbm>> -> memref<10000x16xf32, #tpu.memory_space<hbm>>
        tpu.wait_indirect_dma semaphore(%arg21 : memref<!tpu.dma_semaphore, #tpu.memory_space<semaphore_mem>>) src(%dma_wait3A_138 : memref<10000x16xf32, #tpu.memory_space<hbm>>) dst(%arg12 : memref<128x16xf32, #tpu.memory_space<vmem>>)
        %add3A_139 = arith.constant 1 : i32
        %add3A_140 = arith.addi %add3A_115, %add3A_139 : i32
        %dma_start3A_141 = arith.constant 0 : i32
        %dma_start3A_142 = tpu.memref_slice %arg10[%add3A_140, %dma_start3A_141] : memref<40x128xi32, #tpu.memory_space<vmem>> -> memref<1x128xi32, #tpu.memory_space<vmem>>
        %dma_start3A_143 = tpu.memref_squeeze %dma_start3A_142 : memref<1x128xi32, #tpu.memory_space<vmem>> -> memref<128xi32, #tpu.memory_space<vmem>>
        %dma_start3A_144 = arith.constant 0 : i32
        %dma_start3A_145 = arith.constant 0 : i32
        %dma_start3A_146 = tpu.memref_slice %arg19[%dma_start3A_144, %dma_start3A_145] : memref<10240x16xf32, #tpu.memory_space<vmem_shared>> -> memref<10240x16xf32, #tpu.memory_space<vmem_shared>>
        tpu.enqueue_indirect_dma source(%arg12 : memref<128x16xf32, #tpu.memory_space<vmem>>) target(%dma_start3A_146 : memref<10240x16xf32, #tpu.memory_space<vmem_shared>>) offsets(%dma_start3A_143 : memref<128xi32, #tpu.memory_space<vmem>>) semaphore(%arg29 : memref<!tpu.dma_semaphore, #tpu.memory_space<semaphore_mem>>) {add = true}
        %add3A_147 = arith.constant 2 : i32
        %add3A_148 = arith.addi %add3A_115, %add3A_147 : i32
        %dma_wait3A_149 = arith.constant 0 : i32
        %dma_wait3A_150 = tpu.memref_slice %arg9[%add3A_148, %dma_wait3A_149] : memref<40x128xi32, #tpu.memory_space<vmem>> -> memref<1x128xi32, #tpu.memory_space<vmem>>
        %dma_wait3A_151 = tpu.memref_squeeze %dma_wait3A_150 : memref<1x128xi32, #tpu.memory_space<vmem>> -> memref<128xi32, #tpu.memory_space<vmem>>
        %dma_wait3A_152 = arith.constant 0 : i32
        %dma_wait3A_153 = arith.constant 0 : i32
        %dma_wait3A_154 = tpu.memref_slice %arg2[%dma_wait3A_152, %dma_wait3A_153] : memref<10000x16xf32, #tpu.memory_space<hbm>> -> memref<10000x16xf32, #tpu.memory_space<hbm>>
        tpu.wait_indirect_dma semaphore(%arg22 : memref<!tpu.dma_semaphore, #tpu.memory_space<semaphore_mem>>) src(%dma_wait3A_154 : memref<10000x16xf32, #tpu.memory_space<hbm>>) dst(%arg13 : memref<128x16xf32, #tpu.memory_space<vmem>>)
        %add3A_155 = arith.constant 2 : i32
        %add3A_156 = arith.addi %add3A_115, %add3A_155 : i32
        %dma_start3A_157 = arith.constant 0 : i32
        %dma_start3A_158 = tpu.memref_slice %arg10[%add3A_156, %dma_start3A_157] : memref<40x128xi32, #tpu.memory_space<vmem>> -> memref<1x128xi32, #tpu.memory_space<vmem>>
        %dma_start3A_159 = tpu.memref_squeeze %dma_start3A_158 : memref<1x128xi32, #tpu.memory_space<vmem>> -> memref<128xi32, #tpu.memory_space<vmem>>
        %dma_start3A_160 = arith.constant 0 : i32
        %dma_start3A_161 = arith.constant 0 : i32
        %dma_start3A_162 = tpu.memref_slice %arg19[%dma_start3A_160, %dma_start3A_161] : memref<10240x16xf32, #tpu.memory_space<vmem_shared>> -> memref<10240x16xf32, #tpu.memory_space<vmem_shared>>
        tpu.enqueue_indirect_dma source(%arg13 : memref<128x16xf32, #tpu.memory_space<vmem>>) target(%dma_start3A_162 : memref<10240x16xf32, #tpu.memory_space<vmem_shared>>) offsets(%dma_start3A_159 : memref<128xi32, #tpu.memory_space<vmem>>) semaphore(%arg30 : memref<!tpu.dma_semaphore, #tpu.memory_space<semaphore_mem>>) {add = true}
        %add3A_163 = arith.constant 3 : i32
        %add3A_164 = arith.addi %add3A_115, %add3A_163 : i32
        %dma_wait3A_165 = arith.constant 0 : i32
        %dma_wait3A_166 = tpu.memref_slice %arg9[%add3A_164, %dma_wait3A_165] : memref<40x128xi32, #tpu.memory_space<vmem>> -> memref<1x128xi32, #tpu.memory_space<vmem>>
        %dma_wait3A_167 = tpu.memref_squeeze %dma_wait3A_166 : memref<1x128xi32, #tpu.memory_space<vmem>> -> memref<128xi32, #tpu.memory_space<vmem>>
        %dma_wait3A_168 = arith.constant 0 : i32
        %dma_wait3A_169 = arith.constant 0 : i32
        %dma_wait3A_170 = tpu.memref_slice %arg2[%dma_wait3A_168, %dma_wait3A_169] : memref<10000x16xf32, #tpu.memory_space<hbm>> -> memref<10000x16xf32, #tpu.memory_space<hbm>>
        tpu.wait_indirect_dma semaphore(%arg23 : memref<!tpu.dma_semaphore, #tpu.memory_space<semaphore_mem>>) src(%dma_wait3A_170 : memref<10000x16xf32, #tpu.memory_space<hbm>>) dst(%arg14 : memref<128x16xf32, #tpu.memory_space<vmem>>)
        %add3A_171 = arith.constant 3 : i32
        %add3A_172 = arith.addi %add3A_115, %add3A_171 : i32
        %dma_start3A_173 = arith.constant 0 : i32
        %dma_start3A_174 = tpu.memref_slice %arg10[%add3A_172, %dma_start3A_173] : memref<40x128xi32, #tpu.memory_space<vmem>> -> memref<1x128xi32, #tpu.memory_space<vmem>>
        %dma_start3A_175 = tpu.memref_squeeze %dma_start3A_174 : memref<1x128xi32, #tpu.memory_space<vmem>> -> memref<128xi32, #tpu.memory_space<vmem>>
        %dma_start3A_176 = arith.constant 0 : i32
        %dma_start3A_177 = arith.constant 0 : i32
        %dma_start3A_178 = tpu.memref_slice %arg19[%dma_start3A_176, %dma_start3A_177] : memref<10240x16xf32, #tpu.memory_space<vmem_shared>> -> memref<10240x16xf32, #tpu.memory_space<vmem_shared>>
        tpu.enqueue_indirect_dma source(%arg14 : memref<128x16xf32, #tpu.memory_space<vmem>>) target(%dma_start3A_178 : memref<10240x16xf32, #tpu.memory_space<vmem_shared>>) offsets(%dma_start3A_175 : memref<128xi32, #tpu.memory_space<vmem>>) semaphore(%arg31 : memref<!tpu.dma_semaphore, #tpu.memory_space<semaphore_mem>>) {add = true}
        %add3A_179 = arith.constant 4 : i32
        %add3A_180 = arith.addi %add3A_115, %add3A_179 : i32
        %dma_wait3A_181 = arith.constant 0 : i32
        %dma_wait3A_182 = tpu.memref_slice %arg9[%add3A_180, %dma_wait3A_181] : memref<40x128xi32, #tpu.memory_space<vmem>> -> memref<1x128xi32, #tpu.memory_space<vmem>>
        %dma_wait3A_183 = tpu.memref_squeeze %dma_wait3A_182 : memref<1x128xi32, #tpu.memory_space<vmem>> -> memref<128xi32, #tpu.memory_space<vmem>>
        %dma_wait3A_184 = arith.constant 0 : i32
        %dma_wait3A_185 = arith.constant 0 : i32
        %dma_wait3A_186 = tpu.memref_slice %arg2[%dma_wait3A_184, %dma_wait3A_185] : memref<10000x16xf32, #tpu.memory_space<hbm>> -> memref<10000x16xf32, #tpu.memory_space<hbm>>
        tpu.wait_indirect_dma semaphore(%arg24 : memref<!tpu.dma_semaphore, #tpu.memory_space<semaphore_mem>>) src(%dma_wait3A_186 : memref<10000x16xf32, #tpu.memory_space<hbm>>) dst(%arg15 : memref<128x16xf32, #tpu.memory_space<vmem>>)
        %add3A_187 = arith.constant 4 : i32
        %add3A_188 = arith.addi %add3A_115, %add3A_187 : i32
        %dma_start3A_189 = arith.constant 0 : i32
        %dma_start3A_190 = tpu.memref_slice %arg10[%add3A_188, %dma_start3A_189] : memref<40x128xi32, #tpu.memory_space<vmem>> -> memref<1x128xi32, #tpu.memory_space<vmem>>
        %dma_start3A_191 = tpu.memref_squeeze %dma_start3A_190 : memref<1x128xi32, #tpu.memory_space<vmem>> -> memref<128xi32, #tpu.memory_space<vmem>>
        %dma_start3A_192 = arith.constant 0 : i32
        %dma_start3A_193 = arith.constant 0 : i32
        %dma_start3A_194 = tpu.memref_slice %arg19[%dma_start3A_192, %dma_start3A_193] : memref<10240x16xf32, #tpu.memory_space<vmem_shared>> -> memref<10240x16xf32, #tpu.memory_space<vmem_shared>>
        tpu.enqueue_indirect_dma source(%arg15 : memref<128x16xf32, #tpu.memory_space<vmem>>) target(%dma_start3A_194 : memref<10240x16xf32, #tpu.memory_space<vmem_shared>>) offsets(%dma_start3A_191 : memref<128xi32, #tpu.memory_space<vmem>>) semaphore(%arg32 : memref<!tpu.dma_semaphore, #tpu.memory_space<semaphore_mem>>) {add = true}
        %add3A_195 = arith.constant 5 : i32
        %add3A_196 = arith.addi %add3A_115, %add3A_195 : i32
        %dma_wait3A_197 = arith.constant 0 : i32
        %dma_wait3A_198 = tpu.memref_slice %arg9[%add3A_196, %dma_wait3A_197] : memref<40x128xi32, #tpu.memory_space<vmem>> -> memref<1x128xi32, #tpu.memory_space<vmem>>
        %dma_wait3A_199 = tpu.memref_squeeze %dma_wait3A_198 : memref<1x128xi32, #tpu.memory_space<vmem>> -> memref<128xi32, #tpu.memory_space<vmem>>
        %dma_wait3A_200 = arith.constant 0 : i32
        %dma_wait3A_201 = arith.constant 0 : i32
        %dma_wait3A_202 = tpu.memref_slice %arg2[%dma_wait3A_200, %dma_wait3A_201] : memref<10000x16xf32, #tpu.memory_space<hbm>> -> memref<10000x16xf32, #tpu.memory_space<hbm>>
        tpu.wait_indirect_dma semaphore(%arg25 : memref<!tpu.dma_semaphore, #tpu.memory_space<semaphore_mem>>) src(%dma_wait3A_202 : memref<10000x16xf32, #tpu.memory_space<hbm>>) dst(%arg16 : memref<128x16xf32, #tpu.memory_space<vmem>>)
        %add3A_203 = arith.constant 5 : i32
        %add3A_204 = arith.addi %add3A_115, %add3A_203 : i32
        %dma_start3A_205 = arith.constant 0 : i32
        %dma_start3A_206 = tpu.memref_slice %arg10[%add3A_204, %dma_start3A_205] : memref<40x128xi32, #tpu.memory_space<vmem>> -> memref<1x128xi32, #tpu.memory_space<vmem>>
        %dma_start3A_207 = tpu.memref_squeeze %dma_start3A_206 : memref<1x128xi32, #tpu.memory_space<vmem>> -> memref<128xi32, #tpu.memory_space<vmem>>
        %dma_start3A_208 = arith.constant 0 : i32
        %dma_start3A_209 = arith.constant 0 : i32
        %dma_start3A_210 = tpu.memref_slice %arg19[%dma_start3A_208, %dma_start3A_209] : memref<10240x16xf32, #tpu.memory_space<vmem_shared>> -> memref<10240x16xf32, #tpu.memory_space<vmem_shared>>
        tpu.enqueue_indirect_dma source(%arg16 : memref<128x16xf32, #tpu.memory_space<vmem>>) target(%dma_start3A_210 : memref<10240x16xf32, #tpu.memory_space<vmem_shared>>) offsets(%dma_start3A_207 : memref<128xi32, #tpu.memory_space<vmem>>) semaphore(%arg33 : memref<!tpu.dma_semaphore, #tpu.memory_space<semaphore_mem>>) {add = true}
        %add3A_211 = arith.constant 6 : i32
        %add3A_212 = arith.addi %add3A_115, %add3A_211 : i32
        %dma_wait3A_213 = arith.constant 0 : i32
        %dma_wait3A_214 = tpu.memref_slice %arg9[%add3A_212, %dma_wait3A_213] : memref<40x128xi32, #tpu.memory_space<vmem>> -> memref<1x128xi32, #tpu.memory_space<vmem>>
        %dma_wait3A_215 = tpu.memref_squeeze %dma_wait3A_214 : memref<1x128xi32, #tpu.memory_space<vmem>> -> memref<128xi32, #tpu.memory_space<vmem>>
        %dma_wait3A_216 = arith.constant 0 : i32
        %dma_wait3A_217 = arith.constant 0 : i32
        %dma_wait3A_218 = tpu.memref_slice %arg2[%dma_wait3A_216, %dma_wait3A_217] : memref<10000x16xf32, #tpu.memory_space<hbm>> -> memref<10000x16xf32, #tpu.memory_space<hbm>>
        tpu.wait_indirect_dma semaphore(%arg26 : memref<!tpu.dma_semaphore, #tpu.memory_space<semaphore_mem>>) src(%dma_wait3A_218 : memref<10000x16xf32, #tpu.memory_space<hbm>>) dst(%arg17 : memref<128x16xf32, #tpu.memory_space<vmem>>)
        %add3A_219 = arith.constant 6 : i32
        %add3A_220 = arith.addi %add3A_115, %add3A_219 : i32
        %dma_start3A_221 = arith.constant 0 : i32
        %dma_start3A_222 = tpu.memref_slice %arg10[%add3A_220, %dma_start3A_221] : memref<40x128xi32, #tpu.memory_space<vmem>> -> memref<1x128xi32, #tpu.memory_space<vmem>>
        %dma_start3A_223 = tpu.memref_squeeze %dma_start3A_222 : memref<1x128xi32, #tpu.memory_space<vmem>> -> memref<128xi32, #tpu.memory_space<vmem>>
        %dma_start3A_224 = arith.constant 0 : i32
        %dma_start3A_225 = arith.constant 0 : i32
        %dma_start3A_226 = tpu.memref_slice %arg19[%dma_start3A_224, %dma_start3A_225] : memref<10240x16xf32, #tpu.memory_space<vmem_shared>> -> memref<10240x16xf32, #tpu.memory_space<vmem_shared>>
        tpu.enqueue_indirect_dma source(%arg17 : memref<128x16xf32, #tpu.memory_space<vmem>>) target(%dma_start3A_226 : memref<10240x16xf32, #tpu.memory_space<vmem_shared>>) offsets(%dma_start3A_223 : memref<128xi32, #tpu.memory_space<vmem>>) semaphore(%arg34 : memref<!tpu.dma_semaphore, #tpu.memory_space<semaphore_mem>>) {add = true}
        %add3A_227 = arith.constant 7 : i32
        %add3A_228 = arith.addi %add3A_115, %add3A_227 : i32
        %dma_wait3A_229 = arith.constant 0 : i32
        %dma_wait3A_230 = tpu.memref_slice %arg9[%add3A_228, %dma_wait3A_229] : memref<40x128xi32, #tpu.memory_space<vmem>> -> memref<1x128xi32, #tpu.memory_space<vmem>>
        %dma_wait3A_231 = tpu.memref_squeeze %dma_wait3A_230 : memref<1x128xi32, #tpu.memory_space<vmem>> -> memref<128xi32, #tpu.memory_space<vmem>>
        %dma_wait3A_232 = arith.constant 0 : i32
        %dma_wait3A_233 = arith.constant 0 : i32
        %dma_wait3A_234 = tpu.memref_slice %arg2[%dma_wait3A_232, %dma_wait3A_233] : memref<10000x16xf32, #tpu.memory_space<hbm>> -> memref<10000x16xf32, #tpu.memory_space<hbm>>
        tpu.wait_indirect_dma semaphore(%arg27 : memref<!tpu.dma_semaphore, #tpu.memory_space<semaphore_mem>>) src(%dma_wait3A_234 : memref<10000x16xf32, #tpu.memory_space<hbm>>) dst(%arg18 : memref<128x16xf32, #tpu.memory_space<vmem>>)
        %add3A_235 = arith.constant 7 : i32
        %add3A_236 = arith.addi %add3A_115, %add3A_235 : i32
        %dma_start3A_237 = arith.constant 0 : i32
        %dma_start3A_238 = tpu.memref_slice %arg10[%add3A_236, %dma_start3A_237] : memref<40x128xi32, #tpu.memory_space<vmem>> -> memref<1x128xi32, #tpu.memory_space<vmem>>
        %dma_start3A_239 = tpu.memref_squeeze %dma_start3A_238 : memref<1x128xi32, #tpu.memory_space<vmem>> -> memref<128xi32, #tpu.memory_space<vmem>>
        %dma_start3A_240 = arith.constant 0 : i32
        %dma_start3A_241 = arith.constant 0 : i32
        %dma_start3A_242 = tpu.memref_slice %arg19[%dma_start3A_240, %dma_start3A_241] : memref<10240x16xf32, #tpu.memory_space<vmem_shared>> -> memref<10240x16xf32, #tpu.memory_space<vmem_shared>>
        tpu.enqueue_indirect_dma source(%arg18 : memref<128x16xf32, #tpu.memory_space<vmem>>) target(%dma_start3A_242 : memref<10240x16xf32, #tpu.memory_space<vmem_shared>>) offsets(%dma_start3A_239 : memref<128xi32, #tpu.memory_space<vmem>>) semaphore(%arg35 : memref<!tpu.dma_semaphore, #tpu.memory_space<semaphore_mem>>) {add = true}
        %add3A_243 = arith.constant 0 : i32
        %add3A_244 = arith.addi %add3A_115, %add3A_243 : i32
        %dma_wait3A_245 = arith.constant 0 : i32
        %dma_wait3A_246 = tpu.memref_slice %arg10[%add3A_244, %dma_wait3A_245] : memref<40x128xi32, #tpu.memory_space<vmem>> -> memref<1x128xi32, #tpu.memory_space<vmem>>
        %dma_wait3A_247 = tpu.memref_squeeze %dma_wait3A_246 : memref<1x128xi32, #tpu.memory_space<vmem>> -> memref<128xi32, #tpu.memory_space<vmem>>
        %dma_wait3A_248 = arith.constant 0 : i32
        %dma_wait3A_249 = arith.constant 0 : i32
        %dma_wait3A_250 = tpu.memref_slice %arg19[%dma_wait3A_248, %dma_wait3A_249] : memref<10240x16xf32, #tpu.memory_space<vmem_shared>> -> memref<10240x16xf32, #tpu.memory_space<vmem_shared>>
        tpu.wait_indirect_dma semaphore(%arg28 : memref<!tpu.dma_semaphore, #tpu.memory_space<semaphore_mem>>) src(%arg11 : memref<128x16xf32, #tpu.memory_space<vmem>>) dst(%dma_wait3A_250 : memref<10240x16xf32, #tpu.memory_space<vmem_shared>>)
        %add3A_251 = arith.constant 0 : i32
        %add3A_252 = arith.addi %add3A_115, %add3A_251 : i32
        %add3A_253 = arith.constant 8 : i32
        %add3A_254 = arith.addi %add3A_252, %add3A_253 : i32
        %lt3A_255 = arith.constant 40 : i32
        %lt3A_256 = arith.cmpi slt, %add3A_254, %lt3A_255 : i32
        %convert_element_type3A_257 = arith.extui %lt3A_256 : i1 to i32
        %cond3A_258 = arith.constant 0 : i32
        %cond3A_259 = arith.cmpi ne, %convert_element_type3A_257, %cond3A_258 : i32
        scf.if %cond3A_259 {
          %add3A_379 = arith.constant 0 : i32
          %add3A_380 = arith.addi %add3A_115, %add3A_379 : i32
          %add3A_381 = arith.constant 8 : i32
          %add3A_382 = arith.addi %add3A_380, %add3A_381 : i32
          %dma_start3A_383 = arith.constant 0 : i32
          %dma_start3A_384 = tpu.memref_slice %arg9[%add3A_382, %dma_start3A_383] : memref<40x128xi32, #tpu.memory_space<vmem>> -> memref<1x128xi32, #tpu.memory_space<vmem>>
          %dma_start3A_385 = tpu.memref_squeeze %dma_start3A_384 : memref<1x128xi32, #tpu.memory_space<vmem>> -> memref<128xi32, #tpu.memory_space<vmem>>
          %dma_start3A_386 = arith.constant 0 : i32
          %dma_start3A_387 = arith.constant 0 : i32
          %dma_start3A_388 = tpu.memref_slice %arg2[%dma_start3A_386, %dma_start3A_387] : memref<10000x16xf32, #tpu.memory_space<hbm>> -> memref<10000x16xf32, #tpu.memory_space<hbm>>
          tpu.enqueue_indirect_dma source(%dma_start3A_388 : memref<10000x16xf32, #tpu.memory_space<hbm>>) target(%arg11 : memref<128x16xf32, #tpu.memory_space<vmem>>) offsets(%dma_start3A_385 : memref<128xi32, #tpu.memory_space<vmem>>) semaphore(%arg20 : memref<!tpu.dma_semaphore, #tpu.memory_space<semaphore_mem>>)
        } else {
        }
        %add3A_260 = arith.constant 1 : i32
        %add3A_261 = arith.addi %add3A_115, %add3A_260 : i32
        %dma_wait3A_262 = arith.constant 0 : i32
        %dma_wait3A_263 = tpu.memref_slice %arg10[%add3A_261, %dma_wait3A_262] : memref<40x128xi32, #tpu.memory_space<vmem>> -> memref<1x128xi32, #tpu.memory_space<vmem>>
        %dma_wait3A_264 = tpu.memref_squeeze %dma_wait3A_263 : memref<1x128xi32, #tpu.memory_space<vmem>> -> memref<128xi32, #tpu.memory_space<vmem>>
        %dma_wait3A_265 = arith.constant 0 : i32
        %dma_wait3A_266 = arith.constant 0 : i32
        %dma_wait3A_267 = tpu.memref_slice %arg19[%dma_wait3A_265, %dma_wait3A_266] : memref<10240x16xf32, #tpu.memory_space<vmem_shared>> -> memref<10240x16xf32, #tpu.memory_space<vmem_shared>>
        tpu.wait_indirect_dma semaphore(%arg29 : memref<!tpu.dma_semaphore, #tpu.memory_space<semaphore_mem>>) src(%arg12 : memref<128x16xf32, #tpu.memory_space<vmem>>) dst(%dma_wait3A_267 : memref<10240x16xf32, #tpu.memory_space<vmem_shared>>)
        %add3A_268 = arith.constant 1 : i32
        %add3A_269 = arith.addi %add3A_115, %add3A_268 : i32
        %add3A_270 = arith.constant 8 : i32
        %add3A_271 = arith.addi %add3A_269, %add3A_270 : i32
        %lt3A_272 = arith.constant 40 : i32
        %lt3A_273 = arith.cmpi slt, %add3A_271, %lt3A_272 : i32
        %convert_element_type3A_274 = arith.extui %lt3A_273 : i1 to i32
        %cond3A_275 = arith.constant 0 : i32
        %cond3A_276 = arith.cmpi ne, %convert_element_type3A_274, %cond3A_275 : i32
        scf.if %cond3A_276 {
          %add3A_379 = arith.constant 1 : i32
          %add3A_380 = arith.addi %add3A_115, %add3A_379 : i32
          %add3A_381 = arith.constant 8 : i32
          %add3A_382 = arith.addi %add3A_380, %add3A_381 : i32
          %dma_start3A_383 = arith.constant 0 : i32
          %dma_start3A_384 = tpu.memref_slice %arg9[%add3A_382, %dma_start3A_383] : memref<40x128xi32, #tpu.memory_space<vmem>> -> memref<1x128xi32, #tpu.memory_space<vmem>>
          %dma_start3A_385 = tpu.memref_squeeze %dma_start3A_384 : memref<1x128xi32, #tpu.memory_space<vmem>> -> memref<128xi32, #tpu.memory_space<vmem>>
          %dma_start3A_386 = arith.constant 0 : i32
          %dma_start3A_387 = arith.constant 0 : i32
          %dma_start3A_388 = tpu.memref_slice %arg2[%dma_start3A_386, %dma_start3A_387] : memref<10000x16xf32, #tpu.memory_space<hbm>> -> memref<10000x16xf32, #tpu.memory_space<hbm>>
          tpu.enqueue_indirect_dma source(%dma_start3A_388 : memref<10000x16xf32, #tpu.memory_space<hbm>>) target(%arg12 : memref<128x16xf32, #tpu.memory_space<vmem>>) offsets(%dma_start3A_385 : memref<128xi32, #tpu.memory_space<vmem>>) semaphore(%arg21 : memref<!tpu.dma_semaphore, #tpu.memory_space<semaphore_mem>>)
        } else {
        }
        %add3A_277 = arith.constant 2 : i32
        %add3A_278 = arith.addi %add3A_115, %add3A_277 : i32
        %dma_wait3A_279 = arith.constant 0 : i32
        %dma_wait3A_280 = tpu.memref_slice %arg10[%add3A_278, %dma_wait3A_279] : memref<40x128xi32, #tpu.memory_space<vmem>> -> memref<1x128xi32, #tpu.memory_space<vmem>>
        %dma_wait3A_281 = tpu.memref_squeeze %dma_wait3A_280 : memref<1x128xi32, #tpu.memory_space<vmem>> -> memref<128xi32, #tpu.memory_space<vmem>>
        %dma_wait3A_282 = arith.constant 0 : i32
        %dma_wait3A_283 = arith.constant 0 : i32
        %dma_wait3A_284 = tpu.memref_slice %arg19[%dma_wait3A_282, %dma_wait3A_283] : memref<10240x16xf32, #tpu.memory_space<vmem_shared>> -> memref<10240x16xf32, #tpu.memory_space<vmem_shared>>
        tpu.wait_indirect_dma semaphore(%arg30 : memref<!tpu.dma_semaphore, #tpu.memory_space<semaphore_mem>>) src(%arg13 : memref<128x16xf32, #tpu.memory_space<vmem>>) dst(%dma_wait3A_284 : memref<10240x16xf32, #tpu.memory_space<vmem_shared>>)
        %add3A_285 = arith.constant 2 : i32
        %add3A_286 = arith.addi %add3A_115, %add3A_285 : i32
        %add3A_287 = arith.constant 8 : i32
        %add3A_288 = arith.addi %add3A_286, %add3A_287 : i32
        %lt3A_289 = arith.constant 40 : i32
        %lt3A_290 = arith.cmpi slt, %add3A_288, %lt3A_289 : i32
        %convert_element_type3A_291 = arith.extui %lt3A_290 : i1 to i32
        %cond3A_292 = arith.constant 0 : i32
        %cond3A_293 = arith.cmpi ne, %convert_element_type3A_291, %cond3A_292 : i32
        scf.if %cond3A_293 {
          %add3A_379 = arith.constant 2 : i32
          %add3A_380 = arith.addi %add3A_115, %add3A_379 : i32
          %add3A_381 = arith.constant 8 : i32
          %add3A_382 = arith.addi %add3A_380, %add3A_381 : i32
          %dma_start3A_383 = arith.constant 0 : i32
          %dma_start3A_384 = tpu.memref_slice %arg9[%add3A_382, %dma_start3A_383] : memref<40x128xi32, #tpu.memory_space<vmem>> -> memref<1x128xi32, #tpu.memory_space<vmem>>
          %dma_start3A_385 = tpu.memref_squeeze %dma_start3A_384 : memref<1x128xi32, #tpu.memory_space<vmem>> -> memref<128xi32, #tpu.memory_space<vmem>>
          %dma_start3A_386 = arith.constant 0 : i32
          %dma_start3A_387 = arith.constant 0 : i32
          %dma_start3A_388 = tpu.memref_slice %arg2[%dma_start3A_386, %dma_start3A_387] : memref<10000x16xf32, #tpu.memory_space<hbm>> -> memref<10000x16xf32, #tpu.memory_space<hbm>>
          tpu.enqueue_indirect_dma source(%dma_start3A_388 : memref<10000x16xf32, #tpu.memory_space<hbm>>) target(%arg13 : memref<128x16xf32, #tpu.memory_space<vmem>>) offsets(%dma_start3A_385 : memref<128xi32, #tpu.memory_space<vmem>>) semaphore(%arg22 : memref<!tpu.dma_semaphore, #tpu.memory_space<semaphore_mem>>)
        } else {
        }
        %add3A_294 = arith.constant 3 : i32
        %add3A_295 = arith.addi %add3A_115, %add3A_294 : i32
        %dma_wait3A_296 = arith.constant 0 : i32
        %dma_wait3A_297 = tpu.memref_slice %arg10[%add3A_295, %dma_wait3A_296] : memref<40x128xi32, #tpu.memory_space<vmem>> -> memref<1x128xi32, #tpu.memory_space<vmem>>
        %dma_wait3A_298 = tpu.memref_squeeze %dma_wait3A_297 : memref<1x128xi32, #tpu.memory_space<vmem>> -> memref<128xi32, #tpu.memory_space<vmem>>
        %dma_wait3A_299 = arith.constant 0 : i32
        %dma_wait3A_300 = arith.constant 0 : i32
        %dma_wait3A_301 = tpu.memref_slice %arg19[%dma_wait3A_299, %dma_wait3A_300] : memref<10240x16xf32, #tpu.memory_space<vmem_shared>> -> memref<10240x16xf32, #tpu.memory_space<vmem_shared>>
        tpu.wait_indirect_dma semaphore(%arg31 : memref<!tpu.dma_semaphore, #tpu.memory_space<semaphore_mem>>) src(%arg14 : memref<128x16xf32, #tpu.memory_space<vmem>>) dst(%dma_wait3A_301 : memref<10240x16xf32, #tpu.memory_space<vmem_shared>>)
        %add3A_302 = arith.constant 3 : i32
        %add3A_303 = arith.addi %add3A_115, %add3A_302 : i32
        %add3A_304 = arith.constant 8 : i32
        %add3A_305 = arith.addi %add3A_303, %add3A_304 : i32
        %lt3A_306 = arith.constant 40 : i32
        %lt3A_307 = arith.cmpi slt, %add3A_305, %lt3A_306 : i32
        %convert_element_type3A_308 = arith.extui %lt3A_307 : i1 to i32
        %cond3A_309 = arith.constant 0 : i32
        %cond3A_310 = arith.cmpi ne, %convert_element_type3A_308, %cond3A_309 : i32
        scf.if %cond3A_310 {
          %add3A_379 = arith.constant 3 : i32
          %add3A_380 = arith.addi %add3A_115, %add3A_379 : i32
          %add3A_381 = arith.constant 8 : i32
          %add3A_382 = arith.addi %add3A_380, %add3A_381 : i32
          %dma_start3A_383 = arith.constant 0 : i32
          %dma_start3A_384 = tpu.memref_slice %arg9[%add3A_382, %dma_start3A_383] : memref<40x128xi32, #tpu.memory_space<vmem>> -> memref<1x128xi32, #tpu.memory_space<vmem>>
          %dma_start3A_385 = tpu.memref_squeeze %dma_start3A_384 : memref<1x128xi32, #tpu.memory_space<vmem>> -> memref<128xi32, #tpu.memory_space<vmem>>
          %dma_start3A_386 = arith.constant 0 : i32
          %dma_start3A_387 = arith.constant 0 : i32
          %dma_start3A_388 = tpu.memref_slice %arg2[%dma_start3A_386, %dma_start3A_387] : memref<10000x16xf32, #tpu.memory_space<hbm>> -> memref<10000x16xf32, #tpu.memory_space<hbm>>
          tpu.enqueue_indirect_dma source(%dma_start3A_388 : memref<10000x16xf32, #tpu.memory_space<hbm>>) target(%arg14 : memref<128x16xf32, #tpu.memory_space<vmem>>) offsets(%dma_start3A_385 : memref<128xi32, #tpu.memory_space<vmem>>) semaphore(%arg23 : memref<!tpu.dma_semaphore, #tpu.memory_space<semaphore_mem>>)
        } else {
        }
        %add3A_311 = arith.constant 4 : i32
        %add3A_312 = arith.addi %add3A_115, %add3A_311 : i32
        %dma_wait3A_313 = arith.constant 0 : i32
        %dma_wait3A_314 = tpu.memref_slice %arg10[%add3A_312, %dma_wait3A_313] : memref<40x128xi32, #tpu.memory_space<vmem>> -> memref<1x128xi32, #tpu.memory_space<vmem>>
        %dma_wait3A_315 = tpu.memref_squeeze %dma_wait3A_314 : memref<1x128xi32, #tpu.memory_space<vmem>> -> memref<128xi32, #tpu.memory_space<vmem>>
        %dma_wait3A_316 = arith.constant 0 : i32
        %dma_wait3A_317 = arith.constant 0 : i32
        %dma_wait3A_318 = tpu.memref_slice %arg19[%dma_wait3A_316, %dma_wait3A_317] : memref<10240x16xf32, #tpu.memory_space<vmem_shared>> -> memref<10240x16xf32, #tpu.memory_space<vmem_shared>>
        tpu.wait_indirect_dma semaphore(%arg32 : memref<!tpu.dma_semaphore, #tpu.memory_space<semaphore_mem>>) src(%arg15 : memref<128x16xf32, #tpu.memory_space<vmem>>) dst(%dma_wait3A_318 : memref<10240x16xf32, #tpu.memory_space<vmem_shared>>)
        %add3A_319 = arith.constant 4 : i32
        %add3A_320 = arith.addi %add3A_115, %add3A_319 : i32
        %add3A_321 = arith.constant 8 : i32
        %add3A_322 = arith.addi %add3A_320, %add3A_321 : i32
        %lt3A_323 = arith.constant 40 : i32
        %lt3A_324 = arith.cmpi slt, %add3A_322, %lt3A_323 : i32
        %convert_element_type3A_325 = arith.extui %lt3A_324 : i1 to i32
        %cond3A_326 = arith.constant 0 : i32
        %cond3A_327 = arith.cmpi ne, %convert_element_type3A_325, %cond3A_326 : i32
        scf.if %cond3A_327 {
          %add3A_379 = arith.constant 4 : i32
          %add3A_380 = arith.addi %add3A_115, %add3A_379 : i32
          %add3A_381 = arith.constant 8 : i32
          %add3A_382 = arith.addi %add3A_380, %add3A_381 : i32
          %dma_start3A_383 = arith.constant 0 : i32
          %dma_start3A_384 = tpu.memref_slice %arg9[%add3A_382, %dma_start3A_383] : memref<40x128xi32, #tpu.memory_space<vmem>> -> memref<1x128xi32, #tpu.memory_space<vmem>>
          %dma_start3A_385 = tpu.memref_squeeze %dma_start3A_384 : memref<1x128xi32, #tpu.memory_space<vmem>> -> memref<128xi32, #tpu.memory_space<vmem>>
          %dma_start3A_386 = arith.constant 0 : i32
          %dma_start3A_387 = arith.constant 0 : i32
          %dma_start3A_388 = tpu.memref_slice %arg2[%dma_start3A_386, %dma_start3A_387] : memref<10000x16xf32, #tpu.memory_space<hbm>> -> memref<10000x16xf32, #tpu.memory_space<hbm>>
          tpu.enqueue_indirect_dma source(%dma_start3A_388 : memref<10000x16xf32, #tpu.memory_space<hbm>>) target(%arg15 : memref<128x16xf32, #tpu.memory_space<vmem>>) offsets(%dma_start3A_385 : memref<128xi32, #tpu.memory_space<vmem>>) semaphore(%arg24 : memref<!tpu.dma_semaphore, #tpu.memory_space<semaphore_mem>>)
        } else {
        }
        %add3A_328 = arith.constant 5 : i32
        %add3A_329 = arith.addi %add3A_115, %add3A_328 : i32
        %dma_wait3A_330 = arith.constant 0 : i32
        %dma_wait3A_331 = tpu.memref_slice %arg10[%add3A_329, %dma_wait3A_330] : memref<40x128xi32, #tpu.memory_space<vmem>> -> memref<1x128xi32, #tpu.memory_space<vmem>>
        %dma_wait3A_332 = tpu.memref_squeeze %dma_wait3A_331 : memref<1x128xi32, #tpu.memory_space<vmem>> -> memref<128xi32, #tpu.memory_space<vmem>>
        %dma_wait3A_333 = arith.constant 0 : i32
        %dma_wait3A_334 = arith.constant 0 : i32
        %dma_wait3A_335 = tpu.memref_slice %arg19[%dma_wait3A_333, %dma_wait3A_334] : memref<10240x16xf32, #tpu.memory_space<vmem_shared>> -> memref<10240x16xf32, #tpu.memory_space<vmem_shared>>
        tpu.wait_indirect_dma semaphore(%arg33 : memref<!tpu.dma_semaphore, #tpu.memory_space<semaphore_mem>>) src(%arg16 : memref<128x16xf32, #tpu.memory_space<vmem>>) dst(%dma_wait3A_335 : memref<10240x16xf32, #tpu.memory_space<vmem_shared>>)
        %add3A_336 = arith.constant 5 : i32
        %add3A_337 = arith.addi %add3A_115, %add3A_336 : i32
        %add3A_338 = arith.constant 8 : i32
        %add3A_339 = arith.addi %add3A_337, %add3A_338 : i32
        %lt3A_340 = arith.constant 40 : i32
        %lt3A_341 = arith.cmpi slt, %add3A_339, %lt3A_340 : i32
        %convert_element_type3A_342 = arith.extui %lt3A_341 : i1 to i32
        %cond3A_343 = arith.constant 0 : i32
        %cond3A_344 = arith.cmpi ne, %convert_element_type3A_342, %cond3A_343 : i32
        scf.if %cond3A_344 {
          %add3A_379 = arith.constant 5 : i32
          %add3A_380 = arith.addi %add3A_115, %add3A_379 : i32
          %add3A_381 = arith.constant 8 : i32
          %add3A_382 = arith.addi %add3A_380, %add3A_381 : i32
          %dma_start3A_383 = arith.constant 0 : i32
          %dma_start3A_384 = tpu.memref_slice %arg9[%add3A_382, %dma_start3A_383] : memref<40x128xi32, #tpu.memory_space<vmem>> -> memref<1x128xi32, #tpu.memory_space<vmem>>
          %dma_start3A_385 = tpu.memref_squeeze %dma_start3A_384 : memref<1x128xi32, #tpu.memory_space<vmem>> -> memref<128xi32, #tpu.memory_space<vmem>>
          %dma_start3A_386 = arith.constant 0 : i32
          %dma_start3A_387 = arith.constant 0 : i32
          %dma_start3A_388 = tpu.memref_slice %arg2[%dma_start3A_386, %dma_start3A_387] : memref<10000x16xf32, #tpu.memory_space<hbm>> -> memref<10000x16xf32, #tpu.memory_space<hbm>>
          tpu.enqueue_indirect_dma source(%dma_start3A_388 : memref<10000x16xf32, #tpu.memory_space<hbm>>) target(%arg16 : memref<128x16xf32, #tpu.memory_space<vmem>>) offsets(%dma_start3A_385 : memref<128xi32, #tpu.memory_space<vmem>>) semaphore(%arg25 : memref<!tpu.dma_semaphore, #tpu.memory_space<semaphore_mem>>)
        } else {
        }
        %add3A_345 = arith.constant 6 : i32
        %add3A_346 = arith.addi %add3A_115, %add3A_345 : i32
        %dma_wait3A_347 = arith.constant 0 : i32
        %dma_wait3A_348 = tpu.memref_slice %arg10[%add3A_346, %dma_wait3A_347] : memref<40x128xi32, #tpu.memory_space<vmem>> -> memref<1x128xi32, #tpu.memory_space<vmem>>
        %dma_wait3A_349 = tpu.memref_squeeze %dma_wait3A_348 : memref<1x128xi32, #tpu.memory_space<vmem>> -> memref<128xi32, #tpu.memory_space<vmem>>
        %dma_wait3A_350 = arith.constant 0 : i32
        %dma_wait3A_351 = arith.constant 0 : i32
        %dma_wait3A_352 = tpu.memref_slice %arg19[%dma_wait3A_350, %dma_wait3A_351] : memref<10240x16xf32, #tpu.memory_space<vmem_shared>> -> memref<10240x16xf32, #tpu.memory_space<vmem_shared>>
        tpu.wait_indirect_dma semaphore(%arg34 : memref<!tpu.dma_semaphore, #tpu.memory_space<semaphore_mem>>) src(%arg17 : memref<128x16xf32, #tpu.memory_space<vmem>>) dst(%dma_wait3A_352 : memref<10240x16xf32, #tpu.memory_space<vmem_shared>>)
        %add3A_353 = arith.constant 6 : i32
        %add3A_354 = arith.addi %add3A_115, %add3A_353 : i32
        %add3A_355 = arith.constant 8 : i32
        %add3A_356 = arith.addi %add3A_354, %add3A_355 : i32
        %lt3A_357 = arith.constant 40 : i32
        %lt3A_358 = arith.cmpi slt, %add3A_356, %lt3A_357 : i32
        %convert_element_type3A_359 = arith.extui %lt3A_358 : i1 to i32
        %cond3A_360 = arith.constant 0 : i32
        %cond3A_361 = arith.cmpi ne, %convert_element_type3A_359, %cond3A_360 : i32
        scf.if %cond3A_361 {
          %add3A_379 = arith.constant 6 : i32
          %add3A_380 = arith.addi %add3A_115, %add3A_379 : i32
          %add3A_381 = arith.constant 8 : i32
          %add3A_382 = arith.addi %add3A_380, %add3A_381 : i32
          %dma_start3A_383 = arith.constant 0 : i32
          %dma_start3A_384 = tpu.memref_slice %arg9[%add3A_382, %dma_start3A_383] : memref<40x128xi32, #tpu.memory_space<vmem>> -> memref<1x128xi32, #tpu.memory_space<vmem>>
          %dma_start3A_385 = tpu.memref_squeeze %dma_start3A_384 : memref<1x128xi32, #tpu.memory_space<vmem>> -> memref<128xi32, #tpu.memory_space<vmem>>
          %dma_start3A_386 = arith.constant 0 : i32
          %dma_start3A_387 = arith.constant 0 : i32
          %dma_start3A_388 = tpu.memref_slice %arg2[%dma_start3A_386, %dma_start3A_387] : memref<10000x16xf32, #tpu.memory_space<hbm>> -> memref<10000x16xf32, #tpu.memory_space<hbm>>
          tpu.enqueue_indirect_dma source(%dma_start3A_388 : memref<10000x16xf32, #tpu.memory_space<hbm>>) target(%arg17 : memref<128x16xf32, #tpu.memory_space<vmem>>) offsets(%dma_start3A_385 : memref<128xi32, #tpu.memory_space<vmem>>) semaphore(%arg26 : memref<!tpu.dma_semaphore, #tpu.memory_space<semaphore_mem>>)
        } else {
        }
        %add3A_362 = arith.constant 7 : i32
        %add3A_363 = arith.addi %add3A_115, %add3A_362 : i32
        %dma_wait3A_364 = arith.constant 0 : i32
        %dma_wait3A_365 = tpu.memref_slice %arg10[%add3A_363, %dma_wait3A_364] : memref<40x128xi32, #tpu.memory_space<vmem>> -> memref<1x128xi32, #tpu.memory_space<vmem>>
        %dma_wait3A_366 = tpu.memref_squeeze %dma_wait3A_365 : memref<1x128xi32, #tpu.memory_space<vmem>> -> memref<128xi32, #tpu.memory_space<vmem>>
        %dma_wait3A_367 = arith.constant 0 : i32
        %dma_wait3A_368 = arith.constant 0 : i32
        %dma_wait3A_369 = tpu.memref_slice %arg19[%dma_wait3A_367, %dma_wait3A_368] : memref<10240x16xf32, #tpu.memory_space<vmem_shared>> -> memref<10240x16xf32, #tpu.memory_space<vmem_shared>>
        tpu.wait_indirect_dma semaphore(%arg35 : memref<!tpu.dma_semaphore, #tpu.memory_space<semaphore_mem>>) src(%arg18 : memref<128x16xf32, #tpu.memory_space<vmem>>) dst(%dma_wait3A_369 : memref<10240x16xf32, #tpu.memory_space<vmem_shared>>)
        %add3A_370 = arith.constant 7 : i32
        %add3A_371 = arith.addi %add3A_115, %add3A_370 : i32
        %add3A_372 = arith.constant 8 : i32
        %add3A_373 = arith.addi %add3A_371, %add3A_372 : i32
        %lt3A_374 = arith.constant 40 : i32
        %lt3A_375 = arith.cmpi slt, %add3A_373, %lt3A_374 : i32
        %convert_element_type3A_376 = arith.extui %lt3A_375 : i1 to i32
        %cond3A_377 = arith.constant 0 : i32
        %cond3A_378 = arith.cmpi ne, %convert_element_type3A_376, %cond3A_377 : i32
        scf.if %cond3A_378 {
          %add3A_379 = arith.constant 7 : i32
          %add3A_380 = arith.addi %add3A_115, %add3A_379 : i32
          %add3A_381 = arith.constant 8 : i32
          %add3A_382 = arith.addi %add3A_380, %add3A_381 : i32
          %dma_start3A_383 = arith.constant 0 : i32
          %dma_start3A_384 = tpu.memref_slice %arg9[%add3A_382, %dma_start3A_383] : memref<40x128xi32, #tpu.memory_space<vmem>> -> memref<1x128xi32, #tpu.memory_space<vmem>>
          %dma_start3A_385 = tpu.memref_squeeze %dma_start3A_384 : memref<1x128xi32, #tpu.memory_space<vmem>> -> memref<128xi32, #tpu.memory_space<vmem>>
          %dma_start3A_386 = arith.constant 0 : i32
          %dma_start3A_387 = arith.constant 0 : i32
          %dma_start3A_388 = tpu.memref_slice %arg2[%dma_start3A_386, %dma_start3A_387] : memref<10000x16xf32, #tpu.memory_space<hbm>> -> memref<10000x16xf32, #tpu.memory_space<hbm>>
          tpu.enqueue_indirect_dma source(%dma_start3A_388 : memref<10000x16xf32, #tpu.memory_space<hbm>>) target(%arg18 : memref<128x16xf32, #tpu.memory_space<vmem>>) offsets(%dma_start3A_385 : memref<128xi32, #tpu.memory_space<vmem>>) semaphore(%arg27 : memref<!tpu.dma_semaphore, #tpu.memory_space<semaphore_mem>>)
        } else {
        }
      }
      %scan3A_111 = arith.constant 5 : i32
    } else {
    }
    %eq3A_43 = arith.constant 1 : i32
    %eq3A_44 = arith.cmpi eq, %arg0, %eq3A_43 : i32
    %convert_element_type3A_45 = arith.extui %eq3A_44 : i1 to i32
    %cond3A_46 = arith.constant 0 : i32
    %cond3A_47 = arith.cmpi ne, %convert_element_type3A_45, %cond3A_46 : i32
    scf.if %cond3A_47 {
      %dma_start3A = arith.constant 0 : i32
      %dma_start3A_53 = arith.constant 0 : i32
      %dma_start3A_54 = tpu.memref_slice %arg9[%dma_start3A, %dma_start3A_53] : memref<40x128xi32, #tpu.memory_space<vmem>> -> memref<1x128xi32, #tpu.memory_space<vmem>>
      %dma_start3A_55 = tpu.memref_squeeze %dma_start3A_54 : memref<1x128xi32, #tpu.memory_space<vmem>> -> memref<128xi32, #tpu.memory_space<vmem>>
      %dma_start3A_56 = arith.constant 0 : i32
      %dma_start3A_57 = arith.constant 0 : i32
      %dma_start3A_58 = tpu.memref_slice %arg2[%dma_start3A_56, %dma_start3A_57] : memref<10000x16xf32, #tpu.memory_space<hbm>> -> memref<10000x16xf32, #tpu.memory_space<hbm>>
      tpu.enqueue_indirect_dma source(%dma_start3A_58 : memref<10000x16xf32, #tpu.memory_space<hbm>>) target(%arg11 : memref<128x16xf32, #tpu.memory_space<vmem>>) offsets(%dma_start3A_55 : memref<128xi32, #tpu.memory_space<vmem>>) semaphore(%arg20 : memref<!tpu.dma_semaphore, #tpu.memory_space<semaphore_mem>>)
      %dma_start3A_59 = arith.constant 1 : i32
      %dma_start3A_60 = arith.constant 0 : i32
      %dma_start3A_61 = tpu.memref_slice %arg9[%dma_start3A_59, %dma_start3A_60] : memref<40x128xi32, #tpu.memory_space<vmem>> -> memref<1x128xi32, #tpu.memory_space<vmem>>
      %dma_start3A_62 = tpu.memref_squeeze %dma_start3A_61 : memref<1x128xi32, #tpu.memory_space<vmem>> -> memref<128xi32, #tpu.memory_space<vmem>>
      %dma_start3A_63 = arith.constant 0 : i32
      %dma_start3A_64 = arith.constant 0 : i32
      %dma_start3A_65 = tpu.memref_slice %arg2[%dma_start3A_63, %dma_start3A_64] : memref<10000x16xf32, #tpu.memory_space<hbm>> -> memref<10000x16xf32, #tpu.memory_space<hbm>>
      tpu.enqueue_indirect_dma source(%dma_start3A_65 : memref<10000x16xf32, #tpu.memory_space<hbm>>) target(%arg12 : memref<128x16xf32, #tpu.memory_space<vmem>>) offsets(%dma_start3A_62 : memref<128xi32, #tpu.memory_space<vmem>>) semaphore(%arg21 : memref<!tpu.dma_semaphore, #tpu.memory_space<semaphore_mem>>)
      %dma_start3A_66 = arith.constant 2 : i32
      %dma_start3A_67 = arith.constant 0 : i32
      %dma_start3A_68 = tpu.memref_slice %arg9[%dma_start3A_66, %dma_start3A_67] : memref<40x128xi32, #tpu.memory_space<vmem>> -> memref<1x128xi32, #tpu.memory_space<vmem>>
      %dma_start3A_69 = tpu.memref_squeeze %dma_start3A_68 : memref<1x128xi32, #tpu.memory_space<vmem>> -> memref<128xi32, #tpu.memory_space<vmem>>
      %dma_start3A_70 = arith.constant 0 : i32
      %dma_start3A_71 = arith.constant 0 : i32
      %dma_start3A_72 = tpu.memref_slice %arg2[%dma_start3A_70, %dma_start3A_71] : memref<10000x16xf32, #tpu.memory_space<hbm>> -> memref<10000x16xf32, #tpu.memory_space<hbm>>
      tpu.enqueue_indirect_dma source(%dma_start3A_72 : memref<10000x16xf32, #tpu.memory_space<hbm>>) target(%arg13 : memref<128x16xf32, #tpu.memory_space<vmem>>) offsets(%dma_start3A_69 : memref<128xi32, #tpu.memory_space<vmem>>) semaphore(%arg22 : memref<!tpu.dma_semaphore, #tpu.memory_space<semaphore_mem>>)
      %dma_start3A_73 = arith.constant 3 : i32
      %dma_start3A_74 = arith.constant 0 : i32
      %dma_start3A_75 = tpu.memref_slice %arg9[%dma_start3A_73, %dma_start3A_74] : memref<40x128xi32, #tpu.memory_space<vmem>> -> memref<1x128xi32, #tpu.memory_space<vmem>>
      %dma_start3A_76 = tpu.memref_squeeze %dma_start3A_75 : memref<1x128xi32, #tpu.memory_space<vmem>> -> memref<128xi32, #tpu.memory_space<vmem>>
      %dma_start3A_77 = arith.constant 0 : i32
      %dma_start3A_78 = arith.constant 0 : i32
      %dma_start3A_79 = tpu.memref_slice %arg2[%dma_start3A_77, %dma_start3A_78] : memref<10000x16xf32, #tpu.memory_space<hbm>> -> memref<10000x16xf32, #tpu.memory_space<hbm>>
      tpu.enqueue_indirect_dma source(%dma_start3A_79 : memref<10000x16xf32, #tpu.memory_space<hbm>>) target(%arg14 : memref<128x16xf32, #tpu.memory_space<vmem>>) offsets(%dma_start3A_76 : memref<128xi32, #tpu.memory_space<vmem>>) semaphore(%arg23 : memref<!tpu.dma_semaphore, #tpu.memory_space<semaphore_mem>>)
      %dma_start3A_80 = arith.constant 4 : i32
      %dma_start3A_81 = arith.constant 0 : i32
      %dma_start3A_82 = tpu.memref_slice %arg9[%dma_start3A_80, %dma_start3A_81] : memref<40x128xi32, #tpu.memory_space<vmem>> -> memref<1x128xi32, #tpu.memory_space<vmem>>
      %dma_start3A_83 = tpu.memref_squeeze %dma_start3A_82 : memref<1x128xi32, #tpu.memory_space<vmem>> -> memref<128xi32, #tpu.memory_space<vmem>>
      %dma_start3A_84 = arith.constant 0 : i32
      %dma_start3A_85 = arith.constant 0 : i32
      %dma_start3A_86 = tpu.memref_slice %arg2[%dma_start3A_84, %dma_start3A_85] : memref<10000x16xf32, #tpu.memory_space<hbm>> -> memref<10000x16xf32, #tpu.memory_space<hbm>>
      tpu.enqueue_indirect_dma source(%dma_start3A_86 : memref<10000x16xf32, #tpu.memory_space<hbm>>) target(%arg15 : memref<128x16xf32, #tpu.memory_space<vmem>>) offsets(%dma_start3A_83 : memref<128xi32, #tpu.memory_space<vmem>>) semaphore(%arg24 : memref<!tpu.dma_semaphore, #tpu.memory_space<semaphore_mem>>)
      %dma_start3A_87 = arith.constant 5 : i32
      %dma_start3A_88 = arith.constant 0 : i32
      %dma_start3A_89 = tpu.memref_slice %arg9[%dma_start3A_87, %dma_start3A_88] : memref<40x128xi32, #tpu.memory_space<vmem>> -> memref<1x128xi32, #tpu.memory_space<vmem>>
      %dma_start3A_90 = tpu.memref_squeeze %dma_start3A_89 : memref<1x128xi32, #tpu.memory_space<vmem>> -> memref<128xi32, #tpu.memory_space<vmem>>
      %dma_start3A_91 = arith.constant 0 : i32
      %dma_start3A_92 = arith.constant 0 : i32
      %dma_start3A_93 = tpu.memref_slice %arg2[%dma_start3A_91, %dma_start3A_92] : memref<10000x16xf32, #tpu.memory_space<hbm>> -> memref<10000x16xf32, #tpu.memory_space<hbm>>
      tpu.enqueue_indirect_dma source(%dma_start3A_93 : memref<10000x16xf32, #tpu.memory_space<hbm>>) target(%arg16 : memref<128x16xf32, #tpu.memory_space<vmem>>) offsets(%dma_start3A_90 : memref<128xi32, #tpu.memory_space<vmem>>) semaphore(%arg25 : memref<!tpu.dma_semaphore, #tpu.memory_space<semaphore_mem>>)
      %dma_start3A_94 = arith.constant 6 : i32
      %dma_start3A_95 = arith.constant 0 : i32
      %dma_start3A_96 = tpu.memref_slice %arg9[%dma_start3A_94, %dma_start3A_95] : memref<40x128xi32, #tpu.memory_space<vmem>> -> memref<1x128xi32, #tpu.memory_space<vmem>>
      %dma_start3A_97 = tpu.memref_squeeze %dma_start3A_96 : memref<1x128xi32, #tpu.memory_space<vmem>> -> memref<128xi32, #tpu.memory_space<vmem>>
      %dma_start3A_98 = arith.constant 0 : i32
      %dma_start3A_99 = arith.constant 0 : i32
      %dma_start3A_100 = tpu.memref_slice %arg2[%dma_start3A_98, %dma_start3A_99] : memref<10000x16xf32, #tpu.memory_space<hbm>> -> memref<10000x16xf32, #tpu.memory_space<hbm>>
      tpu.enqueue_indirect_dma source(%dma_start3A_100 : memref<10000x16xf32, #tpu.memory_space<hbm>>) target(%arg17 : memref<128x16xf32, #tpu.memory_space<vmem>>) offsets(%dma_start3A_97 : memref<128xi32, #tpu.memory_space<vmem>>) semaphore(%arg26 : memref<!tpu.dma_semaphore, #tpu.memory_space<semaphore_mem>>)
      %dma_start3A_101 = arith.constant 7 : i32
      %dma_start3A_102 = arith.constant 0 : i32
      %dma_start3A_103 = tpu.memref_slice %arg9[%dma_start3A_101, %dma_start3A_102] : memref<40x128xi32, #tpu.memory_space<vmem>> -> memref<1x128xi32, #tpu.memory_space<vmem>>
      %dma_start3A_104 = tpu.memref_squeeze %dma_start3A_103 : memref<1x128xi32, #tpu.memory_space<vmem>> -> memref<128xi32, #tpu.memory_space<vmem>>
      %dma_start3A_105 = arith.constant 0 : i32
      %dma_start3A_106 = arith.constant 0 : i32
      %dma_start3A_107 = tpu.memref_slice %arg2[%dma_start3A_105, %dma_start3A_106] : memref<10000x16xf32, #tpu.memory_space<hbm>> -> memref<10000x16xf32, #tpu.memory_space<hbm>>
      tpu.enqueue_indirect_dma source(%dma_start3A_107 : memref<10000x16xf32, #tpu.memory_space<hbm>>) target(%arg18 : memref<128x16xf32, #tpu.memory_space<vmem>>) offsets(%dma_start3A_104 : memref<128xi32, #tpu.memory_space<vmem>>) semaphore(%arg27 : memref<!tpu.dma_semaphore, #tpu.memory_space<semaphore_mem>>)
      %scan3A = arith.constant 0 : i32
      %scan3A_108 = arith.constant 5 : i32
      %scan3A_109 = arith.addi %scan3A, %scan3A_108 : i32
      %scan3A_110 = arith.constant 1 : i32
      scf.for %scan3A_112 = %scan3A to %scan3A_109 step %scan3A_110  : i32 {
        %mul3A_113 = arith.constant 8 : i32
        %mul3A_114 = arith.muli %scan3A_112, %mul3A_113 : i32
        %add3A = arith.constant 0 : i32
        %add3A_115 = arith.addi %add3A, %mul3A_114 : i32
        %add3A_116 = arith.constant 0 : i32
        %add3A_117 = arith.addi %add3A_115, %add3A_116 : i32
        %dma_wait3A = arith.constant 0 : i32
        %dma_wait3A_118 = tpu.memref_slice %arg9[%add3A_117, %dma_wait3A] : memref<40x128xi32, #tpu.memory_space<vmem>> -> memref<1x128xi32, #tpu.memory_space<vmem>>
        %dma_wait3A_119 = tpu.memref_squeeze %dma_wait3A_118 : memref<1x128xi32, #tpu.memory_space<vmem>> -> memref<128xi32, #tpu.memory_space<vmem>>
        %dma_wait3A_120 = arith.constant 0 : i32
        %dma_wait3A_121 = arith.constant 0 : i32
        %dma_wait3A_122 = tpu.memref_slice %arg2[%dma_wait3A_120, %dma_wait3A_121] : memref<10000x16xf32, #tpu.memory_space<hbm>> -> memref<10000x16xf32, #tpu.memory_space<hbm>>
        tpu.wait_indirect_dma semaphore(%arg20 : memref<!tpu.dma_semaphore, #tpu.memory_space<semaphore_mem>>) src(%dma_wait3A_122 : memref<10000x16xf32, #tpu.memory_space<hbm>>) dst(%arg11 : memref<128x16xf32, #tpu.memory_space<vmem>>)
        %add3A_123 = arith.constant 0 : i32
        %add3A_124 = arith.addi %add3A_115, %add3A_123 : i32
        %dma_start3A_125 = arith.constant 0 : i32
        %dma_start3A_126 = tpu.memref_slice %arg10[%add3A_124, %dma_start3A_125] : memref<40x128xi32, #tpu.memory_space<vmem>> -> memref<1x128xi32, #tpu.memory_space<vmem>>
        %dma_start3A_127 = tpu.memref_squeeze %dma_start3A_126 : memref<1x128xi32, #tpu.memory_space<vmem>> -> memref<128xi32, #tpu.memory_space<vmem>>
        %dma_start3A_128 = arith.constant 0 : i32
        %dma_start3A_129 = arith.constant 0 : i32
        %dma_start3A_130 = tpu.memref_slice %arg19[%dma_start3A_128, %dma_start3A_129] : memref<10240x16xf32, #tpu.memory_space<vmem_shared>> -> memref<10240x16xf32, #tpu.memory_space<vmem_shared>>
        tpu.enqueue_indirect_dma source(%arg11 : memref<128x16xf32, #tpu.memory_space<vmem>>) target(%dma_start3A_130 : memref<10240x16xf32, #tpu.memory_space<vmem_shared>>) offsets(%dma_start3A_127 : memref<128xi32, #tpu.memory_space<vmem>>) semaphore(%arg28 : memref<!tpu.dma_semaphore, #tpu.memory_space<semaphore_mem>>) {add = true}
        %add3A_131 = arith.constant 1 : i32
        %add3A_132 = arith.addi %add3A_115, %add3A_131 : i32
        %dma_wait3A_133 = arith.constant 0 : i32
        %dma_wait3A_134 = tpu.memref_slice %arg9[%add3A_132, %dma_wait3A_133] : memref<40x128xi32, #tpu.memory_space<vmem>> -> memref<1x128xi32, #tpu.memory_space<vmem>>
        %dma_wait3A_135 = tpu.memref_squeeze %dma_wait3A_134 : memref<1x128xi32, #tpu.memory_space<vmem>> -> memref<128xi32, #tpu.memory_space<vmem>>
        %dma_wait3A_136 = arith.constant 0 : i32
        %dma_wait3A_137 = arith.constant 0 : i32
        %dma_wait3A_138 = tpu.memref_slice %arg2[%dma_wait3A_136, %dma_wait3A_137] : memref<10000x16xf32, #tpu.memory_space<hbm>> -> memref<10000x16xf32, #tpu.memory_space<hbm>>
        tpu.wait_indirect_dma semaphore(%arg21 : memref<!tpu.dma_semaphore, #tpu.memory_space<semaphore_mem>>) src(%dma_wait3A_138 : memref<10000x16xf32, #tpu.memory_space<hbm>>) dst(%arg12 : memref<128x16xf32, #tpu.memory_space<vmem>>)
        %add3A_139 = arith.constant 1 : i32
        %add3A_140 = arith.addi %add3A_115, %add3A_139 : i32
        %dma_start3A_141 = arith.constant 0 : i32
        %dma_start3A_142 = tpu.memref_slice %arg10[%add3A_140, %dma_start3A_141] : memref<40x128xi32, #tpu.memory_space<vmem>> -> memref<1x128xi32, #tpu.memory_space<vmem>>
        %dma_start3A_143 = tpu.memref_squeeze %dma_start3A_142 : memref<1x128xi32, #tpu.memory_space<vmem>> -> memref<128xi32, #tpu.memory_space<vmem>>
        %dma_start3A_144 = arith.constant 0 : i32
        %dma_start3A_145 = arith.constant 0 : i32
        %dma_start3A_146 = tpu.memref_slice %arg19[%dma_start3A_144, %dma_start3A_145] : memref<10240x16xf32, #tpu.memory_space<vmem_shared>> -> memref<10240x16xf32, #tpu.memory_space<vmem_shared>>
        tpu.enqueue_indirect_dma source(%arg12 : memref<128x16xf32, #tpu.memory_space<vmem>>) target(%dma_start3A_146 : memref<10240x16xf32, #tpu.memory_space<vmem_shared>>) offsets(%dma_start3A_143 : memref<128xi32, #tpu.memory_space<vmem>>) semaphore(%arg29 : memref<!tpu.dma_semaphore, #tpu.memory_space<semaphore_mem>>) {add = true}
        %add3A_147 = arith.constant 2 : i32
        %add3A_148 = arith.addi %add3A_115, %add3A_147 : i32
        %dma_wait3A_149 = arith.constant 0 : i32
        %dma_wait3A_150 = tpu.memref_slice %arg9[%add3A_148, %dma_wait3A_149] : memref<40x128xi32, #tpu.memory_space<vmem>> -> memref<1x128xi32, #tpu.memory_space<vmem>>
        %dma_wait3A_151 = tpu.memref_squeeze %dma_wait3A_150 : memref<1x128xi32, #tpu.memory_space<vmem>> -> memref<128xi32, #tpu.memory_space<vmem>>
        %dma_wait3A_152 = arith.constant 0 : i32
        %dma_wait3A_153 = arith.constant 0 : i32
        %dma_wait3A_154 = tpu.memref_slice %arg2[%dma_wait3A_152, %dma_wait3A_153] : memref<10000x16xf32, #tpu.memory_space<hbm>> -> memref<10000x16xf32, #tpu.memory_space<hbm>>
        tpu.wait_indirect_dma semaphore(%arg22 : memref<!tpu.dma_semaphore, #tpu.memory_space<semaphore_mem>>) src(%dma_wait3A_154 : memref<10000x16xf32, #tpu.memory_space<hbm>>) dst(%arg13 : memref<128x16xf32, #tpu.memory_space<vmem>>)
        %add3A_155 = arith.constant 2 : i32
        %add3A_156 = arith.addi %add3A_115, %add3A_155 : i32
        %dma_start3A_157 = arith.constant 0 : i32
        %dma_start3A_158 = tpu.memref_slice %arg10[%add3A_156, %dma_start3A_157] : memref<40x128xi32, #tpu.memory_space<vmem>> -> memref<1x128xi32, #tpu.memory_space<vmem>>
        %dma_start3A_159 = tpu.memref_squeeze %dma_start3A_158 : memref<1x128xi32, #tpu.memory_space<vmem>> -> memref<128xi32, #tpu.memory_space<vmem>>
        %dma_start3A_160 = arith.constant 0 : i32
        %dma_start3A_161 = arith.constant 0 : i32
        %dma_start3A_162 = tpu.memref_slice %arg19[%dma_start3A_160, %dma_start3A_161] : memref<10240x16xf32, #tpu.memory_space<vmem_shared>> -> memref<10240x16xf32, #tpu.memory_space<vmem_shared>>
        tpu.enqueue_indirect_dma source(%arg13 : memref<128x16xf32, #tpu.memory_space<vmem>>) target(%dma_start3A_162 : memref<10240x16xf32, #tpu.memory_space<vmem_shared>>) offsets(%dma_start3A_159 : memref<128xi32, #tpu.memory_space<vmem>>) semaphore(%arg30 : memref<!tpu.dma_semaphore, #tpu.memory_space<semaphore_mem>>) {add = true}
        %add3A_163 = arith.constant 3 : i32
        %add3A_164 = arith.addi %add3A_115, %add3A_163 : i32
        %dma_wait3A_165 = arith.constant 0 : i32
        %dma_wait3A_166 = tpu.memref_slice %arg9[%add3A_164, %dma_wait3A_165] : memref<40x128xi32, #tpu.memory_space<vmem>> -> memref<1x128xi32, #tpu.memory_space<vmem>>
        %dma_wait3A_167 = tpu.memref_squeeze %dma_wait3A_166 : memref<1x128xi32, #tpu.memory_space<vmem>> -> memref<128xi32, #tpu.memory_space<vmem>>
        %dma_wait3A_168 = arith.constant 0 : i32
        %dma_wait3A_169 = arith.constant 0 : i32
        %dma_wait3A_170 = tpu.memref_slice %arg2[%dma_wait3A_168, %dma_wait3A_169] : memref<10000x16xf32, #tpu.memory_space<hbm>> -> memref<10000x16xf32, #tpu.memory_space<hbm>>
        tpu.wait_indirect_dma semaphore(%arg23 : memref<!tpu.dma_semaphore, #tpu.memory_space<semaphore_mem>>) src(%dma_wait3A_170 : memref<10000x16xf32, #tpu.memory_space<hbm>>) dst(%arg14 : memref<128x16xf32, #tpu.memory_space<vmem>>)
        %add3A_171 = arith.constant 3 : i32
        %add3A_172 = arith.addi %add3A_115, %add3A_171 : i32
        %dma_start3A_173 = arith.constant 0 : i32
        %dma_start3A_174 = tpu.memref_slice %arg10[%add3A_172, %dma_start3A_173] : memref<40x128xi32, #tpu.memory_space<vmem>> -> memref<1x128xi32, #tpu.memory_space<vmem>>
        %dma_start3A_175 = tpu.memref_squeeze %dma_start3A_174 : memref<1x128xi32, #tpu.memory_space<vmem>> -> memref<128xi32, #tpu.memory_space<vmem>>
        %dma_start3A_176 = arith.constant 0 : i32
        %dma_start3A_177 = arith.constant 0 : i32
        %dma_start3A_178 = tpu.memref_slice %arg19[%dma_start3A_176, %dma_start3A_177] : memref<10240x16xf32, #tpu.memory_space<vmem_shared>> -> memref<10240x16xf32, #tpu.memory_space<vmem_shared>>
        tpu.enqueue_indirect_dma source(%arg14 : memref<128x16xf32, #tpu.memory_space<vmem>>) target(%dma_start3A_178 : memref<10240x16xf32, #tpu.memory_space<vmem_shared>>) offsets(%dma_start3A_175 : memref<128xi32, #tpu.memory_space<vmem>>) semaphore(%arg31 : memref<!tpu.dma_semaphore, #tpu.memory_space<semaphore_mem>>) {add = true}
        %add3A_179 = arith.constant 4 : i32
        %add3A_180 = arith.addi %add3A_115, %add3A_179 : i32
        %dma_wait3A_181 = arith.constant 0 : i32
        %dma_wait3A_182 = tpu.memref_slice %arg9[%add3A_180, %dma_wait3A_181] : memref<40x128xi32, #tpu.memory_space<vmem>> -> memref<1x128xi32, #tpu.memory_space<vmem>>
        %dma_wait3A_183 = tpu.memref_squeeze %dma_wait3A_182 : memref<1x128xi32, #tpu.memory_space<vmem>> -> memref<128xi32, #tpu.memory_space<vmem>>
        %dma_wait3A_184 = arith.constant 0 : i32
        %dma_wait3A_185 = arith.constant 0 : i32
        %dma_wait3A_186 = tpu.memref_slice %arg2[%dma_wait3A_184, %dma_wait3A_185] : memref<10000x16xf32, #tpu.memory_space<hbm>> -> memref<10000x16xf32, #tpu.memory_space<hbm>>
        tpu.wait_indirect_dma semaphore(%arg24 : memref<!tpu.dma_semaphore, #tpu.memory_space<semaphore_mem>>) src(%dma_wait3A_186 : memref<10000x16xf32, #tpu.memory_space<hbm>>) dst(%arg15 : memref<128x16xf32, #tpu.memory_space<vmem>>)
        %add3A_187 = arith.constant 4 : i32
        %add3A_188 = arith.addi %add3A_115, %add3A_187 : i32
        %dma_start3A_189 = arith.constant 0 : i32
        %dma_start3A_190 = tpu.memref_slice %arg10[%add3A_188, %dma_start3A_189] : memref<40x128xi32, #tpu.memory_space<vmem>> -> memref<1x128xi32, #tpu.memory_space<vmem>>
        %dma_start3A_191 = tpu.memref_squeeze %dma_start3A_190 : memref<1x128xi32, #tpu.memory_space<vmem>> -> memref<128xi32, #tpu.memory_space<vmem>>
        %dma_start3A_192 = arith.constant 0 : i32
        %dma_start3A_193 = arith.constant 0 : i32
        %dma_start3A_194 = tpu.memref_slice %arg19[%dma_start3A_192, %dma_start3A_193] : memref<10240x16xf32, #tpu.memory_space<vmem_shared>> -> memref<10240x16xf32, #tpu.memory_space<vmem_shared>>
        tpu.enqueue_indirect_dma source(%arg15 : memref<128x16xf32, #tpu.memory_space<vmem>>) target(%dma_start3A_194 : memref<10240x16xf32, #tpu.memory_space<vmem_shared>>) offsets(%dma_start3A_191 : memref<128xi32, #tpu.memory_space<vmem>>) semaphore(%arg32 : memref<!tpu.dma_semaphore, #tpu.memory_space<semaphore_mem>>) {add = true}
        %add3A_195 = arith.constant 5 : i32
        %add3A_196 = arith.addi %add3A_115, %add3A_195 : i32
        %dma_wait3A_197 = arith.constant 0 : i32
        %dma_wait3A_198 = tpu.memref_slice %arg9[%add3A_196, %dma_wait3A_197] : memref<40x128xi32, #tpu.memory_space<vmem>> -> memref<1x128xi32, #tpu.memory_space<vmem>>
        %dma_wait3A_199 = tpu.memref_squeeze %dma_wait3A_198 : memref<1x128xi32, #tpu.memory_space<vmem>> -> memref<128xi32, #tpu.memory_space<vmem>>
        %dma_wait3A_200 = arith.constant 0 : i32
        %dma_wait3A_201 = arith.constant 0 : i32
        %dma_wait3A_202 = tpu.memref_slice %arg2[%dma_wait3A_200, %dma_wait3A_201] : memref<10000x16xf32, #tpu.memory_space<hbm>> -> memref<10000x16xf32, #tpu.memory_space<hbm>>
        tpu.wait_indirect_dma semaphore(%arg25 : memref<!tpu.dma_semaphore, #tpu.memory_space<semaphore_mem>>) src(%dma_wait3A_202 : memref<10000x16xf32, #tpu.memory_space<hbm>>) dst(%arg16 : memref<128x16xf32, #tpu.memory_space<vmem>>)
        %add3A_203 = arith.constant 5 : i32
        %add3A_204 = arith.addi %add3A_115, %add3A_203 : i32
        %dma_start3A_205 = arith.constant 0 : i32
        %dma_start3A_206 = tpu.memref_slice %arg10[%add3A_204, %dma_start3A_205] : memref<40x128xi32, #tpu.memory_space<vmem>> -> memref<1x128xi32, #tpu.memory_space<vmem>>
        %dma_start3A_207 = tpu.memref_squeeze %dma_start3A_206 : memref<1x128xi32, #tpu.memory_space<vmem>> -> memref<128xi32, #tpu.memory_space<vmem>>
        %dma_start3A_208 = arith.constant 0 : i32
        %dma_start3A_209 = arith.constant 0 : i32
        %dma_start3A_210 = tpu.memref_slice %arg19[%dma_start3A_208, %dma_start3A_209] : memref<10240x16xf32, #tpu.memory_space<vmem_shared>> -> memref<10240x16xf32, #tpu.memory_space<vmem_shared>>
        tpu.enqueue_indirect_dma source(%arg16 : memref<128x16xf32, #tpu.memory_space<vmem>>) target(%dma_start3A_210 : memref<10240x16xf32, #tpu.memory_space<vmem_shared>>) offsets(%dma_start3A_207 : memref<128xi32, #tpu.memory_space<vmem>>) semaphore(%arg33 : memref<!tpu.dma_semaphore, #tpu.memory_space<semaphore_mem>>) {add = true}
        %add3A_211 = arith.constant 6 : i32
        %add3A_212 = arith.addi %add3A_115, %add3A_211 : i32
        %dma_wait3A_213 = arith.constant 0 : i32
        %dma_wait3A_214 = tpu.memref_slice %arg9[%add3A_212, %dma_wait3A_213] : memref<40x128xi32, #tpu.memory_space<vmem>> -> memref<1x128xi32, #tpu.memory_space<vmem>>
        %dma_wait3A_215 = tpu.memref_squeeze %dma_wait3A_214 : memref<1x128xi32, #tpu.memory_space<vmem>> -> memref<128xi32, #tpu.memory_space<vmem>>
        %dma_wait3A_216 = arith.constant 0 : i32
        %dma_wait3A_217 = arith.constant 0 : i32
        %dma_wait3A_218 = tpu.memref_slice %arg2[%dma_wait3A_216, %dma_wait3A_217] : memref<10000x16xf32, #tpu.memory_space<hbm>> -> memref<10000x16xf32, #tpu.memory_space<hbm>>
        tpu.wait_indirect_dma semaphore(%arg26 : memref<!tpu.dma_semaphore, #tpu.memory_space<semaphore_mem>>) src(%dma_wait3A_218 : memref<10000x16xf32, #tpu.memory_space<hbm>>) dst(%arg17 : memref<128x16xf32, #tpu.memory_space<vmem>>)
        %add3A_219 = arith.constant 6 : i32
        %add3A_220 = arith.addi %add3A_115, %add3A_219 : i32
        %dma_start3A_221 = arith.constant 0 : i32
        %dma_start3A_222 = tpu.memref_slice %arg10[%add3A_220, %dma_start3A_221] : memref<40x128xi32, #tpu.memory_space<vmem>> -> memref<1x128xi32, #tpu.memory_space<vmem>>
        %dma_start3A_223 = tpu.memref_squeeze %dma_start3A_222 : memref<1x128xi32, #tpu.memory_space<vmem>> -> memref<128xi32, #tpu.memory_space<vmem>>
        %dma_start3A_224 = arith.constant 0 : i32
        %dma_start3A_225 = arith.constant 0 : i32
        %dma_start3A_226 = tpu.memref_slice %arg19[%dma_start3A_224, %dma_start3A_225] : memref<10240x16xf32, #tpu.memory_space<vmem_shared>> -> memref<10240x16xf32, #tpu.memory_space<vmem_shared>>
        tpu.enqueue_indirect_dma source(%arg17 : memref<128x16xf32, #tpu.memory_space<vmem>>) target(%dma_start3A_226 : memref<10240x16xf32, #tpu.memory_space<vmem_shared>>) offsets(%dma_start3A_223 : memref<128xi32, #tpu.memory_space<vmem>>) semaphore(%arg34 : memref<!tpu.dma_semaphore, #tpu.memory_space<semaphore_mem>>) {add = true}
        %add3A_227 = arith.constant 7 : i32
        %add3A_228 = arith.addi %add3A_115, %add3A_227 : i32
        %dma_wait3A_229 = arith.constant 0 : i32
        %dma_wait3A_230 = tpu.memref_slice %arg9[%add3A_228, %dma_wait3A_229] : memref<40x128xi32, #tpu.memory_space<vmem>> -> memref<1x128xi32, #tpu.memory_space<vmem>>
        %dma_wait3A_231 = tpu.memref_squeeze %dma_wait3A_230 : memref<1x128xi32, #tpu.memory_space<vmem>> -> memref<128xi32, #tpu.memory_space<vmem>>
        %dma_wait3A_232 = arith.constant 0 : i32
        %dma_wait3A_233 = arith.constant 0 : i32
        %dma_wait3A_234 = tpu.memref_slice %arg2[%dma_wait3A_232, %dma_wait3A_233] : memref<10000x16xf32, #tpu.memory_space<hbm>> -> memref<10000x16xf32, #tpu.memory_space<hbm>>
        tpu.wait_indirect_dma semaphore(%arg27 : memref<!tpu.dma_semaphore, #tpu.memory_space<semaphore_mem>>) src(%dma_wait3A_234 : memref<10000x16xf32, #tpu.memory_space<hbm>>) dst(%arg18 : memref<128x16xf32, #tpu.memory_space<vmem>>)
        %add3A_235 = arith.constant 7 : i32
        %add3A_236 = arith.addi %add3A_115, %add3A_235 : i32
        %dma_start3A_237 = arith.constant 0 : i32
        %dma_start3A_238 = tpu.memref_slice %arg10[%add3A_236, %dma_start3A_237] : memref<40x128xi32, #tpu.memory_space<vmem>> -> memref<1x128xi32, #tpu.memory_space<vmem>>
        %dma_start3A_239 = tpu.memref_squeeze %dma_start3A_238 : memref<1x128xi32, #tpu.memory_space<vmem>> -> memref<128xi32, #tpu.memory_space<vmem>>
        %dma_start3A_240 = arith.constant 0 : i32
        %dma_start3A_241 = arith.constant 0 : i32
        %dma_start3A_242 = tpu.memref_slice %arg19[%dma_start3A_240, %dma_start3A_241] : memref<10240x16xf32, #tpu.memory_space<vmem_shared>> -> memref<10240x16xf32, #tpu.memory_space<vmem_shared>>
        tpu.enqueue_indirect_dma source(%arg18 : memref<128x16xf32, #tpu.memory_space<vmem>>) target(%dma_start3A_242 : memref<10240x16xf32, #tpu.memory_space<vmem_shared>>) offsets(%dma_start3A_239 : memref<128xi32, #tpu.memory_space<vmem>>) semaphore(%arg35 : memref<!tpu.dma_semaphore, #tpu.memory_space<semaphore_mem>>) {add = true}
        %add3A_243 = arith.constant 0 : i32
        %add3A_244 = arith.addi %add3A_115, %add3A_243 : i32
        %dma_wait3A_245 = arith.constant 0 : i32
        %dma_wait3A_246 = tpu.memref_slice %arg10[%add3A_244, %dma_wait3A_245] : memref<40x128xi32, #tpu.memory_space<vmem>> -> memref<1x128xi32, #tpu.memory_space<vmem>>
        %dma_wait3A_247 = tpu.memref_squeeze %dma_wait3A_246 : memref<1x128xi32, #tpu.memory_space<vmem>> -> memref<128xi32, #tpu.memory_space<vmem>>
        %dma_wait3A_248 = arith.constant 0 : i32
        %dma_wait3A_249 = arith.constant 0 : i32
        %dma_wait3A_250 = tpu.memref_slice %arg19[%dma_wait3A_248, %dma_wait3A_249] : memref<10240x16xf32, #tpu.memory_space<vmem_shared>> -> memref<10240x16xf32, #tpu.memory_space<vmem_shared>>
        tpu.wait_indirect_dma semaphore(%arg28 : memref<!tpu.dma_semaphore, #tpu.memory_space<semaphore_mem>>) src(%arg11 : memref<128x16xf32, #tpu.memory_space<vmem>>) dst(%dma_wait3A_250 : memref<10240x16xf32, #tpu.memory_space<vmem_shared>>)
        %add3A_251 = arith.constant 0 : i32
        %add3A_252 = arith.addi %add3A_115, %add3A_251 : i32
        %add3A_253 = arith.constant 8 : i32
        %add3A_254 = arith.addi %add3A_252, %add3A_253 : i32
        %lt3A_255 = arith.constant 40 : i32
        %lt3A_256 = arith.cmpi slt, %add3A_254, %lt3A_255 : i32
        %convert_element_type3A_257 = arith.extui %lt3A_256 : i1 to i32
        %cond3A_258 = arith.constant 0 : i32
        %cond3A_259 = arith.cmpi ne, %convert_element_type3A_257, %cond3A_258 : i32
        scf.if %cond3A_259 {
          %add3A_379 = arith.constant 0 : i32
          %add3A_380 = arith.addi %add3A_115, %add3A_379 : i32
          %add3A_381 = arith.constant 8 : i32
          %add3A_382 = arith.addi %add3A_380, %add3A_381 : i32
          %dma_start3A_383 = arith.constant 0 : i32
          %dma_start3A_384 = tpu.memref_slice %arg9[%add3A_382, %dma_start3A_383] : memref<40x128xi32, #tpu.memory_space<vmem>> -> memref<1x128xi32, #tpu.memory_space<vmem>>
          %dma_start3A_385 = tpu.memref_squeeze %dma_start3A_384 : memref<1x128xi32, #tpu.memory_space<vmem>> -> memref<128xi32, #tpu.memory_space<vmem>>
          %dma_start3A_386 = arith.constant 0 : i32
          %dma_start3A_387 = arith.constant 0 : i32
          %dma_start3A_388 = tpu.memref_slice %arg2[%dma_start3A_386, %dma_start3A_387] : memref<10000x16xf32, #tpu.memory_space<hbm>> -> memref<10000x16xf32, #tpu.memory_space<hbm>>
          tpu.enqueue_indirect_dma source(%dma_start3A_388 : memref<10000x16xf32, #tpu.memory_space<hbm>>) target(%arg11 : memref<128x16xf32, #tpu.memory_space<vmem>>) offsets(%dma_start3A_385 : memref<128xi32, #tpu.memory_space<vmem>>) semaphore(%arg20 : memref<!tpu.dma_semaphore, #tpu.memory_space<semaphore_mem>>)
        } else {
        }
        %add3A_260 = arith.constant 1 : i32
        %add3A_261 = arith.addi %add3A_115, %add3A_260 : i32
        %dma_wait3A_262 = arith.constant 0 : i32
        %dma_wait3A_263 = tpu.memref_slice %arg10[%add3A_261, %dma_wait3A_262] : memref<40x128xi32, #tpu.memory_space<vmem>> -> memref<1x128xi32, #tpu.memory_space<vmem>>
        %dma_wait3A_264 = tpu.memref_squeeze %dma_wait3A_263 : memref<1x128xi32, #tpu.memory_space<vmem>> -> memref<128xi32, #tpu.memory_space<vmem>>
        %dma_wait3A_265 = arith.constant 0 : i32
        %dma_wait3A_266 = arith.constant 0 : i32
        %dma_wait3A_267 = tpu.memref_slice %arg19[%dma_wait3A_265, %dma_wait3A_266] : memref<10240x16xf32, #tpu.memory_space<vmem_shared>> -> memref<10240x16xf32, #tpu.memory_space<vmem_shared>>
        tpu.wait_indirect_dma semaphore(%arg29 : memref<!tpu.dma_semaphore, #tpu.memory_space<semaphore_mem>>) src(%arg12 : memref<128x16xf32, #tpu.memory_space<vmem>>) dst(%dma_wait3A_267 : memref<10240x16xf32, #tpu.memory_space<vmem_shared>>)
        %add3A_268 = arith.constant 1 : i32
        %add3A_269 = arith.addi %add3A_115, %add3A_268 : i32
        %add3A_270 = arith.constant 8 : i32
        %add3A_271 = arith.addi %add3A_269, %add3A_270 : i32
        %lt3A_272 = arith.constant 40 : i32
        %lt3A_273 = arith.cmpi slt, %add3A_271, %lt3A_272 : i32
        %convert_element_type3A_274 = arith.extui %lt3A_273 : i1 to i32
        %cond3A_275 = arith.constant 0 : i32
        %cond3A_276 = arith.cmpi ne, %convert_element_type3A_274, %cond3A_275 : i32
        scf.if %cond3A_276 {
          %add3A_379 = arith.constant 1 : i32
          %add3A_380 = arith.addi %add3A_115, %add3A_379 : i32
          %add3A_381 = arith.constant 8 : i32
          %add3A_382 = arith.addi %add3A_380, %add3A_381 : i32
          %dma_start3A_383 = arith.constant 0 : i32
          %dma_start3A_384 = tpu.memref_slice %arg9[%add3A_382, %dma_start3A_383] : memref<40x128xi32, #tpu.memory_space<vmem>> -> memref<1x128xi32, #tpu.memory_space<vmem>>
          %dma_start3A_385 = tpu.memref_squeeze %dma_start3A_384 : memref<1x128xi32, #tpu.memory_space<vmem>> -> memref<128xi32, #tpu.memory_space<vmem>>
          %dma_start3A_386 = arith.constant 0 : i32
          %dma_start3A_387 = arith.constant 0 : i32
          %dma_start3A_388 = tpu.memref_slice %arg2[%dma_start3A_386, %dma_start3A_387] : memref<10000x16xf32, #tpu.memory_space<hbm>> -> memref<10000x16xf32, #tpu.memory_space<hbm>>
          tpu.enqueue_indirect_dma source(%dma_start3A_388 : memref<10000x16xf32, #tpu.memory_space<hbm>>) target(%arg12 : memref<128x16xf32, #tpu.memory_space<vmem>>) offsets(%dma_start3A_385 : memref<128xi32, #tpu.memory_space<vmem>>) semaphore(%arg21 : memref<!tpu.dma_semaphore, #tpu.memory_space<semaphore_mem>>)
        } else {
        }
        %add3A_277 = arith.constant 2 : i32
        %add3A_278 = arith.addi %add3A_115, %add3A_277 : i32
        %dma_wait3A_279 = arith.constant 0 : i32
        %dma_wait3A_280 = tpu.memref_slice %arg10[%add3A_278, %dma_wait3A_279] : memref<40x128xi32, #tpu.memory_space<vmem>> -> memref<1x128xi32, #tpu.memory_space<vmem>>
        %dma_wait3A_281 = tpu.memref_squeeze %dma_wait3A_280 : memref<1x128xi32, #tpu.memory_space<vmem>> -> memref<128xi32, #tpu.memory_space<vmem>>
        %dma_wait3A_282 = arith.constant 0 : i32
        %dma_wait3A_283 = arith.constant 0 : i32
        %dma_wait3A_284 = tpu.memref_slice %arg19[%dma_wait3A_282, %dma_wait3A_283] : memref<10240x16xf32, #tpu.memory_space<vmem_shared>> -> memref<10240x16xf32, #tpu.memory_space<vmem_shared>>
        tpu.wait_indirect_dma semaphore(%arg30 : memref<!tpu.dma_semaphore, #tpu.memory_space<semaphore_mem>>) src(%arg13 : memref<128x16xf32, #tpu.memory_space<vmem>>) dst(%dma_wait3A_284 : memref<10240x16xf32, #tpu.memory_space<vmem_shared>>)
        %add3A_285 = arith.constant 2 : i32
        %add3A_286 = arith.addi %add3A_115, %add3A_285 : i32
        %add3A_287 = arith.constant 8 : i32
        %add3A_288 = arith.addi %add3A_286, %add3A_287 : i32
        %lt3A_289 = arith.constant 40 : i32
        %lt3A_290 = arith.cmpi slt, %add3A_288, %lt3A_289 : i32
        %convert_element_type3A_291 = arith.extui %lt3A_290 : i1 to i32
        %cond3A_292 = arith.constant 0 : i32
        %cond3A_293 = arith.cmpi ne, %convert_element_type3A_291, %cond3A_292 : i32
        scf.if %cond3A_293 {
          %add3A_379 = arith.constant 2 : i32
          %add3A_380 = arith.addi %add3A_115, %add3A_379 : i32
          %add3A_381 = arith.constant 8 : i32
          %add3A_382 = arith.addi %add3A_380, %add3A_381 : i32
          %dma_start3A_383 = arith.constant 0 : i32
          %dma_start3A_384 = tpu.memref_slice %arg9[%add3A_382, %dma_start3A_383] : memref<40x128xi32, #tpu.memory_space<vmem>> -> memref<1x128xi32, #tpu.memory_space<vmem>>
          %dma_start3A_385 = tpu.memref_squeeze %dma_start3A_384 : memref<1x128xi32, #tpu.memory_space<vmem>> -> memref<128xi32, #tpu.memory_space<vmem>>
          %dma_start3A_386 = arith.constant 0 : i32
          %dma_start3A_387 = arith.constant 0 : i32
          %dma_start3A_388 = tpu.memref_slice %arg2[%dma_start3A_386, %dma_start3A_387] : memref<10000x16xf32, #tpu.memory_space<hbm>> -> memref<10000x16xf32, #tpu.memory_space<hbm>>
          tpu.enqueue_indirect_dma source(%dma_start3A_388 : memref<10000x16xf32, #tpu.memory_space<hbm>>) target(%arg13 : memref<128x16xf32, #tpu.memory_space<vmem>>) offsets(%dma_start3A_385 : memref<128xi32, #tpu.memory_space<vmem>>) semaphore(%arg22 : memref<!tpu.dma_semaphore, #tpu.memory_space<semaphore_mem>>)
        } else {
        }
        %add3A_294 = arith.constant 3 : i32
        %add3A_295 = arith.addi %add3A_115, %add3A_294 : i32
        %dma_wait3A_296 = arith.constant 0 : i32
        %dma_wait3A_297 = tpu.memref_slice %arg10[%add3A_295, %dma_wait3A_296] : memref<40x128xi32, #tpu.memory_space<vmem>> -> memref<1x128xi32, #tpu.memory_space<vmem>>
        %dma_wait3A_298 = tpu.memref_squeeze %dma_wait3A_297 : memref<1x128xi32, #tpu.memory_space<vmem>> -> memref<128xi32, #tpu.memory_space<vmem>>
        %dma_wait3A_299 = arith.constant 0 : i32
        %dma_wait3A_300 = arith.constant 0 : i32
        %dma_wait3A_301 = tpu.memref_slice %arg19[%dma_wait3A_299, %dma_wait3A_300] : memref<10240x16xf32, #tpu.memory_space<vmem_shared>> -> memref<10240x16xf32, #tpu.memory_space<vmem_shared>>
        tpu.wait_indirect_dma semaphore(%arg31 : memref<!tpu.dma_semaphore, #tpu.memory_space<semaphore_mem>>) src(%arg14 : memref<128x16xf32, #tpu.memory_space<vmem>>) dst(%dma_wait3A_301 : memref<10240x16xf32, #tpu.memory_space<vmem_shared>>)
        %add3A_302 = arith.constant 3 : i32
        %add3A_303 = arith.addi %add3A_115, %add3A_302 : i32
        %add3A_304 = arith.constant 8 : i32
        %add3A_305 = arith.addi %add3A_303, %add3A_304 : i32
        %lt3A_306 = arith.constant 40 : i32
        %lt3A_307 = arith.cmpi slt, %add3A_305, %lt3A_306 : i32
        %convert_element_type3A_308 = arith.extui %lt3A_307 : i1 to i32
        %cond3A_309 = arith.constant 0 : i32
        %cond3A_310 = arith.cmpi ne, %convert_element_type3A_308, %cond3A_309 : i32
        scf.if %cond3A_310 {
          %add3A_379 = arith.constant 3 : i32
          %add3A_380 = arith.addi %add3A_115, %add3A_379 : i32
          %add3A_381 = arith.constant 8 : i32
          %add3A_382 = arith.addi %add3A_380, %add3A_381 : i32
          %dma_start3A_383 = arith.constant 0 : i32
          %dma_start3A_384 = tpu.memref_slice %arg9[%add3A_382, %dma_start3A_383] : memref<40x128xi32, #tpu.memory_space<vmem>> -> memref<1x128xi32, #tpu.memory_space<vmem>>
          %dma_start3A_385 = tpu.memref_squeeze %dma_start3A_384 : memref<1x128xi32, #tpu.memory_space<vmem>> -> memref<128xi32, #tpu.memory_space<vmem>>
          %dma_start3A_386 = arith.constant 0 : i32
          %dma_start3A_387 = arith.constant 0 : i32
          %dma_start3A_388 = tpu.memref_slice %arg2[%dma_start3A_386, %dma_start3A_387] : memref<10000x16xf32, #tpu.memory_space<hbm>> -> memref<10000x16xf32, #tpu.memory_space<hbm>>
          tpu.enqueue_indirect_dma source(%dma_start3A_388 : memref<10000x16xf32, #tpu.memory_space<hbm>>) target(%arg14 : memref<128x16xf32, #tpu.memory_space<vmem>>) offsets(%dma_start3A_385 : memref<128xi32, #tpu.memory_space<vmem>>) semaphore(%arg23 : memref<!tpu.dma_semaphore, #tpu.memory_space<semaphore_mem>>)
        } else {
        }
        %add3A_311 = arith.constant 4 : i32
        %add3A_312 = arith.addi %add3A_115, %add3A_311 : i32
        %dma_wait3A_313 = arith.constant 0 : i32
        %dma_wait3A_314 = tpu.memref_slice %arg10[%add3A_312, %dma_wait3A_313] : memref<40x128xi32, #tpu.memory_space<vmem>> -> memref<1x128xi32, #tpu.memory_space<vmem>>
        %dma_wait3A_315 = tpu.memref_squeeze %dma_wait3A_314 : memref<1x128xi32, #tpu.memory_space<vmem>> -> memref<128xi32, #tpu.memory_space<vmem>>
        %dma_wait3A_316 = arith.constant 0 : i32
        %dma_wait3A_317 = arith.constant 0 : i32
        %dma_wait3A_318 = tpu.memref_slice %arg19[%dma_wait3A_316, %dma_wait3A_317] : memref<10240x16xf32, #tpu.memory_space<vmem_shared>> -> memref<10240x16xf32, #tpu.memory_space<vmem_shared>>
        tpu.wait_indirect_dma semaphore(%arg32 : memref<!tpu.dma_semaphore, #tpu.memory_space<semaphore_mem>>) src(%arg15 : memref<128x16xf32, #tpu.memory_space<vmem>>) dst(%dma_wait3A_318 : memref<10240x16xf32, #tpu.memory_space<vmem_shared>>)
        %add3A_319 = arith.constant 4 : i32
        %add3A_320 = arith.addi %add3A_115, %add3A_319 : i32
        %add3A_321 = arith.constant 8 : i32
        %add3A_322 = arith.addi %add3A_320, %add3A_321 : i32
        %lt3A_323 = arith.constant 40 : i32
        %lt3A_324 = arith.cmpi slt, %add3A_322, %lt3A_323 : i32
        %convert_element_type3A_325 = arith.extui %lt3A_324 : i1 to i32
        %cond3A_326 = arith.constant 0 : i32
        %cond3A_327 = arith.cmpi ne, %convert_element_type3A_325, %cond3A_326 : i32
        scf.if %cond3A_327 {
          %add3A_379 = arith.constant 4 : i32
          %add3A_380 = arith.addi %add3A_115, %add3A_379 : i32
          %add3A_381 = arith.constant 8 : i32
          %add3A_382 = arith.addi %add3A_380, %add3A_381 : i32
          %dma_start3A_383 = arith.constant 0 : i32
          %dma_start3A_384 = tpu.memref_slice %arg9[%add3A_382, %dma_start3A_383] : memref<40x128xi32, #tpu.memory_space<vmem>> -> memref<1x128xi32, #tpu.memory_space<vmem>>
          %dma_start3A_385 = tpu.memref_squeeze %dma_start3A_384 : memref<1x128xi32, #tpu.memory_space<vmem>> -> memref<128xi32, #tpu.memory_space<vmem>>
          %dma_start3A_386 = arith.constant 0 : i32
          %dma_start3A_387 = arith.constant 0 : i32
          %dma_start3A_388 = tpu.memref_slice %arg2[%dma_start3A_386, %dma_start3A_387] : memref<10000x16xf32, #tpu.memory_space<hbm>> -> memref<10000x16xf32, #tpu.memory_space<hbm>>
          tpu.enqueue_indirect_dma source(%dma_start3A_388 : memref<10000x16xf32, #tpu.memory_space<hbm>>) target(%arg15 : memref<128x16xf32, #tpu.memory_space<vmem>>) offsets(%dma_start3A_385 : memref<128xi32, #tpu.memory_space<vmem>>) semaphore(%arg24 : memref<!tpu.dma_semaphore, #tpu.memory_space<semaphore_mem>>)
        } else {
        }
        %add3A_328 = arith.constant 5 : i32
        %add3A_329 = arith.addi %add3A_115, %add3A_328 : i32
        %dma_wait3A_330 = arith.constant 0 : i32
        %dma_wait3A_331 = tpu.memref_slice %arg10[%add3A_329, %dma_wait3A_330] : memref<40x128xi32, #tpu.memory_space<vmem>> -> memref<1x128xi32, #tpu.memory_space<vmem>>
        %dma_wait3A_332 = tpu.memref_squeeze %dma_wait3A_331 : memref<1x128xi32, #tpu.memory_space<vmem>> -> memref<128xi32, #tpu.memory_space<vmem>>
        %dma_wait3A_333 = arith.constant 0 : i32
        %dma_wait3A_334 = arith.constant 0 : i32
        %dma_wait3A_335 = tpu.memref_slice %arg19[%dma_wait3A_333, %dma_wait3A_334] : memref<10240x16xf32, #tpu.memory_space<vmem_shared>> -> memref<10240x16xf32, #tpu.memory_space<vmem_shared>>
        tpu.wait_indirect_dma semaphore(%arg33 : memref<!tpu.dma_semaphore, #tpu.memory_space<semaphore_mem>>) src(%arg16 : memref<128x16xf32, #tpu.memory_space<vmem>>) dst(%dma_wait3A_335 : memref<10240x16xf32, #tpu.memory_space<vmem_shared>>)
        %add3A_336 = arith.constant 5 : i32
        %add3A_337 = arith.addi %add3A_115, %add3A_336 : i32
        %add3A_338 = arith.constant 8 : i32
        %add3A_339 = arith.addi %add3A_337, %add3A_338 : i32
        %lt3A_340 = arith.constant 40 : i32
        %lt3A_341 = arith.cmpi slt, %add3A_339, %lt3A_340 : i32
        %convert_element_type3A_342 = arith.extui %lt3A_341 : i1 to i32
        %cond3A_343 = arith.constant 0 : i32
        %cond3A_344 = arith.cmpi ne, %convert_element_type3A_342, %cond3A_343 : i32
        scf.if %cond3A_344 {
          %add3A_379 = arith.constant 5 : i32
          %add3A_380 = arith.addi %add3A_115, %add3A_379 : i32
          %add3A_381 = arith.constant 8 : i32
          %add3A_382 = arith.addi %add3A_380, %add3A_381 : i32
          %dma_start3A_383 = arith.constant 0 : i32
          %dma_start3A_384 = tpu.memref_slice %arg9[%add3A_382, %dma_start3A_383] : memref<40x128xi32, #tpu.memory_space<vmem>> -> memref<1x128xi32, #tpu.memory_space<vmem>>
          %dma_start3A_385 = tpu.memref_squeeze %dma_start3A_384 : memref<1x128xi32, #tpu.memory_space<vmem>> -> memref<128xi32, #tpu.memory_space<vmem>>
          %dma_start3A_386 = arith.constant 0 : i32
          %dma_start3A_387 = arith.constant 0 : i32
          %dma_start3A_388 = tpu.memref_slice %arg2[%dma_start3A_386, %dma_start3A_387] : memref<10000x16xf32, #tpu.memory_space<hbm>> -> memref<10000x16xf32, #tpu.memory_space<hbm>>
          tpu.enqueue_indirect_dma source(%dma_start3A_388 : memref<10000x16xf32, #tpu.memory_space<hbm>>) target(%arg16 : memref<128x16xf32, #tpu.memory_space<vmem>>) offsets(%dma_start3A_385 : memref<128xi32, #tpu.memory_space<vmem>>) semaphore(%arg25 : memref<!tpu.dma_semaphore, #tpu.memory_space<semaphore_mem>>)
        } else {
        }
        %add3A_345 = arith.constant 6 : i32
        %add3A_346 = arith.addi %add3A_115, %add3A_345 : i32
        %dma_wait3A_347 = arith.constant 0 : i32
        %dma_wait3A_348 = tpu.memref_slice %arg10[%add3A_346, %dma_wait3A_347] : memref<40x128xi32, #tpu.memory_space<vmem>> -> memref<1x128xi32, #tpu.memory_space<vmem>>
        %dma_wait3A_349 = tpu.memref_squeeze %dma_wait3A_348 : memref<1x128xi32, #tpu.memory_space<vmem>> -> memref<128xi32, #tpu.memory_space<vmem>>
        %dma_wait3A_350 = arith.constant 0 : i32
        %dma_wait3A_351 = arith.constant 0 : i32
        %dma_wait3A_352 = tpu.memref_slice %arg19[%dma_wait3A_350, %dma_wait3A_351] : memref<10240x16xf32, #tpu.memory_space<vmem_shared>> -> memref<10240x16xf32, #tpu.memory_space<vmem_shared>>
        tpu.wait_indirect_dma semaphore(%arg34 : memref<!tpu.dma_semaphore, #tpu.memory_space<semaphore_mem>>) src(%arg17 : memref<128x16xf32, #tpu.memory_space<vmem>>) dst(%dma_wait3A_352 : memref<10240x16xf32, #tpu.memory_space<vmem_shared>>)
        %add3A_353 = arith.constant 6 : i32
        %add3A_354 = arith.addi %add3A_115, %add3A_353 : i32
        %add3A_355 = arith.constant 8 : i32
        %add3A_356 = arith.addi %add3A_354, %add3A_355 : i32
        %lt3A_357 = arith.constant 40 : i32
        %lt3A_358 = arith.cmpi slt, %add3A_356, %lt3A_357 : i32
        %convert_element_type3A_359 = arith.extui %lt3A_358 : i1 to i32
        %cond3A_360 = arith.constant 0 : i32
        %cond3A_361 = arith.cmpi ne, %convert_element_type3A_359, %cond3A_360 : i32
        scf.if %cond3A_361 {
          %add3A_379 = arith.constant 6 : i32
          %add3A_380 = arith.addi %add3A_115, %add3A_379 : i32
          %add3A_381 = arith.constant 8 : i32
          %add3A_382 = arith.addi %add3A_380, %add3A_381 : i32
          %dma_start3A_383 = arith.constant 0 : i32
          %dma_start3A_384 = tpu.memref_slice %arg9[%add3A_382, %dma_start3A_383] : memref<40x128xi32, #tpu.memory_space<vmem>> -> memref<1x128xi32, #tpu.memory_space<vmem>>
          %dma_start3A_385 = tpu.memref_squeeze %dma_start3A_384 : memref<1x128xi32, #tpu.memory_space<vmem>> -> memref<128xi32, #tpu.memory_space<vmem>>
          %dma_start3A_386 = arith.constant 0 : i32
          %dma_start3A_387 = arith.constant 0 : i32
          %dma_start3A_388 = tpu.memref_slice %arg2[%dma_start3A_386, %dma_start3A_387] : memref<10000x16xf32, #tpu.memory_space<hbm>> -> memref<10000x16xf32, #tpu.memory_space<hbm>>
          tpu.enqueue_indirect_dma source(%dma_start3A_388 : memref<10000x16xf32, #tpu.memory_space<hbm>>) target(%arg17 : memref<128x16xf32, #tpu.memory_space<vmem>>) offsets(%dma_start3A_385 : memref<128xi32, #tpu.memory_space<vmem>>) semaphore(%arg26 : memref<!tpu.dma_semaphore, #tpu.memory_space<semaphore_mem>>)
        } else {
        }
        %add3A_362 = arith.constant 7 : i32
        %add3A_363 = arith.addi %add3A_115, %add3A_362 : i32
        %dma_wait3A_364 = arith.constant 0 : i32
        %dma_wait3A_365 = tpu.memref_slice %arg10[%add3A_363, %dma_wait3A_364] : memref<40x128xi32, #tpu.memory_space<vmem>> -> memref<1x128xi32, #tpu.memory_space<vmem>>
        %dma_wait3A_366 = tpu.memref_squeeze %dma_wait3A_365 : memref<1x128xi32, #tpu.memory_space<vmem>> -> memref<128xi32, #tpu.memory_space<vmem>>
        %dma_wait3A_367 = arith.constant 0 : i32
        %dma_wait3A_368 = arith.constant 0 : i32
        %dma_wait3A_369 = tpu.memref_slice %arg19[%dma_wait3A_367, %dma_wait3A_368] : memref<10240x16xf32, #tpu.memory_space<vmem_shared>> -> memref<10240x16xf32, #tpu.memory_space<vmem_shared>>
        tpu.wait_indirect_dma semaphore(%arg35 : memref<!tpu.dma_semaphore, #tpu.memory_space<semaphore_mem>>) src(%arg18 : memref<128x16xf32, #tpu.memory_space<vmem>>) dst(%dma_wait3A_369 : memref<10240x16xf32, #tpu.memory_space<vmem_shared>>)
        %add3A_370 = arith.constant 7 : i32
        %add3A_371 = arith.addi %add3A_115, %add3A_370 : i32
        %add3A_372 = arith.constant 8 : i32
        %add3A_373 = arith.addi %add3A_371, %add3A_372 : i32
        %lt3A_374 = arith.constant 40 : i32
        %lt3A_375 = arith.cmpi slt, %add3A_373, %lt3A_374 : i32
        %convert_element_type3A_376 = arith.extui %lt3A_375 : i1 to i32
        %cond3A_377 = arith.constant 0 : i32
        %cond3A_378 = arith.cmpi ne, %convert_element_type3A_376, %cond3A_377 : i32
        scf.if %cond3A_378 {
          %add3A_379 = arith.constant 7 : i32
          %add3A_380 = arith.addi %add3A_115, %add3A_379 : i32
          %add3A_381 = arith.constant 8 : i32
          %add3A_382 = arith.addi %add3A_380, %add3A_381 : i32
          %dma_start3A_383 = arith.constant 0 : i32
          %dma_start3A_384 = tpu.memref_slice %arg9[%add3A_382, %dma_start3A_383] : memref<40x128xi32, #tpu.memory_space<vmem>> -> memref<1x128xi32, #tpu.memory_space<vmem>>
          %dma_start3A_385 = tpu.memref_squeeze %dma_start3A_384 : memref<1x128xi32, #tpu.memory_space<vmem>> -> memref<128xi32, #tpu.memory_space<vmem>>
          %dma_start3A_386 = arith.constant 0 : i32
          %dma_start3A_387 = arith.constant 0 : i32
          %dma_start3A_388 = tpu.memref_slice %arg2[%dma_start3A_386, %dma_start3A_387] : memref<10000x16xf32, #tpu.memory_space<hbm>> -> memref<10000x16xf32, #tpu.memory_space<hbm>>
          tpu.enqueue_indirect_dma source(%dma_start3A_388 : memref<10000x16xf32, #tpu.memory_space<hbm>>) target(%arg18 : memref<128x16xf32, #tpu.memory_space<vmem>>) offsets(%dma_start3A_385 : memref<128xi32, #tpu.memory_space<vmem>>) semaphore(%arg27 : memref<!tpu.dma_semaphore, #tpu.memory_space<semaphore_mem>>)
        } else {
        }
      }
      %scan3A_111 = arith.constant 5 : i32
    } else {
    }
    %barrier3A_48 = arith.constant 0 : index
    tpu.barrier barrier_id(%barrier3A_48)
    %mul3A_49 = arith.constant 640 : i32
    %mul3A_50 = arith.muli %arg1, %mul3A_49 : i32
    %mul3A_51 = arith.constant 640 : i32
    %mul3A_52 = arith.muli %arg1, %mul3A_51 : i32
    "tpu.region"() ({
      %run_scoped3A = tpu.sem_alloc : memref<!tpu.dma_semaphore, #tpu.memory_space<semaphore_mem>>
      %dma_start3A = arith.constant 0 : i32
      %dma_start3A_53 = arith.constant 0 : i32
      %dma_start3A_54 = tpu.memref_slice %arg8[%arg0, %dma_start3A, %dma_start3A_53] : memref<2x10240x16xf32, #tpu.memory_space<hbm>> -> memref<1x10240x16xf32, #tpu.memory_space<hbm>>
      %dma_start3A_55 = tpu.memref_squeeze %dma_start3A_54 : memref<1x10240x16xf32, #tpu.memory_space<hbm>> -> memref<10240x16xf32, #tpu.memory_space<hbm>>
      %dma_start3A_56 = arith.constant 0 : i32
      %dma_start3A_57 = tpu.memref_slice %dma_start3A_55[%mul3A_52, %dma_start3A_56] : memref<10240x16xf32, #tpu.memory_space<hbm>> -> memref<640x16xf32, #tpu.memory_space<hbm>>
      %dma_start3A_58 = arith.constant 0 : i32
      %dma_start3A_59 = tpu.memref_slice %arg19[%mul3A_50, %dma_start3A_58] : memref<10240x16xf32, #tpu.memory_space<vmem_shared>> -> memref<640x16xf32, #tpu.memory_space<vmem_shared>>
      tpu.enqueue_dma source(%dma_start3A_59 : memref<640x16xf32, #tpu.memory_space<vmem_shared>>) target(%dma_start3A_57 : memref<640x16xf32, #tpu.memory_space<hbm>>) target_semaphore(%run_scoped3A : memref<!tpu.dma_semaphore, #tpu.memory_space<semaphore_mem>>)
      %dma_wait3A = arith.constant 0 : i32
      %dma_wait3A_60 = arith.constant 0 : i32
      %dma_wait3A_61 = tpu.memref_slice %arg8[%arg0, %dma_wait3A, %dma_wait3A_60] : memref<2x10240x16xf32, #tpu.memory_space<hbm>> -> memref<1x10240x16xf32, #tpu.memory_space<hbm>>
      %dma_wait3A_62 = tpu.memref_squeeze %dma_wait3A_61 : memref<1x10240x16xf32, #tpu.memory_space<hbm>> -> memref<10240x16xf32, #tpu.memory_space<hbm>>
      %dma_wait3A_63 = arith.constant 0 : i32
      %dma_wait3A_64 = tpu.memref_slice %dma_wait3A_62[%mul3A_52, %dma_wait3A_63] : memref<10240x16xf32, #tpu.memory_space<hbm>> -> memref<640x16xf32, #tpu.memory_space<hbm>>
      %dma_wait3A_65 = arith.constant 0 : i32
      %dma_wait3A_66 = tpu.memref_slice %arg19[%mul3A_50, %dma_wait3A_65] : memref<10240x16xf32, #tpu.memory_space<vmem_shared>> -> memref<640x16xf32, #tpu.memory_space<vmem_shared>>
      tpu.wait_dma2 semaphore(%run_scoped3A : memref<!tpu.dma_semaphore, #tpu.memory_space<semaphore_mem>>) src(%dma_wait3A_66 : memref<640x16xf32, #tpu.memory_space<vmem_shared>>) dst(%dma_wait3A_64 : memref<640x16xf32, #tpu.memory_space<hbm>>)
      tpu.yield
    }) : () -> ()
    return
  }
}

#map = affine_map<(d0, d1) -> (0, 0)>
#map1 = affine_map<(d0, d1) -> (0, 0, 0)>
module attributes {stable_mosaic.version = 14 : i64} {
  func.func @k(%arg0: i32, %arg1: i32, %arg2: memref<10000x16xf32, #tpu.memory_space<hbm>>, %arg3: memref<1250x128xi32, #tpu.memory_space<hbm>>, %arg4: memref<1250x128xi32, #tpu.memory_space<hbm>>, %arg5: memref<30x128xi32, #tpu.memory_space<hbm>>, %arg6: memref<30x128xi32, #tpu.memory_space<hbm>>, %arg7: memref<640x16xf32, #tpu.memory_space<hbm>>, %arg8: memref<2x10240x16xf32, #tpu.memory_space<hbm>>, %arg9: memref<40x128xi32, #tpu.memory_space<vmem>>, %arg10: memref<40x128xi32, #tpu.memory_space<vmem>>, %arg11: memref<128x16xf32, #tpu.memory_space<vmem>>, %arg12: memref<128x16xf32, #tpu.memory_space<vmem>>, %arg13: memref<128x16xf32, #tpu.memory_space<vmem>>, %arg14: memref<128x16xf32, #tpu.memory_space<vmem>>, %arg15: memref<128x16xf32, #tpu.memory_space<vmem>>, %arg16: memref<128x16xf32, #tpu.memory_space<vmem>>, %arg17: memref<128x16xf32, #tpu.memory_space<vmem>>, %arg18: memref<128x16xf32, #tpu.memory_space<vmem>>, %arg19: memref<10240x16xf32, #tpu.memory_space<vmem_shared>>, %arg20: memref<!tpu.dma_semaphore, #tpu.memory_space<semaphore_mem>>, %arg21: memref<!tpu.dma_semaphore, #tpu.memory_space<semaphore_mem>>, %arg22: memref<!tpu.dma_semaphore, #tpu.memory_space<semaphore_mem>>, %arg23: memref<!tpu.dma_semaphore, #tpu.memory_space<semaphore_mem>>, %arg24: memref<!tpu.dma_semaphore, #tpu.memory_space<semaphore_mem>>, %arg25: memref<!tpu.dma_semaphore, #tpu.memory_space<semaphore_mem>>, %arg26: memref<!tpu.dma_semaphore, #tpu.memory_space<semaphore_mem>>, %arg27: memref<!tpu.dma_semaphore, #tpu.memory_space<semaphore_mem>>, %arg28: memref<!tpu.dma_semaphore, #tpu.memory_space<semaphore_mem>>, %arg29: memref<!tpu.dma_semaphore, #tpu.memory_space<semaphore_mem>>, %arg30: memref<!tpu.dma_semaphore, #tpu.memory_space<semaphore_mem>>, %arg31: memref<!tpu.dma_semaphore, #tpu.memory_space<semaphore_mem>>, %arg32: memref<!tpu.dma_semaphore, #tpu.memory_space<semaphore_mem>>, %arg33: memref<!tpu.dma_semaphore, #tpu.memory_space<semaphore_mem>>, %arg34: memref<!tpu.dma_semaphore, #tpu.memory_space<semaphore_mem>>, %arg35: memref<!tpu.dma_semaphore, #tpu.memory_space<semaphore_mem>>) attributes {dimension_semantics = [#tpu.dimension_semantics<core_parallel>, #tpu.dimension_semantics<subcore_parallel>], iteration_bounds = array<i64: 2, 16>, scalar_prefetch = 0 : i64, scratch_operands = 27 : i64, tpu.core_type = #tpu.core_type<sc_vector_subcore>, window_params = [{transform_indices = #map}, {transform_indices = #map}, {transform_indices = #map}, {transform_indices = #map}, {transform_indices = #map}, {transform_indices = #map}, {transform_indices = #map1}]} {
    %mul3A = arith.constant 640 : i32
    %mul3A_0 = arith.muli %arg1, %mul3A : i32
    "tpu.region"() ({
      %run_scoped3A = tpu.sem_alloc : memref<!tpu.dma_semaphore, #tpu.memory_space<semaphore_mem>>
      %dma_start3A = arith.constant 0 : i32
      %dma_start3A_53 = tpu.memref_slice %arg19[%mul3A_0, %dma_start3A] : memref<10240x16xf32, #tpu.memory_space<vmem_shared>> -> memref<640x16xf32, #tpu.memory_space<vmem_shared>>
      tpu.enqueue_dma source(%arg7 : memref<640x16xf32, #tpu.memory_space<hbm>>) target(%dma_start3A_53 : memref<640x16xf32, #tpu.memory_space<vmem_shared>>) target_semaphore(%run_scoped3A : memref<!tpu.dma_semaphore, #tpu.memory_space<semaphore_mem>>)
      %dma_wait3A = arith.constant 0 : i32
      %dma_wait3A_54 = tpu.memref_slice %arg19[%mul3A_0, %dma_wait3A] : memref<10240x16xf32, #tpu.memory_space<vmem_shared>> -> memref<640x16xf32, #tpu.memory_space<vmem_shared>>
      tpu.wait_dma2 semaphore(%run_scoped3A : memref<!tpu.dma_semaphore, #tpu.memory_space<semaphore_mem>>) src(%arg7 : memref<640x16xf32, #tpu.memory_space<hbm>>) dst(%dma_wait3A_54 : memref<640x16xf32, #tpu.memory_space<vmem_shared>>)
      tpu.yield
    }) : () -> ()
    %eq3A = arith.constant 0 : i32
    %eq3A_1 = arith.cmpi eq, %arg0, %eq3A : i32
    %convert_element_type3A = arith.extui %eq3A_1 : i1 to i32
    %cond3A = arith.constant 0 : i32
    %cond3A_2 = arith.cmpi ne, %convert_element_type3A, %cond3A : i32
    scf.if %cond3A_2 {
      %mul3A_53 = arith.constant 40 : i32
      %mul3A_54 = arith.muli %arg1, %mul3A_53 : i32
      "tpu.region"() ({
        %run_scoped3A = tpu.sem_alloc : memref<!tpu.dma_semaphore, #tpu.memory_space<semaphore_mem>>
        %dma_start3A = arith.constant 0 : i32
        %dma_start3A_55 = arith.constant 0 : i32
        %dma_start3A_56 = tpu.memref_slice %arg9[%dma_start3A, %dma_start3A_55] : memref<40x128xi32, #tpu.memory_space<vmem>> -> memref<40x128xi32, #tpu.memory_space<vmem>>
        %dma_start3A_57 = arith.constant 0 : i32
        %dma_start3A_58 = tpu.memref_slice %arg3[%mul3A_54, %dma_start3A_57] : memref<1250x128xi32, #tpu.memory_space<hbm>> -> memref<40x128xi32, #tpu.memory_space<hbm>>
        %dma_start3A_59 = arith.constant 0 : i32
        %dma_start3A_60 = arith.constant 0 : i32
        %dma_start3A_61 = tpu.memref_slice %arg9[%dma_start3A_59, %dma_start3A_60] : memref<40x128xi32, #tpu.memory_space<vmem>> -> memref<40x128xi32, #tpu.memory_space<vmem>>
        %dma_start3A_62 = arith.constant 0 : i32
        %dma_start3A_63 = tpu.memref_slice %arg3[%mul3A_54, %dma_start3A_62] : memref<1250x128xi32, #tpu.memory_space<hbm>> -> memref<40x128xi32, #tpu.memory_space<hbm>>
        tpu.enqueue_dma source(%dma_start3A_63 : memref<40x128xi32, #tpu.memory_space<hbm>>) target(%dma_start3A_61 : memref<40x128xi32, #tpu.memory_space<vmem>>) target_semaphore(%run_scoped3A : memref<!tpu.dma_semaphore, #tpu.memory_space<semaphore_mem>>)
        %dma_wait3A = arith.constant 0 : i32
        %dma_wait3A_64 = arith.constant 0 : i32
        %dma_wait3A_65 = tpu.memref_slice %arg9[%dma_wait3A, %dma_wait3A_64] : memref<40x128xi32, #tpu.memory_space<vmem>> -> memref<40x128xi32, #tpu.memory_space<vmem>>
        %dma_wait3A_66 = arith.constant 0 : i32
        %dma_wait3A_67 = tpu.memref_slice %arg3[%mul3A_54, %dma_wait3A_66] : memref<1250x128xi32, #tpu.memory_space<hbm>> -> memref<40x128xi32, #tpu.memory_space<hbm>>
        %dma_wait3A_68 = arith.constant 0 : i32
        %dma_wait3A_69 = arith.constant 0 : i32
        %dma_wait3A_70 = tpu.memref_slice %arg9[%dma_wait3A_68, %dma_wait3A_69] : memref<40x128xi32, #tpu.memory_space<vmem>> -> memref<40x128xi32, #tpu.memory_space<vmem>>
        %dma_wait3A_71 = arith.constant 0 : i32
        %dma_wait3A_72 = tpu.memref_slice %arg3[%mul3A_54, %dma_wait3A_71] : memref<1250x128xi32, #tpu.memory_space<hbm>> -> memref<40x128xi32, #tpu.memory_space<hbm>>
        tpu.wait_dma2 semaphore(%run_scoped3A : memref<!tpu.dma_semaphore, #tpu.memory_space<semaphore_mem>>) src(%dma_wait3A_72 : memref<40x128xi32, #tpu.memory_space<hbm>>) dst(%dma_wait3A_70 : memref<40x128xi32, #tpu.memory_space<vmem>>)
        tpu.yield
      }) : () -> ()
    } else {
    }
    %eq3A_3 = arith.constant 1 : i32
    %eq3A_4 = arith.cmpi eq, %arg0, %eq3A_3 : i32
    %lt3A = arith.constant 15 : i32
    %lt3A_5 = arith.cmpi slt, %arg1, %lt3A : i32
    %and3A = arith.andi %eq3A_4, %lt3A_5 : i1
    %convert_element_type3A_6 = arith.extui %and3A : i1 to i32
    %cond3A_7 = arith.constant 0 : i32
    %cond3A_8 = arith.cmpi ne, %convert_element_type3A_6, %cond3A_7 : i32
    scf.if %cond3A_8 {
      %mul3A_53 = arith.constant 40 : i32
      %mul3A_54 = arith.muli %arg1, %mul3A_53 : i32
      %add3A = arith.constant 640 : i32
      %add3A_55 = arith.addi %add3A, %mul3A_54 : i32
      "tpu.region"() ({
        %run_scoped3A = tpu.sem_alloc : memref<!tpu.dma_semaphore, #tpu.memory_space<semaphore_mem>>
        %dma_start3A = arith.constant 0 : i32
        %dma_start3A_56 = tpu.memref_slice %arg3[%add3A_55, %dma_start3A] : memref<1250x128xi32, #tpu.memory_space<hbm>> -> memref<40x128xi32, #tpu.memory_space<hbm>>
        %dma_start3A_57 = arith.constant 0 : i32
        %dma_start3A_58 = tpu.memref_slice %arg3[%add3A_55, %dma_start3A_57] : memref<1250x128xi32, #tpu.memory_space<hbm>> -> memref<40x128xi32, #tpu.memory_space<hbm>>
        tpu.enqueue_dma source(%dma_start3A_58 : memref<40x128xi32, #tpu.memory_space<hbm>>) target(%arg9 : memref<40x128xi32, #tpu.memory_space<vmem>>) target_semaphore(%run_scoped3A : memref<!tpu.dma_semaphore, #tpu.memory_space<semaphore_mem>>)
        %dma_wait3A = arith.constant 0 : i32
        %dma_wait3A_59 = tpu.memref_slice %arg3[%add3A_55, %dma_wait3A] : memref<1250x128xi32, #tpu.memory_space<hbm>> -> memref<40x128xi32, #tpu.memory_space<hbm>>
        %dma_wait3A_60 = arith.constant 0 : i32
        %dma_wait3A_61 = tpu.memref_slice %arg3[%add3A_55, %dma_wait3A_60] : memref<1250x128xi32, #tpu.memory_space<hbm>> -> memref<40x128xi32, #tpu.memory_space<hbm>>
        tpu.wait_dma2 semaphore(%run_scoped3A : memref<!tpu.dma_semaphore, #tpu.memory_space<semaphore_mem>>) src(%dma_wait3A_61 : memref<40x128xi32, #tpu.memory_space<hbm>>) dst(%arg9 : memref<40x128xi32, #tpu.memory_space<vmem>>)
        tpu.yield
      }) : () -> ()
    } else {
    }
    %eq3A_9 = arith.constant 1 : i32
    %eq3A_10 = arith.cmpi eq, %arg0, %eq3A_9 : i32
    %eq3A_11 = arith.constant 15 : i32
    %eq3A_12 = arith.cmpi eq, %arg1, %eq3A_11 : i32
    %and3A_13 = arith.andi %eq3A_10, %eq3A_12 : i1
    %convert_element_type3A_14 = arith.extui %and3A_13 : i1 to i32
    %cond3A_15 = arith.constant 0 : i32
    %cond3A_16 = arith.cmpi ne, %convert_element_type3A_14, %cond3A_15 : i32
    scf.if %cond3A_16 {
      "tpu.region"() ({
        %run_scoped3A = tpu.sem_alloc : memref<!tpu.dma_semaphore, #tpu.memory_space<semaphore_mem>>
        %dma_start3A = arith.constant 0 : i32
        %dma_start3A_53 = arith.constant 0 : i32
        %dma_start3A_54 = tpu.memref_slice %arg9[%dma_start3A, %dma_start3A_53] : memref<40x128xi32, #tpu.memory_space<vmem>> -> memref<10x128xi32, #tpu.memory_space<vmem>>
        %dma_start3A_55 = arith.constant 1240 : i32
        %dma_start3A_56 = arith.constant 0 : i32
        %dma_start3A_57 = tpu.memref_slice %arg3[%dma_start3A_55, %dma_start3A_56] : memref<1250x128xi32, #tpu.memory_space<hbm>> -> memref<10x128xi32, #tpu.memory_space<hbm>>
        %dma_start3A_58 = arith.constant 0 : i32
        %dma_start3A_59 = arith.constant 0 : i32
        %dma_start3A_60 = tpu.memref_slice %arg9[%dma_start3A_58, %dma_start3A_59] : memref<40x128xi32, #tpu.memory_space<vmem>> -> memref<10x128xi32, #tpu.memory_space<vmem>>
        %dma_start3A_61 = arith.constant 1240 : i32
        %dma_start3A_62 = arith.constant 0 : i32
        %dma_start3A_63 = tpu.memref_slice %arg3[%dma_start3A_61, %dma_start3A_62] : memref<1250x128xi32, #tpu.memory_space<hbm>> -> memref<10x128xi32, #tpu.memory_space<hbm>>
        tpu.enqueue_dma source(%dma_start3A_63 : memref<10x128xi32, #tpu.memory_space<hbm>>) target(%dma_start3A_60 : memref<10x128xi32, #tpu.memory_space<vmem>>) target_semaphore(%run_scoped3A : memref<!tpu.dma_semaphore, #tpu.memory_space<semaphore_mem>>)
        %dma_wait3A = arith.constant 0 : i32
        %dma_wait3A_64 = arith.constant 0 : i32
        %dma_wait3A_65 = tpu.memref_slice %arg9[%dma_wait3A, %dma_wait3A_64] : memref<40x128xi32, #tpu.memory_space<vmem>> -> memref<10x128xi32, #tpu.memory_space<vmem>>
        %dma_wait3A_66 = arith.constant 1240 : i32
        %dma_wait3A_67 = arith.constant 0 : i32
        %dma_wait3A_68 = tpu.memref_slice %arg3[%dma_wait3A_66, %dma_wait3A_67] : memref<1250x128xi32, #tpu.memory_space<hbm>> -> memref<10x128xi32, #tpu.memory_space<hbm>>
        %dma_wait3A_69 = arith.constant 0 : i32
        %dma_wait3A_70 = arith.constant 0 : i32
        %dma_wait3A_71 = tpu.memref_slice %arg9[%dma_wait3A_69, %dma_wait3A_70] : memref<40x128xi32, #tpu.memory_space<vmem>> -> memref<10x128xi32, #tpu.memory_space<vmem>>
        %dma_wait3A_72 = arith.constant 1240 : i32
        %dma_wait3A_73 = arith.constant 0 : i32
        %dma_wait3A_74 = tpu.memref_slice %arg3[%dma_wait3A_72, %dma_wait3A_73] : memref<1250x128xi32, #tpu.memory_space<hbm>> -> memref<10x128xi32, #tpu.memory_space<hbm>>
        tpu.wait_dma2 semaphore(%run_scoped3A : memref<!tpu.dma_semaphore, #tpu.memory_space<semaphore_mem>>) src(%dma_wait3A_74 : memref<10x128xi32, #tpu.memory_space<hbm>>) dst(%dma_wait3A_71 : memref<10x128xi32, #tpu.memory_space<vmem>>)
        tpu.yield
      }) : () -> ()
      "tpu.region"() ({
        %run_scoped3A = tpu.sem_alloc : memref<!tpu.dma_semaphore, #tpu.memory_space<semaphore_mem>>
        %dma_start3A = arith.constant 10 : i32
        %dma_start3A_53 = arith.constant 0 : i32
        %dma_start3A_54 = tpu.memref_slice %arg9[%dma_start3A, %dma_start3A_53] : memref<40x128xi32, #tpu.memory_space<vmem>> -> memref<30x128xi32, #tpu.memory_space<vmem>>
        %dma_start3A_55 = arith.constant 10 : i32
        %dma_start3A_56 = arith.constant 0 : i32
        %dma_start3A_57 = tpu.memref_slice %arg9[%dma_start3A_55, %dma_start3A_56] : memref<40x128xi32, #tpu.memory_space<vmem>> -> memref<30x128xi32, #tpu.memory_space<vmem>>
        tpu.enqueue_dma source(%arg5 : memref<30x128xi32, #tpu.memory_space<hbm>>) target(%dma_start3A_57 : memref<30x128xi32, #tpu.memory_space<vmem>>) target_semaphore(%run_scoped3A : memref<!tpu.dma_semaphore, #tpu.memory_space<semaphore_mem>>)
        %dma_wait3A = arith.constant 10 : i32
        %dma_wait3A_58 = arith.constant 0 : i32
        %dma_wait3A_59 = tpu.memref_slice %arg9[%dma_wait3A, %dma_wait3A_58] : memref<40x128xi32, #tpu.memory_space<vmem>> -> memref<30x128xi32, #tpu.memory_space<vmem>>
        %dma_wait3A_60 = arith.constant 10 : i32
        %dma_wait3A_61 = arith.constant 0 : i32
        %dma_wait3A_62 = tpu.memref_slice %arg9[%dma_wait3A_60, %dma_wait3A_61] : memref<40x128xi32, #tpu.memory_space<vmem>> -> memref<30x128xi32, #tpu.memory_space<vmem>>
        tpu.wait_dma2 semaphore(%run_scoped3A : memref<!tpu.dma_semaphore, #tpu.memory_space<semaphore_mem>>) src(%arg5 : memref<30x128xi32, #tpu.memory_space<hbm>>) dst(%dma_wait3A_62 : memref<30x128xi32, #tpu.memory_space<vmem>>)
        tpu.yield
      }) : () -> ()
    } else {
    }
    %eq3A_17 = arith.constant 0 : i32
    %eq3A_18 = arith.cmpi eq, %arg0, %eq3A_17 : i32
    %convert_element_type3A_19 = arith.extui %eq3A_18 : i1 to i32
    %cond3A_20 = arith.constant 0 : i32
    %cond3A_21 = arith.cmpi ne, %convert_element_type3A_19, %cond3A_20 : i32
    scf.if %cond3A_21 {
      %mul3A_53 = arith.constant 40 : i32
      %mul3A_54 = arith.muli %arg1, %mul3A_53 : i32
      "tpu.region"() ({
        %run_scoped3A = tpu.sem_alloc : memref<!tpu.dma_semaphore, #tpu.memory_space<semaphore_mem>>
        %dma_start3A = arith.constant 0 : i32
        %dma_start3A_55 = arith.constant 0 : i32
        %dma_start3A_56 = tpu.memref_slice %arg10[%dma_start3A, %dma_start3A_55] : memref<40x128xi32, #tpu.memory_space<vmem>> -> memref<40x128xi32, #tpu.memory_space<vmem>>
        %dma_start3A_57 = arith.constant 0 : i32
        %dma_start3A_58 = tpu.memref_slice %arg4[%mul3A_54, %dma_start3A_57] : memref<1250x128xi32, #tpu.memory_space<hbm>> -> memref<40x128xi32, #tpu.memory_space<hbm>>
        %dma_start3A_59 = arith.constant 0 : i32
        %dma_start3A_60 = arith.constant 0 : i32
        %dma_start3A_61 = tpu.memref_slice %arg10[%dma_start3A_59, %dma_start3A_60] : memref<40x128xi32, #tpu.memory_space<vmem>> -> memref<40x128xi32, #tpu.memory_space<vmem>>
        %dma_start3A_62 = arith.constant 0 : i32
        %dma_start3A_63 = tpu.memref_slice %arg4[%mul3A_54, %dma_start3A_62] : memref<1250x128xi32, #tpu.memory_space<hbm>> -> memref<40x128xi32, #tpu.memory_space<hbm>>
        tpu.enqueue_dma source(%dma_start3A_63 : memref<40x128xi32, #tpu.memory_space<hbm>>) target(%dma_start3A_61 : memref<40x128xi32, #tpu.memory_space<vmem>>) target_semaphore(%run_scoped3A : memref<!tpu.dma_semaphore, #tpu.memory_space<semaphore_mem>>)
        %dma_wait3A = arith.constant 0 : i32
        %dma_wait3A_64 = arith.constant 0 : i32
        %dma_wait3A_65 = tpu.memref_slice %arg10[%dma_wait3A, %dma_wait3A_64] : memref<40x128xi32, #tpu.memory_space<vmem>> -> memref<40x128xi32, #tpu.memory_space<vmem>>
        %dma_wait3A_66 = arith.constant 0 : i32
        %dma_wait3A_67 = tpu.memref_slice %arg4[%mul3A_54, %dma_wait3A_66] : memref<1250x128xi32, #tpu.memory_space<hbm>> -> memref<40x128xi32, #tpu.memory_space<hbm>>
        %dma_wait3A_68 = arith.constant 0 : i32
        %dma_wait3A_69 = arith.constant 0 : i32
        %dma_wait3A_70 = tpu.memref_slice %arg10[%dma_wait3A_68, %dma_wait3A_69] : memref<40x128xi32, #tpu.memory_space<vmem>> -> memref<40x128xi32, #tpu.memory_space<vmem>>
        %dma_wait3A_71 = arith.constant 0 : i32
        %dma_wait3A_72 = tpu.memref_slice %arg4[%mul3A_54, %dma_wait3A_71] : memref<1250x128xi32, #tpu.memory_space<hbm>> -> memref<40x128xi32, #tpu.memory_space<hbm>>
        tpu.wait_dma2 semaphore(%run_scoped3A : memref<!tpu.dma_semaphore, #tpu.memory_space<semaphore_mem>>) src(%dma_wait3A_72 : memref<40x128xi32, #tpu.memory_space<hbm>>) dst(%dma_wait3A_70 : memref<40x128xi32, #tpu.memory_space<vmem>>)
        tpu.yield
      }) : () -> ()
    } else {
    }
    %eq3A_22 = arith.constant 1 : i32
    %eq3A_23 = arith.cmpi eq, %arg0, %eq3A_22 : i32
    %lt3A_24 = arith.constant 15 : i32
    %lt3A_25 = arith.cmpi slt, %arg1, %lt3A_24 : i32
    %and3A_26 = arith.andi %eq3A_23, %lt3A_25 : i1
    %convert_element_type3A_27 = arith.extui %and3A_26 : i1 to i32
    %cond3A_28 = arith.constant 0 : i32
    %cond3A_29 = arith.cmpi ne, %convert_element_type3A_27, %cond3A_28 : i32
    scf.if %cond3A_29 {
      %mul3A_53 = arith.constant 40 : i32
      %mul3A_54 = arith.muli %arg1, %mul3A_53 : i32
      %add3A = arith.constant 640 : i32
      %add3A_55 = arith.addi %add3A, %mul3A_54 : i32
      "tpu.region"() ({
        %run_scoped3A = tpu.sem_alloc : memref<!tpu.dma_semaphore, #tpu.memory_space<semaphore_mem>>
        %dma_start3A = arith.constant 0 : i32
        %dma_start3A_56 = tpu.memref_slice %arg4[%add3A_55, %dma_start3A] : memref<1250x128xi32, #tpu.memory_space<hbm>> -> memref<40x128xi32, #tpu.memory_space<hbm>>
        %dma_start3A_57 = arith.constant 0 : i32
        %dma_start3A_58 = tpu.memref_slice %arg4[%add3A_55, %dma_start3A_57] : memref<1250x128xi32, #tpu.memory_space<hbm>> -> memref<40x128xi32, #tpu.memory_space<hbm>>
        tpu.enqueue_dma source(%dma_start3A_58 : memref<40x128xi32, #tpu.memory_space<hbm>>) target(%arg10 : memref<40x128xi32, #tpu.memory_space<vmem>>) target_semaphore(%run_scoped3A : memref<!tpu.dma_semaphore, #tpu.memory_space<semaphore_mem>>)
        %dma_wait3A = arith.constant 0 : i32
        %dma_wait3A_59 = tpu.memref_slice %arg4[%add3A_55, %dma_wait3A] : memref<1250x128xi32, #tpu.memory_space<hbm>> -> memref<40x128xi32, #tpu.memory_space<hbm>>
        %dma_wait3A_60 = arith.constant 0 : i32
        %dma_wait3A_61 = tpu.memref_slice %arg4[%add3A_55, %dma_wait3A_60] : memref<1250x128xi32, #tpu.memory_space<hbm>> -> memref<40x128xi32, #tpu.memory_space<hbm>>
        tpu.wait_dma2 semaphore(%run_scoped3A : memref<!tpu.dma_semaphore, #tpu.memory_space<semaphore_mem>>) src(%dma_wait3A_61 : memref<40x128xi32, #tpu.memory_space<hbm>>) dst(%arg10 : memref<40x128xi32, #tpu.memory_space<vmem>>)
        tpu.yield
      }) : () -> ()
    } else {
    }
    %eq3A_30 = arith.constant 1 : i32
    %eq3A_31 = arith.cmpi eq, %arg0, %eq3A_30 : i32
    %eq3A_32 = arith.constant 15 : i32
    %eq3A_33 = arith.cmpi eq, %arg1, %eq3A_32 : i32
    %and3A_34 = arith.andi %eq3A_31, %eq3A_33 : i1
    %convert_element_type3A_35 = arith.extui %and3A_34 : i1 to i32
    %cond3A_36 = arith.constant 0 : i32
    %cond3A_37 = arith.cmpi ne, %convert_element_type3A_35, %cond3A_36 : i32
    scf.if %cond3A_37 {
      "tpu.region"() ({
        %run_scoped3A = tpu.sem_alloc : memref<!tpu.dma_semaphore, #tpu.memory_space<semaphore_mem>>
        %dma_start3A = arith.constant 0 : i32
        %dma_start3A_53 = arith.constant 0 : i32
        %dma_start3A_54 = tpu.memref_slice %arg10[%dma_start3A, %dma_start3A_53] : memref<40x128xi32, #tpu.memory_space<vmem>> -> memref<10x128xi32, #tpu.memory_space<vmem>>
        %dma_start3A_55 = arith.constant 1240 : i32
        %dma_start3A_56 = arith.constant 0 : i32
        %dma_start3A_57 = tpu.memref_slice %arg4[%dma_start3A_55, %dma_start3A_56] : memref<1250x128xi32, #tpu.memory_space<hbm>> -> memref<10x128xi32, #tpu.memory_space<hbm>>
        %dma_start3A_58 = arith.constant 0 : i32
        %dma_start3A_59 = arith.constant 0 : i32
        %dma_start3A_60 = tpu.memref_slice %arg10[%dma_start3A_58, %dma_start3A_59] : memref<40x128xi32, #tpu.memory_space<vmem>> -> memref<10x128xi32, #tpu.memory_space<vmem>>
        %dma_start3A_61 = arith.constant 1240 : i32
        %dma_start3A_62 = arith.constant 0 : i32
        %dma_start3A_63 = tpu.memref_slice %arg4[%dma_start3A_61, %dma_start3A_62] : memref<1250x128xi32, #tpu.memory_space<hbm>> -> memref<10x128xi32, #tpu.memory_space<hbm>>
        tpu.enqueue_dma source(%dma_start3A_63 : memref<10x128xi32, #tpu.memory_space<hbm>>) target(%dma_start3A_60 : memref<10x128xi32, #tpu.memory_space<vmem>>) target_semaphore(%run_scoped3A : memref<!tpu.dma_semaphore, #tpu.memory_space<semaphore_mem>>)
        %dma_wait3A = arith.constant 0 : i32
        %dma_wait3A_64 = arith.constant 0 : i32
        %dma_wait3A_65 = tpu.memref_slice %arg10[%dma_wait3A, %dma_wait3A_64] : memref<40x128xi32, #tpu.memory_space<vmem>> -> memref<10x128xi32, #tpu.memory_space<vmem>>
        %dma_wait3A_66 = arith.constant 1240 : i32
        %dma_wait3A_67 = arith.constant 0 : i32
        %dma_wait3A_68 = tpu.memref_slice %arg4[%dma_wait3A_66, %dma_wait3A_67] : memref<1250x128xi32, #tpu.memory_space<hbm>> -> memref<10x128xi32, #tpu.memory_space<hbm>>
        %dma_wait3A_69 = arith.constant 0 : i32
        %dma_wait3A_70 = arith.constant 0 : i32
        %dma_wait3A_71 = tpu.memref_slice %arg10[%dma_wait3A_69, %dma_wait3A_70] : memref<40x128xi32, #tpu.memory_space<vmem>> -> memref<10x128xi32, #tpu.memory_space<vmem>>
        %dma_wait3A_72 = arith.constant 1240 : i32
        %dma_wait3A_73 = arith.constant 0 : i32
        %dma_wait3A_74 = tpu.memref_slice %arg4[%dma_wait3A_72, %dma_wait3A_73] : memref<1250x128xi32, #tpu.memory_space<hbm>> -> memref<10x128xi32, #tpu.memory_space<hbm>>
        tpu.wait_dma2 semaphore(%run_scoped3A : memref<!tpu.dma_semaphore, #tpu.memory_space<semaphore_mem>>) src(%dma_wait3A_74 : memref<10x128xi32, #tpu.memory_space<hbm>>) dst(%dma_wait3A_71 : memref<10x128xi32, #tpu.memory_space<vmem>>)
        tpu.yield
      }) : () -> ()
      "tpu.region"() ({
        %run_scoped3A = tpu.sem_alloc : memref<!tpu.dma_semaphore, #tpu.memory_space<semaphore_mem>>
        %dma_start3A = arith.constant 10 : i32
        %dma_start3A_53 = arith.constant 0 : i32
        %dma_start3A_54 = tpu.memref_slice %arg10[%dma_start3A, %dma_start3A_53] : memref<40x128xi32, #tpu.memory_space<vmem>> -> memref<30x128xi32, #tpu.memory_space<vmem>>
        %dma_start3A_55 = arith.constant 10 : i32
        %dma_start3A_56 = arith.constant 0 : i32
        %dma_start3A_57 = tpu.memref_slice %arg10[%dma_start3A_55, %dma_start3A_56] : memref<40x128xi32, #tpu.memory_space<vmem>> -> memref<30x128xi32, #tpu.memory_space<vmem>>
        tpu.enqueue_dma source(%arg6 : memref<30x128xi32, #tpu.memory_space<hbm>>) target(%dma_start3A_57 : memref<30x128xi32, #tpu.memory_space<vmem>>) target_semaphore(%run_scoped3A : memref<!tpu.dma_semaphore, #tpu.memory_space<semaphore_mem>>)
        %dma_wait3A = arith.constant 10 : i32
        %dma_wait3A_58 = arith.constant 0 : i32
        %dma_wait3A_59 = tpu.memref_slice %arg10[%dma_wait3A, %dma_wait3A_58] : memref<40x128xi32, #tpu.memory_space<vmem>> -> memref<30x128xi32, #tpu.memory_space<vmem>>
        %dma_wait3A_60 = arith.constant 10 : i32
        %dma_wait3A_61 = arith.constant 0 : i32
        %dma_wait3A_62 = tpu.memref_slice %arg10[%dma_wait3A_60, %dma_wait3A_61] : memref<40x128xi32, #tpu.memory_space<vmem>> -> memref<30x128xi32, #tpu.memory_space<vmem>>
        tpu.wait_dma2 semaphore(%run_scoped3A : memref<!tpu.dma_semaphore, #tpu.memory_space<semaphore_mem>>) src(%arg6 : memref<30x128xi32, #tpu.memory_space<hbm>>) dst(%dma_wait3A_62 : memref<30x128xi32, #tpu.memory_space<vmem>>)
        tpu.yield
      }) : () -> ()
    } else {
    }
    %barrier3A = arith.constant 0 : index
    tpu.barrier barrier_id(%barrier3A)
    %eq3A_38 = arith.constant 0 : i32
    %eq3A_39 = arith.cmpi eq, %arg0, %eq3A_38 : i32
    %convert_element_type3A_40 = arith.extui %eq3A_39 : i1 to i32
    %cond3A_41 = arith.constant 0 : i32
    %cond3A_42 = arith.cmpi ne, %convert_element_type3A_40, %cond3A_41 : i32
    scf.if %cond3A_42 {
      %dma_start3A = arith.constant 0 : i32
      %dma_start3A_53 = arith.constant 0 : i32
      %dma_start3A_54 = tpu.memref_slice %arg9[%dma_start3A, %dma_start3A_53] : memref<40x128xi32, #tpu.memory_space<vmem>> -> memref<1x128xi32, #tpu.memory_space<vmem>>
      %dma_start3A_55 = tpu.memref_squeeze %dma_start3A_54 : memref<1x128xi32, #tpu.memory_space<vmem>> -> memref<128xi32, #tpu.memory_space<vmem>>
      %dma_start3A_56 = arith.constant 0 : i32
      %dma_start3A_57 = arith.constant 0 : i32
      %dma_start3A_58 = tpu.memref_slice %arg2[%dma_start3A_56, %dma_start3A_57] : memref<10000x16xf32, #tpu.memory_space<hbm>> -> memref<10000x16xf32, #tpu.memory_space<hbm>>
      tpu.enqueue_indirect_dma source(%dma_start3A_58 : memref<10000x16xf32, #tpu.memory_space<hbm>>) target(%arg11 : memref<128x16xf32, #tpu.memory_space<vmem>>) offsets(%dma_start3A_55 : memref<128xi32, #tpu.memory_space<vmem>>) semaphore(%arg20 : memref<!tpu.dma_semaphore, #tpu.memory_space<semaphore_mem>>)
      %dma_start3A_59 = arith.constant 1 : i32
      %dma_start3A_60 = arith.constant 0 : i32
      %dma_start3A_61 = tpu.memref_slice %arg9[%dma_start3A_59, %dma_start3A_60] : memref<40x128xi32, #tpu.memory_space<vmem>> -> memref<1x128xi32, #tpu.memory_space<vmem>>
      %dma_start3A_62 = tpu.memref_squeeze %dma_start3A_61 : memref<1x128xi32, #tpu.memory_space<vmem>> -> memref<128xi32, #tpu.memory_space<vmem>>
      %dma_start3A_63 = arith.constant 0 : i32
      %dma_start3A_64 = arith.constant 0 : i32
      %dma_start3A_65 = tpu.memref_slice %arg2[%dma_start3A_63, %dma_start3A_64] : memref<10000x16xf32, #tpu.memory_space<hbm>> -> memref<10000x16xf32, #tpu.memory_space<hbm>>
      tpu.enqueue_indirect_dma source(%dma_start3A_65 : memref<10000x16xf32, #tpu.memory_space<hbm>>) target(%arg12 : memref<128x16xf32, #tpu.memory_space<vmem>>) offsets(%dma_start3A_62 : memref<128xi32, #tpu.memory_space<vmem>>) semaphore(%arg21 : memref<!tpu.dma_semaphore, #tpu.memory_space<semaphore_mem>>)
      %dma_start3A_66 = arith.constant 2 : i32
      %dma_start3A_67 = arith.constant 0 : i32
      %dma_start3A_68 = tpu.memref_slice %arg9[%dma_start3A_66, %dma_start3A_67] : memref<40x128xi32, #tpu.memory_space<vmem>> -> memref<1x128xi32, #tpu.memory_space<vmem>>
      %dma_start3A_69 = tpu.memref_squeeze %dma_start3A_68 : memref<1x128xi32, #tpu.memory_space<vmem>> -> memref<128xi32, #tpu.memory_space<vmem>>
      %dma_start3A_70 = arith.constant 0 : i32
      %dma_start3A_71 = arith.constant 0 : i32
      %dma_start3A_72 = tpu.memref_slice %arg2[%dma_start3A_70, %dma_start3A_71] : memref<10000x16xf32, #tpu.memory_space<hbm>> -> memref<10000x16xf32, #tpu.memory_space<hbm>>
      tpu.enqueue_indirect_dma source(%dma_start3A_72 : memref<10000x16xf32, #tpu.memory_space<hbm>>) target(%arg13 : memref<128x16xf32, #tpu.memory_space<vmem>>) offsets(%dma_start3A_69 : memref<128xi32, #tpu.memory_space<vmem>>) semaphore(%arg22 : memref<!tpu.dma_semaphore, #tpu.memory_space<semaphore_mem>>)
      %dma_start3A_73 = arith.constant 3 : i32
      %dma_start3A_74 = arith.constant 0 : i32
      %dma_start3A_75 = tpu.memref_slice %arg9[%dma_start3A_73, %dma_start3A_74] : memref<40x128xi32, #tpu.memory_space<vmem>> -> memref<1x128xi32, #tpu.memory_space<vmem>>
      %dma_start3A_76 = tpu.memref_squeeze %dma_start3A_75 : memref<1x128xi32, #tpu.memory_space<vmem>> -> memref<128xi32, #tpu.memory_space<vmem>>
      %dma_start3A_77 = arith.constant 0 : i32
      %dma_start3A_78 = arith.constant 0 : i32
      %dma_start3A_79 = tpu.memref_slice %arg2[%dma_start3A_77, %dma_start3A_78] : memref<10000x16xf32, #tpu.memory_space<hbm>> -> memref<10000x16xf32, #tpu.memory_space<hbm>>
      tpu.enqueue_indirect_dma source(%dma_start3A_79 : memref<10000x16xf32, #tpu.memory_space<hbm>>) target(%arg14 : memref<128x16xf32, #tpu.memory_space<vmem>>) offsets(%dma_start3A_76 : memref<128xi32, #tpu.memory_space<vmem>>) semaphore(%arg23 : memref<!tpu.dma_semaphore, #tpu.memory_space<semaphore_mem>>)
      %dma_start3A_80 = arith.constant 4 : i32
      %dma_start3A_81 = arith.constant 0 : i32
      %dma_start3A_82 = tpu.memref_slice %arg9[%dma_start3A_80, %dma_start3A_81] : memref<40x128xi32, #tpu.memory_space<vmem>> -> memref<1x128xi32, #tpu.memory_space<vmem>>
      %dma_start3A_83 = tpu.memref_squeeze %dma_start3A_82 : memref<1x128xi32, #tpu.memory_space<vmem>> -> memref<128xi32, #tpu.memory_space<vmem>>
      %dma_start3A_84 = arith.constant 0 : i32
      %dma_start3A_85 = arith.constant 0 : i32
      %dma_start3A_86 = tpu.memref_slice %arg2[%dma_start3A_84, %dma_start3A_85] : memref<10000x16xf32, #tpu.memory_space<hbm>> -> memref<10000x16xf32, #tpu.memory_space<hbm>>
      tpu.enqueue_indirect_dma source(%dma_start3A_86 : memref<10000x16xf32, #tpu.memory_space<hbm>>) target(%arg15 : memref<128x16xf32, #tpu.memory_space<vmem>>) offsets(%dma_start3A_83 : memref<128xi32, #tpu.memory_space<vmem>>) semaphore(%arg24 : memref<!tpu.dma_semaphore, #tpu.memory_space<semaphore_mem>>)
      %dma_start3A_87 = arith.constant 5 : i32
      %dma_start3A_88 = arith.constant 0 : i32
      %dma_start3A_89 = tpu.memref_slice %arg9[%dma_start3A_87, %dma_start3A_88] : memref<40x128xi32, #tpu.memory_space<vmem>> -> memref<1x128xi32, #tpu.memory_space<vmem>>
      %dma_start3A_90 = tpu.memref_squeeze %dma_start3A_89 : memref<1x128xi32, #tpu.memory_space<vmem>> -> memref<128xi32, #tpu.memory_space<vmem>>
      %dma_start3A_91 = arith.constant 0 : i32
      %dma_start3A_92 = arith.constant 0 : i32
      %dma_start3A_93 = tpu.memref_slice %arg2[%dma_start3A_91, %dma_start3A_92] : memref<10000x16xf32, #tpu.memory_space<hbm>> -> memref<10000x16xf32, #tpu.memory_space<hbm>>
      tpu.enqueue_indirect_dma source(%dma_start3A_93 : memref<10000x16xf32, #tpu.memory_space<hbm>>) target(%arg16 : memref<128x16xf32, #tpu.memory_space<vmem>>) offsets(%dma_start3A_90 : memref<128xi32, #tpu.memory_space<vmem>>) semaphore(%arg25 : memref<!tpu.dma_semaphore, #tpu.memory_space<semaphore_mem>>)
      %dma_start3A_94 = arith.constant 6 : i32
      %dma_start3A_95 = arith.constant 0 : i32
      %dma_start3A_96 = tpu.memref_slice %arg9[%dma_start3A_94, %dma_start3A_95] : memref<40x128xi32, #tpu.memory_space<vmem>> -> memref<1x128xi32, #tpu.memory_space<vmem>>
      %dma_start3A_97 = tpu.memref_squeeze %dma_start3A_96 : memref<1x128xi32, #tpu.memory_space<vmem>> -> memref<128xi32, #tpu.memory_space<vmem>>
      %dma_start3A_98 = arith.constant 0 : i32
      %dma_start3A_99 = arith.constant 0 : i32
      %dma_start3A_100 = tpu.memref_slice %arg2[%dma_start3A_98, %dma_start3A_99] : memref<10000x16xf32, #tpu.memory_space<hbm>> -> memref<10000x16xf32, #tpu.memory_space<hbm>>
      tpu.enqueue_indirect_dma source(%dma_start3A_100 : memref<10000x16xf32, #tpu.memory_space<hbm>>) target(%arg17 : memref<128x16xf32, #tpu.memory_space<vmem>>) offsets(%dma_start3A_97 : memref<128xi32, #tpu.memory_space<vmem>>) semaphore(%arg26 : memref<!tpu.dma_semaphore, #tpu.memory_space<semaphore_mem>>)
      %dma_start3A_101 = arith.constant 7 : i32
      %dma_start3A_102 = arith.constant 0 : i32
      %dma_start3A_103 = tpu.memref_slice %arg9[%dma_start3A_101, %dma_start3A_102] : memref<40x128xi32, #tpu.memory_space<vmem>> -> memref<1x128xi32, #tpu.memory_space<vmem>>
      %dma_start3A_104 = tpu.memref_squeeze %dma_start3A_103 : memref<1x128xi32, #tpu.memory_space<vmem>> -> memref<128xi32, #tpu.memory_space<vmem>>
      %dma_start3A_105 = arith.constant 0 : i32
      %dma_start3A_106 = arith.constant 0 : i32
      %dma_start3A_107 = tpu.memref_slice %arg2[%dma_start3A_105, %dma_start3A_106] : memref<10000x16xf32, #tpu.memory_space<hbm>> -> memref<10000x16xf32, #tpu.memory_space<hbm>>
      tpu.enqueue_indirect_dma source(%dma_start3A_107 : memref<10000x16xf32, #tpu.memory_space<hbm>>) target(%arg18 : memref<128x16xf32, #tpu.memory_space<vmem>>) offsets(%dma_start3A_104 : memref<128xi32, #tpu.memory_space<vmem>>) semaphore(%arg27 : memref<!tpu.dma_semaphore, #tpu.memory_space<semaphore_mem>>)
      %scan3A = arith.constant 0 : i32
      %scan3A_108 = arith.constant 5 : i32
      %scan3A_109 = arith.addi %scan3A, %scan3A_108 : i32
      %scan3A_110 = arith.constant 1 : i32
      scf.for %scan3A_112 = %scan3A to %scan3A_109 step %scan3A_110  : i32 {
        %mul3A_113 = arith.constant 8 : i32
        %mul3A_114 = arith.muli %scan3A_112, %mul3A_113 : i32
        %add3A = arith.constant 0 : i32
        %add3A_115 = arith.addi %add3A, %mul3A_114 : i32
        %add3A_116 = arith.constant 0 : i32
        %add3A_117 = arith.addi %add3A_115, %add3A_116 : i32
        %dma_wait3A = arith.constant 0 : i32
        %dma_wait3A_118 = tpu.memref_slice %arg9[%add3A_117, %dma_wait3A] : memref<40x128xi32, #tpu.memory_space<vmem>> -> memref<1x128xi32, #tpu.memory_space<vmem>>
        %dma_wait3A_119 = tpu.memref_squeeze %dma_wait3A_118 : memref<1x128xi32, #tpu.memory_space<vmem>> -> memref<128xi32, #tpu.memory_space<vmem>>
        %dma_wait3A_120 = arith.constant 0 : i32
        %dma_wait3A_121 = arith.constant 0 : i32
        %dma_wait3A_122 = tpu.memref_slice %arg2[%dma_wait3A_120, %dma_wait3A_121] : memref<10000x16xf32, #tpu.memory_space<hbm>> -> memref<10000x16xf32, #tpu.memory_space<hbm>>
        tpu.wait_indirect_dma semaphore(%arg20 : memref<!tpu.dma_semaphore, #tpu.memory_space<semaphore_mem>>) src(%dma_wait3A_122 : memref<10000x16xf32, #tpu.memory_space<hbm>>) dst(%arg11 : memref<128x16xf32, #tpu.memory_space<vmem>>)
        %add3A_123 = arith.constant 0 : i32
        %add3A_124 = arith.addi %add3A_115, %add3A_123 : i32
        %dma_start3A_125 = arith.constant 0 : i32
        %dma_start3A_126 = tpu.memref_slice %arg10[%add3A_124, %dma_start3A_125] : memref<40x128xi32, #tpu.memory_space<vmem>> -> memref<1x128xi32, #tpu.memory_space<vmem>>
        %dma_start3A_127 = tpu.memref_squeeze %dma_start3A_126 : memref<1x128xi32, #tpu.memory_space<vmem>> -> memref<128xi32, #tpu.memory_space<vmem>>
        %dma_start3A_128 = arith.constant 0 : i32
        %dma_start3A_129 = arith.constant 0 : i32
        %dma_start3A_130 = tpu.memref_slice %arg19[%dma_start3A_128, %dma_start3A_129] : memref<10240x16xf32, #tpu.memory_space<vmem_shared>> -> memref<10240x16xf32, #tpu.memory_space<vmem_shared>>
        tpu.enqueue_indirect_dma source(%arg11 : memref<128x16xf32, #tpu.memory_space<vmem>>) target(%dma_start3A_130 : memref<10240x16xf32, #tpu.memory_space<vmem_shared>>) offsets(%dma_start3A_127 : memref<128xi32, #tpu.memory_space<vmem>>) semaphore(%arg28 : memref<!tpu.dma_semaphore, #tpu.memory_space<semaphore_mem>>) {add = true}
        %add3A_131 = arith.constant 1 : i32
        %add3A_132 = arith.addi %add3A_115, %add3A_131 : i32
        %dma_wait3A_133 = arith.constant 0 : i32
        %dma_wait3A_134 = tpu.memref_slice %arg9[%add3A_132, %dma_wait3A_133] : memref<40x128xi32, #tpu.memory_space<vmem>> -> memref<1x128xi32, #tpu.memory_space<vmem>>
        %dma_wait3A_135 = tpu.memref_squeeze %dma_wait3A_134 : memref<1x128xi32, #tpu.memory_space<vmem>> -> memref<128xi32, #tpu.memory_space<vmem>>
        %dma_wait3A_136 = arith.constant 0 : i32
        %dma_wait3A_137 = arith.constant 0 : i32
        %dma_wait3A_138 = tpu.memref_slice %arg2[%dma_wait3A_136, %dma_wait3A_137] : memref<10000x16xf32, #tpu.memory_space<hbm>> -> memref<10000x16xf32, #tpu.memory_space<hbm>>
        tpu.wait_indirect_dma semaphore(%arg21 : memref<!tpu.dma_semaphore, #tpu.memory_space<semaphore_mem>>) src(%dma_wait3A_138 : memref<10000x16xf32, #tpu.memory_space<hbm>>) dst(%arg12 : memref<128x16xf32, #tpu.memory_space<vmem>>)
        %add3A_139 = arith.constant 1 : i32
        %add3A_140 = arith.addi %add3A_115, %add3A_139 : i32
        %dma_start3A_141 = arith.constant 0 : i32
        %dma_start3A_142 = tpu.memref_slice %arg10[%add3A_140, %dma_start3A_141] : memref<40x128xi32, #tpu.memory_space<vmem>> -> memref<1x128xi32, #tpu.memory_space<vmem>>
        %dma_start3A_143 = tpu.memref_squeeze %dma_start3A_142 : memref<1x128xi32, #tpu.memory_space<vmem>> -> memref<128xi32, #tpu.memory_space<vmem>>
        %dma_start3A_144 = arith.constant 0 : i32
        %dma_start3A_145 = arith.constant 0 : i32
        %dma_start3A_146 = tpu.memref_slice %arg19[%dma_start3A_144, %dma_start3A_145] : memref<10240x16xf32, #tpu.memory_space<vmem_shared>> -> memref<10240x16xf32, #tpu.memory_space<vmem_shared>>
        tpu.enqueue_indirect_dma source(%arg12 : memref<128x16xf32, #tpu.memory_space<vmem>>) target(%dma_start3A_146 : memref<10240x16xf32, #tpu.memory_space<vmem_shared>>) offsets(%dma_start3A_143 : memref<128xi32, #tpu.memory_space<vmem>>) semaphore(%arg29 : memref<!tpu.dma_semaphore, #tpu.memory_space<semaphore_mem>>) {add = true}
        %add3A_147 = arith.constant 2 : i32
        %add3A_148 = arith.addi %add3A_115, %add3A_147 : i32
        %dma_wait3A_149 = arith.constant 0 : i32
        %dma_wait3A_150 = tpu.memref_slice %arg9[%add3A_148, %dma_wait3A_149] : memref<40x128xi32, #tpu.memory_space<vmem>> -> memref<1x128xi32, #tpu.memory_space<vmem>>
        %dma_wait3A_151 = tpu.memref_squeeze %dma_wait3A_150 : memref<1x128xi32, #tpu.memory_space<vmem>> -> memref<128xi32, #tpu.memory_space<vmem>>
        %dma_wait3A_152 = arith.constant 0 : i32
        %dma_wait3A_153 = arith.constant 0 : i32
        %dma_wait3A_154 = tpu.memref_slice %arg2[%dma_wait3A_152, %dma_wait3A_153] : memref<10000x16xf32, #tpu.memory_space<hbm>> -> memref<10000x16xf32, #tpu.memory_space<hbm>>
        tpu.wait_indirect_dma semaphore(%arg22 : memref<!tpu.dma_semaphore, #tpu.memory_space<semaphore_mem>>) src(%dma_wait3A_154 : memref<10000x16xf32, #tpu.memory_space<hbm>>) dst(%arg13 : memref<128x16xf32, #tpu.memory_space<vmem>>)
        %add3A_155 = arith.constant 2 : i32
        %add3A_156 = arith.addi %add3A_115, %add3A_155 : i32
        %dma_start3A_157 = arith.constant 0 : i32
        %dma_start3A_158 = tpu.memref_slice %arg10[%add3A_156, %dma_start3A_157] : memref<40x128xi32, #tpu.memory_space<vmem>> -> memref<1x128xi32, #tpu.memory_space<vmem>>
        %dma_start3A_159 = tpu.memref_squeeze %dma_start3A_158 : memref<1x128xi32, #tpu.memory_space<vmem>> -> memref<128xi32, #tpu.memory_space<vmem>>
        %dma_start3A_160 = arith.constant 0 : i32
        %dma_start3A_161 = arith.constant 0 : i32
        %dma_start3A_162 = tpu.memref_slice %arg19[%dma_start3A_160, %dma_start3A_161] : memref<10240x16xf32, #tpu.memory_space<vmem_shared>> -> memref<10240x16xf32, #tpu.memory_space<vmem_shared>>
        tpu.enqueue_indirect_dma source(%arg13 : memref<128x16xf32, #tpu.memory_space<vmem>>) target(%dma_start3A_162 : memref<10240x16xf32, #tpu.memory_space<vmem_shared>>) offsets(%dma_start3A_159 : memref<128xi32, #tpu.memory_space<vmem>>) semaphore(%arg30 : memref<!tpu.dma_semaphore, #tpu.memory_space<semaphore_mem>>) {add = true}
        %add3A_163 = arith.constant 3 : i32
        %add3A_164 = arith.addi %add3A_115, %add3A_163 : i32
        %dma_wait3A_165 = arith.constant 0 : i32
        %dma_wait3A_166 = tpu.memref_slice %arg9[%add3A_164, %dma_wait3A_165] : memref<40x128xi32, #tpu.memory_space<vmem>> -> memref<1x128xi32, #tpu.memory_space<vmem>>
        %dma_wait3A_167 = tpu.memref_squeeze %dma_wait3A_166 : memref<1x128xi32, #tpu.memory_space<vmem>> -> memref<128xi32, #tpu.memory_space<vmem>>
        %dma_wait3A_168 = arith.constant 0 : i32
        %dma_wait3A_169 = arith.constant 0 : i32
        %dma_wait3A_170 = tpu.memref_slice %arg2[%dma_wait3A_168, %dma_wait3A_169] : memref<10000x16xf32, #tpu.memory_space<hbm>> -> memref<10000x16xf32, #tpu.memory_space<hbm>>
        tpu.wait_indirect_dma semaphore(%arg23 : memref<!tpu.dma_semaphore, #tpu.memory_space<semaphore_mem>>) src(%dma_wait3A_170 : memref<10000x16xf32, #tpu.memory_space<hbm>>) dst(%arg14 : memref<128x16xf32, #tpu.memory_space<vmem>>)
        %add3A_171 = arith.constant 3 : i32
        %add3A_172 = arith.addi %add3A_115, %add3A_171 : i32
        %dma_start3A_173 = arith.constant 0 : i32
        %dma_start3A_174 = tpu.memref_slice %arg10[%add3A_172, %dma_start3A_173] : memref<40x128xi32, #tpu.memory_space<vmem>> -> memref<1x128xi32, #tpu.memory_space<vmem>>
        %dma_start3A_175 = tpu.memref_squeeze %dma_start3A_174 : memref<1x128xi32, #tpu.memory_space<vmem>> -> memref<128xi32, #tpu.memory_space<vmem>>
        %dma_start3A_176 = arith.constant 0 : i32
        %dma_start3A_177 = arith.constant 0 : i32
        %dma_start3A_178 = tpu.memref_slice %arg19[%dma_start3A_176, %dma_start3A_177] : memref<10240x16xf32, #tpu.memory_space<vmem_shared>> -> memref<10240x16xf32, #tpu.memory_space<vmem_shared>>
        tpu.enqueue_indirect_dma source(%arg14 : memref<128x16xf32, #tpu.memory_space<vmem>>) target(%dma_start3A_178 : memref<10240x16xf32, #tpu.memory_space<vmem_shared>>) offsets(%dma_start3A_175 : memref<128xi32, #tpu.memory_space<vmem>>) semaphore(%arg31 : memref<!tpu.dma_semaphore, #tpu.memory_space<semaphore_mem>>) {add = true}
        %add3A_179 = arith.constant 4 : i32
        %add3A_180 = arith.addi %add3A_115, %add3A_179 : i32
        %dma_wait3A_181 = arith.constant 0 : i32
        %dma_wait3A_182 = tpu.memref_slice %arg9[%add3A_180, %dma_wait3A_181] : memref<40x128xi32, #tpu.memory_space<vmem>> -> memref<1x128xi32, #tpu.memory_space<vmem>>
        %dma_wait3A_183 = tpu.memref_squeeze %dma_wait3A_182 : memref<1x128xi32, #tpu.memory_space<vmem>> -> memref<128xi32, #tpu.memory_space<vmem>>
        %dma_wait3A_184 = arith.constant 0 : i32
        %dma_wait3A_185 = arith.constant 0 : i32
        %dma_wait3A_186 = tpu.memref_slice %arg2[%dma_wait3A_184, %dma_wait3A_185] : memref<10000x16xf32, #tpu.memory_space<hbm>> -> memref<10000x16xf32, #tpu.memory_space<hbm>>
        tpu.wait_indirect_dma semaphore(%arg24 : memref<!tpu.dma_semaphore, #tpu.memory_space<semaphore_mem>>) src(%dma_wait3A_186 : memref<10000x16xf32, #tpu.memory_space<hbm>>) dst(%arg15 : memref<128x16xf32, #tpu.memory_space<vmem>>)
        %add3A_187 = arith.constant 4 : i32
        %add3A_188 = arith.addi %add3A_115, %add3A_187 : i32
        %dma_start3A_189 = arith.constant 0 : i32
        %dma_start3A_190 = tpu.memref_slice %arg10[%add3A_188, %dma_start3A_189] : memref<40x128xi32, #tpu.memory_space<vmem>> -> memref<1x128xi32, #tpu.memory_space<vmem>>
        %dma_start3A_191 = tpu.memref_squeeze %dma_start3A_190 : memref<1x128xi32, #tpu.memory_space<vmem>> -> memref<128xi32, #tpu.memory_space<vmem>>
        %dma_start3A_192 = arith.constant 0 : i32
        %dma_start3A_193 = arith.constant 0 : i32
        %dma_start3A_194 = tpu.memref_slice %arg19[%dma_start3A_192, %dma_start3A_193] : memref<10240x16xf32, #tpu.memory_space<vmem_shared>> -> memref<10240x16xf32, #tpu.memory_space<vmem_shared>>
        tpu.enqueue_indirect_dma source(%arg15 : memref<128x16xf32, #tpu.memory_space<vmem>>) target(%dma_start3A_194 : memref<10240x16xf32, #tpu.memory_space<vmem_shared>>) offsets(%dma_start3A_191 : memref<128xi32, #tpu.memory_space<vmem>>) semaphore(%arg32 : memref<!tpu.dma_semaphore, #tpu.memory_space<semaphore_mem>>) {add = true}
        %add3A_195 = arith.constant 5 : i32
        %add3A_196 = arith.addi %add3A_115, %add3A_195 : i32
        %dma_wait3A_197 = arith.constant 0 : i32
        %dma_wait3A_198 = tpu.memref_slice %arg9[%add3A_196, %dma_wait3A_197] : memref<40x128xi32, #tpu.memory_space<vmem>> -> memref<1x128xi32, #tpu.memory_space<vmem>>
        %dma_wait3A_199 = tpu.memref_squeeze %dma_wait3A_198 : memref<1x128xi32, #tpu.memory_space<vmem>> -> memref<128xi32, #tpu.memory_space<vmem>>
        %dma_wait3A_200 = arith.constant 0 : i32
        %dma_wait3A_201 = arith.constant 0 : i32
        %dma_wait3A_202 = tpu.memref_slice %arg2[%dma_wait3A_200, %dma_wait3A_201] : memref<10000x16xf32, #tpu.memory_space<hbm>> -> memref<10000x16xf32, #tpu.memory_space<hbm>>
        tpu.wait_indirect_dma semaphore(%arg25 : memref<!tpu.dma_semaphore, #tpu.memory_space<semaphore_mem>>) src(%dma_wait3A_202 : memref<10000x16xf32, #tpu.memory_space<hbm>>) dst(%arg16 : memref<128x16xf32, #tpu.memory_space<vmem>>)
        %add3A_203 = arith.constant 5 : i32
        %add3A_204 = arith.addi %add3A_115, %add3A_203 : i32
        %dma_start3A_205 = arith.constant 0 : i32
        %dma_start3A_206 = tpu.memref_slice %arg10[%add3A_204, %dma_start3A_205] : memref<40x128xi32, #tpu.memory_space<vmem>> -> memref<1x128xi32, #tpu.memory_space<vmem>>
        %dma_start3A_207 = tpu.memref_squeeze %dma_start3A_206 : memref<1x128xi32, #tpu.memory_space<vmem>> -> memref<128xi32, #tpu.memory_space<vmem>>
        %dma_start3A_208 = arith.constant 0 : i32
        %dma_start3A_209 = arith.constant 0 : i32
        %dma_start3A_210 = tpu.memref_slice %arg19[%dma_start3A_208, %dma_start3A_209] : memref<10240x16xf32, #tpu.memory_space<vmem_shared>> -> memref<10240x16xf32, #tpu.memory_space<vmem_shared>>
        tpu.enqueue_indirect_dma source(%arg16 : memref<128x16xf32, #tpu.memory_space<vmem>>) target(%dma_start3A_210 : memref<10240x16xf32, #tpu.memory_space<vmem_shared>>) offsets(%dma_start3A_207 : memref<128xi32, #tpu.memory_space<vmem>>) semaphore(%arg33 : memref<!tpu.dma_semaphore, #tpu.memory_space<semaphore_mem>>) {add = true}
        %add3A_211 = arith.constant 6 : i32
        %add3A_212 = arith.addi %add3A_115, %add3A_211 : i32
        %dma_wait3A_213 = arith.constant 0 : i32
        %dma_wait3A_214 = tpu.memref_slice %arg9[%add3A_212, %dma_wait3A_213] : memref<40x128xi32, #tpu.memory_space<vmem>> -> memref<1x128xi32, #tpu.memory_space<vmem>>
        %dma_wait3A_215 = tpu.memref_squeeze %dma_wait3A_214 : memref<1x128xi32, #tpu.memory_space<vmem>> -> memref<128xi32, #tpu.memory_space<vmem>>
        %dma_wait3A_216 = arith.constant 0 : i32
        %dma_wait3A_217 = arith.constant 0 : i32
        %dma_wait3A_218 = tpu.memref_slice %arg2[%dma_wait3A_216, %dma_wait3A_217] : memref<10000x16xf32, #tpu.memory_space<hbm>> -> memref<10000x16xf32, #tpu.memory_space<hbm>>
        tpu.wait_indirect_dma semaphore(%arg26 : memref<!tpu.dma_semaphore, #tpu.memory_space<semaphore_mem>>) src(%dma_wait3A_218 : memref<10000x16xf32, #tpu.memory_space<hbm>>) dst(%arg17 : memref<128x16xf32, #tpu.memory_space<vmem>>)
        %add3A_219 = arith.constant 6 : i32
        %add3A_220 = arith.addi %add3A_115, %add3A_219 : i32
        %dma_start3A_221 = arith.constant 0 : i32
        %dma_start3A_222 = tpu.memref_slice %arg10[%add3A_220, %dma_start3A_221] : memref<40x128xi32, #tpu.memory_space<vmem>> -> memref<1x128xi32, #tpu.memory_space<vmem>>
        %dma_start3A_223 = tpu.memref_squeeze %dma_start3A_222 : memref<1x128xi32, #tpu.memory_space<vmem>> -> memref<128xi32, #tpu.memory_space<vmem>>
        %dma_start3A_224 = arith.constant 0 : i32
        %dma_start3A_225 = arith.constant 0 : i32
        %dma_start3A_226 = tpu.memref_slice %arg19[%dma_start3A_224, %dma_start3A_225] : memref<10240x16xf32, #tpu.memory_space<vmem_shared>> -> memref<10240x16xf32, #tpu.memory_space<vmem_shared>>
        tpu.enqueue_indirect_dma source(%arg17 : memref<128x16xf32, #tpu.memory_space<vmem>>) target(%dma_start3A_226 : memref<10240x16xf32, #tpu.memory_space<vmem_shared>>) offsets(%dma_start3A_223 : memref<128xi32, #tpu.memory_space<vmem>>) semaphore(%arg34 : memref<!tpu.dma_semaphore, #tpu.memory_space<semaphore_mem>>) {add = true}
        %add3A_227 = arith.constant 7 : i32
        %add3A_228 = arith.addi %add3A_115, %add3A_227 : i32
        %dma_wait3A_229 = arith.constant 0 : i32
        %dma_wait3A_230 = tpu.memref_slice %arg9[%add3A_228, %dma_wait3A_229] : memref<40x128xi32, #tpu.memory_space<vmem>> -> memref<1x128xi32, #tpu.memory_space<vmem>>
        %dma_wait3A_231 = tpu.memref_squeeze %dma_wait3A_230 : memref<1x128xi32, #tpu.memory_space<vmem>> -> memref<128xi32, #tpu.memory_space<vmem>>
        %dma_wait3A_232 = arith.constant 0 : i32
        %dma_wait3A_233 = arith.constant 0 : i32
        %dma_wait3A_234 = tpu.memref_slice %arg2[%dma_wait3A_232, %dma_wait3A_233] : memref<10000x16xf32, #tpu.memory_space<hbm>> -> memref<10000x16xf32, #tpu.memory_space<hbm>>
        tpu.wait_indirect_dma semaphore(%arg27 : memref<!tpu.dma_semaphore, #tpu.memory_space<semaphore_mem>>) src(%dma_wait3A_234 : memref<10000x16xf32, #tpu.memory_space<hbm>>) dst(%arg18 : memref<128x16xf32, #tpu.memory_space<vmem>>)
        %add3A_235 = arith.constant 7 : i32
        %add3A_236 = arith.addi %add3A_115, %add3A_235 : i32
        %dma_start3A_237 = arith.constant 0 : i32
        %dma_start3A_238 = tpu.memref_slice %arg10[%add3A_236, %dma_start3A_237] : memref<40x128xi32, #tpu.memory_space<vmem>> -> memref<1x128xi32, #tpu.memory_space<vmem>>
        %dma_start3A_239 = tpu.memref_squeeze %dma_start3A_238 : memref<1x128xi32, #tpu.memory_space<vmem>> -> memref<128xi32, #tpu.memory_space<vmem>>
        %dma_start3A_240 = arith.constant 0 : i32
        %dma_start3A_241 = arith.constant 0 : i32
        %dma_start3A_242 = tpu.memref_slice %arg19[%dma_start3A_240, %dma_start3A_241] : memref<10240x16xf32, #tpu.memory_space<vmem_shared>> -> memref<10240x16xf32, #tpu.memory_space<vmem_shared>>
        tpu.enqueue_indirect_dma source(%arg18 : memref<128x16xf32, #tpu.memory_space<vmem>>) target(%dma_start3A_242 : memref<10240x16xf32, #tpu.memory_space<vmem_shared>>) offsets(%dma_start3A_239 : memref<128xi32, #tpu.memory_space<vmem>>) semaphore(%arg35 : memref<!tpu.dma_semaphore, #tpu.memory_space<semaphore_mem>>) {add = true}
        %add3A_243 = arith.constant 0 : i32
        %add3A_244 = arith.addi %add3A_115, %add3A_243 : i32
        %dma_wait3A_245 = arith.constant 0 : i32
        %dma_wait3A_246 = tpu.memref_slice %arg10[%add3A_244, %dma_wait3A_245] : memref<40x128xi32, #tpu.memory_space<vmem>> -> memref<1x128xi32, #tpu.memory_space<vmem>>
        %dma_wait3A_247 = tpu.memref_squeeze %dma_wait3A_246 : memref<1x128xi32, #tpu.memory_space<vmem>> -> memref<128xi32, #tpu.memory_space<vmem>>
        %dma_wait3A_248 = arith.constant 0 : i32
        %dma_wait3A_249 = arith.constant 0 : i32
        %dma_wait3A_250 = tpu.memref_slice %arg19[%dma_wait3A_248, %dma_wait3A_249] : memref<10240x16xf32, #tpu.memory_space<vmem_shared>> -> memref<10240x16xf32, #tpu.memory_space<vmem_shared>>
        tpu.wait_indirect_dma semaphore(%arg28 : memref<!tpu.dma_semaphore, #tpu.memory_space<semaphore_mem>>) src(%arg11 : memref<128x16xf32, #tpu.memory_space<vmem>>) dst(%dma_wait3A_250 : memref<10240x16xf32, #tpu.memory_space<vmem_shared>>)
        %add3A_251 = arith.constant 0 : i32
        %add3A_252 = arith.addi %add3A_115, %add3A_251 : i32
        %add3A_253 = arith.constant 8 : i32
        %add3A_254 = arith.addi %add3A_252, %add3A_253 : i32
        %lt3A_255 = arith.constant 40 : i32
        %lt3A_256 = arith.cmpi slt, %add3A_254, %lt3A_255 : i32
        %convert_element_type3A_257 = arith.extui %lt3A_256 : i1 to i32
        %cond3A_258 = arith.constant 0 : i32
        %cond3A_259 = arith.cmpi ne, %convert_element_type3A_257, %cond3A_258 : i32
        scf.if %cond3A_259 {
          %add3A_379 = arith.constant 0 : i32
          %add3A_380 = arith.addi %add3A_115, %add3A_379 : i32
          %add3A_381 = arith.constant 8 : i32
          %add3A_382 = arith.addi %add3A_380, %add3A_381 : i32
          %dma_start3A_383 = arith.constant 0 : i32
          %dma_start3A_384 = tpu.memref_slice %arg9[%add3A_382, %dma_start3A_383] : memref<40x128xi32, #tpu.memory_space<vmem>> -> memref<1x128xi32, #tpu.memory_space<vmem>>
          %dma_start3A_385 = tpu.memref_squeeze %dma_start3A_384 : memref<1x128xi32, #tpu.memory_space<vmem>> -> memref<128xi32, #tpu.memory_space<vmem>>
          %dma_start3A_386 = arith.constant 0 : i32
          %dma_start3A_387 = arith.constant 0 : i32
          %dma_start3A_388 = tpu.memref_slice %arg2[%dma_start3A_386, %dma_start3A_387] : memref<10000x16xf32, #tpu.memory_space<hbm>> -> memref<10000x16xf32, #tpu.memory_space<hbm>>
          tpu.enqueue_indirect_dma source(%dma_start3A_388 : memref<10000x16xf32, #tpu.memory_space<hbm>>) target(%arg11 : memref<128x16xf32, #tpu.memory_space<vmem>>) offsets(%dma_start3A_385 : memref<128xi32, #tpu.memory_space<vmem>>) semaphore(%arg20 : memref<!tpu.dma_semaphore, #tpu.memory_space<semaphore_mem>>)
        } else {
        }
        %add3A_260 = arith.constant 1 : i32
        %add3A_261 = arith.addi %add3A_115, %add3A_260 : i32
        %dma_wait3A_262 = arith.constant 0 : i32
        %dma_wait3A_263 = tpu.memref_slice %arg10[%add3A_261, %dma_wait3A_262] : memref<40x128xi32, #tpu.memory_space<vmem>> -> memref<1x128xi32, #tpu.memory_space<vmem>>
        %dma_wait3A_264 = tpu.memref_squeeze %dma_wait3A_263 : memref<1x128xi32, #tpu.memory_space<vmem>> -> memref<128xi32, #tpu.memory_space<vmem>>
        %dma_wait3A_265 = arith.constant 0 : i32
        %dma_wait3A_266 = arith.constant 0 : i32
        %dma_wait3A_267 = tpu.memref_slice %arg19[%dma_wait3A_265, %dma_wait3A_266] : memref<10240x16xf32, #tpu.memory_space<vmem_shared>> -> memref<10240x16xf32, #tpu.memory_space<vmem_shared>>
        tpu.wait_indirect_dma semaphore(%arg29 : memref<!tpu.dma_semaphore, #tpu.memory_space<semaphore_mem>>) src(%arg12 : memref<128x16xf32, #tpu.memory_space<vmem>>) dst(%dma_wait3A_267 : memref<10240x16xf32, #tpu.memory_space<vmem_shared>>)
        %add3A_268 = arith.constant 1 : i32
        %add3A_269 = arith.addi %add3A_115, %add3A_268 : i32
        %add3A_270 = arith.constant 8 : i32
        %add3A_271 = arith.addi %add3A_269, %add3A_270 : i32
        %lt3A_272 = arith.constant 40 : i32
        %lt3A_273 = arith.cmpi slt, %add3A_271, %lt3A_272 : i32
        %convert_element_type3A_274 = arith.extui %lt3A_273 : i1 to i32
        %cond3A_275 = arith.constant 0 : i32
        %cond3A_276 = arith.cmpi ne, %convert_element_type3A_274, %cond3A_275 : i32
        scf.if %cond3A_276 {
          %add3A_379 = arith.constant 1 : i32
          %add3A_380 = arith.addi %add3A_115, %add3A_379 : i32
          %add3A_381 = arith.constant 8 : i32
          %add3A_382 = arith.addi %add3A_380, %add3A_381 : i32
          %dma_start3A_383 = arith.constant 0 : i32
          %dma_start3A_384 = tpu.memref_slice %arg9[%add3A_382, %dma_start3A_383] : memref<40x128xi32, #tpu.memory_space<vmem>> -> memref<1x128xi32, #tpu.memory_space<vmem>>
          %dma_start3A_385 = tpu.memref_squeeze %dma_start3A_384 : memref<1x128xi32, #tpu.memory_space<vmem>> -> memref<128xi32, #tpu.memory_space<vmem>>
          %dma_start3A_386 = arith.constant 0 : i32
          %dma_start3A_387 = arith.constant 0 : i32
          %dma_start3A_388 = tpu.memref_slice %arg2[%dma_start3A_386, %dma_start3A_387] : memref<10000x16xf32, #tpu.memory_space<hbm>> -> memref<10000x16xf32, #tpu.memory_space<hbm>>
          tpu.enqueue_indirect_dma source(%dma_start3A_388 : memref<10000x16xf32, #tpu.memory_space<hbm>>) target(%arg12 : memref<128x16xf32, #tpu.memory_space<vmem>>) offsets(%dma_start3A_385 : memref<128xi32, #tpu.memory_space<vmem>>) semaphore(%arg21 : memref<!tpu.dma_semaphore, #tpu.memory_space<semaphore_mem>>)
        } else {
        }
        %add3A_277 = arith.constant 2 : i32
        %add3A_278 = arith.addi %add3A_115, %add3A_277 : i32
        %dma_wait3A_279 = arith.constant 0 : i32
        %dma_wait3A_280 = tpu.memref_slice %arg10[%add3A_278, %dma_wait3A_279] : memref<40x128xi32, #tpu.memory_space<vmem>> -> memref<1x128xi32, #tpu.memory_space<vmem>>
        %dma_wait3A_281 = tpu.memref_squeeze %dma_wait3A_280 : memref<1x128xi32, #tpu.memory_space<vmem>> -> memref<128xi32, #tpu.memory_space<vmem>>
        %dma_wait3A_282 = arith.constant 0 : i32
        %dma_wait3A_283 = arith.constant 0 : i32
        %dma_wait3A_284 = tpu.memref_slice %arg19[%dma_wait3A_282, %dma_wait3A_283] : memref<10240x16xf32, #tpu.memory_space<vmem_shared>> -> memref<10240x16xf32, #tpu.memory_space<vmem_shared>>
        tpu.wait_indirect_dma semaphore(%arg30 : memref<!tpu.dma_semaphore, #tpu.memory_space<semaphore_mem>>) src(%arg13 : memref<128x16xf32, #tpu.memory_space<vmem>>) dst(%dma_wait3A_284 : memref<10240x16xf32, #tpu.memory_space<vmem_shared>>)
        %add3A_285 = arith.constant 2 : i32
        %add3A_286 = arith.addi %add3A_115, %add3A_285 : i32
        %add3A_287 = arith.constant 8 : i32
        %add3A_288 = arith.addi %add3A_286, %add3A_287 : i32
        %lt3A_289 = arith.constant 40 : i32
        %lt3A_290 = arith.cmpi slt, %add3A_288, %lt3A_289 : i32
        %convert_element_type3A_291 = arith.extui %lt3A_290 : i1 to i32
        %cond3A_292 = arith.constant 0 : i32
        %cond3A_293 = arith.cmpi ne, %convert_element_type3A_291, %cond3A_292 : i32
        scf.if %cond3A_293 {
          %add3A_379 = arith.constant 2 : i32
          %add3A_380 = arith.addi %add3A_115, %add3A_379 : i32
          %add3A_381 = arith.constant 8 : i32
          %add3A_382 = arith.addi %add3A_380, %add3A_381 : i32
          %dma_start3A_383 = arith.constant 0 : i32
          %dma_start3A_384 = tpu.memref_slice %arg9[%add3A_382, %dma_start3A_383] : memref<40x128xi32, #tpu.memory_space<vmem>> -> memref<1x128xi32, #tpu.memory_space<vmem>>
          %dma_start3A_385 = tpu.memref_squeeze %dma_start3A_384 : memref<1x128xi32, #tpu.memory_space<vmem>> -> memref<128xi32, #tpu.memory_space<vmem>>
          %dma_start3A_386 = arith.constant 0 : i32
          %dma_start3A_387 = arith.constant 0 : i32
          %dma_start3A_388 = tpu.memref_slice %arg2[%dma_start3A_386, %dma_start3A_387] : memref<10000x16xf32, #tpu.memory_space<hbm>> -> memref<10000x16xf32, #tpu.memory_space<hbm>>
          tpu.enqueue_indirect_dma source(%dma_start3A_388 : memref<10000x16xf32, #tpu.memory_space<hbm>>) target(%arg13 : memref<128x16xf32, #tpu.memory_space<vmem>>) offsets(%dma_start3A_385 : memref<128xi32, #tpu.memory_space<vmem>>) semaphore(%arg22 : memref<!tpu.dma_semaphore, #tpu.memory_space<semaphore_mem>>)
        } else {
        }
        %add3A_294 = arith.constant 3 : i32
        %add3A_295 = arith.addi %add3A_115, %add3A_294 : i32
        %dma_wait3A_296 = arith.constant 0 : i32
        %dma_wait3A_297 = tpu.memref_slice %arg10[%add3A_295, %dma_wait3A_296] : memref<40x128xi32, #tpu.memory_space<vmem>> -> memref<1x128xi32, #tpu.memory_space<vmem>>
        %dma_wait3A_298 = tpu.memref_squeeze %dma_wait3A_297 : memref<1x128xi32, #tpu.memory_space<vmem>> -> memref<128xi32, #tpu.memory_space<vmem>>
        %dma_wait3A_299 = arith.constant 0 : i32
        %dma_wait3A_300 = arith.constant 0 : i32
        %dma_wait3A_301 = tpu.memref_slice %arg19[%dma_wait3A_299, %dma_wait3A_300] : memref<10240x16xf32, #tpu.memory_space<vmem_shared>> -> memref<10240x16xf32, #tpu.memory_space<vmem_shared>>
        tpu.wait_indirect_dma semaphore(%arg31 : memref<!tpu.dma_semaphore, #tpu.memory_space<semaphore_mem>>) src(%arg14 : memref<128x16xf32, #tpu.memory_space<vmem>>) dst(%dma_wait3A_301 : memref<10240x16xf32, #tpu.memory_space<vmem_shared>>)
        %add3A_302 = arith.constant 3 : i32
        %add3A_303 = arith.addi %add3A_115, %add3A_302 : i32
        %add3A_304 = arith.constant 8 : i32
        %add3A_305 = arith.addi %add3A_303, %add3A_304 : i32
        %lt3A_306 = arith.constant 40 : i32
        %lt3A_307 = arith.cmpi slt, %add3A_305, %lt3A_306 : i32
        %convert_element_type3A_308 = arith.extui %lt3A_307 : i1 to i32
        %cond3A_309 = arith.constant 0 : i32
        %cond3A_310 = arith.cmpi ne, %convert_element_type3A_308, %cond3A_309 : i32
        scf.if %cond3A_310 {
          %add3A_379 = arith.constant 3 : i32
          %add3A_380 = arith.addi %add3A_115, %add3A_379 : i32
          %add3A_381 = arith.constant 8 : i32
          %add3A_382 = arith.addi %add3A_380, %add3A_381 : i32
          %dma_start3A_383 = arith.constant 0 : i32
          %dma_start3A_384 = tpu.memref_slice %arg9[%add3A_382, %dma_start3A_383] : memref<40x128xi32, #tpu.memory_space<vmem>> -> memref<1x128xi32, #tpu.memory_space<vmem>>
          %dma_start3A_385 = tpu.memref_squeeze %dma_start3A_384 : memref<1x128xi32, #tpu.memory_space<vmem>> -> memref<128xi32, #tpu.memory_space<vmem>>
          %dma_start3A_386 = arith.constant 0 : i32
          %dma_start3A_387 = arith.constant 0 : i32
          %dma_start3A_388 = tpu.memref_slice %arg2[%dma_start3A_386, %dma_start3A_387] : memref<10000x16xf32, #tpu.memory_space<hbm>> -> memref<10000x16xf32, #tpu.memory_space<hbm>>
          tpu.enqueue_indirect_dma source(%dma_start3A_388 : memref<10000x16xf32, #tpu.memory_space<hbm>>) target(%arg14 : memref<128x16xf32, #tpu.memory_space<vmem>>) offsets(%dma_start3A_385 : memref<128xi32, #tpu.memory_space<vmem>>) semaphore(%arg23 : memref<!tpu.dma_semaphore, #tpu.memory_space<semaphore_mem>>)
        } else {
        }
        %add3A_311 = arith.constant 4 : i32
        %add3A_312 = arith.addi %add3A_115, %add3A_311 : i32
        %dma_wait3A_313 = arith.constant 0 : i32
        %dma_wait3A_314 = tpu.memref_slice %arg10[%add3A_312, %dma_wait3A_313] : memref<40x128xi32, #tpu.memory_space<vmem>> -> memref<1x128xi32, #tpu.memory_space<vmem>>
        %dma_wait3A_315 = tpu.memref_squeeze %dma_wait3A_314 : memref<1x128xi32, #tpu.memory_space<vmem>> -> memref<128xi32, #tpu.memory_space<vmem>>
        %dma_wait3A_316 = arith.constant 0 : i32
        %dma_wait3A_317 = arith.constant 0 : i32
        %dma_wait3A_318 = tpu.memref_slice %arg19[%dma_wait3A_316, %dma_wait3A_317] : memref<10240x16xf32, #tpu.memory_space<vmem_shared>> -> memref<10240x16xf32, #tpu.memory_space<vmem_shared>>
        tpu.wait_indirect_dma semaphore(%arg32 : memref<!tpu.dma_semaphore, #tpu.memory_space<semaphore_mem>>) src(%arg15 : memref<128x16xf32, #tpu.memory_space<vmem>>) dst(%dma_wait3A_318 : memref<10240x16xf32, #tpu.memory_space<vmem_shared>>)
        %add3A_319 = arith.constant 4 : i32
        %add3A_320 = arith.addi %add3A_115, %add3A_319 : i32
        %add3A_321 = arith.constant 8 : i32
        %add3A_322 = arith.addi %add3A_320, %add3A_321 : i32
        %lt3A_323 = arith.constant 40 : i32
        %lt3A_324 = arith.cmpi slt, %add3A_322, %lt3A_323 : i32
        %convert_element_type3A_325 = arith.extui %lt3A_324 : i1 to i32
        %cond3A_326 = arith.constant 0 : i32
        %cond3A_327 = arith.cmpi ne, %convert_element_type3A_325, %cond3A_326 : i32
        scf.if %cond3A_327 {
          %add3A_379 = arith.constant 4 : i32
          %add3A_380 = arith.addi %add3A_115, %add3A_379 : i32
          %add3A_381 = arith.constant 8 : i32
          %add3A_382 = arith.addi %add3A_380, %add3A_381 : i32
          %dma_start3A_383 = arith.constant 0 : i32
          %dma_start3A_384 = tpu.memref_slice %arg9[%add3A_382, %dma_start3A_383] : memref<40x128xi32, #tpu.memory_space<vmem>> -> memref<1x128xi32, #tpu.memory_space<vmem>>
          %dma_start3A_385 = tpu.memref_squeeze %dma_start3A_384 : memref<1x128xi32, #tpu.memory_space<vmem>> -> memref<128xi32, #tpu.memory_space<vmem>>
          %dma_start3A_386 = arith.constant 0 : i32
          %dma_start3A_387 = arith.constant 0 : i32
          %dma_start3A_388 = tpu.memref_slice %arg2[%dma_start3A_386, %dma_start3A_387] : memref<10000x16xf32, #tpu.memory_space<hbm>> -> memref<10000x16xf32, #tpu.memory_space<hbm>>
          tpu.enqueue_indirect_dma source(%dma_start3A_388 : memref<10000x16xf32, #tpu.memory_space<hbm>>) target(%arg15 : memref<128x16xf32, #tpu.memory_space<vmem>>) offsets(%dma_start3A_385 : memref<128xi32, #tpu.memory_space<vmem>>) semaphore(%arg24 : memref<!tpu.dma_semaphore, #tpu.memory_space<semaphore_mem>>)
        } else {
        }
        %add3A_328 = arith.constant 5 : i32
        %add3A_329 = arith.addi %add3A_115, %add3A_328 : i32
        %dma_wait3A_330 = arith.constant 0 : i32
        %dma_wait3A_331 = tpu.memref_slice %arg10[%add3A_329, %dma_wait3A_330] : memref<40x128xi32, #tpu.memory_space<vmem>> -> memref<1x128xi32, #tpu.memory_space<vmem>>
        %dma_wait3A_332 = tpu.memref_squeeze %dma_wait3A_331 : memref<1x128xi32, #tpu.memory_space<vmem>> -> memref<128xi32, #tpu.memory_space<vmem>>
        %dma_wait3A_333 = arith.constant 0 : i32
        %dma_wait3A_334 = arith.constant 0 : i32
        %dma_wait3A_335 = tpu.memref_slice %arg19[%dma_wait3A_333, %dma_wait3A_334] : memref<10240x16xf32, #tpu.memory_space<vmem_shared>> -> memref<10240x16xf32, #tpu.memory_space<vmem_shared>>
        tpu.wait_indirect_dma semaphore(%arg33 : memref<!tpu.dma_semaphore, #tpu.memory_space<semaphore_mem>>) src(%arg16 : memref<128x16xf32, #tpu.memory_space<vmem>>) dst(%dma_wait3A_335 : memref<10240x16xf32, #tpu.memory_space<vmem_shared>>)
        %add3A_336 = arith.constant 5 : i32
        %add3A_337 = arith.addi %add3A_115, %add3A_336 : i32
        %add3A_338 = arith.constant 8 : i32
        %add3A_339 = arith.addi %add3A_337, %add3A_338 : i32
        %lt3A_340 = arith.constant 40 : i32
        %lt3A_341 = arith.cmpi slt, %add3A_339, %lt3A_340 : i32
        %convert_element_type3A_342 = arith.extui %lt3A_341 : i1 to i32
        %cond3A_343 = arith.constant 0 : i32
        %cond3A_344 = arith.cmpi ne, %convert_element_type3A_342, %cond3A_343 : i32
        scf.if %cond3A_344 {
          %add3A_379 = arith.constant 5 : i32
          %add3A_380 = arith.addi %add3A_115, %add3A_379 : i32
          %add3A_381 = arith.constant 8 : i32
          %add3A_382 = arith.addi %add3A_380, %add3A_381 : i32
          %dma_start3A_383 = arith.constant 0 : i32
          %dma_start3A_384 = tpu.memref_slice %arg9[%add3A_382, %dma_start3A_383] : memref<40x128xi32, #tpu.memory_space<vmem>> -> memref<1x128xi32, #tpu.memory_space<vmem>>
          %dma_start3A_385 = tpu.memref_squeeze %dma_start3A_384 : memref<1x128xi32, #tpu.memory_space<vmem>> -> memref<128xi32, #tpu.memory_space<vmem>>
          %dma_start3A_386 = arith.constant 0 : i32
          %dma_start3A_387 = arith.constant 0 : i32
          %dma_start3A_388 = tpu.memref_slice %arg2[%dma_start3A_386, %dma_start3A_387] : memref<10000x16xf32, #tpu.memory_space<hbm>> -> memref<10000x16xf32, #tpu.memory_space<hbm>>
          tpu.enqueue_indirect_dma source(%dma_start3A_388 : memref<10000x16xf32, #tpu.memory_space<hbm>>) target(%arg16 : memref<128x16xf32, #tpu.memory_space<vmem>>) offsets(%dma_start3A_385 : memref<128xi32, #tpu.memory_space<vmem>>) semaphore(%arg25 : memref<!tpu.dma_semaphore, #tpu.memory_space<semaphore_mem>>)
        } else {
        }
        %add3A_345 = arith.constant 6 : i32
        %add3A_346 = arith.addi %add3A_115, %add3A_345 : i32
        %dma_wait3A_347 = arith.constant 0 : i32
        %dma_wait3A_348 = tpu.memref_slice %arg10[%add3A_346, %dma_wait3A_347] : memref<40x128xi32, #tpu.memory_space<vmem>> -> memref<1x128xi32, #tpu.memory_space<vmem>>
        %dma_wait3A_349 = tpu.memref_squeeze %dma_wait3A_348 : memref<1x128xi32, #tpu.memory_space<vmem>> -> memref<128xi32, #tpu.memory_space<vmem>>
        %dma_wait3A_350 = arith.constant 0 : i32
        %dma_wait3A_351 = arith.constant 0 : i32
        %dma_wait3A_352 = tpu.memref_slice %arg19[%dma_wait3A_350, %dma_wait3A_351] : memref<10240x16xf32, #tpu.memory_space<vmem_shared>> -> memref<10240x16xf32, #tpu.memory_space<vmem_shared>>
        tpu.wait_indirect_dma semaphore(%arg34 : memref<!tpu.dma_semaphore, #tpu.memory_space<semaphore_mem>>) src(%arg17 : memref<128x16xf32, #tpu.memory_space<vmem>>) dst(%dma_wait3A_352 : memref<10240x16xf32, #tpu.memory_space<vmem_shared>>)
        %add3A_353 = arith.constant 6 : i32
        %add3A_354 = arith.addi %add3A_115, %add3A_353 : i32
        %add3A_355 = arith.constant 8 : i32
        %add3A_356 = arith.addi %add3A_354, %add3A_355 : i32
        %lt3A_357 = arith.constant 40 : i32
        %lt3A_358 = arith.cmpi slt, %add3A_356, %lt3A_357 : i32
        %convert_element_type3A_359 = arith.extui %lt3A_358 : i1 to i32
        %cond3A_360 = arith.constant 0 : i32
        %cond3A_361 = arith.cmpi ne, %convert_element_type3A_359, %cond3A_360 : i32
        scf.if %cond3A_361 {
          %add3A_379 = arith.constant 6 : i32
          %add3A_380 = arith.addi %add3A_115, %add3A_379 : i32
          %add3A_381 = arith.constant 8 : i32
          %add3A_382 = arith.addi %add3A_380, %add3A_381 : i32
          %dma_start3A_383 = arith.constant 0 : i32
          %dma_start3A_384 = tpu.memref_slice %arg9[%add3A_382, %dma_start3A_383] : memref<40x128xi32, #tpu.memory_space<vmem>> -> memref<1x128xi32, #tpu.memory_space<vmem>>
          %dma_start3A_385 = tpu.memref_squeeze %dma_start3A_384 : memref<1x128xi32, #tpu.memory_space<vmem>> -> memref<128xi32, #tpu.memory_space<vmem>>
          %dma_start3A_386 = arith.constant 0 : i32
          %dma_start3A_387 = arith.constant 0 : i32
          %dma_start3A_388 = tpu.memref_slice %arg2[%dma_start3A_386, %dma_start3A_387] : memref<10000x16xf32, #tpu.memory_space<hbm>> -> memref<10000x16xf32, #tpu.memory_space<hbm>>
          tpu.enqueue_indirect_dma source(%dma_start3A_388 : memref<10000x16xf32, #tpu.memory_space<hbm>>) target(%arg17 : memref<128x16xf32, #tpu.memory_space<vmem>>) offsets(%dma_start3A_385 : memref<128xi32, #tpu.memory_space<vmem>>) semaphore(%arg26 : memref<!tpu.dma_semaphore, #tpu.memory_space<semaphore_mem>>)
        } else {
        }
        %add3A_362 = arith.constant 7 : i32
        %add3A_363 = arith.addi %add3A_115, %add3A_362 : i32
        %dma_wait3A_364 = arith.constant 0 : i32
        %dma_wait3A_365 = tpu.memref_slice %arg10[%add3A_363, %dma_wait3A_364] : memref<40x128xi32, #tpu.memory_space<vmem>> -> memref<1x128xi32, #tpu.memory_space<vmem>>
        %dma_wait3A_366 = tpu.memref_squeeze %dma_wait3A_365 : memref<1x128xi32, #tpu.memory_space<vmem>> -> memref<128xi32, #tpu.memory_space<vmem>>
        %dma_wait3A_367 = arith.constant 0 : i32
        %dma_wait3A_368 = arith.constant 0 : i32
        %dma_wait3A_369 = tpu.memref_slice %arg19[%dma_wait3A_367, %dma_wait3A_368] : memref<10240x16xf32, #tpu.memory_space<vmem_shared>> -> memref<10240x16xf32, #tpu.memory_space<vmem_shared>>
        tpu.wait_indirect_dma semaphore(%arg35 : memref<!tpu.dma_semaphore, #tpu.memory_space<semaphore_mem>>) src(%arg18 : memref<128x16xf32, #tpu.memory_space<vmem>>) dst(%dma_wait3A_369 : memref<10240x16xf32, #tpu.memory_space<vmem_shared>>)
        %add3A_370 = arith.constant 7 : i32
        %add3A_371 = arith.addi %add3A_115, %add3A_370 : i32
        %add3A_372 = arith.constant 8 : i32
        %add3A_373 = arith.addi %add3A_371, %add3A_372 : i32
        %lt3A_374 = arith.constant 40 : i32
        %lt3A_375 = arith.cmpi slt, %add3A_373, %lt3A_374 : i32
        %convert_element_type3A_376 = arith.extui %lt3A_375 : i1 to i32
        %cond3A_377 = arith.constant 0 : i32
        %cond3A_378 = arith.cmpi ne, %convert_element_type3A_376, %cond3A_377 : i32
        scf.if %cond3A_378 {
          %add3A_379 = arith.constant 7 : i32
          %add3A_380 = arith.addi %add3A_115, %add3A_379 : i32
          %add3A_381 = arith.constant 8 : i32
          %add3A_382 = arith.addi %add3A_380, %add3A_381 : i32
          %dma_start3A_383 = arith.constant 0 : i32
          %dma_start3A_384 = tpu.memref_slice %arg9[%add3A_382, %dma_start3A_383] : memref<40x128xi32, #tpu.memory_space<vmem>> -> memref<1x128xi32, #tpu.memory_space<vmem>>
          %dma_start3A_385 = tpu.memref_squeeze %dma_start3A_384 : memref<1x128xi32, #tpu.memory_space<vmem>> -> memref<128xi32, #tpu.memory_space<vmem>>
          %dma_start3A_386 = arith.constant 0 : i32
          %dma_start3A_387 = arith.constant 0 : i32
          %dma_start3A_388 = tpu.memref_slice %arg2[%dma_start3A_386, %dma_start3A_387] : memref<10000x16xf32, #tpu.memory_space<hbm>> -> memref<10000x16xf32, #tpu.memory_space<hbm>>
          tpu.enqueue_indirect_dma source(%dma_start3A_388 : memref<10000x16xf32, #tpu.memory_space<hbm>>) target(%arg18 : memref<128x16xf32, #tpu.memory_space<vmem>>) offsets(%dma_start3A_385 : memref<128xi32, #tpu.memory_space<vmem>>) semaphore(%arg27 : memref<!tpu.dma_semaphore, #tpu.memory_space<semaphore_mem>>)
        } else {
        }
      }
      %scan3A_111 = arith.constant 5 : i32
    } else {
    }
    %eq3A_43 = arith.constant 1 : i32
    %eq3A_44 = arith.cmpi eq, %arg0, %eq3A_43 : i32
    %convert_element_type3A_45 = arith.extui %eq3A_44 : i1 to i32
    %cond3A_46 = arith.constant 0 : i32
    %cond3A_47 = arith.cmpi ne, %convert_element_type3A_45, %cond3A_46 : i32
    scf.if %cond3A_47 {
      %dma_start3A = arith.constant 0 : i32
      %dma_start3A_53 = arith.constant 0 : i32
      %dma_start3A_54 = tpu.memref_slice %arg9[%dma_start3A, %dma_start3A_53] : memref<40x128xi32, #tpu.memory_space<vmem>> -> memref<1x128xi32, #tpu.memory_space<vmem>>
      %dma_start3A_55 = tpu.memref_squeeze %dma_start3A_54 : memref<1x128xi32, #tpu.memory_space<vmem>> -> memref<128xi32, #tpu.memory_space<vmem>>
      %dma_start3A_56 = arith.constant 0 : i32
      %dma_start3A_57 = arith.constant 0 : i32
      %dma_start3A_58 = tpu.memref_slice %arg2[%dma_start3A_56, %dma_start3A_57] : memref<10000x16xf32, #tpu.memory_space<hbm>> -> memref<10000x16xf32, #tpu.memory_space<hbm>>
      tpu.enqueue_indirect_dma source(%dma_start3A_58 : memref<10000x16xf32, #tpu.memory_space<hbm>>) target(%arg11 : memref<128x16xf32, #tpu.memory_space<vmem>>) offsets(%dma_start3A_55 : memref<128xi32, #tpu.memory_space<vmem>>) semaphore(%arg20 : memref<!tpu.dma_semaphore, #tpu.memory_space<semaphore_mem>>)
      %dma_start3A_59 = arith.constant 1 : i32
      %dma_start3A_60 = arith.constant 0 : i32
      %dma_start3A_61 = tpu.memref_slice %arg9[%dma_start3A_59, %dma_start3A_60] : memref<40x128xi32, #tpu.memory_space<vmem>> -> memref<1x128xi32, #tpu.memory_space<vmem>>
      %dma_start3A_62 = tpu.memref_squeeze %dma_start3A_61 : memref<1x128xi32, #tpu.memory_space<vmem>> -> memref<128xi32, #tpu.memory_space<vmem>>
      %dma_start3A_63 = arith.constant 0 : i32
      %dma_start3A_64 = arith.constant 0 : i32
      %dma_start3A_65 = tpu.memref_slice %arg2[%dma_start3A_63, %dma_start3A_64] : memref<10000x16xf32, #tpu.memory_space<hbm>> -> memref<10000x16xf32, #tpu.memory_space<hbm>>
      tpu.enqueue_indirect_dma source(%dma_start3A_65 : memref<10000x16xf32, #tpu.memory_space<hbm>>) target(%arg12 : memref<128x16xf32, #tpu.memory_space<vmem>>) offsets(%dma_start3A_62 : memref<128xi32, #tpu.memory_space<vmem>>) semaphore(%arg21 : memref<!tpu.dma_semaphore, #tpu.memory_space<semaphore_mem>>)
      %dma_start3A_66 = arith.constant 2 : i32
      %dma_start3A_67 = arith.constant 0 : i32
      %dma_start3A_68 = tpu.memref_slice %arg9[%dma_start3A_66, %dma_start3A_67] : memref<40x128xi32, #tpu.memory_space<vmem>> -> memref<1x128xi32, #tpu.memory_space<vmem>>
      %dma_start3A_69 = tpu.memref_squeeze %dma_start3A_68 : memref<1x128xi32, #tpu.memory_space<vmem>> -> memref<128xi32, #tpu.memory_space<vmem>>
      %dma_start3A_70 = arith.constant 0 : i32
      %dma_start3A_71 = arith.constant 0 : i32
      %dma_start3A_72 = tpu.memref_slice %arg2[%dma_start3A_70, %dma_start3A_71] : memref<10000x16xf32, #tpu.memory_space<hbm>> -> memref<10000x16xf32, #tpu.memory_space<hbm>>
      tpu.enqueue_indirect_dma source(%dma_start3A_72 : memref<10000x16xf32, #tpu.memory_space<hbm>>) target(%arg13 : memref<128x16xf32, #tpu.memory_space<vmem>>) offsets(%dma_start3A_69 : memref<128xi32, #tpu.memory_space<vmem>>) semaphore(%arg22 : memref<!tpu.dma_semaphore, #tpu.memory_space<semaphore_mem>>)
      %dma_start3A_73 = arith.constant 3 : i32
      %dma_start3A_74 = arith.constant 0 : i32
      %dma_start3A_75 = tpu.memref_slice %arg9[%dma_start3A_73, %dma_start3A_74] : memref<40x128xi32, #tpu.memory_space<vmem>> -> memref<1x128xi32, #tpu.memory_space<vmem>>
      %dma_start3A_76 = tpu.memref_squeeze %dma_start3A_75 : memref<1x128xi32, #tpu.memory_space<vmem>> -> memref<128xi32, #tpu.memory_space<vmem>>
      %dma_start3A_77 = arith.constant 0 : i32
      %dma_start3A_78 = arith.constant 0 : i32
      %dma_start3A_79 = tpu.memref_slice %arg2[%dma_start3A_77, %dma_start3A_78] : memref<10000x16xf32, #tpu.memory_space<hbm>> -> memref<10000x16xf32, #tpu.memory_space<hbm>>
      tpu.enqueue_indirect_dma source(%dma_start3A_79 : memref<10000x16xf32, #tpu.memory_space<hbm>>) target(%arg14 : memref<128x16xf32, #tpu.memory_space<vmem>>) offsets(%dma_start3A_76 : memref<128xi32, #tpu.memory_space<vmem>>) semaphore(%arg23 : memref<!tpu.dma_semaphore, #tpu.memory_space<semaphore_mem>>)
      %dma_start3A_80 = arith.constant 4 : i32
      %dma_start3A_81 = arith.constant 0 : i32
      %dma_start3A_82 = tpu.memref_slice %arg9[%dma_start3A_80, %dma_start3A_81] : memref<40x128xi32, #tpu.memory_space<vmem>> -> memref<1x128xi32, #tpu.memory_space<vmem>>
      %dma_start3A_83 = tpu.memref_squeeze %dma_start3A_82 : memref<1x128xi32, #tpu.memory_space<vmem>> -> memref<128xi32, #tpu.memory_space<vmem>>
      %dma_start3A_84 = arith.constant 0 : i32
      %dma_start3A_85 = arith.constant 0 : i32
      %dma_start3A_86 = tpu.memref_slice %arg2[%dma_start3A_84, %dma_start3A_85] : memref<10000x16xf32, #tpu.memory_space<hbm>> -> memref<10000x16xf32, #tpu.memory_space<hbm>>
      tpu.enqueue_indirect_dma source(%dma_start3A_86 : memref<10000x16xf32, #tpu.memory_space<hbm>>) target(%arg15 : memref<128x16xf32, #tpu.memory_space<vmem>>) offsets(%dma_start3A_83 : memref<128xi32, #tpu.memory_space<vmem>>) semaphore(%arg24 : memref<!tpu.dma_semaphore, #tpu.memory_space<semaphore_mem>>)
      %dma_start3A_87 = arith.constant 5 : i32
      %dma_start3A_88 = arith.constant 0 : i32
      %dma_start3A_89 = tpu.memref_slice %arg9[%dma_start3A_87, %dma_start3A_88] : memref<40x128xi32, #tpu.memory_space<vmem>> -> memref<1x128xi32, #tpu.memory_space<vmem>>
      %dma_start3A_90 = tpu.memref_squeeze %dma_start3A_89 : memref<1x128xi32, #tpu.memory_space<vmem>> -> memref<128xi32, #tpu.memory_space<vmem>>
      %dma_start3A_91 = arith.constant 0 : i32
      %dma_start3A_92 = arith.constant 0 : i32
      %dma_start3A_93 = tpu.memref_slice %arg2[%dma_start3A_91, %dma_start3A_92] : memref<10000x16xf32, #tpu.memory_space<hbm>> -> memref<10000x16xf32, #tpu.memory_space<hbm>>
      tpu.enqueue_indirect_dma source(%dma_start3A_93 : memref<10000x16xf32, #tpu.memory_space<hbm>>) target(%arg16 : memref<128x16xf32, #tpu.memory_space<vmem>>) offsets(%dma_start3A_90 : memref<128xi32, #tpu.memory_space<vmem>>) semaphore(%arg25 : memref<!tpu.dma_semaphore, #tpu.memory_space<semaphore_mem>>)
      %dma_start3A_94 = arith.constant 6 : i32
      %dma_start3A_95 = arith.constant 0 : i32
      %dma_start3A_96 = tpu.memref_slice %arg9[%dma_start3A_94, %dma_start3A_95] : memref<40x128xi32, #tpu.memory_space<vmem>> -> memref<1x128xi32, #tpu.memory_space<vmem>>
      %dma_start3A_97 = tpu.memref_squeeze %dma_start3A_96 : memref<1x128xi32, #tpu.memory_space<vmem>> -> memref<128xi32, #tpu.memory_space<vmem>>
      %dma_start3A_98 = arith.constant 0 : i32
      %dma_start3A_99 = arith.constant 0 : i32
      %dma_start3A_100 = tpu.memref_slice %arg2[%dma_start3A_98, %dma_start3A_99] : memref<10000x16xf32, #tpu.memory_space<hbm>> -> memref<10000x16xf32, #tpu.memory_space<hbm>>
      tpu.enqueue_indirect_dma source(%dma_start3A_100 : memref<10000x16xf32, #tpu.memory_space<hbm>>) target(%arg17 : memref<128x16xf32, #tpu.memory_space<vmem>>) offsets(%dma_start3A_97 : memref<128xi32, #tpu.memory_space<vmem>>) semaphore(%arg26 : memref<!tpu.dma_semaphore, #tpu.memory_space<semaphore_mem>>)
      %dma_start3A_101 = arith.constant 7 : i32
      %dma_start3A_102 = arith.constant 0 : i32
      %dma_start3A_103 = tpu.memref_slice %arg9[%dma_start3A_101, %dma_start3A_102] : memref<40x128xi32, #tpu.memory_space<vmem>> -> memref<1x128xi32, #tpu.memory_space<vmem>>
      %dma_start3A_104 = tpu.memref_squeeze %dma_start3A_103 : memref<1x128xi32, #tpu.memory_space<vmem>> -> memref<128xi32, #tpu.memory_space<vmem>>
      %dma_start3A_105 = arith.constant 0 : i32
      %dma_start3A_106 = arith.constant 0 : i32
      %dma_start3A_107 = tpu.memref_slice %arg2[%dma_start3A_105, %dma_start3A_106] : memref<10000x16xf32, #tpu.memory_space<hbm>> -> memref<10000x16xf32, #tpu.memory_space<hbm>>
      tpu.enqueue_indirect_dma source(%dma_start3A_107 : memref<10000x16xf32, #tpu.memory_space<hbm>>) target(%arg18 : memref<128x16xf32, #tpu.memory_space<vmem>>) offsets(%dma_start3A_104 : memref<128xi32, #tpu.memory_space<vmem>>) semaphore(%arg27 : memref<!tpu.dma_semaphore, #tpu.memory_space<semaphore_mem>>)
      %scan3A = arith.constant 0 : i32
      %scan3A_108 = arith.constant 5 : i32
      %scan3A_109 = arith.addi %scan3A, %scan3A_108 : i32
      %scan3A_110 = arith.constant 1 : i32
      scf.for %scan3A_112 = %scan3A to %scan3A_109 step %scan3A_110  : i32 {
        %mul3A_113 = arith.constant 8 : i32
        %mul3A_114 = arith.muli %scan3A_112, %mul3A_113 : i32
        %add3A = arith.constant 0 : i32
        %add3A_115 = arith.addi %add3A, %mul3A_114 : i32
        %add3A_116 = arith.constant 0 : i32
        %add3A_117 = arith.addi %add3A_115, %add3A_116 : i32
        %dma_wait3A = arith.constant 0 : i32
        %dma_wait3A_118 = tpu.memref_slice %arg9[%add3A_117, %dma_wait3A] : memref<40x128xi32, #tpu.memory_space<vmem>> -> memref<1x128xi32, #tpu.memory_space<vmem>>
        %dma_wait3A_119 = tpu.memref_squeeze %dma_wait3A_118 : memref<1x128xi32, #tpu.memory_space<vmem>> -> memref<128xi32, #tpu.memory_space<vmem>>
        %dma_wait3A_120 = arith.constant 0 : i32
        %dma_wait3A_121 = arith.constant 0 : i32
        %dma_wait3A_122 = tpu.memref_slice %arg2[%dma_wait3A_120, %dma_wait3A_121] : memref<10000x16xf32, #tpu.memory_space<hbm>> -> memref<10000x16xf32, #tpu.memory_space<hbm>>
        tpu.wait_indirect_dma semaphore(%arg20 : memref<!tpu.dma_semaphore, #tpu.memory_space<semaphore_mem>>) src(%dma_wait3A_122 : memref<10000x16xf32, #tpu.memory_space<hbm>>) dst(%arg11 : memref<128x16xf32, #tpu.memory_space<vmem>>)
        %add3A_123 = arith.constant 0 : i32
        %add3A_124 = arith.addi %add3A_115, %add3A_123 : i32
        %dma_start3A_125 = arith.constant 0 : i32
        %dma_start3A_126 = tpu.memref_slice %arg10[%add3A_124, %dma_start3A_125] : memref<40x128xi32, #tpu.memory_space<vmem>> -> memref<1x128xi32, #tpu.memory_space<vmem>>
        %dma_start3A_127 = tpu.memref_squeeze %dma_start3A_126 : memref<1x128xi32, #tpu.memory_space<vmem>> -> memref<128xi32, #tpu.memory_space<vmem>>
        %dma_start3A_128 = arith.constant 0 : i32
        %dma_start3A_129 = arith.constant 0 : i32
        %dma_start3A_130 = tpu.memref_slice %arg19[%dma_start3A_128, %dma_start3A_129] : memref<10240x16xf32, #tpu.memory_space<vmem_shared>> -> memref<10240x16xf32, #tpu.memory_space<vmem_shared>>
        tpu.enqueue_indirect_dma source(%arg11 : memref<128x16xf32, #tpu.memory_space<vmem>>) target(%dma_start3A_130 : memref<10240x16xf32, #tpu.memory_space<vmem_shared>>) offsets(%dma_start3A_127 : memref<128xi32, #tpu.memory_space<vmem>>) semaphore(%arg28 : memref<!tpu.dma_semaphore, #tpu.memory_space<semaphore_mem>>) {add = true}
        %add3A_131 = arith.constant 1 : i32
        %add3A_132 = arith.addi %add3A_115, %add3A_131 : i32
        %dma_wait3A_133 = arith.constant 0 : i32
        %dma_wait3A_134 = tpu.memref_slice %arg9[%add3A_132, %dma_wait3A_133] : memref<40x128xi32, #tpu.memory_space<vmem>> -> memref<1x128xi32, #tpu.memory_space<vmem>>
        %dma_wait3A_135 = tpu.memref_squeeze %dma_wait3A_134 : memref<1x128xi32, #tpu.memory_space<vmem>> -> memref<128xi32, #tpu.memory_space<vmem>>
        %dma_wait3A_136 = arith.constant 0 : i32
        %dma_wait3A_137 = arith.constant 0 : i32
        %dma_wait3A_138 = tpu.memref_slice %arg2[%dma_wait3A_136, %dma_wait3A_137] : memref<10000x16xf32, #tpu.memory_space<hbm>> -> memref<10000x16xf32, #tpu.memory_space<hbm>>
        tpu.wait_indirect_dma semaphore(%arg21 : memref<!tpu.dma_semaphore, #tpu.memory_space<semaphore_mem>>) src(%dma_wait3A_138 : memref<10000x16xf32, #tpu.memory_space<hbm>>) dst(%arg12 : memref<128x16xf32, #tpu.memory_space<vmem>>)
        %add3A_139 = arith.constant 1 : i32
        %add3A_140 = arith.addi %add3A_115, %add3A_139 : i32
        %dma_start3A_141 = arith.constant 0 : i32
        %dma_start3A_142 = tpu.memref_slice %arg10[%add3A_140, %dma_start3A_141] : memref<40x128xi32, #tpu.memory_space<vmem>> -> memref<1x128xi32, #tpu.memory_space<vmem>>
        %dma_start3A_143 = tpu.memref_squeeze %dma_start3A_142 : memref<1x128xi32, #tpu.memory_space<vmem>> -> memref<128xi32, #tpu.memory_space<vmem>>
        %dma_start3A_144 = arith.constant 0 : i32
        %dma_start3A_145 = arith.constant 0 : i32
        %dma_start3A_146 = tpu.memref_slice %arg19[%dma_start3A_144, %dma_start3A_145] : memref<10240x16xf32, #tpu.memory_space<vmem_shared>> -> memref<10240x16xf32, #tpu.memory_space<vmem_shared>>
        tpu.enqueue_indirect_dma source(%arg12 : memref<128x16xf32, #tpu.memory_space<vmem>>) target(%dma_start3A_146 : memref<10240x16xf32, #tpu.memory_space<vmem_shared>>) offsets(%dma_start3A_143 : memref<128xi32, #tpu.memory_space<vmem>>) semaphore(%arg29 : memref<!tpu.dma_semaphore, #tpu.memory_space<semaphore_mem>>) {add = true}
        %add3A_147 = arith.constant 2 : i32
        %add3A_148 = arith.addi %add3A_115, %add3A_147 : i32
        %dma_wait3A_149 = arith.constant 0 : i32
        %dma_wait3A_150 = tpu.memref_slice %arg9[%add3A_148, %dma_wait3A_149] : memref<40x128xi32, #tpu.memory_space<vmem>> -> memref<1x128xi32, #tpu.memory_space<vmem>>
        %dma_wait3A_151 = tpu.memref_squeeze %dma_wait3A_150 : memref<1x128xi32, #tpu.memory_space<vmem>> -> memref<128xi32, #tpu.memory_space<vmem>>
        %dma_wait3A_152 = arith.constant 0 : i32
        %dma_wait3A_153 = arith.constant 0 : i32
        %dma_wait3A_154 = tpu.memref_slice %arg2[%dma_wait3A_152, %dma_wait3A_153] : memref<10000x16xf32, #tpu.memory_space<hbm>> -> memref<10000x16xf32, #tpu.memory_space<hbm>>
        tpu.wait_indirect_dma semaphore(%arg22 : memref<!tpu.dma_semaphore, #tpu.memory_space<semaphore_mem>>) src(%dma_wait3A_154 : memref<10000x16xf32, #tpu.memory_space<hbm>>) dst(%arg13 : memref<128x16xf32, #tpu.memory_space<vmem>>)
        %add3A_155 = arith.constant 2 : i32
        %add3A_156 = arith.addi %add3A_115, %add3A_155 : i32
        %dma_start3A_157 = arith.constant 0 : i32
        %dma_start3A_158 = tpu.memref_slice %arg10[%add3A_156, %dma_start3A_157] : memref<40x128xi32, #tpu.memory_space<vmem>> -> memref<1x128xi32, #tpu.memory_space<vmem>>
        %dma_start3A_159 = tpu.memref_squeeze %dma_start3A_158 : memref<1x128xi32, #tpu.memory_space<vmem>> -> memref<128xi32, #tpu.memory_space<vmem>>
        %dma_start3A_160 = arith.constant 0 : i32
        %dma_start3A_161 = arith.constant 0 : i32
        %dma_start3A_162 = tpu.memref_slice %arg19[%dma_start3A_160, %dma_start3A_161] : memref<10240x16xf32, #tpu.memory_space<vmem_shared>> -> memref<10240x16xf32, #tpu.memory_space<vmem_shared>>
        tpu.enqueue_indirect_dma source(%arg13 : memref<128x16xf32, #tpu.memory_space<vmem>>) target(%dma_start3A_162 : memref<10240x16xf32, #tpu.memory_space<vmem_shared>>) offsets(%dma_start3A_159 : memref<128xi32, #tpu.memory_space<vmem>>) semaphore(%arg30 : memref<!tpu.dma_semaphore, #tpu.memory_space<semaphore_mem>>) {add = true}
        %add3A_163 = arith.constant 3 : i32
        %add3A_164 = arith.addi %add3A_115, %add3A_163 : i32
        %dma_wait3A_165 = arith.constant 0 : i32
        %dma_wait3A_166 = tpu.memref_slice %arg9[%add3A_164, %dma_wait3A_165] : memref<40x128xi32, #tpu.memory_space<vmem>> -> memref<1x128xi32, #tpu.memory_space<vmem>>
        %dma_wait3A_167 = tpu.memref_squeeze %dma_wait3A_166 : memref<1x128xi32, #tpu.memory_space<vmem>> -> memref<128xi32, #tpu.memory_space<vmem>>
        %dma_wait3A_168 = arith.constant 0 : i32
        %dma_wait3A_169 = arith.constant 0 : i32
        %dma_wait3A_170 = tpu.memref_slice %arg2[%dma_wait3A_168, %dma_wait3A_169] : memref<10000x16xf32, #tpu.memory_space<hbm>> -> memref<10000x16xf32, #tpu.memory_space<hbm>>
        tpu.wait_indirect_dma semaphore(%arg23 : memref<!tpu.dma_semaphore, #tpu.memory_space<semaphore_mem>>) src(%dma_wait3A_170 : memref<10000x16xf32, #tpu.memory_space<hbm>>) dst(%arg14 : memref<128x16xf32, #tpu.memory_space<vmem>>)
        %add3A_171 = arith.constant 3 : i32
        %add3A_172 = arith.addi %add3A_115, %add3A_171 : i32
        %dma_start3A_173 = arith.constant 0 : i32
        %dma_start3A_174 = tpu.memref_slice %arg10[%add3A_172, %dma_start3A_173] : memref<40x128xi32, #tpu.memory_space<vmem>> -> memref<1x128xi32, #tpu.memory_space<vmem>>
        %dma_start3A_175 = tpu.memref_squeeze %dma_start3A_174 : memref<1x128xi32, #tpu.memory_space<vmem>> -> memref<128xi32, #tpu.memory_space<vmem>>
        %dma_start3A_176 = arith.constant 0 : i32
        %dma_start3A_177 = arith.constant 0 : i32
        %dma_start3A_178 = tpu.memref_slice %arg19[%dma_start3A_176, %dma_start3A_177] : memref<10240x16xf32, #tpu.memory_space<vmem_shared>> -> memref<10240x16xf32, #tpu.memory_space<vmem_shared>>
        tpu.enqueue_indirect_dma source(%arg14 : memref<128x16xf32, #tpu.memory_space<vmem>>) target(%dma_start3A_178 : memref<10240x16xf32, #tpu.memory_space<vmem_shared>>) offsets(%dma_start3A_175 : memref<128xi32, #tpu.memory_space<vmem>>) semaphore(%arg31 : memref<!tpu.dma_semaphore, #tpu.memory_space<semaphore_mem>>) {add = true}
        %add3A_179 = arith.constant 4 : i32
        %add3A_180 = arith.addi %add3A_115, %add3A_179 : i32
        %dma_wait3A_181 = arith.constant 0 : i32
        %dma_wait3A_182 = tpu.memref_slice %arg9[%add3A_180, %dma_wait3A_181] : memref<40x128xi32, #tpu.memory_space<vmem>> -> memref<1x128xi32, #tpu.memory_space<vmem>>
        %dma_wait3A_183 = tpu.memref_squeeze %dma_wait3A_182 : memref<1x128xi32, #tpu.memory_space<vmem>> -> memref<128xi32, #tpu.memory_space<vmem>>
        %dma_wait3A_184 = arith.constant 0 : i32
        %dma_wait3A_185 = arith.constant 0 : i32
        %dma_wait3A_186 = tpu.memref_slice %arg2[%dma_wait3A_184, %dma_wait3A_185] : memref<10000x16xf32, #tpu.memory_space<hbm>> -> memref<10000x16xf32, #tpu.memory_space<hbm>>
        tpu.wait_indirect_dma semaphore(%arg24 : memref<!tpu.dma_semaphore, #tpu.memory_space<semaphore_mem>>) src(%dma_wait3A_186 : memref<10000x16xf32, #tpu.memory_space<hbm>>) dst(%arg15 : memref<128x16xf32, #tpu.memory_space<vmem>>)
        %add3A_187 = arith.constant 4 : i32
        %add3A_188 = arith.addi %add3A_115, %add3A_187 : i32
        %dma_start3A_189 = arith.constant 0 : i32
        %dma_start3A_190 = tpu.memref_slice %arg10[%add3A_188, %dma_start3A_189] : memref<40x128xi32, #tpu.memory_space<vmem>> -> memref<1x128xi32, #tpu.memory_space<vmem>>
        %dma_start3A_191 = tpu.memref_squeeze %dma_start3A_190 : memref<1x128xi32, #tpu.memory_space<vmem>> -> memref<128xi32, #tpu.memory_space<vmem>>
        %dma_start3A_192 = arith.constant 0 : i32
        %dma_start3A_193 = arith.constant 0 : i32
        %dma_start3A_194 = tpu.memref_slice %arg19[%dma_start3A_192, %dma_start3A_193] : memref<10240x16xf32, #tpu.memory_space<vmem_shared>> -> memref<10240x16xf32, #tpu.memory_space<vmem_shared>>
        tpu.enqueue_indirect_dma source(%arg15 : memref<128x16xf32, #tpu.memory_space<vmem>>) target(%dma_start3A_194 : memref<10240x16xf32, #tpu.memory_space<vmem_shared>>) offsets(%dma_start3A_191 : memref<128xi32, #tpu.memory_space<vmem>>) semaphore(%arg32 : memref<!tpu.dma_semaphore, #tpu.memory_space<semaphore_mem>>) {add = true}
        %add3A_195 = arith.constant 5 : i32
        %add3A_196 = arith.addi %add3A_115, %add3A_195 : i32
        %dma_wait3A_197 = arith.constant 0 : i32
        %dma_wait3A_198 = tpu.memref_slice %arg9[%add3A_196, %dma_wait3A_197] : memref<40x128xi32, #tpu.memory_space<vmem>> -> memref<1x128xi32, #tpu.memory_space<vmem>>
        %dma_wait3A_199 = tpu.memref_squeeze %dma_wait3A_198 : memref<1x128xi32, #tpu.memory_space<vmem>> -> memref<128xi32, #tpu.memory_space<vmem>>
        %dma_wait3A_200 = arith.constant 0 : i32
        %dma_wait3A_201 = arith.constant 0 : i32
        %dma_wait3A_202 = tpu.memref_slice %arg2[%dma_wait3A_200, %dma_wait3A_201] : memref<10000x16xf32, #tpu.memory_space<hbm>> -> memref<10000x16xf32, #tpu.memory_space<hbm>>
        tpu.wait_indirect_dma semaphore(%arg25 : memref<!tpu.dma_semaphore, #tpu.memory_space<semaphore_mem>>) src(%dma_wait3A_202 : memref<10000x16xf32, #tpu.memory_space<hbm>>) dst(%arg16 : memref<128x16xf32, #tpu.memory_space<vmem>>)
        %add3A_203 = arith.constant 5 : i32
        %add3A_204 = arith.addi %add3A_115, %add3A_203 : i32
        %dma_start3A_205 = arith.constant 0 : i32
        %dma_start3A_206 = tpu.memref_slice %arg10[%add3A_204, %dma_start3A_205] : memref<40x128xi32, #tpu.memory_space<vmem>> -> memref<1x128xi32, #tpu.memory_space<vmem>>
        %dma_start3A_207 = tpu.memref_squeeze %dma_start3A_206 : memref<1x128xi32, #tpu.memory_space<vmem>> -> memref<128xi32, #tpu.memory_space<vmem>>
        %dma_start3A_208 = arith.constant 0 : i32
        %dma_start3A_209 = arith.constant 0 : i32
        %dma_start3A_210 = tpu.memref_slice %arg19[%dma_start3A_208, %dma_start3A_209] : memref<10240x16xf32, #tpu.memory_space<vmem_shared>> -> memref<10240x16xf32, #tpu.memory_space<vmem_shared>>
        tpu.enqueue_indirect_dma source(%arg16 : memref<128x16xf32, #tpu.memory_space<vmem>>) target(%dma_start3A_210 : memref<10240x16xf32, #tpu.memory_space<vmem_shared>>) offsets(%dma_start3A_207 : memref<128xi32, #tpu.memory_space<vmem>>) semaphore(%arg33 : memref<!tpu.dma_semaphore, #tpu.memory_space<semaphore_mem>>) {add = true}
        %add3A_211 = arith.constant 6 : i32
        %add3A_212 = arith.addi %add3A_115, %add3A_211 : i32
        %dma_wait3A_213 = arith.constant 0 : i32
        %dma_wait3A_214 = tpu.memref_slice %arg9[%add3A_212, %dma_wait3A_213] : memref<40x128xi32, #tpu.memory_space<vmem>> -> memref<1x128xi32, #tpu.memory_space<vmem>>
        %dma_wait3A_215 = tpu.memref_squeeze %dma_wait3A_214 : memref<1x128xi32, #tpu.memory_space<vmem>> -> memref<128xi32, #tpu.memory_space<vmem>>
        %dma_wait3A_216 = arith.constant 0 : i32
        %dma_wait3A_217 = arith.constant 0 : i32
        %dma_wait3A_218 = tpu.memref_slice %arg2[%dma_wait3A_216, %dma_wait3A_217] : memref<10000x16xf32, #tpu.memory_space<hbm>> -> memref<10000x16xf32, #tpu.memory_space<hbm>>
        tpu.wait_indirect_dma semaphore(%arg26 : memref<!tpu.dma_semaphore, #tpu.memory_space<semaphore_mem>>) src(%dma_wait3A_218 : memref<10000x16xf32, #tpu.memory_space<hbm>>) dst(%arg17 : memref<128x16xf32, #tpu.memory_space<vmem>>)
        %add3A_219 = arith.constant 6 : i32
        %add3A_220 = arith.addi %add3A_115, %add3A_219 : i32
        %dma_start3A_221 = arith.constant 0 : i32
        %dma_start3A_222 = tpu.memref_slice %arg10[%add3A_220, %dma_start3A_221] : memref<40x128xi32, #tpu.memory_space<vmem>> -> memref<1x128xi32, #tpu.memory_space<vmem>>
        %dma_start3A_223 = tpu.memref_squeeze %dma_start3A_222 : memref<1x128xi32, #tpu.memory_space<vmem>> -> memref<128xi32, #tpu.memory_space<vmem>>
        %dma_start3A_224 = arith.constant 0 : i32
        %dma_start3A_225 = arith.constant 0 : i32
        %dma_start3A_226 = tpu.memref_slice %arg19[%dma_start3A_224, %dma_start3A_225] : memref<10240x16xf32, #tpu.memory_space<vmem_shared>> -> memref<10240x16xf32, #tpu.memory_space<vmem_shared>>
        tpu.enqueue_indirect_dma source(%arg17 : memref<128x16xf32, #tpu.memory_space<vmem>>) target(%dma_start3A_226 : memref<10240x16xf32, #tpu.memory_space<vmem_shared>>) offsets(%dma_start3A_223 : memref<128xi32, #tpu.memory_space<vmem>>) semaphore(%arg34 : memref<!tpu.dma_semaphore, #tpu.memory_space<semaphore_mem>>) {add = true}
        %add3A_227 = arith.constant 7 : i32
        %add3A_228 = arith.addi %add3A_115, %add3A_227 : i32
        %dma_wait3A_229 = arith.constant 0 : i32
        %dma_wait3A_230 = tpu.memref_slice %arg9[%add3A_228, %dma_wait3A_229] : memref<40x128xi32, #tpu.memory_space<vmem>> -> memref<1x128xi32, #tpu.memory_space<vmem>>
        %dma_wait3A_231 = tpu.memref_squeeze %dma_wait3A_230 : memref<1x128xi32, #tpu.memory_space<vmem>> -> memref<128xi32, #tpu.memory_space<vmem>>
        %dma_wait3A_232 = arith.constant 0 : i32
        %dma_wait3A_233 = arith.constant 0 : i32
        %dma_wait3A_234 = tpu.memref_slice %arg2[%dma_wait3A_232, %dma_wait3A_233] : memref<10000x16xf32, #tpu.memory_space<hbm>> -> memref<10000x16xf32, #tpu.memory_space<hbm>>
        tpu.wait_indirect_dma semaphore(%arg27 : memref<!tpu.dma_semaphore, #tpu.memory_space<semaphore_mem>>) src(%dma_wait3A_234 : memref<10000x16xf32, #tpu.memory_space<hbm>>) dst(%arg18 : memref<128x16xf32, #tpu.memory_space<vmem>>)
        %add3A_235 = arith.constant 7 : i32
        %add3A_236 = arith.addi %add3A_115, %add3A_235 : i32
        %dma_start3A_237 = arith.constant 0 : i32
        %dma_start3A_238 = tpu.memref_slice %arg10[%add3A_236, %dma_start3A_237] : memref<40x128xi32, #tpu.memory_space<vmem>> -> memref<1x128xi32, #tpu.memory_space<vmem>>
        %dma_start3A_239 = tpu.memref_squeeze %dma_start3A_238 : memref<1x128xi32, #tpu.memory_space<vmem>> -> memref<128xi32, #tpu.memory_space<vmem>>
        %dma_start3A_240 = arith.constant 0 : i32
        %dma_start3A_241 = arith.constant 0 : i32
        %dma_start3A_242 = tpu.memref_slice %arg19[%dma_start3A_240, %dma_start3A_241] : memref<10240x16xf32, #tpu.memory_space<vmem_shared>> -> memref<10240x16xf32, #tpu.memory_space<vmem_shared>>
        tpu.enqueue_indirect_dma source(%arg18 : memref<128x16xf32, #tpu.memory_space<vmem>>) target(%dma_start3A_242 : memref<10240x16xf32, #tpu.memory_space<vmem_shared>>) offsets(%dma_start3A_239 : memref<128xi32, #tpu.memory_space<vmem>>) semaphore(%arg35 : memref<!tpu.dma_semaphore, #tpu.memory_space<semaphore_mem>>) {add = true}
        %add3A_243 = arith.constant 0 : i32
        %add3A_244 = arith.addi %add3A_115, %add3A_243 : i32
        %dma_wait3A_245 = arith.constant 0 : i32
        %dma_wait3A_246 = tpu.memref_slice %arg10[%add3A_244, %dma_wait3A_245] : memref<40x128xi32, #tpu.memory_space<vmem>> -> memref<1x128xi32, #tpu.memory_space<vmem>>
        %dma_wait3A_247 = tpu.memref_squeeze %dma_wait3A_246 : memref<1x128xi32, #tpu.memory_space<vmem>> -> memref<128xi32, #tpu.memory_space<vmem>>
        %dma_wait3A_248 = arith.constant 0 : i32
        %dma_wait3A_249 = arith.constant 0 : i32
        %dma_wait3A_250 = tpu.memref_slice %arg19[%dma_wait3A_248, %dma_wait3A_249] : memref<10240x16xf32, #tpu.memory_space<vmem_shared>> -> memref<10240x16xf32, #tpu.memory_space<vmem_shared>>
        tpu.wait_indirect_dma semaphore(%arg28 : memref<!tpu.dma_semaphore, #tpu.memory_space<semaphore_mem>>) src(%arg11 : memref<128x16xf32, #tpu.memory_space<vmem>>) dst(%dma_wait3A_250 : memref<10240x16xf32, #tpu.memory_space<vmem_shared>>)
        %add3A_251 = arith.constant 0 : i32
        %add3A_252 = arith.addi %add3A_115, %add3A_251 : i32
        %add3A_253 = arith.constant 8 : i32
        %add3A_254 = arith.addi %add3A_252, %add3A_253 : i32
        %lt3A_255 = arith.constant 40 : i32
        %lt3A_256 = arith.cmpi slt, %add3A_254, %lt3A_255 : i32
        %convert_element_type3A_257 = arith.extui %lt3A_256 : i1 to i32
        %cond3A_258 = arith.constant 0 : i32
        %cond3A_259 = arith.cmpi ne, %convert_element_type3A_257, %cond3A_258 : i32
        scf.if %cond3A_259 {
          %add3A_379 = arith.constant 0 : i32
          %add3A_380 = arith.addi %add3A_115, %add3A_379 : i32
          %add3A_381 = arith.constant 8 : i32
          %add3A_382 = arith.addi %add3A_380, %add3A_381 : i32
          %dma_start3A_383 = arith.constant 0 : i32
          %dma_start3A_384 = tpu.memref_slice %arg9[%add3A_382, %dma_start3A_383] : memref<40x128xi32, #tpu.memory_space<vmem>> -> memref<1x128xi32, #tpu.memory_space<vmem>>
          %dma_start3A_385 = tpu.memref_squeeze %dma_start3A_384 : memref<1x128xi32, #tpu.memory_space<vmem>> -> memref<128xi32, #tpu.memory_space<vmem>>
          %dma_start3A_386 = arith.constant 0 : i32
          %dma_start3A_387 = arith.constant 0 : i32
          %dma_start3A_388 = tpu.memref_slice %arg2[%dma_start3A_386, %dma_start3A_387] : memref<10000x16xf32, #tpu.memory_space<hbm>> -> memref<10000x16xf32, #tpu.memory_space<hbm>>
          tpu.enqueue_indirect_dma source(%dma_start3A_388 : memref<10000x16xf32, #tpu.memory_space<hbm>>) target(%arg11 : memref<128x16xf32, #tpu.memory_space<vmem>>) offsets(%dma_start3A_385 : memref<128xi32, #tpu.memory_space<vmem>>) semaphore(%arg20 : memref<!tpu.dma_semaphore, #tpu.memory_space<semaphore_mem>>)
        } else {
        }
        %add3A_260 = arith.constant 1 : i32
        %add3A_261 = arith.addi %add3A_115, %add3A_260 : i32
        %dma_wait3A_262 = arith.constant 0 : i32
        %dma_wait3A_263 = tpu.memref_slice %arg10[%add3A_261, %dma_wait3A_262] : memref<40x128xi32, #tpu.memory_space<vmem>> -> memref<1x128xi32, #tpu.memory_space<vmem>>
        %dma_wait3A_264 = tpu.memref_squeeze %dma_wait3A_263 : memref<1x128xi32, #tpu.memory_space<vmem>> -> memref<128xi32, #tpu.memory_space<vmem>>
        %dma_wait3A_265 = arith.constant 0 : i32
        %dma_wait3A_266 = arith.constant 0 : i32
        %dma_wait3A_267 = tpu.memref_slice %arg19[%dma_wait3A_265, %dma_wait3A_266] : memref<10240x16xf32, #tpu.memory_space<vmem_shared>> -> memref<10240x16xf32, #tpu.memory_space<vmem_shared>>
        tpu.wait_indirect_dma semaphore(%arg29 : memref<!tpu.dma_semaphore, #tpu.memory_space<semaphore_mem>>) src(%arg12 : memref<128x16xf32, #tpu.memory_space<vmem>>) dst(%dma_wait3A_267 : memref<10240x16xf32, #tpu.memory_space<vmem_shared>>)
        %add3A_268 = arith.constant 1 : i32
        %add3A_269 = arith.addi %add3A_115, %add3A_268 : i32
        %add3A_270 = arith.constant 8 : i32
        %add3A_271 = arith.addi %add3A_269, %add3A_270 : i32
        %lt3A_272 = arith.constant 40 : i32
        %lt3A_273 = arith.cmpi slt, %add3A_271, %lt3A_272 : i32
        %convert_element_type3A_274 = arith.extui %lt3A_273 : i1 to i32
        %cond3A_275 = arith.constant 0 : i32
        %cond3A_276 = arith.cmpi ne, %convert_element_type3A_274, %cond3A_275 : i32
        scf.if %cond3A_276 {
          %add3A_379 = arith.constant 1 : i32
          %add3A_380 = arith.addi %add3A_115, %add3A_379 : i32
          %add3A_381 = arith.constant 8 : i32
          %add3A_382 = arith.addi %add3A_380, %add3A_381 : i32
          %dma_start3A_383 = arith.constant 0 : i32
          %dma_start3A_384 = tpu.memref_slice %arg9[%add3A_382, %dma_start3A_383] : memref<40x128xi32, #tpu.memory_space<vmem>> -> memref<1x128xi32, #tpu.memory_space<vmem>>
          %dma_start3A_385 = tpu.memref_squeeze %dma_start3A_384 : memref<1x128xi32, #tpu.memory_space<vmem>> -> memref<128xi32, #tpu.memory_space<vmem>>
          %dma_start3A_386 = arith.constant 0 : i32
          %dma_start3A_387 = arith.constant 0 : i32
          %dma_start3A_388 = tpu.memref_slice %arg2[%dma_start3A_386, %dma_start3A_387] : memref<10000x16xf32, #tpu.memory_space<hbm>> -> memref<10000x16xf32, #tpu.memory_space<hbm>>
          tpu.enqueue_indirect_dma source(%dma_start3A_388 : memref<10000x16xf32, #tpu.memory_space<hbm>>) target(%arg12 : memref<128x16xf32, #tpu.memory_space<vmem>>) offsets(%dma_start3A_385 : memref<128xi32, #tpu.memory_space<vmem>>) semaphore(%arg21 : memref<!tpu.dma_semaphore, #tpu.memory_space<semaphore_mem>>)
        } else {
        }
        %add3A_277 = arith.constant 2 : i32
        %add3A_278 = arith.addi %add3A_115, %add3A_277 : i32
        %dma_wait3A_279 = arith.constant 0 : i32
        %dma_wait3A_280 = tpu.memref_slice %arg10[%add3A_278, %dma_wait3A_279] : memref<40x128xi32, #tpu.memory_space<vmem>> -> memref<1x128xi32, #tpu.memory_space<vmem>>
        %dma_wait3A_281 = tpu.memref_squeeze %dma_wait3A_280 : memref<1x128xi32, #tpu.memory_space<vmem>> -> memref<128xi32, #tpu.memory_space<vmem>>
        %dma_wait3A_282 = arith.constant 0 : i32
        %dma_wait3A_283 = arith.constant 0 : i32
        %dma_wait3A_284 = tpu.memref_slice %arg19[%dma_wait3A_282, %dma_wait3A_283] : memref<10240x16xf32, #tpu.memory_space<vmem_shared>> -> memref<10240x16xf32, #tpu.memory_space<vmem_shared>>
        tpu.wait_indirect_dma semaphore(%arg30 : memref<!tpu.dma_semaphore, #tpu.memory_space<semaphore_mem>>) src(%arg13 : memref<128x16xf32, #tpu.memory_space<vmem>>) dst(%dma_wait3A_284 : memref<10240x16xf32, #tpu.memory_space<vmem_shared>>)
        %add3A_285 = arith.constant 2 : i32
        %add3A_286 = arith.addi %add3A_115, %add3A_285 : i32
        %add3A_287 = arith.constant 8 : i32
        %add3A_288 = arith.addi %add3A_286, %add3A_287 : i32
        %lt3A_289 = arith.constant 40 : i32
        %lt3A_290 = arith.cmpi slt, %add3A_288, %lt3A_289 : i32
        %convert_element_type3A_291 = arith.extui %lt3A_290 : i1 to i32
        %cond3A_292 = arith.constant 0 : i32
        %cond3A_293 = arith.cmpi ne, %convert_element_type3A_291, %cond3A_292 : i32
        scf.if %cond3A_293 {
          %add3A_379 = arith.constant 2 : i32
          %add3A_380 = arith.addi %add3A_115, %add3A_379 : i32
          %add3A_381 = arith.constant 8 : i32
          %add3A_382 = arith.addi %add3A_380, %add3A_381 : i32
          %dma_start3A_383 = arith.constant 0 : i32
          %dma_start3A_384 = tpu.memref_slice %arg9[%add3A_382, %dma_start3A_383] : memref<40x128xi32, #tpu.memory_space<vmem>> -> memref<1x128xi32, #tpu.memory_space<vmem>>
          %dma_start3A_385 = tpu.memref_squeeze %dma_start3A_384 : memref<1x128xi32, #tpu.memory_space<vmem>> -> memref<128xi32, #tpu.memory_space<vmem>>
          %dma_start3A_386 = arith.constant 0 : i32
          %dma_start3A_387 = arith.constant 0 : i32
          %dma_start3A_388 = tpu.memref_slice %arg2[%dma_start3A_386, %dma_start3A_387] : memref<10000x16xf32, #tpu.memory_space<hbm>> -> memref<10000x16xf32, #tpu.memory_space<hbm>>
          tpu.enqueue_indirect_dma source(%dma_start3A_388 : memref<10000x16xf32, #tpu.memory_space<hbm>>) target(%arg13 : memref<128x16xf32, #tpu.memory_space<vmem>>) offsets(%dma_start3A_385 : memref<128xi32, #tpu.memory_space<vmem>>) semaphore(%arg22 : memref<!tpu.dma_semaphore, #tpu.memory_space<semaphore_mem>>)
        } else {
        }
        %add3A_294 = arith.constant 3 : i32
        %add3A_295 = arith.addi %add3A_115, %add3A_294 : i32
        %dma_wait3A_296 = arith.constant 0 : i32
        %dma_wait3A_297 = tpu.memref_slice %arg10[%add3A_295, %dma_wait3A_296] : memref<40x128xi32, #tpu.memory_space<vmem>> -> memref<1x128xi32, #tpu.memory_space<vmem>>
        %dma_wait3A_298 = tpu.memref_squeeze %dma_wait3A_297 : memref<1x128xi32, #tpu.memory_space<vmem>> -> memref<128xi32, #tpu.memory_space<vmem>>
        %dma_wait3A_299 = arith.constant 0 : i32
        %dma_wait3A_300 = arith.constant 0 : i32
        %dma_wait3A_301 = tpu.memref_slice %arg19[%dma_wait3A_299, %dma_wait3A_300] : memref<10240x16xf32, #tpu.memory_space<vmem_shared>> -> memref<10240x16xf32, #tpu.memory_space<vmem_shared>>
        tpu.wait_indirect_dma semaphore(%arg31 : memref<!tpu.dma_semaphore, #tpu.memory_space<semaphore_mem>>) src(%arg14 : memref<128x16xf32, #tpu.memory_space<vmem>>) dst(%dma_wait3A_301 : memref<10240x16xf32, #tpu.memory_space<vmem_shared>>)
        %add3A_302 = arith.constant 3 : i32
        %add3A_303 = arith.addi %add3A_115, %add3A_302 : i32
        %add3A_304 = arith.constant 8 : i32
        %add3A_305 = arith.addi %add3A_303, %add3A_304 : i32
        %lt3A_306 = arith.constant 40 : i32
        %lt3A_307 = arith.cmpi slt, %add3A_305, %lt3A_306 : i32
        %convert_element_type3A_308 = arith.extui %lt3A_307 : i1 to i32
        %cond3A_309 = arith.constant 0 : i32
        %cond3A_310 = arith.cmpi ne, %convert_element_type3A_308, %cond3A_309 : i32
        scf.if %cond3A_310 {
          %add3A_379 = arith.constant 3 : i32
          %add3A_380 = arith.addi %add3A_115, %add3A_379 : i32
          %add3A_381 = arith.constant 8 : i32
          %add3A_382 = arith.addi %add3A_380, %add3A_381 : i32
          %dma_start3A_383 = arith.constant 0 : i32
          %dma_start3A_384 = tpu.memref_slice %arg9[%add3A_382, %dma_start3A_383] : memref<40x128xi32, #tpu.memory_space<vmem>> -> memref<1x128xi32, #tpu.memory_space<vmem>>
          %dma_start3A_385 = tpu.memref_squeeze %dma_start3A_384 : memref<1x128xi32, #tpu.memory_space<vmem>> -> memref<128xi32, #tpu.memory_space<vmem>>
          %dma_start3A_386 = arith.constant 0 : i32
          %dma_start3A_387 = arith.constant 0 : i32
          %dma_start3A_388 = tpu.memref_slice %arg2[%dma_start3A_386, %dma_start3A_387] : memref<10000x16xf32, #tpu.memory_space<hbm>> -> memref<10000x16xf32, #tpu.memory_space<hbm>>
          tpu.enqueue_indirect_dma source(%dma_start3A_388 : memref<10000x16xf32, #tpu.memory_space<hbm>>) target(%arg14 : memref<128x16xf32, #tpu.memory_space<vmem>>) offsets(%dma_start3A_385 : memref<128xi32, #tpu.memory_space<vmem>>) semaphore(%arg23 : memref<!tpu.dma_semaphore, #tpu.memory_space<semaphore_mem>>)
        } else {
        }
        %add3A_311 = arith.constant 4 : i32
        %add3A_312 = arith.addi %add3A_115, %add3A_311 : i32
        %dma_wait3A_313 = arith.constant 0 : i32
        %dma_wait3A_314 = tpu.memref_slice %arg10[%add3A_312, %dma_wait3A_313] : memref<40x128xi32, #tpu.memory_space<vmem>> -> memref<1x128xi32, #tpu.memory_space<vmem>>
        %dma_wait3A_315 = tpu.memref_squeeze %dma_wait3A_314 : memref<1x128xi32, #tpu.memory_space<vmem>> -> memref<128xi32, #tpu.memory_space<vmem>>
        %dma_wait3A_316 = arith.constant 0 : i32
        %dma_wait3A_317 = arith.constant 0 : i32
        %dma_wait3A_318 = tpu.memref_slice %arg19[%dma_wait3A_316, %dma_wait3A_317] : memref<10240x16xf32, #tpu.memory_space<vmem_shared>> -> memref<10240x16xf32, #tpu.memory_space<vmem_shared>>
        tpu.wait_indirect_dma semaphore(%arg32 : memref<!tpu.dma_semaphore, #tpu.memory_space<semaphore_mem>>) src(%arg15 : memref<128x16xf32, #tpu.memory_space<vmem>>) dst(%dma_wait3A_318 : memref<10240x16xf32, #tpu.memory_space<vmem_shared>>)
        %add3A_319 = arith.constant 4 : i32
        %add3A_320 = arith.addi %add3A_115, %add3A_319 : i32
        %add3A_321 = arith.constant 8 : i32
        %add3A_322 = arith.addi %add3A_320, %add3A_321 : i32
        %lt3A_323 = arith.constant 40 : i32
        %lt3A_324 = arith.cmpi slt, %add3A_322, %lt3A_323 : i32
        %convert_element_type3A_325 = arith.extui %lt3A_324 : i1 to i32
        %cond3A_326 = arith.constant 0 : i32
        %cond3A_327 = arith.cmpi ne, %convert_element_type3A_325, %cond3A_326 : i32
        scf.if %cond3A_327 {
          %add3A_379 = arith.constant 4 : i32
          %add3A_380 = arith.addi %add3A_115, %add3A_379 : i32
          %add3A_381 = arith.constant 8 : i32
          %add3A_382 = arith.addi %add3A_380, %add3A_381 : i32
          %dma_start3A_383 = arith.constant 0 : i32
          %dma_start3A_384 = tpu.memref_slice %arg9[%add3A_382, %dma_start3A_383] : memref<40x128xi32, #tpu.memory_space<vmem>> -> memref<1x128xi32, #tpu.memory_space<vmem>>
          %dma_start3A_385 = tpu.memref_squeeze %dma_start3A_384 : memref<1x128xi32, #tpu.memory_space<vmem>> -> memref<128xi32, #tpu.memory_space<vmem>>
          %dma_start3A_386 = arith.constant 0 : i32
          %dma_start3A_387 = arith.constant 0 : i32
          %dma_start3A_388 = tpu.memref_slice %arg2[%dma_start3A_386, %dma_start3A_387] : memref<10000x16xf32, #tpu.memory_space<hbm>> -> memref<10000x16xf32, #tpu.memory_space<hbm>>
          tpu.enqueue_indirect_dma source(%dma_start3A_388 : memref<10000x16xf32, #tpu.memory_space<hbm>>) target(%arg15 : memref<128x16xf32, #tpu.memory_space<vmem>>) offsets(%dma_start3A_385 : memref<128xi32, #tpu.memory_space<vmem>>) semaphore(%arg24 : memref<!tpu.dma_semaphore, #tpu.memory_space<semaphore_mem>>)
        } else {
        }
        %add3A_328 = arith.constant 5 : i32
        %add3A_329 = arith.addi %add3A_115, %add3A_328 : i32
        %dma_wait3A_330 = arith.constant 0 : i32
        %dma_wait3A_331 = tpu.memref_slice %arg10[%add3A_329, %dma_wait3A_330] : memref<40x128xi32, #tpu.memory_space<vmem>> -> memref<1x128xi32, #tpu.memory_space<vmem>>
        %dma_wait3A_332 = tpu.memref_squeeze %dma_wait3A_331 : memref<1x128xi32, #tpu.memory_space<vmem>> -> memref<128xi32, #tpu.memory_space<vmem>>
        %dma_wait3A_333 = arith.constant 0 : i32
        %dma_wait3A_334 = arith.constant 0 : i32
        %dma_wait3A_335 = tpu.memref_slice %arg19[%dma_wait3A_333, %dma_wait3A_334] : memref<10240x16xf32, #tpu.memory_space<vmem_shared>> -> memref<10240x16xf32, #tpu.memory_space<vmem_shared>>
        tpu.wait_indirect_dma semaphore(%arg33 : memref<!tpu.dma_semaphore, #tpu.memory_space<semaphore_mem>>) src(%arg16 : memref<128x16xf32, #tpu.memory_space<vmem>>) dst(%dma_wait3A_335 : memref<10240x16xf32, #tpu.memory_space<vmem_shared>>)
        %add3A_336 = arith.constant 5 : i32
        %add3A_337 = arith.addi %add3A_115, %add3A_336 : i32
        %add3A_338 = arith.constant 8 : i32
        %add3A_339 = arith.addi %add3A_337, %add3A_338 : i32
        %lt3A_340 = arith.constant 40 : i32
        %lt3A_341 = arith.cmpi slt, %add3A_339, %lt3A_340 : i32
        %convert_element_type3A_342 = arith.extui %lt3A_341 : i1 to i32
        %cond3A_343 = arith.constant 0 : i32
        %cond3A_344 = arith.cmpi ne, %convert_element_type3A_342, %cond3A_343 : i32
        scf.if %cond3A_344 {
          %add3A_379 = arith.constant 5 : i32
          %add3A_380 = arith.addi %add3A_115, %add3A_379 : i32
          %add3A_381 = arith.constant 8 : i32
          %add3A_382 = arith.addi %add3A_380, %add3A_381 : i32
          %dma_start3A_383 = arith.constant 0 : i32
          %dma_start3A_384 = tpu.memref_slice %arg9[%add3A_382, %dma_start3A_383] : memref<40x128xi32, #tpu.memory_space<vmem>> -> memref<1x128xi32, #tpu.memory_space<vmem>>
          %dma_start3A_385 = tpu.memref_squeeze %dma_start3A_384 : memref<1x128xi32, #tpu.memory_space<vmem>> -> memref<128xi32, #tpu.memory_space<vmem>>
          %dma_start3A_386 = arith.constant 0 : i32
          %dma_start3A_387 = arith.constant 0 : i32
          %dma_start3A_388 = tpu.memref_slice %arg2[%dma_start3A_386, %dma_start3A_387] : memref<10000x16xf32, #tpu.memory_space<hbm>> -> memref<10000x16xf32, #tpu.memory_space<hbm>>
          tpu.enqueue_indirect_dma source(%dma_start3A_388 : memref<10000x16xf32, #tpu.memory_space<hbm>>) target(%arg16 : memref<128x16xf32, #tpu.memory_space<vmem>>) offsets(%dma_start3A_385 : memref<128xi32, #tpu.memory_space<vmem>>) semaphore(%arg25 : memref<!tpu.dma_semaphore, #tpu.memory_space<semaphore_mem>>)
        } else {
        }
        %add3A_345 = arith.constant 6 : i32
        %add3A_346 = arith.addi %add3A_115, %add3A_345 : i32
        %dma_wait3A_347 = arith.constant 0 : i32
        %dma_wait3A_348 = tpu.memref_slice %arg10[%add3A_346, %dma_wait3A_347] : memref<40x128xi32, #tpu.memory_space<vmem>> -> memref<1x128xi32, #tpu.memory_space<vmem>>
        %dma_wait3A_349 = tpu.memref_squeeze %dma_wait3A_348 : memref<1x128xi32, #tpu.memory_space<vmem>> -> memref<128xi32, #tpu.memory_space<vmem>>
        %dma_wait3A_350 = arith.constant 0 : i32
        %dma_wait3A_351 = arith.constant 0 : i32
        %dma_wait3A_352 = tpu.memref_slice %arg19[%dma_wait3A_350, %dma_wait3A_351] : memref<10240x16xf32, #tpu.memory_space<vmem_shared>> -> memref<10240x16xf32, #tpu.memory_space<vmem_shared>>
        tpu.wait_indirect_dma semaphore(%arg34 : memref<!tpu.dma_semaphore, #tpu.memory_space<semaphore_mem>>) src(%arg17 : memref<128x16xf32, #tpu.memory_space<vmem>>) dst(%dma_wait3A_352 : memref<10240x16xf32, #tpu.memory_space<vmem_shared>>)
        %add3A_353 = arith.constant 6 : i32
        %add3A_354 = arith.addi %add3A_115, %add3A_353 : i32
        %add3A_355 = arith.constant 8 : i32
        %add3A_356 = arith.addi %add3A_354, %add3A_355 : i32
        %lt3A_357 = arith.constant 40 : i32
        %lt3A_358 = arith.cmpi slt, %add3A_356, %lt3A_357 : i32
        %convert_element_type3A_359 = arith.extui %lt3A_358 : i1 to i32
        %cond3A_360 = arith.constant 0 : i32
        %cond3A_361 = arith.cmpi ne, %convert_element_type3A_359, %cond3A_360 : i32
        scf.if %cond3A_361 {
          %add3A_379 = arith.constant 6 : i32
          %add3A_380 = arith.addi %add3A_115, %add3A_379 : i32
          %add3A_381 = arith.constant 8 : i32
          %add3A_382 = arith.addi %add3A_380, %add3A_381 : i32
          %dma_start3A_383 = arith.constant 0 : i32
          %dma_start3A_384 = tpu.memref_slice %arg9[%add3A_382, %dma_start3A_383] : memref<40x128xi32, #tpu.memory_space<vmem>> -> memref<1x128xi32, #tpu.memory_space<vmem>>
          %dma_start3A_385 = tpu.memref_squeeze %dma_start3A_384 : memref<1x128xi32, #tpu.memory_space<vmem>> -> memref<128xi32, #tpu.memory_space<vmem>>
          %dma_start3A_386 = arith.constant 0 : i32
          %dma_start3A_387 = arith.constant 0 : i32
          %dma_start3A_388 = tpu.memref_slice %arg2[%dma_start3A_386, %dma_start3A_387] : memref<10000x16xf32, #tpu.memory_space<hbm>> -> memref<10000x16xf32, #tpu.memory_space<hbm>>
          tpu.enqueue_indirect_dma source(%dma_start3A_388 : memref<10000x16xf32, #tpu.memory_space<hbm>>) target(%arg17 : memref<128x16xf32, #tpu.memory_space<vmem>>) offsets(%dma_start3A_385 : memref<128xi32, #tpu.memory_space<vmem>>) semaphore(%arg26 : memref<!tpu.dma_semaphore, #tpu.memory_space<semaphore_mem>>)
        } else {
        }
        %add3A_362 = arith.constant 7 : i32
        %add3A_363 = arith.addi %add3A_115, %add3A_362 : i32
        %dma_wait3A_364 = arith.constant 0 : i32
        %dma_wait3A_365 = tpu.memref_slice %arg10[%add3A_363, %dma_wait3A_364] : memref<40x128xi32, #tpu.memory_space<vmem>> -> memref<1x128xi32, #tpu.memory_space<vmem>>
        %dma_wait3A_366 = tpu.memref_squeeze %dma_wait3A_365 : memref<1x128xi32, #tpu.memory_space<vmem>> -> memref<128xi32, #tpu.memory_space<vmem>>
        %dma_wait3A_367 = arith.constant 0 : i32
        %dma_wait3A_368 = arith.constant 0 : i32
        %dma_wait3A_369 = tpu.memref_slice %arg19[%dma_wait3A_367, %dma_wait3A_368] : memref<10240x16xf32, #tpu.memory_space<vmem_shared>> -> memref<10240x16xf32, #tpu.memory_space<vmem_shared>>
        tpu.wait_indirect_dma semaphore(%arg35 : memref<!tpu.dma_semaphore, #tpu.memory_space<semaphore_mem>>) src(%arg18 : memref<128x16xf32, #tpu.memory_space<vmem>>) dst(%dma_wait3A_369 : memref<10240x16xf32, #tpu.memory_space<vmem_shared>>)
        %add3A_370 = arith.constant 7 : i32
        %add3A_371 = arith.addi %add3A_115, %add3A_370 : i32
        %add3A_372 = arith.constant 8 : i32
        %add3A_373 = arith.addi %add3A_371, %add3A_372 : i32
        %lt3A_374 = arith.constant 40 : i32
        %lt3A_375 = arith.cmpi slt, %add3A_373, %lt3A_374 : i32
        %convert_element_type3A_376 = arith.extui %lt3A_375 : i1 to i32
        %cond3A_377 = arith.constant 0 : i32
        %cond3A_378 = arith.cmpi ne, %convert_element_type3A_376, %cond3A_377 : i32
        scf.if %cond3A_378 {
          %add3A_379 = arith.constant 7 : i32
          %add3A_380 = arith.addi %add3A_115, %add3A_379 : i32
          %add3A_381 = arith.constant 8 : i32
          %add3A_382 = arith.addi %add3A_380, %add3A_381 : i32
          %dma_start3A_383 = arith.constant 0 : i32
          %dma_start3A_384 = tpu.memref_slice %arg9[%add3A_382, %dma_start3A_383] : memref<40x128xi32, #tpu.memory_space<vmem>> -> memref<1x128xi32, #tpu.memory_space<vmem>>
          %dma_start3A_385 = tpu.memref_squeeze %dma_start3A_384 : memref<1x128xi32, #tpu.memory_space<vmem>> -> memref<128xi32, #tpu.memory_space<vmem>>
          %dma_start3A_386 = arith.constant 0 : i32
          %dma_start3A_387 = arith.constant 0 : i32
          %dma_start3A_388 = tpu.memref_slice %arg2[%dma_start3A_386, %dma_start3A_387] : memref<10000x16xf32, #tpu.memory_space<hbm>> -> memref<10000x16xf32, #tpu.memory_space<hbm>>
          tpu.enqueue_indirect_dma source(%dma_start3A_388 : memref<10000x16xf32, #tpu.memory_space<hbm>>) target(%arg18 : memref<128x16xf32, #tpu.memory_space<vmem>>) offsets(%dma_start3A_385 : memref<128xi32, #tpu.memory_space<vmem>>) semaphore(%arg27 : memref<!tpu.dma_semaphore, #tpu.memory_space<semaphore_mem>>)
        } else {
        }
      }
      %scan3A_111 = arith.constant 5 : i32
    } else {
    }
    %barrier3A_48 = arith.constant 0 : index
    tpu.barrier barrier_id(%barrier3A_48)
    %mul3A_49 = arith.constant 640 : i32
    %mul3A_50 = arith.muli %arg1, %mul3A_49 : i32
    %mul3A_51 = arith.constant 640 : i32
    %mul3A_52 = arith.muli %arg1, %mul3A_51 : i32
    "tpu.region"() ({
      %run_scoped3A = tpu.sem_alloc : memref<!tpu.dma_semaphore, #tpu.memory_space<semaphore_mem>>
      %dma_start3A = arith.constant 0 : i32
      %dma_start3A_53 = arith.constant 0 : i32
      %dma_start3A_54 = tpu.memref_slice %arg8[%arg0, %dma_start3A, %dma_start3A_53] : memref<2x10240x16xf32, #tpu.memory_space<hbm>> -> memref<1x10240x16xf32, #tpu.memory_space<hbm>>
      %dma_start3A_55 = tpu.memref_squeeze %dma_start3A_54 : memref<1x10240x16xf32, #tpu.memory_space<hbm>> -> memref<10240x16xf32, #tpu.memory_space<hbm>>
      %dma_start3A_56 = arith.constant 0 : i32
      %dma_start3A_57 = tpu.memref_slice %dma_start3A_55[%mul3A_52, %dma_start3A_56] : memref<10240x16xf32, #tpu.memory_space<hbm>> -> memref<640x16xf32, #tpu.memory_space<hbm>>
      %dma_start3A_58 = arith.constant 0 : i32
      %dma_start3A_59 = tpu.memref_slice %arg19[%mul3A_50, %dma_start3A_58] : memref<10240x16xf32, #tpu.memory_space<vmem_shared>> -> memref<640x16xf32, #tpu.memory_space<vmem_shared>>
      tpu.enqueue_dma source(%dma_start3A_59 : memref<640x16xf32, #tpu.memory_space<vmem_shared>>) target(%dma_start3A_57 : memref<640x16xf32, #tpu.memory_space<hbm>>) target_semaphore(%run_scoped3A : memref<!tpu.dma_semaphore, #tpu.memory_space<semaphore_mem>>)
      %dma_wait3A = arith.constant 0 : i32
      %dma_wait3A_60 = arith.constant 0 : i32
      %dma_wait3A_61 = tpu.memref_slice %arg8[%arg0, %dma_wait3A, %dma_wait3A_60] : memref<2x10240x16xf32, #tpu.memory_space<hbm>> -> memref<1x10240x16xf32, #tpu.memory_space<hbm>>
      %dma_wait3A_62 = tpu.memref_squeeze %dma_wait3A_61 : memref<1x10240x16xf32, #tpu.memory_space<hbm>> -> memref<10240x16xf32, #tpu.memory_space<hbm>>
      %dma_wait3A_63 = arith.constant 0 : i32
      %dma_wait3A_64 = tpu.memref_slice %dma_wait3A_62[%mul3A_52, %dma_wait3A_63] : memref<10240x16xf32, #tpu.memory_space<hbm>> -> memref<640x16xf32, #tpu.memory_space<hbm>>
      %dma_wait3A_65 = arith.constant 0 : i32
      %dma_wait3A_66 = tpu.memref_slice %arg19[%mul3A_50, %dma_wait3A_65] : memref<10240x16xf32, #tpu.memory_space<vmem_shared>> -> memref<640x16xf32, #tpu.memory_space<vmem_shared>>
      tpu.wait_dma2 semaphore(%run_scoped3A : memref<!tpu.dma_semaphore, #tpu.memory_space<semaphore_mem>>) src(%dma_wait3A_66 : memref<640x16xf32, #tpu.memory_space<vmem_shared>>) dst(%dma_wait3A_64 : memref<640x16xf32, #tpu.memory_space<hbm>>)
      tpu.yield
    }) : () -> ()
    return
  }
}

module attributes {stable_mosaic.version = 14 : i64} {
  func.func @body(%arg0: memref<2x1280x128xf32, #tpu.memory_space<vmem>>, %arg1: memref<1250x2048xf32, #tpu.memory_space<vmem>>, %arg2: memref<10000x256xf32, #tpu.memory_space<vmem>>, %arg3: memref<2048x128xf32, #tpu.memory_space<vmem>>, %arg4: memref<1250x128xf32, #tpu.memory_space<vmem>>, %arg5: memref<1250x128xf32, #tpu.memory_space<vmem>>, %arg6: memref<10000x256xf32, #tpu.memory_space<vmem>>) attributes {dimension_semantics = [], scalar_prefetch = 0 : i64, scratch_operands = 0 : i64, tpu.core_type = #tpu.core_type<tc>} {
    %get3A = arith.constant 0 : index
    %get3A_0 = arith.constant 0 : index
    %get3A_1 = arith.constant 0 : index
    %get3A_2 = vector.load %arg0[%get3A, %get3A_0, %get3A_1] : memref<2x1280x128xf32, #tpu.memory_space<vmem>>, vector<1x1250x128xf32>
    %get3A_3 = vector.shape_cast %get3A_2 : vector<1x1250x128xf32> to vector<1250x128xf32>
    %get3A_4 = arith.constant 1 : index
    %get3A_5 = arith.constant 0 : index
    %get3A_6 = arith.constant 0 : index
    %get3A_7 = vector.load %arg0[%get3A_4, %get3A_5, %get3A_6] : memref<2x1280x128xf32, #tpu.memory_space<vmem>>, vector<1x1250x128xf32>
    %get3A_8 = vector.shape_cast %get3A_7 : vector<1x1250x128xf32> to vector<1250x128xf32>
    %add3A = arith.addf %get3A_3, %get3A_8 : vector<1250x128xf32>
    %add3A_9 = arith.constant 1.000000e+00 : f32
    %add3A_10 = vector.broadcast %add3A_9 : f32 to vector<1250x128xf32>
    %add3A_11 = arith.addf %add3A, %add3A_10 : vector<1250x128xf32>
    %sqrt3A = math.sqrt %add3A_11 : vector<1250x128xf32>
    %div3A = arith.constant 1.000000e+00 : f32
    %div3A_12 = vector.broadcast %div3A : f32 to vector<1250x128xf32>
    %div3A_13 = arith.divf %div3A_12, %sqrt3A : vector<1250x128xf32>
    %swap3A = arith.constant 0 : index
    %swap3A_14 = arith.constant 0 : index
    %swap3A_15 = vector.load %arg4[%swap3A, %swap3A_14] : memref<1250x128xf32, #tpu.memory_space<vmem>>, vector<1250x128xf32>
    tpu.vector_store %arg4[%swap3A, %swap3A_14], %div3A_13 {strides = array<i32>} : memref<1250x128xf32, #tpu.memory_space<vmem>>, vector<1250x128xf32>,
    %get3A_16 = arith.constant 0 : index
    %get3A_17 = arith.constant 0 : index
    %get3A_18 = vector.load %arg1[%get3A_16, %get3A_17] : memref<1250x2048xf32, #tpu.memory_space<vmem>>, vector<1250x2048xf32>
    %get3A_19 = arith.constant 0 : index
    %get3A_20 = arith.constant 0 : index
    %get3A_21 = vector.load %arg3[%get3A_19, %get3A_20] : memref<2048x128xf32, #tpu.memory_space<vmem>>, vector<2048x128xf32>
    %dot_general3A = arith.constant dense<0.000000e+00> : vector<1250x128xf32>
    %dot_general3A_22 = tpu.matmul %get3A_18, %get3A_21, %dot_general3A {dimension_numbers = #tpu.dot_dimension_numbers<[1], [0], [0], [1], [0, 0, 1, 1], [], []>, precision = #tpu.contract_precision<fp32>, transpose_lhs_hint = false} : vector<1250x2048xf32>, vector<2048x128xf32>, vector<1250x128xf32> -> vector<1250x128xf32>
    %mul3A = arith.mulf %dot_general3A_22, %div3A_13 : vector<1250x128xf32>
    %swap3A_23 = arith.constant 0 : index
    %swap3A_24 = arith.constant 0 : index
    %swap3A_25 = vector.load %arg5[%swap3A_23, %swap3A_24] : memref<1250x128xf32, #tpu.memory_space<vmem>>, vector<1250x128xf32>
    tpu.vector_store %arg5[%swap3A_23, %swap3A_24], %mul3A {strides = array<i32>} : memref<1250x128xf32, #tpu.memory_space<vmem>>, vector<1250x128xf32>,
    %get3A_26 = arith.constant 0 : index
    %get3A_27 = arith.constant 0 : index
    %get3A_28 = vector.load %arg2[%get3A_26, %get3A_27] : memref<10000x256xf32, #tpu.memory_space<vmem>>, vector<10000x256xf32>
    %swap3A_29 = arith.constant 0 : index
    %swap3A_30 = arith.constant 0 : index
    %swap3A_31 = vector.load %arg6[%swap3A_29, %swap3A_30] : memref<10000x256xf32, #tpu.memory_space<vmem>>, vector<10000x256xf32>
    tpu.vector_store %arg6[%swap3A_29, %swap3A_30], %get3A_28 {strides = array<i32>} : memref<10000x256xf32, #tpu.memory_space<vmem>>, vector<10000x256xf32>,
    return
  }
}

module attributes {stable_mosaic.version = 14 : i64} {
  func.func @body(%arg0: memref<2x1280x128xf32, #tpu.memory_space<vmem>>, %arg1: memref<1250x128xf32, #tpu.memory_space<vmem>>, %arg2: memref<1250x128xf32, #tpu.memory_space<vmem>>, %arg3: memref<1x128xf32, #tpu.memory_space<vmem>>, %arg4: memref<128x128xf32, #tpu.memory_space<vmem>>, %arg5: memref<1250x128xf32, #tpu.memory_space<vmem>>, %arg6: memref<1250x128xf32, #tpu.memory_space<vmem>>) attributes {dimension_semantics = [], scalar_prefetch = 0 : i64, scratch_operands = 0 : i64, tpu.core_type = #tpu.core_type<tc>} {
    %get3A = arith.constant 0 : index
    %get3A_0 = arith.constant 0 : index
    %get3A_1 = vector.load %arg2[%get3A, %get3A_0] : memref<1250x128xf32, #tpu.memory_space<vmem>>, vector<1250x128xf32>
    %get3A_2 = arith.constant 0 : index
    %get3A_3 = arith.constant 0 : index
    %get3A_4 = arith.constant 0 : index
    %get3A_5 = vector.load %arg0[%get3A_2, %get3A_3, %get3A_4] : memref<2x1280x128xf32, #tpu.memory_space<vmem>>, vector<1x1250x128xf32>
    %get3A_6 = vector.shape_cast %get3A_5 : vector<1x1250x128xf32> to vector<1250x128xf32>
    %get3A_7 = arith.constant 1 : index
    %get3A_8 = arith.constant 0 : index
    %get3A_9 = arith.constant 0 : index
    %get3A_10 = vector.load %arg0[%get3A_7, %get3A_8, %get3A_9] : memref<2x1280x128xf32, #tpu.memory_space<vmem>>, vector<1x1250x128xf32>
    %get3A_11 = vector.shape_cast %get3A_10 : vector<1x1250x128xf32> to vector<1250x128xf32>
    %add3A = arith.addf %get3A_6, %get3A_11 : vector<1250x128xf32>
    %get3A_12 = arith.constant 0 : index
    %get3A_13 = arith.constant 0 : index
    %get3A_14 = vector.load %arg1[%get3A_12, %get3A_13] : memref<1250x128xf32, #tpu.memory_space<vmem>>, vector<1250x128xf32>
    %add3A_15 = arith.addf %add3A, %get3A_14 : vector<1250x128xf32>
    %mul3A = arith.mulf %get3A_1, %add3A_15 : vector<1250x128xf32>
    %get3A_16 = arith.constant 0 : index
    %get3A_17 = arith.constant 0 : index
    %get3A_18 = vector.load %arg3[%get3A_16, %get3A_17] : memref<1x128xf32, #tpu.memory_space<vmem>>, vector<1x128xf32>
    %add3A_19 = vector.broadcast %get3A_18 : vector<1x128xf32> to vector<1250x128xf32>
    %add3A_20 = arith.addf %mul3A, %add3A_19 : vector<1250x128xf32>
    %max3A = arith.constant 0.000000e+00 : f32
    %max3A_21 = vector.broadcast %max3A : f32 to vector<1250x128xf32>
    %max3A_22 = arith.maximumf %add3A_20, %max3A_21 : vector<1250x128xf32>
    %get3A_23 = arith.constant 0 : index
    %get3A_24 = arith.constant 0 : index
    %get3A_25 = vector.load %arg4[%get3A_23, %get3A_24] : memref<128x128xf32, #tpu.memory_space<vmem>>, vector<128x128xf32>
    %dot_general3A = arith.constant dense<0.000000e+00> : vector<1250x128xf32>
    %dot_general3A_26 = tpu.matmul %max3A_22, %get3A_25, %dot_general3A {dimension_numbers = #tpu.dot_dimension_numbers<[1], [0], [0], [1], [0, 0, 1, 1], [], []>, precision = #tpu.contract_precision<fp32>, transpose_lhs_hint = false} : vector<1250x128xf32>, vector<128x128xf32>, vector<1250x128xf32> -> vector<1250x128xf32>
    %get3A_27 = arith.constant 0 : index
    %get3A_28 = arith.constant 0 : index
    %get3A_29 = vector.load %arg2[%get3A_27, %get3A_28] : memref<1250x128xf32, #tpu.memory_space<vmem>>, vector<1250x128xf32>
    %mul3A_30 = arith.mulf %dot_general3A_26, %get3A_29 : vector<1250x128xf32>
    %swap3A = arith.constant 0 : index
    %swap3A_31 = arith.constant 0 : index
    %swap3A_32 = vector.load %arg6[%swap3A, %swap3A_31] : memref<1250x128xf32, #tpu.memory_space<vmem>>, vector<1250x128xf32>
    tpu.vector_store %arg6[%swap3A, %swap3A_31], %mul3A_30 {strides = array<i32>} : memref<1250x128xf32, #tpu.memory_space<vmem>>, vector<1250x128xf32>,
    %swap3A_33 = arith.constant 0 : index
    %swap3A_34 = arith.constant 0 : index
    %swap3A_35 = vector.load %arg5[%swap3A_33, %swap3A_34] : memref<1250x128xf32, #tpu.memory_space<vmem>>, vector<1250x128xf32>
    tpu.vector_store %arg5[%swap3A_33, %swap3A_34], %max3A_22 {strides = array<i32>} : memref<1250x128xf32, #tpu.memory_space<vmem>>, vector<1250x128xf32>,
    return
  }
}

module attributes {stable_mosaic.version = 14 : i64} {
  func.func @body(%arg0: memref<2x1280x128xf32, #tpu.memory_space<vmem>>, %arg1: memref<1250x128xf32, #tpu.memory_space<vmem>>, %arg2: memref<1250x128xf32, #tpu.memory_space<vmem>>, %arg3: memref<1x128xf32, #tpu.memory_space<vmem>>, %arg4: memref<128x128xf32, #tpu.memory_space<vmem>>, %arg5: memref<1250x128xf32, #tpu.memory_space<vmem>>, %arg6: memref<1250x128xf32, #tpu.memory_space<vmem>>) attributes {dimension_semantics = [], scalar_prefetch = 0 : i64, scratch_operands = 0 : i64, tpu.core_type = #tpu.core_type<tc>} {
    %get3A = arith.constant 0 : index
    %get3A_0 = arith.constant 0 : index
    %get3A_1 = vector.load %arg2[%get3A, %get3A_0] : memref<1250x128xf32, #tpu.memory_space<vmem>>, vector<1250x128xf32>
    %get3A_2 = arith.constant 0 : index
    %get3A_3 = arith.constant 0 : index
    %get3A_4 = arith.constant 0 : index
    %get3A_5 = vector.load %arg0[%get3A_2, %get3A_3, %get3A_4] : memref<2x1280x128xf32, #tpu.memory_space<vmem>>, vector<1x1250x128xf32>
    %get3A_6 = vector.shape_cast %get3A_5 : vector<1x1250x128xf32> to vector<1250x128xf32>
    %get3A_7 = arith.constant 1 : index
    %get3A_8 = arith.constant 0 : index
    %get3A_9 = arith.constant 0 : index
    %get3A_10 = vector.load %arg0[%get3A_7, %get3A_8, %get3A_9] : memref<2x1280x128xf32, #tpu.memory_space<vmem>>, vector<1x1250x128xf32>
    %get3A_11 = vector.shape_cast %get3A_10 : vector<1x1250x128xf32> to vector<1250x128xf32>
    %add3A = arith.addf %get3A_6, %get3A_11 : vector<1250x128xf32>
    %get3A_12 = arith.constant 0 : index
    %get3A_13 = arith.constant 0 : index
    %get3A_14 = vector.load %arg1[%get3A_12, %get3A_13] : memref<1250x128xf32, #tpu.memory_space<vmem>>, vector<1250x128xf32>
    %add3A_15 = arith.addf %add3A, %get3A_14 : vector<1250x128xf32>
    %mul3A = arith.mulf %get3A_1, %add3A_15 : vector<1250x128xf32>
    %get3A_16 = arith.constant 0 : index
    %get3A_17 = arith.constant 0 : index
    %get3A_18 = vector.load %arg3[%get3A_16, %get3A_17] : memref<1x128xf32, #tpu.memory_space<vmem>>, vector<1x128xf32>
    %add3A_19 = vector.broadcast %get3A_18 : vector<1x128xf32> to vector<1250x128xf32>
    %add3A_20 = arith.addf %mul3A, %add3A_19 : vector<1250x128xf32>
    %swap3A = arith.constant 0 : index
    %swap3A_21 = arith.constant 0 : index
    %swap3A_22 = vector.load %arg5[%swap3A, %swap3A_21] : memref<1250x128xf32, #tpu.memory_space<vmem>>, vector<1250x128xf32>
    tpu.vector_store %arg5[%swap3A, %swap3A_21], %add3A_20 {strides = array<i32>} : memref<1250x128xf32, #tpu.memory_space<vmem>>, vector<1250x128xf32>,
    %max3A = arith.constant 0.000000e+00 : f32
    %max3A_23 = vector.broadcast %max3A : f32 to vector<1250x128xf32>
    %max3A_24 = arith.maximumf %add3A_20, %max3A_23 : vector<1250x128xf32>
    %iota3A = tpu.iota {dimensions = array<i32: 1>} : vector<1250x128xi32>
    %jit3A = arith.constant 16 : i32
    %eq3A = arith.constant 0 : i32
    %eq3A_25 = arith.cmpi eq, %jit3A, %eq3A : i32
    %jit3A_26 = arith.constant 1 : i32
    %select_n3A = arith.select %eq3A_25, %jit3A_26, %jit3A : i32
    %rem3A = vector.broadcast %select_n3A : i32 to vector<1250x128xi32>
    %rem3A_27 = arith.remsi %iota3A, %rem3A : vector<1250x128xi32>
    %ne3A = arith.constant 0 : i32
    %ne3A_28 = vector.broadcast %ne3A : i32 to vector<1250x128xi32>
    %ne3A_29 = arith.cmpi ne, %rem3A_27, %ne3A_28 : vector<1250x128xi32>
    %lt3A = arith.constant 0 : i32
    %lt3A_30 = vector.broadcast %lt3A : i32 to vector<1250x128xi32>
    %lt3A_31 = arith.cmpi slt, %rem3A_27, %lt3A_30 : vector<1250x128xi32>
    %lt3A_32 = arith.constant 0 : i32
    %lt3A_33 = arith.cmpi slt, %select_n3A, %lt3A_32 : i32
    %ne3A_34 = vector.broadcast %lt3A_33 : i1 to vector<1250x128xi1>
    %ne3A_35 = vector.broadcast %ne3A_34 : vector<1250x128xi1> to vector<1250x128xi1>
    %ne3A_36 = arith.xori %lt3A_31, %ne3A_35 : vector<1250x128xi1>
    %and3A = arith.andi %ne3A_36, %ne3A_29 : vector<1250x128xi1>
    %add3A_37 = vector.broadcast %select_n3A : i32 to vector<1250x128xi32>
    %add3A_38 = arith.addi %rem3A_27, %add3A_37 : vector<1250x128xi32>
    %select_n3A_39 = arith.select %and3A, %add3A_38, %rem3A_27 : vector<1250x128xi1>, vector<1250x128xi32>
    %lt3A_40 = arith.constant 7 : i32
    %lt3A_41 = vector.broadcast %lt3A_40 : i32 to vector<1250x128xi32>
    %lt3A_42 = arith.cmpi slt, %select_n3A_39, %lt3A_41 : vector<1250x128xi32>
    %jit3A_43 = arith.constant 0.000000e+00 : f32
    %broadcast_in_dim3A = vector.broadcast %jit3A_43 : f32 to vector<1250x128xf32>
    %select_n3A_44 = arith.select %lt3A_42, %max3A_24, %broadcast_in_dim3A : vector<1250x128xi1>, vector<1250x128xf32>
    %reduce_max3A = vector.shape_cast %select_n3A_44 : vector<1250x128xf32> to vector<1x1250x128xf32>
    %reduce_max3A_45 = arith.constant dense<0xFF800000> : vector<1xf32>
    %reduce_max3A_46 = vector.multi_reduction <maximumf>, %reduce_max3A, %reduce_max3A_45 [1, 2] : vector<1x1250x128xf32> to vector<1xf32>
    %reduce_max3A_47 = vector.shape_cast %reduce_max3A_46 : vector<1xf32> to vector<1x1x1xf32>
    %reduce_max3A_48 = vector.extract %reduce_max3A_47[0, 0, 0] : f32 from vector<1x1x1xf32>
    %sub3A = vector.broadcast %reduce_max3A_48 : f32 to vector<1250x128xf32>
    %sub3A_49 = arith.subf %max3A_24, %sub3A : vector<1250x128xf32>
    %exp3A = math.exp %sub3A_49 : vector<1250x128xf32>
    %jit3A_50 = arith.constant 0.000000e+00 : f32
    %broadcast_in_dim3A_51 = vector.broadcast %jit3A_50 : f32 to vector<1250x128xf32>
    %select_n3A_52 = arith.select %lt3A_42, %exp3A, %broadcast_in_dim3A_51 : vector<1250x128xi1>, vector<1250x128xf32>
    %get3A_53 = arith.constant 0 : index
    %get3A_54 = arith.constant 0 : index
    %get3A_55 = vector.load %arg4[%get3A_53, %get3A_54] : memref<128x128xf32, #tpu.memory_space<vmem>>, vector<128x128xf32>
    %dot_general3A = arith.constant dense<0.000000e+00> : vector<1250x128xf32>
    %dot_general3A_56 = tpu.matmul %select_n3A_52, %get3A_55, %dot_general3A {dimension_numbers = #tpu.dot_dimension_numbers<[1], [0], [0], [1], [0, 0, 1, 1], [], []>, precision = #tpu.contract_precision<fp32>, transpose_lhs_hint = false} : vector<1250x128xf32>, vector<128x128xf32>, vector<1250x128xf32> -> vector<1250x128xf32>
    %log3A = math.log %dot_general3A_56 : vector<1250x128xf32>
    %add3A_57 = vector.broadcast %reduce_max3A_48 : f32 to vector<1250x128xf32>
    %add3A_58 = arith.addf %add3A_57, %log3A : vector<1250x128xf32>
    %sub3A_59 = arith.subf %max3A_24, %add3A_58 : vector<1250x128xf32>
    %swap3A_60 = arith.constant 0 : index
    %swap3A_61 = arith.constant 0 : index
    %swap3A_62 = vector.load %arg6[%swap3A_60, %swap3A_61] : memref<1250x128xf32, #tpu.memory_space<vmem>>, vector<1250x128xf32>
    tpu.vector_store %arg6[%swap3A_60, %swap3A_61], %sub3A_59 {strides = array<i32>} : memref<1250x128xf32, #tpu.memory_space<vmem>>, vector<1250x128xf32>,
    return
  }
}

</mosaic_0001>

<sc_bundles>
// kernel: kernel.11.cloned.1.call-start
scs
__scs_entry_jumppad:
0x0: {  	(pc) =	sbr.rel $0x88, $3  }
0x1: {  	(tag) =	ssettag $0x0;
	lr =	simm.s32 $0x1  }
0x2: {  	[smem:$0x3F9B] =	sst lr;
	_ =	strace $0xD0000000  }
0x3: {  	_ = 	snop  }
0x4: {  	_ = 	snop  }
0x5: {  	_ = 	snop  }
0x6: {  	_ = 	snop  }
0x7: {  	_ = 	snop  }
__scs_overlays_trampoline_lowered:
0x8: {  	[smem:$0x3FAA] =	sst s0  }
0x9: {  	[smem:$0x3FAB] =	sst s1  }
0xa: {  	[smem:$0x3FAC] =	sst s2  }
0xb: {  	[smem:$0x3FAD] =	sst s3  }
0xc: {  	[smem:$0x3FAE] =	sst s4  }
0xd: {  	[smem:$0x3FAF] =	sst s5  }
0xe: {  	[smem:$0x3FB0] =	sst s6  }
0xf: {  	[smem:$0x3FB1] =	sst s7  }
0x10: {  	[smem:$0x3FB2] =	sst s8  }
0x11: {  	[smem:$0x3FB3] =	sst s9;
	s0 =	simm.s32 @!p0 $0x0  }
0x12: {  	s1 =	sld [smem:$0x3F99];
	s0 =	simm.s32 @p0 $0x1  }
0x13: {  	[smem:$0x3FB4] =	sst s0;
	s0 =	simm.s32 @!p1 $0x0  }
0x14: {  	s2 =	sld [smem:$0x3F98];
	s0 =	simm.s32 @p1 $0x1  }
0x15: {  	[smem:$0x3FB5] =	sst s0;
	s0 =	simm.s32 @!p2 $0x0  }
0x16: {  	s3 =	sld [smem:$0x3FDB];
	s0 =	simm.s32 @p2 $0x1  }
0x17: {  	s4 =	simm.s32 $0x1BF5;
	[smem:$0x3FB7] =	sst s0  }
0x18: {  	s0 =	sld [smem:$0x3F9A];
	_ =	swait.ge [sflag:s4], $0x0  }
0x19: {  	s7 =	sld [smem:$0x3F9B]  }
0x1a: {  	s8 =	sadd.s32 $0xFFFFE003, lr  }
0x1b: {  	s9 =	sadd.s32 $0xFFFFFEF7, lr;
	s5 =	simm.s32 $0xFFFFFFFF;
	p2 =	slt.u32 s8, $0xFFFFF086  }
0x1c: {  	p1 =	slt.u32 s9, $0xF7A;
	s5 =	simm.s32 @!p2 $0x0  }
0x1d: {  	s5 =	simm.s32 @p1 $0x1;
	p0 =	seq.s32 s7, s2  }
0x1e: {  	s7 =	smul.u32 @!p0 $0xF7A, s2;
	p2 =	seq.s32 @!p0 s5, $0x0  }
0x1f: {  	s9 =	smul.u32 $0xF7A, s1;
	s8 =	simm.s32 @!p0 $0x1BF5;
	p2 =	por !p2, p0  }
0x20: {  	[sflag:s8] =	ssyncset.s32 @!p0 $0xFFFFF086;
	s6 =	sadd.s32 @!p0 s3, s7;
	s7 =	simm.s32 @!p0 $0x108  }
0x21: {  	s3 =	sadd.s32 s3, s9;
	s6 =	sadd.s32 @!p0 $0x88, s6;
	s7 =	simm.s32 @p2 $0x1082  }
0x22: {  	[simem:s7], [sflag:s8] =	dma.local @!p0 [hbm:s6], $0xF7A  }
0x23: {  	s9 =	sor.u32 $0xD0000000, s2;
	s6 =	simm.s32 $0x108;
	_ =	swait.ge @!p0 [sflag:s8], $0x0  }
0x24: {  	s3 =	sadd.s32 $0x88, s3;
	s6 =	simm.s32 @!p1 $0x1082;
	[sflag:s4] =	ssyncset.s32 $0xFFFFF086  }
0x25: {  	[simem:s6], [sflag:s4] =	dma.local [hbm:s3], $0xF7A  }
0x26: {  	[smem:$0x3F9B] =	sst s1;
	(tag) =	ssettag s2;
	_ =	strace s9  }
0x27: {  	s1 =	sld [smem:$0x3FAB]  }
0x28: {  	s2 =	sld [smem:$0x3FAC]  }
0x29: {  	s4 =	sld [smem:$0x3FAE]  }
0x2a: {  	p0 =	seq.s32 s5, $0x0;
	s5 =	sld [smem:$0x3FAF]  }
0x2b: {  	s6 =	sld [smem:$0x3FB0]  }
0x2c: {  	s7 =	sld [smem:$0x3FB1]  }
0x2d: {  	s3 =	simm.s32 $0x108;
	s8 =	sld [smem:$0x3FB2]  }
0x2e: {  	s3 =	simm.s32 @!p0 $0x1082;
	s9 =	sld [smem:$0x3FB3]  }
0x2f: {  	lr =	sadd.s32 s0, s3;
	s0 =	sld [smem:$0x3FAA]  }
0x30: {  	s3 =	sld [smem:$0x3FAD]  }
0x31: {  	[smem:$0x3FB6] =	sst s10  }
0x32: {  	s10 =	sld [smem:$0x3FB4];
	_ =	sdelay $0x3  }
0x33: {  	p0 =	seq.s32 s10, $0x1;
	s10 =	sld [smem:$0x3FB6];
	_ =	sdelay $0x3  }
0x34: {  	[smem:$0x3FB6] =	sst s10  }
0x35: {  	s10 =	sld [smem:$0x3FB5];
	_ =	sdelay $0x3  }
0x36: {  	p1 =	seq.s32 s10, $0x1;
	s10 =	sld [smem:$0x3FB6];
	_ =	sdelay $0x3  }
0x37: {  	[smem:$0x3FB6] =	sst s10  }
0x38: {  	s10 =	sld [smem:$0x3FB7]  }
0x39: {  	_ = 	snop;
	(pc) =	sbr.ind lr, $3  }
0x3a: {  	_ = 	snop  }
0x3b: {  	_ = 	snop  }
0x3c: {  	p2 =	seq.s32 s10, $0x1;
	s10 =	sld [smem:$0x3FB6]  }
0x3d: {  	_ =	shalt  }
0x3e: {  	_ =	shalt  }
0x3f: {  	_ =	shalt  }
0x40: {  	_ =	shalt  }
0x41: {  	_ =	shalt  }
0x42: {  	_ =	shalt  }
0x43: {  	_ =	shalt  }
0x44: {  	_ =	shalt  }
0x45: {  	_ =	shalt  }
0x46: {  	_ =	shalt  }
0x47: {  	_ =	shalt  }
0x48: {  	_ =	shalt  }
0x49: {  	_ =	shalt  }
0x4a: {  	_ =	shalt  }
0x4b: {  	_ =	shalt  }
0x4c: {  	_ =	shalt  }
0x4d: {  	_ =	shalt  }
0x4e: {  	_ =	shalt  }
0x4f: {  	_ =	shalt  }
0x50: {  	_ =	shalt  }
0x51: {  	_ =	shalt  }
0x52: {  	_ =	shalt  }
0x53: {  	_ =	shalt  }
0x54: {  	_ =	shalt  }
0x55: {  	_ =	shalt  }
0x56: {  	_ =	shalt  }
0x57: {  	_ =	shalt  }
0x58: {  	_ =	shalt  }
0x59: {  	_ =	shalt  }
0x5a: {  	_ =	shalt  }
0x5b: {  	_ =	shalt  }
0x5c: {  	_ =	shalt  }
0x5d: {  	_ =	shalt  }
0x5e: {  	_ =	shalt  }
0x5f: {  	_ =	shalt  }
0x60: {  	_ =	shalt  }
0x61: {  	_ =	shalt  }
0x62: {  	_ =	shalt  }
0x63: {  	_ =	shalt  }
0x64: {  	_ =	shalt  }
0x65: {  	_ =	shalt  }
0x66: {  	_ =	shalt  }
0x67: {  	_ =	shalt  }
0x68: {  	_ =	shalt  }
0x69: {  	_ =	shalt  }
0x6a: {  	_ =	shalt  }
0x6b: {  	_ =	shalt  }
0x6c: {  	_ =	shalt  }
0x6d: {  	_ =	shalt  }
0x6e: {  	_ =	shalt  }
0x6f: {  	_ =	shalt  }
0x70: {  	_ =	shalt  }
0x71: {  	_ =	shalt  }
0x72: {  	_ =	shalt  }
0x73: {  	_ =	shalt  }
0x74: {  	_ =	shalt  }
0x75: {  	_ =	shalt  }
0x76: {  	_ =	shalt  }
0x77: {  	_ =	shalt  }
0x78: {  	_ =	shalt  }
0x79: {  	_ =	shalt  }
0x7a: {  	_ =	shalt  }
0x7b: {  	_ =	shalt  }
0x7c: {  	_ =	shalt  }
0x7d: {  	_ =	shalt  }
0x7e: {  	_ =	shalt  }
0x7f: {  	_ =	shalt  }
0x80: {  	_ =	shalt  }
0x81: {  	_ =	shalt  }
0x82: {  	_ =	shalt  }
0x83: {  	_ =	shalt  }
0x84: {  	_ =	shalt  }
0x85: {  	_ =	shalt  }
0x86: {  	_ =	shalt  }
0x87: {  	_ =	shalt  }
.Lfunc_end0:
.L_simem_size_0:
called_computation.1_lowered:
.L_overlay_start_0:
0x88: {  	s2 =	sld [smem:$0x3FD9]  }
0x89: {  	s3 =	sld [smem:$0x3FFE];
	_ =	sdelay $0x1  }
0x8a: {  	s1 =	srdreg.scid  }
0x8b: {  	s0 =	sand.u32 $0x1, s1  }
0x8c: {  	s14 =	sshll.u32 s0, $0xA;
	s2 =	sadd.s32 s3, s2  }
0x8d: {  	s2 =	sadd.s32 s2, s14  }
0x8e: {  	[smem:$0x3FC2] =	sst s2  }
0x8f: {  	_ = 	snop  }
0x90: {  	s2 =	sld [smem:$0x3FD0];
	_ =	sdelay $0x2  }
0x91: {  	s15 =	simm.s32 $0xA;
	s4 =	simm.s32 $0x10  }
0x92: {  	[smem:s4], [sflag:s15] =	dma.local [hbm:s2], $0x1  }
0x93: {  	_ =	swait.eq [sflag:s15], $0x1  }
0x94: {  	s16 =	sld [smem:$0x10];
	[sflag:s15] =	ssyncset.done $0x0  }
0x95: {  	s17 =	sld [smem:$0x12];
	[sflag:s15] =	ssyncadd.s32 $0xFFFFFFFF  }
0x96: {  	s18 =	sld [smem:$0x13];
	(tm) =	ssettm $0x1  }
0x97: {  	s5 =	sld [smem:$0x3FFB];
	_ =	sdelay $0x3  }
0x98: {  	_ =	strace s5  }
0x99: {  	s5 =	sld [smem:$0x3FFC];
	_ =	sdelay $0x3  }
0x9a: {  	_ =	strace s5  }
0x9b: {  	s5 =	sld [smem:$0x3FFD];
	_ =	sdelay $0x3  }
0x9c: {  	_ =	strace s5  }
0x9d: {  	_ =	strace $0x8FFFFFFF  }
0x9e: {  	s19 =	sld [smem:$0x3FDB];
	_ =	sdelay $0x1  }
0x9f: {  	s6 =	simm.s32 $_scs_section_size  }
0xa0: {  	s7 =	simm.s32 $_size__tile_overlayer_lowered;
	s8 =	simm.s32 $_tile_overlayer_lowered  }
0xa1: {  	s22 =	simm.s32 $0x1BFF;
	s21 =	sshll.u32 s8, $0x1;
	s5 =	sadd.s32 s6, s19  }
0xa2: {  	s9 =	simm.s32 $0x0;
	s20 =	sshll.u32 s7, $0x1;
	s7 =	sadd.s32 s21, s5  }
0xa3: {  	[timem:s9], [sflag:s22] =	dma.local [hbm:s7], s20  }
0xa4: {  	_ =	swait.ge [sflag:s22], s20  }
0xa5: {  	s6 =	ssub.s32 $0x0, s20;
	[sflag:s22] =	ssyncset.done $0x0  }
0xa6: {  	[sflag:s22] =	ssyncadd.s32 s6;
	_ =	sdelay $0x1  }
0xa7: {  	s23 =	simm.s32 $0x1B8B  }
0xa8: {  	_ =	swait.ge [sflag:s23], $0x1  }
0xa9: {  	[sflag:s23] =	ssyncset.done $0x0  }
0xaa: {  	s25 =	simm.s32 $0x1B8E;
	s24 =	sld [smem:$0x3FFE];
	[sflag:s23] =	ssyncadd.s32 $0xFFFFFFFF  }
0xab: {  	s26 =	simm.s32 $execute0_lowered;
	[smem:$0x3FD2] =	sst s25  }
0xac: {  	s7 =	sshll.u32 s26, $0x1;
	_ =	strace $0x80000049;
	[dreg:$0x1] =	wrdreg $0xFFFFFFFF  }
0xad: {  	s28 =	simm.s32 $_size_execute0_lowered;
	s5 =	sadd.s32 s5, s7;
	[dreg:$0x0] =	wrdreg $0x0  }
0xae: {  	s7 =	sshll.u32 s28, $0x1;
	[dreg:$0x2] =	wrdreg s5  }
0xaf: {  	[dreg:$0x3] =	wrdreg s7  }
0xb0: {  	[dreg:$0x4] =	wrdreg $0xC0  }
0xb1: {  	_ =	task [dreg:s9], $0x5FFFF  }
0xb2: {  	[dreg:$0x1] =	wrdreg $0xFFFFFFFF  }
0xb3: {  	[dreg:$0x0] =	wrdreg $0x60  }
0xb4: {  	[dreg:$0x2] =	wrdreg s17  }
0xb5: {  	[dreg:$0x3] =	wrdreg s24  }
0xb6: {  	[dreg:$0x4] =	wrdreg s16  }
0xb7: {  	[dreg:$0x5] =	wrdreg s18  }
0xb8: {  	[dreg:$0x6] =	wrdreg $0x68000  }
0xb9: {  	[dreg:$0x7] =	wrdreg $0x9  }
0xba: {  	_ =	task.clear_ibuf [dreg:s9], $0x8FFFF;
	_ =	strace $0x90000049  }
0xbb: {  	s29 =	simm.s32 $0x9;
	_ =	strace $0x8000004B  }
0xbc: {  	_ =	swait.ge [sflag:s29], $0x1  }
0xbd: {  	[sflag:s29] =	ssyncadd.s32 $0xFFFFFFFF  }
0xbe: {  	_ =	strace $0x9000004B  }
0xbf: {  	_ =	sfence  }
0xc0: {  	s30 =	sld [smem:$0x0];
	_ =	sdelay $0x2  }
0xc1: {  	s31 =	sshll.u32 s1, $0xD;
	s1 =	sshrl.u32 s1, $0x2  }
0xc2: {  	s3 =	sand.u32 $0x4000, s31;
	s1 =	sadd.s32 s1, s30  }
0xc3: {  	s0 =	sor.u32 s3, s0;
	s1 =	sshll.u32 s1, $0x11  }
0xc4: {  	s0 =	sor.u32 s1, s0  }
0xc5: {  	s0 =	sadd.s32 $0x8F2B, s0  }
0xc6: {  	[sflag:s0] =	ssyncadd.remote.s32 $0x1  }
0xc7: {  	_ =	sfence.sel $0xFFFF  }
0xc8: {  	[dreg:$0x0] =	wrdreg $0xFFFFFFFF;
	(pc) =	sbr.abs _section_cstart, $3  }
0xc9: {  	[dreg:$0x1] =	wrdreg $0xFFFFFFFF  }
0xca: {  	_ =	task.clear_ibuf [dreg:s9], $0x2FFFF;
	_ =	strace $0x9FFFFFFF  }
0xcb: {  	(tm) =	ssettm $0x7FFFFFFF  }
tec
execute0_lowered:
.L_overlay_start_1:
0x0: {  	(tag) =	ssettag $0x1  }
0x1: {  	s1 =	rddreg [dreg:$0x0]  }
0x2: {  	s0 =	rddreg [dreg:$0x1]  }
0x3: {  	s4 =	rddreg [dreg:$0x4];
	s5 =	simm.s32 $0x0;
	s2 =	srdreg.scid  }
0x4: {  	s13 =	stileid.u32;
	s28 =	simm.s32 $0x4800;
	s30 =	simm.s32 $0x5000  }
0x5: {  	s29 =	simm.s32 $0x5;
	s31 =	simm.s32 $0x6;
	s15 =	simm.s32 $0xF  }
0x6: {  	[smem:$0x7FF] =	sst s5;
	s2 =	sand.u32 $0x1, s2;
	s10 =	smul.u32 $0x2800, s13  }
0x7: {  	s3 =	sadd.s32 $0x2200, s0;
	s6 =	sadd.s32 $0x7200, s0;
	s11 =	smul.u32 $0x280, s13  }
0x8: {  	s8 =	sadd.s32 $0xC200, s0;
	s19 =	sshll.u32 s13, $0x6;
	s20 =	smul.u32 $0x1400, s13  }
0x9: {  	p1 =	sne.s32 s13, $0xF;
	p2 =	seq.s32 s13, $0xF;
	s21 =	sadd.s32 $0x6F80, s0  }
0xa: {  	s13 =	simm.s32 $0xD;
	_ =	strace $0x8000004A;
	s7 =	smul.u32 $0x5000, s2  }
0xb: {  	[dreg:$0x7] =	wrdreg s8;
	s18 =	ssub.s32 $0x2, s2;
	s16 =	sor.u32 $0x1C11, s19  }
0xc: {  	p0 =	seq.s32 s2, $0x1;
	[dreg:$0xa] =	wrdreg s21;
	s19 =	simm.s32 $0x2800  }
0xd: {  	s21 =	simm.s32 $0x2;
	s9 =	sshrl.u32 s18, $0x1;
	s12 =	sadd.s32 s10, s4  }
0xe: {  	s14 =	sadd.s32 s3, s11;
	p1 =	por !p1, !p0;
	p2 =	por !p2, !p0  }
0xf: {  	s22 =	sadd.s32 s6, s11;
	s25 =	sshrl.u32 s10, $0x3;
	s10 =	simm.s32 $0xA  }
0x10: {  	s11 =	simm.s32 $0xB;
	[dreg:$0x8] =	wrdreg s16;
	s7 =	sadd.s32 s7, s0  }
0x11: {  	s8 =	ssub.s32 s18, s9;
	[dreg:$0x9] =	wrdreg s14;
	s9 =	sshrl.u32 s20, $0x3  }
0x12: {  	p1 =	por !p1, !p1;
	p3 =	por !p2, !p2;
	[dreg:$0xc] =	wrdreg s22  }
0x13: {  	s0 =	sadd.s32 $0xBF80, s0;
	p2 =	sne.s32 s2, $0x0;
	s17 =	sshrl.u32 s12, $0x3  }
0x14: {  	s18 =	simm.s32 $0x80;
	s20 =	simm.s32 $0x3000;
	s22 =	simm.s32 $0x3800  }
0x15: {  	s2 =	simm.s32 $0x6000;
	s12 =	simm.s32 $0xC;
	s14 =	simm.s32 $0xE  }
0x16: {  	s9 =	sadd.s32 $0x2800, s9;
	[dreg:$0xe] =	wrdreg s0;
	s24 =	sadd.s32 $0xC400, s7  }
0x17: {  	s26 =	smax.u32 s8, $0x1;
	s8 =	simm.s32 $0x11;
	p3 =	por !p3, p1  }
0x18: {  	s7 =	simm.s32 $0x8;
	[dreg:$0x10] =	wrdreg s17;
	s3 =	sadd.s32 s3, s9  }
.Ltmp0:
0x19: {  	s23 =	sadd.s32 s6, s9;
	[dreg:$0xf] =	wrdreg s26;
	(pc) =	sbr.rel .LBB2_1-.Ltmp0, $4  }
0x1a: {  	s0 =	sadd.s32 s25, s24;
	s25 =	simm.s32 $0x4000;
	[dreg:$0xb] =	wrdreg s3  }
0x1b: {  	s26 =	simm.s32 $0x4;
	s6 =	simm.s32 $0x7;
	[dreg:$0xd] =	wrdreg s23  }
0x1c: {  	s9 =	simm.s32 $0x9;
	s24 =	simm.s32 $0x10;
	[dreg:$0x11] =	wrdreg s0  }
0x1d: {  	s0 =	simm.s32 $0x5800;
	s3 =	simm.s32 $0x1;
	s23 =	simm.s32 $0x3  }
.LBB2_10:
0x1e: {  	_ =	swait.ge [sflag:s10], $0x800  }
0x1f: {  	[sflag:s10] =	ssyncset.done $0x0  }
0x20: {  	[sflag:s10] =	ssyncadd.s32 $0xFFFFF800  }
0x21: {  	_ =	swait.ge [sflag:s11], $0x800  }
0x22: {  	[sflag:s11] =	ssyncset.done $0x0  }
0x23: {  	[sflag:s11] =	ssyncadd.s32 $0xFFFFF800  }
0x24: {  	_ =	swait.ge [sflag:s12], $0x800  }
0x25: {  	[sflag:s12] =	ssyncset.done $0x0  }
0x26: {  	[sflag:s12] =	ssyncadd.s32 $0xFFFFF800  }
0x27: {  	_ =	swait.ge [sflag:s13], $0x800  }
0x28: {  	[sflag:s13] =	ssyncset.done $0x0  }
0x29: {  	[sflag:s13] =	ssyncadd.s32 $0xFFFFF800  }
0x2a: {  	_ =	swait.ge [sflag:s14], $0x800  }
0x2b: {  	[sflag:s14] =	ssyncset.done $0x0  }
0x2c: {  	[sflag:s14] =	ssyncadd.s32 $0xFFFFF800  }
0x2d: {  	_ =	swait.ge [sflag:s15], $0x800  }
0x2e: {  	[sflag:s15] =	ssyncset.done $0x0  }
0x2f: {  	[sflag:s15] =	ssyncadd.s32 $0xFFFFF800  }
0x30: {  	_ =	swait.ge [sflag:s24], $0x800  }
0x31: {  	[sflag:s24] =	ssyncset.done $0x0  }
0x32: {  	s5 =	rddreg [dreg:$0x6];
	[sflag:s24] =	ssyncadd.s32 $0xFFFFF800  }
.LBB2_11:
0x33: {  	[bflag:$0x0] =	sbarrier.arrive $0xFFFF  }
0x34: {  	s16 =	rddreg [dreg:$0x8]  }
0x35: {  	s8 =	rddreg [dreg:$0x11]  }
0x36: {  	[hbm:s8], [sflag:s16] =	dma.local [spmem:s17], $0x500  }
0x37: {  	s8 =	simm.s32 $0x11  }
0x38: {  	_ =	swait.ge [sflag:s8], $0x500  }
0x39: {  	s5 =	sadd.s32 $0x1, s5;
	[sflag:s8] =	ssyncset.done $0x0;
	s8 =	rddreg [dreg:$0xf]  }
0x3a: {  	p4 =	sne.s32 s5, s8  }
.Ltmp1:
0x3b: {  	_ = 	snop;
	(pc) =	sbr.rel @!p4 .LBB2_12-.Ltmp1, $3  }
0x3c: {  	_ =	sdelay $0x1  }
0x3d: {  	s8 =	simm.s32 $0x11  }
0x3e: {  	[sflag:s8] =	ssyncadd.s32 $0xFFFFFB00  }
.LBB2_1:
0x3f: {  	[dreg:$0x6] =	wrdreg s5  }
0x40: {  	s5 =	rddreg [dreg:$0x3]  }
0x41: {  	[spmem:s17], [sflag:s16] =	dma.local [hbm:s5], $0x500  }
0x42: {  	_ =	swait.ge [sflag:s8], $0x500  }
0x43: {  	[sflag:s8] =	ssyncset.done $0x0  }
0x44: {  	s5 =	rddreg [dreg:$0x9];
	[sflag:s8] =	ssyncadd.s32 $0xFFFFFB00;
	s8 =	simm.s32 @!p2 $0x0  }
0x45: {  	[tilespmem:s8], [sflag:$0x11] =	stream.linear.gather @!p2 [hbm4b:s5+s8], $0x1400, $0x38;
	[tilespmem:$0x9000] =	vst v63  }
0x46: {  	s5 =	simm.s32 @!p2 $0x11  }
0x47: {  	_ =	swait.ge @!p2 [sflag:s5], $0x1400  }
0x48: {  	[sflag:s5] =	ssyncset.done @!p2 $0x0  }
0x49: {  	s16 =	simm.s32 @!p3 $0x0;
	[sflag:s5] =	ssyncadd.s32 @!p2 $0xFFFFEC00;
	s5 =	rddreg [dreg:$0xa]  }
0x4a: {  	[tilespmem:s16], [sflag:$0x11] =	stream.linear.gather @!p3 [hbm4b:s5+s16], $0x500, $0x38;
	[tilespmem:$0x9000] =	vst v63  }
0x4b: {  	s5 =	simm.s32 @!p3 $0x11  }
0x4c: {  	_ =	swait.ge @!p3 [sflag:s5], $0x500  }
0x4d: {  	[sflag:s5] =	ssyncset.done @!p3 $0x0  }
0x4e: {  	s8 =	simm.s32 @!p3 $0x500;
	s17 =	rddreg [dreg:$0x7];
	[sflag:s5] =	ssyncadd.s32 @!p3 $0xFFFFFB00  }
0x4f: {  	[tilespmem:s8], [sflag:$0x11] =	stream.linear.gather @!p3 [hbm4b:s17+s16], $0xF00, $0x38;
	[tilespmem:$0x9000] =	vst v63  }
0x50: {  	_ =	swait.ge @!p3 [sflag:s5], $0xF00  }
0x51: {  	[sflag:s5] =	ssyncset.done @!p3 $0x0  }
0x52: {  	s8 =	rddreg [dreg:$0xb];
	[sflag:s5] =	ssyncadd.s32 @!p3 $0xFFFFF100;
	s5 =	simm.s32 @p1 $0x0  }
0x53: {  	[tilespmem:s5], [sflag:$0x11] =	stream.linear.gather @p1 [hbm4b:s8+s5], $0x1400, $0x38;
	[tilespmem:$0x9000] =	vst v63  }
0x54: {  	s8 =	simm.s32 @p1 $0x11  }
0x55: {  	_ =	swait.ge @p1 [sflag:s8], $0x1400  }
0x56: {  	s17 =	simm.s32 @!p2 $0x1400;
	[sflag:s8] =	ssyncset.done @p1 $0x0  }
0x57: {  	s16 =	simm.s32 @!p2 $0x0;
	s5 =	rddreg [dreg:$0xc];
	[sflag:s8] =	ssyncadd.s32 @p1 $0xFFFFEC00  }
0x58: {  	[tilespmem:s17], [sflag:$0x11] =	stream.linear.gather @!p2 [hbm4b:s5+s16], $0x1400, $0x38;
	[tilespmem:$0x9000] =	vst v63  }
0x59: {  	p5 =	por @!p1 $0x0, $0x0;
	p4 =	por @!p3 $0x1, $0x1;
	s5 =	simm.s32 @!p2 $0x11  }
0x5a: {  	p5 =	por @!p3 p4, p4;
	p4 =	por @p1 $0x0, $0x0;
	_ =	swait.ge @!p2 [sflag:s5], $0x1400  }
0x5b: {  	s16 =	simm.s32 @p1 $0x1400;
	[sflag:s5] =	ssyncset.done @!p2 $0x0;
	s5 =	simm.s32 @!p2 $0x11  }
0x5c: {  	s17 =	simm.s32 @p1 $0x0;
	[sflag:s5] =	ssyncadd.s32 @!p2 $0xFFFFEC00;
	s5 =	rddreg [dreg:$0xd]  }
0x5d: {  	[tilespmem:s16], [sflag:$0x11] =	stream.linear.gather @p1 [hbm4b:s5+s17], $0x1400, $0x38;
	[tilespmem:$0x9000] =	vst v63  }
0x5e: {  	p4 =	por @!p1 p5, p5;
	_ =	swait.ge @p1 [sflag:s8], $0x1400  }
0x5f: {  	s5 =	simm.s32 @p4 $0x0;
	[sflag:s8] =	ssyncset.done @p1 $0x0  }
0x60: {  	s16 =	rddreg [dreg:$0xe];
	[sflag:s8] =	ssyncadd.s32 @p1 $0xFFFFEC00;
	s8 =	simm.s32 @p4 $0x1400  }
0x61: {  	[tilespmem:s8], [sflag:$0x11] =	stream.linear.gather @p4 [hbm4b:s16+s5], $0x500, $0x38;
	[tilespmem:$0x9000] =	vst v63  }
0x62: {  	s8 =	simm.s32 @p4 $0x11  }
0x63: {  	_ =	swait.ge @p4 [sflag:s8], $0x500  }
0x64: {  	[sflag:s8] =	ssyncset.done @p4 $0x0  }
0x65: {  	[sflag:s8] =	ssyncadd.s32 @p4 $0xFFFFFB00  }
0x66: {  	s16 =	simm.s32 @p4 $0x1900;
	s17 =	rddreg [dreg:$0x2]  }
0x67: {  	[tilespmem:s16], [sflag:$0x11] =	stream.linear.gather @p4 [hbm4b:s17+s5], $0xF00, $0x38;
	[tilespmem:$0x9000] =	vst v63  }
.Ltmp2:
0x68: {  	_ =	swait.ge @p4 [sflag:s8], $0xF00;
	(pc) =	sbr.rel @p2 .LBB2_6-.Ltmp2, $3  }
0x69: {  	[sflag:s8] =	ssyncset.done @p4 $0x0  }
0x6a: {  	[sflag:s8] =	ssyncadd.s32 @p4 $0xFFFFF100  }
0x6b: {  	[bflag:$0x0] =	sbarrier.arrive $0xFFFF;
	_ =	sdelay $0x1  }
0x6c: {  	s8 =	simm.s32 $0x0  }
0x6d: {  	[tilespmem:s19], [sflag:$0x1] =	stream.indirect.gather [hbm4b:s1+s18], $0x10, s8, s18, $0xb8;
	[tilespmem:$0x9000] =	vst v63  }
0x6e: {  	_ = 	snop  }
0x6f: {  	[tilespmem:s20], [sflag:$0x2] =	stream.indirect.gather [hbm4b:s1+s18], $0x10, s18, s18, $0xb8;
	[tilespmem:$0x9000] =	vst v63  }
0x70: {  	s5 =	simm.s32 $0x100  }
0x71: {  	[tilespmem:s22], [sflag:$0x3] =	stream.indirect.gather [hbm4b:s1+s18], $0x10, s5, s18, $0xb8;
	[tilespmem:$0x9000] =	vst v63  }
0x72: {  	s17 =	simm.s32 $0x180  }
0x73: {  	[tilespmem:s25], [sflag:$0x4] =	stream.indirect.gather [hbm4b:s1+s18], $0x10, s17, s18, $0xb8;
	[tilespmem:$0x9000] =	vst v63  }
0x74: {  	s16 =	simm.s32 $0x200  }
0x75: {  	[tilespmem:s28], [sflag:$0x5] =	stream.indirect.gather [hbm4b:s1+s18], $0x10, s16, s18, $0xb8;
	[tilespmem:$0x9000] =	vst v63  }
0x76: {  	s17 =	simm.s32 $0x280  }
0x77: {  	[tilespmem:s30], [sflag:$0x6] =	stream.indirect.gather [hbm4b:s1+s18], $0x10, s17, s18, $0xb8;
	[tilespmem:$0x9000] =	vst v63  }
0x78: {  	s16 =	simm.s32 $0x300  }
0x79: {  	[tilespmem:s0], [sflag:$0x7] =	stream.indirect.gather [hbm4b:s1+s18], $0x10, s16, s18, $0xb8;
	[tilespmem:$0x9000] =	vst v63  }
0x7a: {  	s17 =	simm.s32 $0x380  }
0x7b: {  	[tilespmem:s2], [sflag:$0x8] =	stream.indirect.gather [hbm4b:s1+s18], $0x10, s17, s18, $0xb8;
	[tilespmem:$0x9000] =	vst v63  }
.LBB2_3:
0x7c: {  	_ =	swait.ge [sflag:s3], $0x800  }
0x7d: {  	s16 =	sshra.s32 s8, $0x2;
	[sflag:s3] =	ssyncset.done $0x0  }
0x7e: {  	s5 =	sadd.s32 $0x1400, s16;
	[sflag:s3] =	ssyncadd.s32 $0xFFFFF800  }
0x7f: {  	[spmem:s4] =	stream.indirect.scatter.add.f32 [tilespmem:s19], [sflag:$0x9], $0x10, s5, s18, $0xb8;
	[tilespmem:$0x9000] =	vst v63  }
0x80: {  	_ =	swait.ge [sflag:s21], $0x800  }
0x81: {  	[sflag:s21] =	ssyncset.done $0x0  }
0x82: {  	s17 =	sadd.s32 $0x1480, s16;
	[sflag:s21] =	ssyncadd.s32 $0xFFFFF800  }
0x83: {  	[spmem:s4] =	stream.indirect.scatter.add.f32 [tilespmem:s20], [sflag:$0xA], $0x10, s17, s18, $0xb8;
	[tilespmem:$0x9000] =	vst v63  }
0x84: {  	_ =	swait.ge [sflag:s23], $0x800  }
0x85: {  	[sflag:s23] =	ssyncset.done $0x0  }
0x86: {  	s17 =	sadd.s32 $0x1500, s16;
	[sflag:s23] =	ssyncadd.s32 $0xFFFFF800  }
0x87: {  	[spmem:s4] =	stream.indirect.scatter.add.f32 [tilespmem:s22], [sflag:$0xB], $0x10, s17, s18, $0xb8;
	[tilespmem:$0x9000] =	vst v63  }
0x88: {  	_ =	swait.ge [sflag:s26], $0x800  }
0x89: {  	[sflag:s26] =	ssyncset.done $0x0  }
0x8a: {  	s17 =	sadd.s32 $0x1580, s16;
	[sflag:s26] =	ssyncadd.s32 $0xFFFFF800  }
0x8b: {  	[spmem:s4] =	stream.indirect.scatter.add.f32 [tilespmem:s25], [sflag:$0xC], $0x10, s17, s18, $0xb8;
	[tilespmem:$0x9000] =	vst v63  }
0x8c: {  	_ =	swait.ge [sflag:s29], $0x800  }
0x8d: {  	[sflag:s29] =	ssyncset.done $0x0  }
0x8e: {  	s17 =	sadd.s32 $0x1600, s16;
	[sflag:s29] =	ssyncadd.s32 $0xFFFFF800  }
0x8f: {  	[spmem:s4] =	stream.indirect.scatter.add.f32 [tilespmem:s28], [sflag:$0xD], $0x10, s17, s18, $0xb8;
	[tilespmem:$0x9000] =	vst v63  }
0x90: {  	_ =	swait.ge [sflag:s31], $0x800  }
0x91: {  	[sflag:s31] =	ssyncset.done $0x0  }
0x92: {  	s17 =	sadd.s32 $0x1680, s16;
	[sflag:s31] =	ssyncadd.s32 $0xFFFFF800  }
0x93: {  	[spmem:s4] =	stream.indirect.scatter.add.f32 [tilespmem:s30], [sflag:$0xE], $0x10, s17, s18, $0xb8;
	[tilespmem:$0x9000] =	vst v63  }
0x94: {  	_ =	swait.ge [sflag:s6], $0x800  }
0x95: {  	[sflag:s6] =	ssyncset.done $0x0  }
0x96: {  	s17 =	sadd.s32 $0x1700, s16;
	[sflag:s6] =	ssyncadd.s32 $0xFFFFF800  }
0x97: {  	[spmem:s4] =	stream.indirect.scatter.add.f32 [tilespmem:s0], [sflag:$0xF], $0x10, s17, s18, $0xb8;
	[tilespmem:$0x9000] =	vst v63  }
0x98: {  	_ =	swait.ge [sflag:s7], $0x800  }
0x99: {  	p4 =	seq.s32 s8, $0x4000;
	[sflag:s7] =	ssyncset.done $0x0  }
.Ltmp3:
0x9a: {  	s17 =	sadd.s32 $0x1780, s16;
	[sflag:s7] =	ssyncadd.s32 $0xFFFFF800;
	(pc) =	sbr.rel @p4 .LBB2_5-.Ltmp3, $4  }
0x9b: {  	[spmem:s4] =	stream.indirect.scatter.add.f32 [tilespmem:s2], [sflag:$0x10], $0x10, s17, s18, $0xb8;
	[tilespmem:$0x9000] =	vst v63  }
0x9c: {  	_ =	swait.ge [sflag:s9], $0x800  }
0x9d: {  	[sflag:s9] =	ssyncset.done $0x0  }
0x9e: {  	[sflag:s9] =	ssyncadd.s32 $0xFFFFF800  }
0x9f: {  	s5 =	sadd.s32 $0x400, s16  }
0xa0: {  	[tilespmem:s19], [sflag:$0x1] =	stream.indirect.gather [hbm4b:s1+s18], $0x10, s5, s18, $0xb8;
	[tilespmem:$0x9000] =	vst v63  }
0xa1: {  	_ =	swait.ge [sflag:s10], $0x800  }
0xa2: {  	[sflag:s10] =	ssyncset.done $0x0  }
0xa3: {  	s17 =	sadd.s32 $0x480, s16;
	[sflag:s10] =	ssyncadd.s32 $0xFFFFF800  }
0xa4: {  	[tilespmem:s20], [sflag:$0x2] =	stream.indirect.gather [hbm4b:s1+s18], $0x10, s17, s18, $0xb8;
	[tilespmem:$0x9000] =	vst v63  }
0xa5: {  	_ =	swait.ge [sflag:s11], $0x800  }
0xa6: {  	[sflag:s11] =	ssyncset.done $0x0  }
0xa7: {  	s17 =	sadd.s32 $0x500, s16;
	[sflag:s11] =	ssyncadd.s32 $0xFFFFF800  }
0xa8: {  	[tilespmem:s22], [sflag:$0x3] =	stream.indirect.gather [hbm4b:s1+s18], $0x10, s17, s18, $0xb8;
	[tilespmem:$0x9000] =	vst v63  }
0xa9: {  	_ =	swait.ge [sflag:s12], $0x800  }
0xaa: {  	[sflag:s12] =	ssyncset.done $0x0  }
0xab: {  	s17 =	sadd.s32 $0x580, s16;
	[sflag:s12] =	ssyncadd.s32 $0xFFFFF800  }
0xac: {  	[tilespmem:s25], [sflag:$0x4] =	stream.indirect.gather [hbm4b:s1+s18], $0x10, s17, s18, $0xb8;
	[tilespmem:$0x9000] =	vst v63  }
0xad: {  	_ =	swait.ge [sflag:s13], $0x800  }
0xae: {  	[sflag:s13] =	ssyncset.done $0x0  }
0xaf: {  	s17 =	sadd.s32 $0x600, s16;
	[sflag:s13] =	ssyncadd.s32 $0xFFFFF800  }
0xb0: {  	[tilespmem:s28], [sflag:$0x5] =	stream.indirect.gather [hbm4b:s1+s18], $0x10, s17, s18, $0xb8;
	[tilespmem:$0x9000] =	vst v63  }
0xb1: {  	_ =	swait.ge [sflag:s14], $0x800  }
0xb2: {  	[sflag:s14] =	ssyncset.done $0x0  }
0xb3: {  	s17 =	sadd.s32 $0x680, s16;
	[sflag:s14] =	ssyncadd.s32 $0xFFFFF800  }
0xb4: {  	[tilespmem:s30], [sflag:$0x6] =	stream.indirect.gather [hbm4b:s1+s18], $0x10, s17, s18, $0xb8;
	[tilespmem:$0x9000] =	vst v63  }
0xb5: {  	_ =	swait.ge [sflag:s15], $0x800  }
0xb6: {  	[sflag:s15] =	ssyncset.done $0x0  }
0xb7: {  	s17 =	sadd.s32 $0x700, s16;
	[sflag:s15] =	ssyncadd.s32 $0xFFFFF800  }
0xb8: {  	[tilespmem:s0], [sflag:$0x7] =	stream.indirect.gather [hbm4b:s1+s18], $0x10, s17, s18, $0xb8;
	[tilespmem:$0x9000] =	vst v63  }
.Ltmp4:
0xb9: {  	_ = 	snop;
	(pc) =	sbr.rel .LBB2_3-.Ltmp4, $4  }
0xba: {  	_ =	swait.ge [sflag:s24], $0x800  }
0xbb: {  	[sflag:s24] =	ssyncset.done $0x0  }
0xbc: {  	s8 =	sadd.s32 $0x1000, s8;
	s17 =	sadd.s32 $0x780, s16;
	[sflag:s24] =	ssyncadd.s32 $0xFFFFF800  }
0xbd: {  	[tilespmem:s2], [sflag:$0x8] =	stream.indirect.gather [hbm4b:s1+s18], $0x10, s17, s18, $0xb8;
	[tilespmem:$0x9000] =	vst v63  }
.LBB2_5:
0xbe: {  	_ =	swait.ge [sflag:s10], $0x800  }
0xbf: {  	[sflag:s10] =	ssyncset.done $0x0  }
0xc0: {  	[sflag:s10] =	ssyncadd.s32 $0xFFFFF800  }
0xc1: {  	_ =	swait.ge [sflag:s11], $0x800  }
0xc2: {  	[sflag:s11] =	ssyncset.done $0x0  }
0xc3: {  	[sflag:s11] =	ssyncadd.s32 $0xFFFFF800  }
0xc4: {  	_ =	swait.ge [sflag:s12], $0x800  }
0xc5: {  	[sflag:s12] =	ssyncset.done $0x0  }
0xc6: {  	[sflag:s12] =	ssyncadd.s32 $0xFFFFF800  }
0xc7: {  	_ =	swait.ge [sflag:s13], $0x800  }
0xc8: {  	[sflag:s13] =	ssyncset.done $0x0  }
0xc9: {  	[sflag:s13] =	ssyncadd.s32 $0xFFFFF800  }
0xca: {  	_ =	swait.ge [sflag:s14], $0x800  }
0xcb: {  	[sflag:s14] =	ssyncset.done $0x0  }
0xcc: {  	[sflag:s14] =	ssyncadd.s32 $0xFFFFF800  }
0xcd: {  	_ =	swait.ge [sflag:s15], $0x800  }
0xce: {  	[sflag:s15] =	ssyncset.done $0x0  }
0xcf: {  	[sflag:s15] =	ssyncadd.s32 $0xFFFFF800  }
0xd0: {  	_ =	swait.ge [sflag:s24], $0x800  }
0xd1: {  	[sflag:s24] =	ssyncset.done $0x0  }
0xd2: {  	[sflag:s24] =	ssyncadd.s32 $0xFFFFF800  }
.LBB2_6:
.Ltmp5:
0xd3: {  	(pc) =	sbr.rel @!p0 .LBB2_11-.Ltmp5, $3  }
0xd4: {  	_ =	sdelay $0x1  }
0xd5: {  	s5 =	rddreg [dreg:$0x6]  }
0xd6: {  	s17 =	rddreg [dreg:$0x10]  }
0xd7: {  	s8 =	simm.s32 $0x0  }
0xd8: {  	[tilespmem:s19], [sflag:$0x1] =	stream.indirect.gather [hbm4b:s1+s18], $0x10, s8, s18, $0xb8;
	[tilespmem:$0x9000] =	vst v63  }
0xd9: {  	_ = 	snop  }
0xda: {  	[tilespmem:s20], [sflag:$0x2] =	stream.indirect.gather [hbm4b:s1+s18], $0x10, s18, s18, $0xb8;
	[tilespmem:$0x9000] =	vst v63  }
0xdb: {  	s5 =	simm.s32 $0x100  }
0xdc: {  	[tilespmem:s22], [sflag:$0x3] =	stream.indirect.gather [hbm4b:s1+s18], $0x10, s5, s18, $0xb8;
	[tilespmem:$0x9000] =	vst v63  }
0xdd: {  	s16 =	simm.s32 $0x180  }
0xde: {  	[tilespmem:s25], [sflag:$0x4] =	stream.indirect.gather [hbm4b:s1+s18], $0x10, s16, s18, $0xb8;
	[tilespmem:$0x9000] =	vst v63  }
0xdf: {  	s16 =	simm.s32 $0x200  }
0xe0: {  	[tilespmem:s28], [sflag:$0x5] =	stream.indirect.gather [hbm4b:s1+s18], $0x10, s16, s18, $0xb8;
	[tilespmem:$0x9000] =	vst v63  }
0xe1: {  	s16 =	simm.s32 $0x280  }
0xe2: {  	[tilespmem:s30], [sflag:$0x6] =	stream.indirect.gather [hbm4b:s1+s18], $0x10, s16, s18, $0xb8;
	[tilespmem:$0x9000] =	vst v63  }
0xe3: {  	s16 =	simm.s32 $0x300  }
0xe4: {  	[tilespmem:s0], [sflag:$0x7] =	stream.indirect.gather [hbm4b:s1+s18], $0x10, s16, s18, $0xb8;
	[tilespmem:$0x9000] =	vst v63  }
0xe5: {  	s16 =	simm.s32 $0x380  }
0xe6: {  	[tilespmem:s2], [sflag:$0x8] =	stream.indirect.gather [hbm4b:s1+s18], $0x10, s16, s18, $0xb8;
	[tilespmem:$0x9000] =	vst v63  }
.LBB2_8:
0xe7: {  	_ =	swait.ge [sflag:s3], $0x800  }
0xe8: {  	s16 =	sshra.s32 s8, $0x2;
	[sflag:s3] =	ssyncset.done $0x0  }
0xe9: {  	s5 =	sadd.s32 $0x1400, s16;
	[sflag:s3] =	ssyncadd.s32 $0xFFFFF800  }
0xea: {  	[spmem:s4] =	stream.indirect.scatter.add.f32 [tilespmem:s19], [sflag:$0x9], $0x10, s5, s18, $0xb8;
	[tilespmem:$0x9000] =	vst v63  }
0xeb: {  	_ =	swait.ge [sflag:s21], $0x800  }
0xec: {  	[sflag:s21] =	ssyncset.done $0x0  }
0xed: {  	s5 =	sadd.s32 $0x1480, s16;
	[sflag:s21] =	ssyncadd.s32 $0xFFFFF800  }
0xee: {  	[spmem:s4] =	stream.indirect.scatter.add.f32 [tilespmem:s20], [sflag:$0xA], $0x10, s5, s18, $0xb8;
	[tilespmem:$0x9000] =	vst v63  }
0xef: {  	_ =	swait.ge [sflag:s23], $0x800  }
0xf0: {  	[sflag:s23] =	ssyncset.done $0x0  }
0xf1: {  	s5 =	sadd.s32 $0x1500, s16;
	[sflag:s23] =	ssyncadd.s32 $0xFFFFF800  }
0xf2: {  	[spmem:s4] =	stream.indirect.scatter.add.f32 [tilespmem:s22], [sflag:$0xB], $0x10, s5, s18, $0xb8;
	[tilespmem:$0x9000] =	vst v63  }
0xf3: {  	_ =	swait.ge [sflag:s26], $0x800  }
0xf4: {  	[sflag:s26] =	ssyncset.done $0x0  }
0xf5: {  	s5 =	sadd.s32 $0x1580, s16;
	[sflag:s26] =	ssyncadd.s32 $0xFFFFF800  }
0xf6: {  	[spmem:s4] =	stream.indirect.scatter.add.f32 [tilespmem:s25], [sflag:$0xC], $0x10, s5, s18, $0xb8;
	[tilespmem:$0x9000] =	vst v63  }
0xf7: {  	_ =	swait.ge [sflag:s29], $0x800  }
0xf8: {  	[sflag:s29] =	ssyncset.done $0x0  }
0xf9: {  	s5 =	sadd.s32 $0x1600, s16;
	[sflag:s29] =	ssyncadd.s32 $0xFFFFF800  }
0xfa: {  	[spmem:s4] =	stream.indirect.scatter.add.f32 [tilespmem:s28], [sflag:$0xD], $0x10, s5, s18, $0xb8;
	[tilespmem:$0x9000] =	vst v63  }
0xfb: {  	_ =	swait.ge [sflag:s31], $0x800  }
0xfc: {  	[sflag:s31] =	ssyncset.done $0x0  }
0xfd: {  	s5 =	sadd.s32 $0x1680, s16;
	[sflag:s31] =	ssyncadd.s32 $0xFFFFF800  }
0xfe: {  	[spmem:s4] =	stream.indirect.scatter.add.f32 [tilespmem:s30], [sflag:$0xE], $0x10, s5, s18, $0xb8;
	[tilespmem:$0x9000] =	vst v63  }
0xff: {  	_ =	swait.ge [sflag:s6], $0x800  }
0x100: {  	[sflag:s6] =	ssyncset.done $0x0  }
0x101: {  	s5 =	sadd.s32 $0x1700, s16;
	[sflag:s6] =	ssyncadd.s32 $0xFFFFF800  }
0x102: {  	[spmem:s4] =	stream.indirect.scatter.add.f32 [tilespmem:s0], [sflag:$0xF], $0x10, s5, s18, $0xb8;
	[tilespmem:$0x9000] =	vst v63  }
0x103: {  	_ =	swait.ge [sflag:s7], $0x800  }
0x104: {  	p4 =	seq.s32 s8, $0x4000;
	[sflag:s7] =	ssyncset.done $0x0  }
.Ltmp6:
0x105: {  	s5 =	sadd.s32 $0x1780, s16;
	[sflag:s7] =	ssyncadd.s32 $0xFFFFF800;
	(pc) =	sbr.rel @p4 .LBB2_10-.Ltmp6, $4  }
0x106: {  	[spmem:s4] =	stream.indirect.scatter.add.f32 [tilespmem:s2], [sflag:$0x10], $0x10, s5, s18, $0xb8;
	[tilespmem:$0x9000] =	vst v63  }
0x107: {  	_ =	swait.ge [sflag:s9], $0x800  }
0x108: {  	[sflag:s9] =	ssyncset.done $0x0  }
0x109: {  	[sflag:s9] =	ssyncadd.s32 $0xFFFFF800  }
0x10a: {  	s5 =	sadd.s32 $0x400, s16  }
0x10b: {  	[tilespmem:s19], [sflag:$0x1] =	stream.indirect.gather [hbm4b:s1+s18], $0x10, s5, s18, $0xb8;
	[tilespmem:$0x9000] =	vst v63  }
0x10c: {  	_ =	swait.ge [sflag:s10], $0x800  }
0x10d: {  	[sflag:s10] =	ssyncset.done $0x0  }
0x10e: {  	s5 =	sadd.s32 $0x480, s16;
	[sflag:s10] =	ssyncadd.s32 $0xFFFFF800  }
0x10f: {  	[tilespmem:s20], [sflag:$0x2] =	stream.indirect.gather [hbm4b:s1+s18], $0x10, s5, s18, $0xb8;
	[tilespmem:$0x9000] =	vst v63  }
0x110: {  	_ =	swait.ge [sflag:s11], $0x800  }
0x111: {  	[sflag:s11] =	ssyncset.done $0x0  }
0x112: {  	s5 =	sadd.s32 $0x500, s16;
	[sflag:s11] =	ssyncadd.s32 $0xFFFFF800  }
0x113: {  	[tilespmem:s22], [sflag:$0x3] =	stream.indirect.gather [hbm4b:s1+s18], $0x10, s5, s18, $0xb8;
	[tilespmem:$0x9000] =	vst v63  }
0x114: {  	_ =	swait.ge [sflag:s12], $0x800  }
0x115: {  	[sflag:s12] =	ssyncset.done $0x0  }
0x116: {  	s5 =	sadd.s32 $0x580, s16;
	[sflag:s12] =	ssyncadd.s32 $0xFFFFF800  }
0x117: {  	[tilespmem:s25], [sflag:$0x4] =	stream.indirect.gather [hbm4b:s1+s18], $0x10, s5, s18, $0xb8;
	[tilespmem:$0x9000] =	vst v63  }
0x118: {  	_ =	swait.ge [sflag:s13], $0x800  }
0x119: {  	[sflag:s13] =	ssyncset.done $0x0  }
0x11a: {  	s5 =	sadd.s32 $0x600, s16;
	[sflag:s13] =	ssyncadd.s32 $0xFFFFF800  }
0x11b: {  	[tilespmem:s28], [sflag:$0x5] =	stream.indirect.gather [hbm4b:s1+s18], $0x10, s5, s18, $0xb8;
	[tilespmem:$0x9000] =	vst v63  }
0x11c: {  	_ =	swait.ge [sflag:s14], $0x800  }
0x11d: {  	[sflag:s14] =	ssyncset.done $0x0  }
0x11e: {  	s5 =	sadd.s32 $0x680, s16;
	[sflag:s14] =	ssyncadd.s32 $0xFFFFF800  }
0x11f: {  	[tilespmem:s30], [sflag:$0x6] =	stream.indirect.gather [hbm4b:s1+s18], $0x10, s5, s18, $0xb8;
	[tilespmem:$0x9000] =	vst v63  }
0x120: {  	_ =	swait.ge [sflag:s15], $0x800  }
0x121: {  	[sflag:s15] =	ssyncset.done $0x0  }
0x122: {  	s5 =	sadd.s32 $0x700, s16;
	[sflag:s15] =	ssyncadd.s32 $0xFFFFF800  }
0x123: {  	[tilespmem:s0], [sflag:$0x7] =	stream.indirect.gather [hbm4b:s1+s18], $0x10, s5, s18, $0xb8;
	[tilespmem:$0x9000] =	vst v63  }
.Ltmp7:
0x124: {  	_ = 	snop;
	(pc) =	sbr.rel .LBB2_8-.Ltmp7, $4  }
0x125: {  	_ =	swait.ge [sflag:s24], $0x800  }
0x126: {  	[sflag:s24] =	ssyncset.done $0x0  }
0x127: {  	s8 =	sadd.s32 $0x1000, s8;
	s16 =	sadd.s32 $0x780, s16;
	[sflag:s24] =	ssyncadd.s32 $0xFFFFF800  }
0x128: {  	[tilespmem:s2], [sflag:$0x8] =	stream.indirect.gather [hbm4b:s1+s18], $0x10, s16, s18, $0xb8;
	[tilespmem:$0x9000] =	vst v63  }
.LBB2_12:
0x129: {  	_ =	sfence.sel $0x180000  }
0x12a: {  	[bflag:$0x0] =	sbarrier.arrive $0xFFFF  }
0x12b: {  	_ =	strace $0x9000004A  }
0x12c: {  	s0 =	stileid.u32;
	[bflag:$0x2] =	sbarrier.arrive $0xFFFF  }
0x12d: {  	p0 =	sne.s32 s0, $0x0;
	s0 =	rddreg [dreg:$0x5]  }
0x12e: {  	s0 =	sadd.s32 @!p0 $0x100000, s0  }
0x12f: {  	[sflag:s0] =	ssyncadd.tile.s32 @!p0 $0x1;
	_ =	shalt  }
.Lfunc_end2:
_tile_overlayer_lowered:
.L_overlay_start_2:
0x130: {  	(tag) =	ssettag $0x2  }
0x131: {  	s0 =	rddreg [dreg:$0x0];
	s2 =	stileid.u32  }
0x132: {  	s1 =	rddreg [dreg:$0x1];
	p0 =	sne.s32 s2, $0x0  }
0x133: {  	s3 =	rddreg [dreg:$0x2];
	[bflag:$0x3] =	sbarrier.arrive $0xFFFF;
	s2 =	simm.s32 @!p0 $0x1C11  }
0x134: {  	[timem:s3], [sflag:s2] =	dma.local @!p0 [hbm:s0], s1  }
0x135: {  	s0 =	simm.s32 @!p0 $0x11  }
0x136: {  	_ =	swait.ge @!p0 [sflag:s0], s1  }
0x137: {  	s1 =	ssub.s32 @!p0 $0x0, s1;
	[sflag:s0] =	ssyncset.done @!p0 $0x0  }
0x138: {  	[sflag:s0] =	ssyncadd.s32 @!p0 s1  }
0x139: {  	[bflag:$0x3] =	sbarrier.arrive $0xFFFF  }
0x13a: {  	_ =	shalt  }

// kernel: kernel.14.cloned.1.call-start
scs
__scs_entry_jumppad:
0x0: {  	(pc) =	sbr.rel $0x88, $3  }
0x1: {  	(tag) =	ssettag $0x0;
	lr =	simm.s32 $0x1  }
0x2: {  	[smem:$0x3F9B] =	sst lr;
	_ =	strace $0xD0000000  }
0x3: {  	_ = 	snop  }
0x4: {  	_ = 	snop  }
0x5: {  	_ = 	snop  }
0x6: {  	_ = 	snop  }
0x7: {  	_ = 	snop  }
__scs_overlays_trampoline_lowered:
0x8: {  	[smem:$0x3FAA] =	sst s0  }
0x9: {  	[smem:$0x3FAB] =	sst s1  }
0xa: {  	[smem:$0x3FAC] =	sst s2  }
0xb: {  	[smem:$0x3FAD] =	sst s3  }
0xc: {  	[smem:$0x3FAE] =	sst s4  }
0xd: {  	[smem:$0x3FAF] =	sst s5  }
0xe: {  	[smem:$0x3FB0] =	sst s6  }
0xf: {  	[smem:$0x3FB1] =	sst s7  }
0x10: {  	[smem:$0x3FB2] =	sst s8  }
0x11: {  	[smem:$0x3FB3] =	sst s9;
	s0 =	simm.s32 @!p0 $0x0  }
0x12: {  	s1 =	sld [smem:$0x3F99];
	s0 =	simm.s32 @p0 $0x1  }
0x13: {  	[smem:$0x3FB4] =	sst s0;
	s0 =	simm.s32 @!p1 $0x0  }
0x14: {  	s2 =	sld [smem:$0x3F98];
	s0 =	simm.s32 @p1 $0x1  }
0x15: {  	[smem:$0x3FB5] =	sst s0;
	s0 =	simm.s32 @!p2 $0x0  }
0x16: {  	s3 =	sld [smem:$0x3FDB];
	s0 =	simm.s32 @p2 $0x1  }
0x17: {  	s4 =	simm.s32 $0x1BF5;
	[smem:$0x3FB7] =	sst s0  }
0x18: {  	s0 =	sld [smem:$0x3F9A];
	_ =	swait.ge [sflag:s4], $0x0  }
0x19: {  	s7 =	sld [smem:$0x3F9B]  }
0x1a: {  	s8 =	sadd.s32 $0xFFFFE003, lr  }
0x1b: {  	s9 =	sadd.s32 $0xFFFFFEF7, lr;
	s5 =	simm.s32 $0xFFFFFFFF;
	p2 =	slt.u32 s8, $0xFFFFF086  }
0x1c: {  	p1 =	slt.u32 s9, $0xF7A;
	s5 =	simm.s32 @!p2 $0x0  }
0x1d: {  	s5 =	simm.s32 @p1 $0x1;
	p0 =	seq.s32 s7, s2  }
0x1e: {  	s7 =	smul.u32 @!p0 $0xF7A, s2;
	p2 =	seq.s32 @!p0 s5, $0x0  }
0x1f: {  	s9 =	smul.u32 $0xF7A, s1;
	s8 =	simm.s32 @!p0 $0x1BF5;
	p2 =	por !p2, p0  }
0x20: {  	[sflag:s8] =	ssyncset.s32 @!p0 $0xFFFFF086;
	s6 =	sadd.s32 @!p0 s3, s7;
	s7 =	simm.s32 @!p0 $0x108  }
0x21: {  	s3 =	sadd.s32 s3, s9;
	s6 =	sadd.s32 @!p0 $0x88, s6;
	s7 =	simm.s32 @p2 $0x1082  }
0x22: {  	[simem:s7], [sflag:s8] =	dma.local @!p0 [hbm:s6], $0xF7A  }
0x23: {  	s9 =	sor.u32 $0xD0000000, s2;
	s6 =	simm.s32 $0x108;
	_ =	swait.ge @!p0 [sflag:s8], $0x0  }
0x24: {  	s3 =	sadd.s32 $0x88, s3;
	s6 =	simm.s32 @!p1 $0x1082;
	[sflag:s4] =	ssyncset.s32 $0xFFFFF086  }
0x25: {  	[simem:s6], [sflag:s4] =	dma.local [hbm:s3], $0xF7A  }
0x26: {  	[smem:$0x3F9B] =	sst s1;
	(tag) =	ssettag s2;
	_ =	strace s9  }
0x27: {  	s1 =	sld [smem:$0x3FAB]  }
0x28: {  	s2 =	sld [smem:$0x3FAC]  }
0x29: {  	s4 =	sld [smem:$0x3FAE]  }
0x2a: {  	p0 =	seq.s32 s5, $0x0;
	s5 =	sld [smem:$0x3FAF]  }
0x2b: {  	s6 =	sld [smem:$0x3FB0]  }
0x2c: {  	s7 =	sld [smem:$0x3FB1]  }
0x2d: {  	s3 =	simm.s32 $0x108;
	s8 =	sld [smem:$0x3FB2]  }
0x2e: {  	s3 =	simm.s32 @!p0 $0x1082;
	s9 =	sld [smem:$0x3FB3]  }
0x2f: {  	lr =	sadd.s32 s0, s3;
	s0 =	sld [smem:$0x3FAA]  }
0x30: {  	s3 =	sld [smem:$0x3FAD]  }
0x31: {  	[smem:$0x3FB6] =	sst s10  }
0x32: {  	s10 =	sld [smem:$0x3FB4];
	_ =	sdelay $0x3  }
0x33: {  	p0 =	seq.s32 s10, $0x1;
	s10 =	sld [smem:$0x3FB6];
	_ =	sdelay $0x3  }
0x34: {  	[smem:$0x3FB6] =	sst s10  }
0x35: {  	s10 =	sld [smem:$0x3FB5];
	_ =	sdelay $0x3  }
0x36: {  	p1 =	seq.s32 s10, $0x1;
	s10 =	sld [smem:$0x3FB6];
	_ =	sdelay $0x3  }
0x37: {  	[smem:$0x3FB6] =	sst s10  }
0x38: {  	s10 =	sld [smem:$0x3FB7]  }
0x39: {  	_ = 	snop;
	(pc) =	sbr.ind lr, $3  }
0x3a: {  	_ = 	snop  }
0x3b: {  	_ = 	snop  }
0x3c: {  	p2 =	seq.s32 s10, $0x1;
	s10 =	sld [smem:$0x3FB6]  }
0x3d: {  	_ =	shalt  }
0x3e: {  	_ =	shalt  }
0x3f: {  	_ =	shalt  }
0x40: {  	_ =	shalt  }
0x41: {  	_ =	shalt  }
0x42: {  	_ =	shalt  }
0x43: {  	_ =	shalt  }
0x44: {  	_ =	shalt  }
0x45: {  	_ =	shalt  }
0x46: {  	_ =	shalt  }
0x47: {  	_ =	shalt  }
0x48: {  	_ =	shalt  }
0x49: {  	_ =	shalt  }
0x4a: {  	_ =	shalt  }
0x4b: {  	_ =	shalt  }
0x4c: {  	_ =	shalt  }
0x4d: {  	_ =	shalt  }
0x4e: {  	_ =	shalt  }
0x4f: {  	_ =	shalt  }
0x50: {  	_ =	shalt  }
0x51: {  	_ =	shalt  }
0x52: {  	_ =	shalt  }
0x53: {  	_ =	shalt  }
0x54: {  	_ =	shalt  }
0x55: {  	_ =	shalt  }
0x56: {  	_ =	shalt  }
0x57: {  	_ =	shalt  }
0x58: {  	_ =	shalt  }
0x59: {  	_ =	shalt  }
0x5a: {  	_ =	shalt  }
0x5b: {  	_ =	shalt  }
0x5c: {  	_ =	shalt  }
0x5d: {  	_ =	shalt  }
0x5e: {  	_ =	shalt  }
0x5f: {  	_ =	shalt  }
0x60: {  	_ =	shalt  }
0x61: {  	_ =	shalt  }
0x62: {  	_ =	shalt  }
0x63: {  	_ =	shalt  }
0x64: {  	_ =	shalt  }
0x65: {  	_ =	shalt  }
0x66: {  	_ =	shalt  }
0x67: {  	_ =	shalt  }
0x68: {  	_ =	shalt  }
0x69: {  	_ =	shalt  }
0x6a: {  	_ =	shalt  }
0x6b: {  	_ =	shalt  }
0x6c: {  	_ =	shalt  }
0x6d: {  	_ =	shalt  }
0x6e: {  	_ =	shalt  }
0x6f: {  	_ =	shalt  }
0x70: {  	_ =	shalt  }
0x71: {  	_ =	shalt  }
0x72: {  	_ =	shalt  }
0x73: {  	_ =	shalt  }
0x74: {  	_ =	shalt  }
0x75: {  	_ =	shalt  }
0x76: {  	_ =	shalt  }
0x77: {  	_ =	shalt  }
0x78: {  	_ =	shalt  }
0x79: {  	_ =	shalt  }
0x7a: {  	_ =	shalt  }
0x7b: {  	_ =	shalt  }
0x7c: {  	_ =	shalt  }
0x7d: {  	_ =	shalt  }
0x7e: {  	_ =	shalt  }
0x7f: {  	_ =	shalt  }
0x80: {  	_ =	shalt  }
0x81: {  	_ =	shalt  }
0x82: {  	_ =	shalt  }
0x83: {  	_ =	shalt  }
0x84: {  	_ =	shalt  }
0x85: {  	_ =	shalt  }
0x86: {  	_ =	shalt  }
0x87: {  	_ =	shalt  }
.Lfunc_end0:
.L_simem_size_0:
called_computation.2_lowered:
.L_overlay_start_0:
0x88: {  	s2 =	sld [smem:$0x3FD9]  }
0x89: {  	s3 =	sld [smem:$0x3FFE];
	_ =	sdelay $0x1  }
0x8a: {  	s1 =	srdreg.scid  }
0x8b: {  	s0 =	sand.u32 $0x1, s1  }
0x8c: {  	s14 =	sshll.u32 s0, $0xA;
	s2 =	sadd.s32 s3, s2  }
0x8d: {  	s2 =	sadd.s32 s2, s14  }
0x8e: {  	[smem:$0x3FC2] =	sst s2  }
0x8f: {  	_ = 	snop  }
0x90: {  	s2 =	sld [smem:$0x3FD0];
	_ =	sdelay $0x2  }
0x91: {  	s15 =	simm.s32 $0xA;
	s4 =	simm.s32 $0x10  }
0x92: {  	[smem:s4], [sflag:s15] =	dma.local [hbm:s2], $0x1  }
0x93: {  	_ =	swait.eq [sflag:s15], $0x1  }
0x94: {  	[sflag:s15] =	ssyncset.done $0x0  }
0x95: {  	s16 =	sld [smem:$0x10];
	[sflag:s15] =	ssyncadd.s32 $0xFFFFFFFF  }
0x96: {  	s17 =	sld [smem:$0x13];
	(tm) =	ssettm $0x1  }
0x97: {  	s18 =	sld [smem:$0x3FFB];
	_ =	sdelay $0x3  }
0x98: {  	_ =	strace s18  }
0x99: {  	s4 =	sld [smem:$0x3FFC];
	_ =	sdelay $0x3  }
0x9a: {  	_ =	strace s4  }
0x9b: {  	s4 =	sld [smem:$0x3FFD];
	_ =	sdelay $0x3  }
0x9c: {  	_ =	strace s4  }
0x9d: {  	_ =	strace $0x8FFFFFFF  }
0x9e: {  	s19 =	sld [smem:$0x3FDB];
	_ =	sdelay $0x1  }
0x9f: {  	s5 =	simm.s32 $_scs_section_size  }
0xa0: {  	s6 =	simm.s32 $_size__tile_overlayer_lowered;
	s7 =	simm.s32 $_tile_overlayer_lowered  }
0xa1: {  	s22 =	simm.s32 $0x1BFF;
	s21 =	sshll.u32 s7, $0x1;
	s4 =	sadd.s32 s5, s19  }
0xa2: {  	s8 =	simm.s32 $0x0;
	s20 =	sshll.u32 s6, $0x1;
	s6 =	sadd.s32 s21, s4  }
0xa3: {  	[timem:s8], [sflag:s22] =	dma.local [hbm:s6], s20  }
0xa4: {  	_ =	swait.ge [sflag:s22], s20  }
0xa5: {  	s5 =	ssub.s32 $0x0, s20;
	[sflag:s22] =	ssyncset.done $0x0  }
0xa6: {  	[sflag:s22] =	ssyncadd.s32 s5;
	_ =	sdelay $0x1  }
0xa7: {  	s23 =	simm.s32 $0x1B8B  }
0xa8: {  	_ =	swait.ge [sflag:s23], $0x1  }
0xa9: {  	[sflag:s23] =	ssyncset.done $0x0  }
0xaa: {  	s25 =	simm.s32 $0x1B8E;
	s24 =	sld [smem:$0x3FFE];
	[sflag:s23] =	ssyncadd.s32 $0xFFFFFFFF  }
0xab: {  	s26 =	simm.s32 $execute0_lowered;
	[smem:$0x3FD2] =	sst s25  }
0xac: {  	s6 =	sshll.u32 s26, $0x1;
	_ =	strace $0x8000004C;
	[dreg:$0x1] =	wrdreg $0xFFFFFFFF  }
0xad: {  	s28 =	simm.s32 $_size_execute0_lowered;
	s4 =	sadd.s32 s4, s6;
	[dreg:$0x0] =	wrdreg $0x0  }
0xae: {  	s6 =	sshll.u32 s28, $0x1;
	[dreg:$0x2] =	wrdreg s4  }
0xaf: {  	[dreg:$0x3] =	wrdreg s6  }
0xb0: {  	[dreg:$0x4] =	wrdreg $0xC0  }
0xb1: {  	_ =	task [dreg:s8], $0x5FFFF  }
0xb2: {  	[dreg:$0x1] =	wrdreg $0xFFFFFFFF  }
0xb3: {  	[dreg:$0x0] =	wrdreg $0x60  }
0xb4: {  	[dreg:$0x2] =	wrdreg s24  }
0xb5: {  	[dreg:$0x3] =	wrdreg s16  }
0xb6: {  	[dreg:$0x4] =	wrdreg s17  }
0xb7: {  	[dreg:$0x5] =	wrdreg $0x68000  }
0xb8: {  	[dreg:$0x6] =	wrdreg $0x9  }
0xb9: {  	_ =	task.clear_ibuf [dreg:s8], $0x7FFFF;
	_ =	strace $0x9000004C  }
0xba: {  	s29 =	simm.s32 $0x9;
	_ =	strace $0x8000004E  }
0xbb: {  	_ =	swait.ge [sflag:s29], $0x1  }
0xbc: {  	[sflag:s29] =	ssyncadd.s32 $0xFFFFFFFF  }
0xbd: {  	_ =	strace $0x9000004E  }
0xbe: {  	_ =	sfence  }
0xbf: {  	s30 =	sld [smem:$0x0];
	_ =	sdelay $0x2  }
0xc0: {  	s31 =	sshll.u32 s1, $0xD;
	s1 =	sshrl.u32 s1, $0x2  }
0xc1: {  	s3 =	sand.u32 $0x4000, s31;
	s1 =	sadd.s32 s1, s30  }
0xc2: {  	s0 =	sor.u32 s3, s0;
	s1 =	sshll.u32 s1, $0x11  }
0xc3: {  	s0 =	sor.u32 s1, s0  }
0xc4: {  	s0 =	sadd.s32 $0x8F2B, s0  }
0xc5: {  	[sflag:s0] =	ssyncadd.remote.s32 $0x1  }
0xc6: {  	_ =	sfence.sel $0xFFFF  }
0xc7: {  	[dreg:$0x0] =	wrdreg $0xFFFFFFFF;
	(pc) =	sbr.abs _section_cstart, $3  }
0xc8: {  	[dreg:$0x1] =	wrdreg $0xFFFFFFFF  }
0xc9: {  	_ =	task.clear_ibuf [dreg:s8], $0x2FFFF;
	_ =	strace $0x9FFFFFFF  }
0xca: {  	(tm) =	ssettm $0x7FFFFFFF  }
0xcb: {  	_ =	shalt  }
tec
execute0_lowered:
.L_overlay_start_1:
0x0: {  	(tag) =	ssettag $0x1  }
0x1: {  	s0 =	rddreg [dreg:$0x0]  }
0x2: {  	s3 =	rddreg [dreg:$0x3]  }
0x3: {  	s4 =	simm.s32 $0x0;
	s1 =	srdreg.scid;
	s13 =	stileid.u32  }
0x4: {  	s28 =	simm.s32 $0x4800;
	s30 =	simm.s32 $0x5000;
	s29 =	simm.s32 $0x5  }
0x5: {  	s31 =	simm.s32 $0x6;
	s15 =	simm.s32 $0xF;
	[smem:$0x7FF] =	sst s4  }
0x6: {  	s5 =	sadd.s32 $0xC400, s0;
	s1 =	sand.u32 $0x1, s1;
	s10 =	smul.u32 $0x2800, s13  }
0x7: {  	s2 =	sadd.s32 $0x2200, s0;
	s6 =	sadd.s32 $0x7200, s0;
	s11 =	smul.u32 $0x280, s13  }
0x8: {  	s8 =	sadd.s32 $0xC200, s0;
	s19 =	sshll.u32 s13, $0x6;
	s20 =	smul.u32 $0x1400, s13  }
0x9: {  	p1 =	sne.s32 s13, $0xF;
	p2 =	seq.s32 s13, $0xF;
	s21 =	sadd.s32 $0x6F80, s0  }
0xa: {  	s13 =	simm.s32 $0xD;
	_ =	strace $0x8000004D;
	s7 =	smul.u32 $0x5000, s1  }
0xb: {  	[dreg:$0x6] =	wrdreg s8;
	s18 =	ssub.s32 $0x2, s1;
	s16 =	sor.u32 $0x1C11, s19  }
0xc: {  	p0 =	seq.s32 s1, $0x1;
	[dreg:$0x9] =	wrdreg s21;
	s19 =	simm.s32 $0x2800  }
0xd: {  	s21 =	simm.s32 $0x2;
	s9 =	sshrl.u32 s18, $0x1;
	s12 =	sadd.s32 s10, s3  }
0xe: {  	s14 =	sadd.s32 s2, s11;
	p1 =	por !p1, !p0;
	p2 =	por !p2, !p0  }
0xf: {  	s22 =	sadd.s32 s6, s11;
	s25 =	sshrl.u32 s10, $0x3;
	s10 =	simm.s32 $0xA  }
0x10: {  	s11 =	simm.s32 $0xB;
	[dreg:$0x7] =	wrdreg s16;
	s7 =	sadd.s32 s7, s0  }
0x11: {  	s8 =	ssub.s32 s18, s9;
	[dreg:$0x8] =	wrdreg s14;
	s9 =	sshrl.u32 s20, $0x3  }
0x12: {  	p1 =	por !p1, !p1;
	p3 =	por !p2, !p2;
	[dreg:$0xb] =	wrdreg s22  }
0x13: {  	s0 =	sadd.s32 $0xBF80, s0;
	p2 =	sne.s32 s1, $0x0;
	s17 =	sshrl.u32 s12, $0x3  }
0x14: {  	s18 =	simm.s32 $0x80;
	s20 =	simm.s32 $0x3000;
	s22 =	simm.s32 $0x3800  }
0x15: {  	s1 =	simm.s32 $0x6000;
	s12 =	simm.s32 $0xC;
	s14 =	simm.s32 $0xE  }
0x16: {  	s9 =	sadd.s32 $0x2800, s9;
	[dreg:$0xd] =	wrdreg s0;
	s24 =	sadd.s32 $0x11400, s7  }
0x17: {  	s26 =	smax.u32 s8, $0x1;
	s8 =	simm.s32 $0x11;
	p3 =	por !p3, p1  }
0x18: {  	s7 =	simm.s32 $0x8;
	[dreg:$0xf] =	wrdreg s17;
	s2 =	sadd.s32 s2, s9  }
.Ltmp0:
0x19: {  	s23 =	sadd.s32 s6, s9;
	[dreg:$0xe] =	wrdreg s26;
	(pc) =	sbr.rel .LBB2_1-.Ltmp0, $4  }
0x1a: {  	s0 =	sadd.s32 s25, s24;
	s25 =	simm.s32 $0x4000;
	[dreg:$0xa] =	wrdreg s2  }
0x1b: {  	s26 =	simm.s32 $0x4;
	s6 =	simm.s32 $0x7;
	[dreg:$0xc] =	wrdreg s23  }
0x1c: {  	s9 =	simm.s32 $0x9;
	s24 =	simm.s32 $0x10;
	[dreg:$0x10] =	wrdreg s0  }
0x1d: {  	s0 =	simm.s32 $0x5800;
	s2 =	simm.s32 $0x1;
	s23 =	simm.s32 $0x3  }
.LBB2_10:
0x1e: {  	_ =	swait.ge [sflag:s10], $0x800  }
0x1f: {  	[sflag:s10] =	ssyncset.done $0x0  }
0x20: {  	[sflag:s10] =	ssyncadd.s32 $0xFFFFF800  }
0x21: {  	_ =	swait.ge [sflag:s11], $0x800  }
0x22: {  	[sflag:s11] =	ssyncset.done $0x0  }
0x23: {  	[sflag:s11] =	ssyncadd.s32 $0xFFFFF800  }
0x24: {  	_ =	swait.ge [sflag:s12], $0x800  }
0x25: {  	[sflag:s12] =	ssyncset.done $0x0  }
0x26: {  	[sflag:s12] =	ssyncadd.s32 $0xFFFFF800  }
0x27: {  	_ =	swait.ge [sflag:s13], $0x800  }
0x28: {  	[sflag:s13] =	ssyncset.done $0x0  }
0x29: {  	[sflag:s13] =	ssyncadd.s32 $0xFFFFF800  }
0x2a: {  	_ =	swait.ge [sflag:s14], $0x800  }
0x2b: {  	[sflag:s14] =	ssyncset.done $0x0  }
0x2c: {  	[sflag:s14] =	ssyncadd.s32 $0xFFFFF800  }
0x2d: {  	_ =	swait.ge [sflag:s15], $0x800  }
0x2e: {  	[sflag:s15] =	ssyncset.done $0x0  }
0x2f: {  	[sflag:s15] =	ssyncadd.s32 $0xFFFFF800  }
0x30: {  	_ =	swait.ge [sflag:s24], $0x800  }
0x31: {  	[sflag:s24] =	ssyncset.done $0x0  }
0x32: {  	s4 =	rddreg [dreg:$0x5];
	[sflag:s24] =	ssyncadd.s32 $0xFFFFF800  }
.LBB2_11:
0x33: {  	[bflag:$0x0] =	sbarrier.arrive $0xFFFF  }
0x34: {  	s16 =	rddreg [dreg:$0x7]  }
0x35: {  	s8 =	rddreg [dreg:$0x10]  }
0x36: {  	[hbm:s8], [sflag:s16] =	dma.local [spmem:s17], $0x500  }
0x37: {  	s8 =	simm.s32 $0x11  }
0x38: {  	_ =	swait.ge [sflag:s8], $0x500  }
0x39: {  	s4 =	sadd.s32 $0x1, s4;
	[sflag:s8] =	ssyncset.done $0x0;
	s8 =	rddreg [dreg:$0xe]  }
0x3a: {  	p4 =	sne.s32 s4, s8  }
.Ltmp1:
0x3b: {  	_ = 	snop;
	(pc) =	sbr.rel @!p4 .LBB2_12-.Ltmp1, $3  }
0x3c: {  	_ =	sdelay $0x1  }
0x3d: {  	s8 =	simm.s32 $0x11  }
0x3e: {  	[sflag:s8] =	ssyncadd.s32 $0xFFFFFB00  }
.LBB2_1:
0x3f: {  	[dreg:$0x5] =	wrdreg s4  }
0x40: {  	s4 =	rddreg [dreg:$0x2]  }
0x41: {  	[spmem:s17], [sflag:s16] =	dma.local [hbm:s4], $0x500  }
0x42: {  	_ =	swait.ge [sflag:s8], $0x500  }
0x43: {  	[sflag:s8] =	ssyncset.done $0x0  }
0x44: {  	s4 =	rddreg [dreg:$0x8];
	[sflag:s8] =	ssyncadd.s32 $0xFFFFFB00;
	s8 =	simm.s32 @!p2 $0x0  }
0x45: {  	[tilespmem:s8], [sflag:$0x11] =	stream.linear.gather @!p2 [hbm4b:s4+s8], $0x1400, $0x38;
	[tilespmem:$0x9000] =	vst v63  }
0x46: {  	s4 =	simm.s32 @!p2 $0x11  }
0x47: {  	_ =	swait.ge @!p2 [sflag:s4], $0x1400  }
0x48: {  	[sflag:s4] =	ssyncset.done @!p2 $0x0  }
0x49: {  	s16 =	simm.s32 @!p3 $0x0;
	[sflag:s4] =	ssyncadd.s32 @!p2 $0xFFFFEC00;
	s4 =	rddreg [dreg:$0x9]  }
0x4a: {  	[tilespmem:s16], [sflag:$0x11] =	stream.linear.gather @!p3 [hbm4b:s4+s16], $0x500, $0x38;
	[tilespmem:$0x9000] =	vst v63  }
0x4b: {  	s4 =	simm.s32 @!p3 $0x11  }
0x4c: {  	_ =	swait.ge @!p3 [sflag:s4], $0x500  }
0x4d: {  	[sflag:s4] =	ssyncset.done @!p3 $0x0  }
0x4e: {  	s8 =	simm.s32 @!p3 $0x500;
	s17 =	rddreg [dreg:$0x6];
	[sflag:s4] =	ssyncadd.s32 @!p3 $0xFFFFFB00  }
0x4f: {  	[tilespmem:s8], [sflag:$0x11] =	stream.linear.gather @!p3 [hbm4b:s17+s16], $0xF00, $0x38;
	[tilespmem:$0x9000] =	vst v63  }
0x50: {  	_ =	swait.ge @!p3 [sflag:s4], $0xF00  }
0x51: {  	[sflag:s4] =	ssyncset.done @!p3 $0x0  }
0x52: {  	s8 =	rddreg [dreg:$0xa];
	[sflag:s4] =	ssyncadd.s32 @!p3 $0xFFFFF100;
	s4 =	simm.s32 @p1 $0x0  }
0x53: {  	[tilespmem:s4], [sflag:$0x11] =	stream.linear.gather @p1 [hbm4b:s8+s4], $0x1400, $0x38;
	[tilespmem:$0x9000] =	vst v63  }
0x54: {  	s8 =	simm.s32 @p1 $0x11  }
0x55: {  	_ =	swait.ge @p1 [sflag:s8], $0x1400  }
0x56: {  	s17 =	simm.s32 @!p2 $0x1400;
	[sflag:s8] =	ssyncset.done @p1 $0x0  }
0x57: {  	s16 =	simm.s32 @!p2 $0x0;
	s4 =	rddreg [dreg:$0xb];
	[sflag:s8] =	ssyncadd.s32 @p1 $0xFFFFEC00  }
0x58: {  	[tilespmem:s17], [sflag:$0x11] =	stream.linear.gather @!p2 [hbm4b:s4+s16], $0x1400, $0x38;
	[tilespmem:$0x9000] =	vst v63  }
0x59: {  	p5 =	por @!p1 $0x0, $0x0;
	p4 =	por @!p3 $0x1, $0x1;
	s4 =	simm.s32 @!p2 $0x11  }
0x5a: {  	p5 =	por @!p3 p4, p4;
	p4 =	por @p1 $0x0, $0x0;
	_ =	swait.ge @!p2 [sflag:s4], $0x1400  }
0x5b: {  	s16 =	simm.s32 @p1 $0x1400;
	[sflag:s4] =	ssyncset.done @!p2 $0x0;
	s4 =	simm.s32 @!p2 $0x11  }
0x5c: {  	s17 =	simm.s32 @p1 $0x0;
	[sflag:s4] =	ssyncadd.s32 @!p2 $0xFFFFEC00;
	s4 =	rddreg [dreg:$0xc]  }
0x5d: {  	[tilespmem:s16], [sflag:$0x11] =	stream.linear.gather @p1 [hbm4b:s4+s17], $0x1400, $0x38;
	[tilespmem:$0x9000] =	vst v63  }
0x5e: {  	p4 =	por @!p1 p5, p5;
	_ =	swait.ge @p1 [sflag:s8], $0x1400  }
0x5f: {  	s4 =	simm.s32 @p4 $0x0;
	[sflag:s8] =	ssyncset.done @p1 $0x0  }
0x60: {  	s16 =	rddreg [dreg:$0xd];
	[sflag:s8] =	ssyncadd.s32 @p1 $0xFFFFEC00;
	s8 =	simm.s32 @p4 $0x1400  }
0x61: {  	[tilespmem:s8], [sflag:$0x11] =	stream.linear.gather @p4 [hbm4b:s16+s4], $0x500, $0x38;
	[tilespmem:$0x9000] =	vst v63  }
0x62: {  	s8 =	simm.s32 @p4 $0x11  }
0x63: {  	_ =	swait.ge @p4 [sflag:s8], $0x500  }
0x64: {  	[sflag:s8] =	ssyncset.done @p4 $0x0  }
0x65: {  	[sflag:s8] =	ssyncadd.s32 @p4 $0xFFFFFB00  }
0x66: {  	s16 =	simm.s32 @p4 $0x1900;
	s17 =	rddreg [dreg:$0x1]  }
0x67: {  	[tilespmem:s16], [sflag:$0x11] =	stream.linear.gather @p4 [hbm4b:s17+s4], $0xF00, $0x38;
	[tilespmem:$0x9000] =	vst v63  }
.Ltmp2:
0x68: {  	_ =	swait.ge @p4 [sflag:s8], $0xF00;
	(pc) =	sbr.rel @p2 .LBB2_6-.Ltmp2, $3  }
0x69: {  	[sflag:s8] =	ssyncset.done @p4 $0x0  }
0x6a: {  	[sflag:s8] =	ssyncadd.s32 @p4 $0xFFFFF100  }
0x6b: {  	[bflag:$0x0] =	sbarrier.arrive $0xFFFF;
	_ =	sdelay $0x1  }
0x6c: {  	s8 =	simm.s32 $0x0  }
0x6d: {  	[tilespmem:s19], [sflag:$0x1] =	stream.indirect.gather [hbm4b:s5+s18], $0x10, s8, s18, $0xb8;
	[tilespmem:$0x9000] =	vst v63  }
0x6e: {  	_ = 	snop  }
0x6f: {  	[tilespmem:s20], [sflag:$0x2] =	stream.indirect.gather [hbm4b:s5+s18], $0x10, s18, s18, $0xb8;
	[tilespmem:$0x9000] =	vst v63  }
0x70: {  	s4 =	simm.s32 $0x100  }
0x71: {  	[tilespmem:s22], [sflag:$0x3] =	stream.indirect.gather [hbm4b:s5+s18], $0x10, s4, s18, $0xb8;
	[tilespmem:$0x9000] =	vst v63  }
0x72: {  	s17 =	simm.s32 $0x180  }
0x73: {  	[tilespmem:s25], [sflag:$0x4] =	stream.indirect.gather [hbm4b:s5+s18], $0x10, s17, s18, $0xb8;
	[tilespmem:$0x9000] =	vst v63  }
0x74: {  	s16 =	simm.s32 $0x200  }
0x75: {  	[tilespmem:s28], [sflag:$0x5] =	stream.indirect.gather [hbm4b:s5+s18], $0x10, s16, s18, $0xb8;
	[tilespmem:$0x9000] =	vst v63  }
0x76: {  	s17 =	simm.s32 $0x280  }
0x77: {  	[tilespmem:s30], [sflag:$0x6] =	stream.indirect.gather [hbm4b:s5+s18], $0x10, s17, s18, $0xb8;
	[tilespmem:$0x9000] =	vst v63  }
0x78: {  	s16 =	simm.s32 $0x300  }
0x79: {  	[tilespmem:s0], [sflag:$0x7] =	stream.indirect.gather [hbm4b:s5+s18], $0x10, s16, s18, $0xb8;
	[tilespmem:$0x9000] =	vst v63  }
0x7a: {  	s17 =	simm.s32 $0x380  }
0x7b: {  	[tilespmem:s1], [sflag:$0x8] =	stream.indirect.gather [hbm4b:s5+s18], $0x10, s17, s18, $0xb8;
	[tilespmem:$0x9000] =	vst v63  }
.LBB2_3:
0x7c: {  	_ =	swait.ge [sflag:s2], $0x800  }
0x7d: {  	s16 =	sshra.s32 s8, $0x2;
	[sflag:s2] =	ssyncset.done $0x0  }
0x7e: {  	s4 =	sadd.s32 $0x1400, s16;
	[sflag:s2] =	ssyncadd.s32 $0xFFFFF800  }
0x7f: {  	[spmem:s3] =	stream.indirect.scatter.add.f32 [tilespmem:s19], [sflag:$0x9], $0x10, s4, s18, $0xb8;
	[tilespmem:$0x9000] =	vst v63  }
0x80: {  	_ =	swait.ge [sflag:s21], $0x800  }
0x81: {  	[sflag:s21] =	ssyncset.done $0x0  }
0x82: {  	s17 =	sadd.s32 $0x1480, s16;
	[sflag:s21] =	ssyncadd.s32 $0xFFFFF800  }
0x83: {  	[spmem:s3] =	stream.indirect.scatter.add.f32 [tilespmem:s20], [sflag:$0xA], $0x10, s17, s18, $0xb8;
	[tilespmem:$0x9000] =	vst v63  }
0x84: {  	_ =	swait.ge [sflag:s23], $0x800  }
0x85: {  	[sflag:s23] =	ssyncset.done $0x0  }
0x86: {  	s17 =	sadd.s32 $0x1500, s16;
	[sflag:s23] =	ssyncadd.s32 $0xFFFFF800  }
0x87: {  	[spmem:s3] =	stream.indirect.scatter.add.f32 [tilespmem:s22], [sflag:$0xB], $0x10, s17, s18, $0xb8;
	[tilespmem:$0x9000] =	vst v63  }
0x88: {  	_ =	swait.ge [sflag:s26], $0x800  }
0x89: {  	[sflag:s26] =	ssyncset.done $0x0  }
0x8a: {  	s17 =	sadd.s32 $0x1580, s16;
	[sflag:s26] =	ssyncadd.s32 $0xFFFFF800  }
0x8b: {  	[spmem:s3] =	stream.indirect.scatter.add.f32 [tilespmem:s25], [sflag:$0xC], $0x10, s17, s18, $0xb8;
	[tilespmem:$0x9000] =	vst v63  }
0x8c: {  	_ =	swait.ge [sflag:s29], $0x800  }
0x8d: {  	[sflag:s29] =	ssyncset.done $0x0  }
0x8e: {  	s17 =	sadd.s32 $0x1600, s16;
	[sflag:s29] =	ssyncadd.s32 $0xFFFFF800  }
0x8f: {  	[spmem:s3] =	stream.indirect.scatter.add.f32 [tilespmem:s28], [sflag:$0xD], $0x10, s17, s18, $0xb8;
	[tilespmem:$0x9000] =	vst v63  }
0x90: {  	_ =	swait.ge [sflag:s31], $0x800  }
0x91: {  	[sflag:s31] =	ssyncset.done $0x0  }
0x92: {  	s17 =	sadd.s32 $0x1680, s16;
	[sflag:s31] =	ssyncadd.s32 $0xFFFFF800  }
0x93: {  	[spmem:s3] =	stream.indirect.scatter.add.f32 [tilespmem:s30], [sflag:$0xE], $0x10, s17, s18, $0xb8;
	[tilespmem:$0x9000] =	vst v63  }
0x94: {  	_ =	swait.ge [sflag:s6], $0x800  }
0x95: {  	[sflag:s6] =	ssyncset.done $0x0  }
0x96: {  	s17 =	sadd.s32 $0x1700, s16;
	[sflag:s6] =	ssyncadd.s32 $0xFFFFF800  }
0x97: {  	[spmem:s3] =	stream.indirect.scatter.add.f32 [tilespmem:s0], [sflag:$0xF], $0x10, s17, s18, $0xb8;
	[tilespmem:$0x9000] =	vst v63  }
0x98: {  	_ =	swait.ge [sflag:s7], $0x800  }
0x99: {  	p4 =	seq.s32 s8, $0x4000;
	[sflag:s7] =	ssyncset.done $0x0  }
.Ltmp3:
0x9a: {  	s17 =	sadd.s32 $0x1780, s16;
	[sflag:s7] =	ssyncadd.s32 $0xFFFFF800;
	(pc) =	sbr.rel @p4 .LBB2_5-.Ltmp3, $4  }
0x9b: {  	[spmem:s3] =	stream.indirect.scatter.add.f32 [tilespmem:s1], [sflag:$0x10], $0x10, s17, s18, $0xb8;
	[tilespmem:$0x9000] =	vst v63  }
0x9c: {  	_ =	swait.ge [sflag:s9], $0x800  }
0x9d: {  	[sflag:s9] =	ssyncset.done $0x0  }
0x9e: {  	[sflag:s9] =	ssyncadd.s32 $0xFFFFF800  }
0x9f: {  	s4 =	sadd.s32 $0x400, s16  }
0xa0: {  	[tilespmem:s19], [sflag:$0x1] =	stream.indirect.gather [hbm4b:s5+s18], $0x10, s4, s18, $0xb8;
	[tilespmem:$0x9000] =	vst v63  }
0xa1: {  	_ =	swait.ge [sflag:s10], $0x800  }
0xa2: {  	[sflag:s10] =	ssyncset.done $0x0  }
0xa3: {  	s17 =	sadd.s32 $0x480, s16;
	[sflag:s10] =	ssyncadd.s32 $0xFFFFF800  }
0xa4: {  	[tilespmem:s20], [sflag:$0x2] =	stream.indirect.gather [hbm4b:s5+s18], $0x10, s17, s18, $0xb8;
	[tilespmem:$0x9000] =	vst v63  }
0xa5: {  	_ =	swait.ge [sflag:s11], $0x800  }
0xa6: {  	[sflag:s11] =	ssyncset.done $0x0  }
0xa7: {  	s17 =	sadd.s32 $0x500, s16;
	[sflag:s11] =	ssyncadd.s32 $0xFFFFF800  }
0xa8: {  	[tilespmem:s22], [sflag:$0x3] =	stream.indirect.gather [hbm4b:s5+s18], $0x10, s17, s18, $0xb8;
	[tilespmem:$0x9000] =	vst v63  }
0xa9: {  	_ =	swait.ge [sflag:s12], $0x800  }
0xaa: {  	[sflag:s12] =	ssyncset.done $0x0  }
0xab: {  	s17 =	sadd.s32 $0x580, s16;
	[sflag:s12] =	ssyncadd.s32 $0xFFFFF800  }
0xac: {  	[tilespmem:s25], [sflag:$0x4] =	stream.indirect.gather [hbm4b:s5+s18], $0x10, s17, s18, $0xb8;
	[tilespmem:$0x9000] =	vst v63  }
0xad: {  	_ =	swait.ge [sflag:s13], $0x800  }
0xae: {  	[sflag:s13] =	ssyncset.done $0x0  }
0xaf: {  	s17 =	sadd.s32 $0x600, s16;
	[sflag:s13] =	ssyncadd.s32 $0xFFFFF800  }
0xb0: {  	[tilespmem:s28], [sflag:$0x5] =	stream.indirect.gather [hbm4b:s5+s18], $0x10, s17, s18, $0xb8;
	[tilespmem:$0x9000] =	vst v63  }
0xb1: {  	_ =	swait.ge [sflag:s14], $0x800  }
0xb2: {  	[sflag:s14] =	ssyncset.done $0x0  }
0xb3: {  	s17 =	sadd.s32 $0x680, s16;
	[sflag:s14] =	ssyncadd.s32 $0xFFFFF800  }
0xb4: {  	[tilespmem:s30], [sflag:$0x6] =	stream.indirect.gather [hbm4b:s5+s18], $0x10, s17, s18, $0xb8;
	[tilespmem:$0x9000] =	vst v63  }
0xb5: {  	_ =	swait.ge [sflag:s15], $0x800  }
0xb6: {  	[sflag:s15] =	ssyncset.done $0x0  }
0xb7: {  	s17 =	sadd.s32 $0x700, s16;
	[sflag:s15] =	ssyncadd.s32 $0xFFFFF800  }
0xb8: {  	[tilespmem:s0], [sflag:$0x7] =	stream.indirect.gather [hbm4b:s5+s18], $0x10, s17, s18, $0xb8;
	[tilespmem:$0x9000] =	vst v63  }
.Ltmp4:
0xb9: {  	_ = 	snop;
	(pc) =	sbr.rel .LBB2_3-.Ltmp4, $4  }
0xba: {  	_ =	swait.ge [sflag:s24], $0x800  }
0xbb: {  	[sflag:s24] =	ssyncset.done $0x0  }
0xbc: {  	s8 =	sadd.s32 $0x1000, s8;
	s17 =	sadd.s32 $0x780, s16;
	[sflag:s24] =	ssyncadd.s32 $0xFFFFF800  }
0xbd: {  	[tilespmem:s1], [sflag:$0x8] =	stream.indirect.gather [hbm4b:s5+s18], $0x10, s17, s18, $0xb8;
	[tilespmem:$0x9000] =	vst v63  }
.LBB2_5:
0xbe: {  	_ =	swait.ge [sflag:s10], $0x800  }
0xbf: {  	[sflag:s10] =	ssyncset.done $0x0  }
0xc0: {  	[sflag:s10] =	ssyncadd.s32 $0xFFFFF800  }
0xc1: {  	_ =	swait.ge [sflag:s11], $0x800  }
0xc2: {  	[sflag:s11] =	ssyncset.done $0x0  }
0xc3: {  	[sflag:s11] =	ssyncadd.s32 $0xFFFFF800  }
0xc4: {  	_ =	swait.ge [sflag:s12], $0x800  }
0xc5: {  	[sflag:s12] =	ssyncset.done $0x0  }
0xc6: {  	[sflag:s12] =	ssyncadd.s32 $0xFFFFF800  }
0xc7: {  	_ =	swait.ge [sflag:s13], $0x800  }
0xc8: {  	[sflag:s13] =	ssyncset.done $0x0  }
0xc9: {  	[sflag:s13] =	ssyncadd.s32 $0xFFFFF800  }
0xca: {  	_ =	swait.ge [sflag:s14], $0x800  }
0xcb: {  	[sflag:s14] =	ssyncset.done $0x0  }
0xcc: {  	[sflag:s14] =	ssyncadd.s32 $0xFFFFF800  }
0xcd: {  	_ =	swait.ge [sflag:s15], $0x800  }
0xce: {  	[sflag:s15] =	ssyncset.done $0x0  }
0xcf: {  	[sflag:s15] =	ssyncadd.s32 $0xFFFFF800  }
0xd0: {  	_ =	swait.ge [sflag:s24], $0x800  }
0xd1: {  	[sflag:s24] =	ssyncset.done $0x0  }
0xd2: {  	[sflag:s24] =	ssyncadd.s32 $0xFFFFF800  }
.LBB2_6:
.Ltmp5:
0xd3: {  	(pc) =	sbr.rel @!p0 .LBB2_11-.Ltmp5, $3  }
0xd4: {  	_ =	sdelay $0x1  }
0xd5: {  	s4 =	rddreg [dreg:$0x5]  }
0xd6: {  	s17 =	rddreg [dreg:$0xf]  }
0xd7: {  	s8 =	simm.s32 $0x0  }
0xd8: {  	[tilespmem:s19], [sflag:$0x1] =	stream.indirect.gather [hbm4b:s5+s18], $0x10, s8, s18, $0xb8;
	[tilespmem:$0x9000] =	vst v63  }
0xd9: {  	_ = 	snop  }
0xda: {  	[tilespmem:s20], [sflag:$0x2] =	stream.indirect.gather [hbm4b:s5+s18], $0x10, s18, s18, $0xb8;
	[tilespmem:$0x9000] =	vst v63  }
0xdb: {  	s4 =	simm.s32 $0x100  }
0xdc: {  	[tilespmem:s22], [sflag:$0x3] =	stream.indirect.gather [hbm4b:s5+s18], $0x10, s4, s18, $0xb8;
	[tilespmem:$0x9000] =	vst v63  }
0xdd: {  	s16 =	simm.s32 $0x180  }
0xde: {  	[tilespmem:s25], [sflag:$0x4] =	stream.indirect.gather [hbm4b:s5+s18], $0x10, s16, s18, $0xb8;
	[tilespmem:$0x9000] =	vst v63  }
0xdf: {  	s16 =	simm.s32 $0x200  }
0xe0: {  	[tilespmem:s28], [sflag:$0x5] =	stream.indirect.gather [hbm4b:s5+s18], $0x10, s16, s18, $0xb8;
	[tilespmem:$0x9000] =	vst v63  }
0xe1: {  	s16 =	simm.s32 $0x280  }
0xe2: {  	[tilespmem:s30], [sflag:$0x6] =	stream.indirect.gather [hbm4b:s5+s18], $0x10, s16, s18, $0xb8;
	[tilespmem:$0x9000] =	vst v63  }
0xe3: {  	s16 =	simm.s32 $0x300  }
0xe4: {  	[tilespmem:s0], [sflag:$0x7] =	stream.indirect.gather [hbm4b:s5+s18], $0x10, s16, s18, $0xb8;
	[tilespmem:$0x9000] =	vst v63  }
0xe5: {  	s16 =	simm.s32 $0x380  }
0xe6: {  	[tilespmem:s1], [sflag:$0x8] =	stream.indirect.gather [hbm4b:s5+s18], $0x10, s16, s18, $0xb8;
	[tilespmem:$0x9000] =	vst v63  }
.LBB2_8:
0xe7: {  	_ =	swait.ge [sflag:s2], $0x800  }
0xe8: {  	s16 =	sshra.s32 s8, $0x2;
	[sflag:s2] =	ssyncset.done $0x0  }
0xe9: {  	s4 =	sadd.s32 $0x1400, s16;
	[sflag:s2] =	ssyncadd.s32 $0xFFFFF800  }
0xea: {  	[spmem:s3] =	stream.indirect.scatter.add.f32 [tilespmem:s19], [sflag:$0x9], $0x10, s4, s18, $0xb8;
	[tilespmem:$0x9000] =	vst v63  }
0xeb: {  	_ =	swait.ge [sflag:s21], $0x800  }
0xec: {  	[sflag:s21] =	ssyncset.done $0x0  }
0xed: {  	s4 =	sadd.s32 $0x1480, s16;
	[sflag:s21] =	ssyncadd.s32 $0xFFFFF800  }
0xee: {  	[spmem:s3] =	stream.indirect.scatter.add.f32 [tilespmem:s20], [sflag:$0xA], $0x10, s4, s18, $0xb8;
	[tilespmem:$0x9000] =	vst v63  }
0xef: {  	_ =	swait.ge [sflag:s23], $0x800  }
0xf0: {  	[sflag:s23] =	ssyncset.done $0x0  }
0xf1: {  	s4 =	sadd.s32 $0x1500, s16;
	[sflag:s23] =	ssyncadd.s32 $0xFFFFF800  }
0xf2: {  	[spmem:s3] =	stream.indirect.scatter.add.f32 [tilespmem:s22], [sflag:$0xB], $0x10, s4, s18, $0xb8;
	[tilespmem:$0x9000] =	vst v63  }
0xf3: {  	_ =	swait.ge [sflag:s26], $0x800  }
0xf4: {  	[sflag:s26] =	ssyncset.done $0x0  }
0xf5: {  	s4 =	sadd.s32 $0x1580, s16;
	[sflag:s26] =	ssyncadd.s32 $0xFFFFF800  }
0xf6: {  	[spmem:s3] =	stream.indirect.scatter.add.f32 [tilespmem:s25], [sflag:$0xC], $0x10, s4, s18, $0xb8;
	[tilespmem:$0x9000] =	vst v63  }
0xf7: {  	_ =	swait.ge [sflag:s29], $0x800  }
0xf8: {  	[sflag:s29] =	ssyncset.done $0x0  }
0xf9: {  	s4 =	sadd.s32 $0x1600, s16;
	[sflag:s29] =	ssyncadd.s32 $0xFFFFF800  }
0xfa: {  	[spmem:s3] =	stream.indirect.scatter.add.f32 [tilespmem:s28], [sflag:$0xD], $0x10, s4, s18, $0xb8;
	[tilespmem:$0x9000] =	vst v63  }
0xfb: {  	_ =	swait.ge [sflag:s31], $0x800  }
0xfc: {  	[sflag:s31] =	ssyncset.done $0x0  }
0xfd: {  	s4 =	sadd.s32 $0x1680, s16;
	[sflag:s31] =	ssyncadd.s32 $0xFFFFF800  }
0xfe: {  	[spmem:s3] =	stream.indirect.scatter.add.f32 [tilespmem:s30], [sflag:$0xE], $0x10, s4, s18, $0xb8;
	[tilespmem:$0x9000] =	vst v63  }
0xff: {  	_ =	swait.ge [sflag:s6], $0x800  }
0x100: {  	[sflag:s6] =	ssyncset.done $0x0  }
0x101: {  	s4 =	sadd.s32 $0x1700, s16;
	[sflag:s6] =	ssyncadd.s32 $0xFFFFF800  }
0x102: {  	[spmem:s3] =	stream.indirect.scatter.add.f32 [tilespmem:s0], [sflag:$0xF], $0x10, s4, s18, $0xb8;
	[tilespmem:$0x9000] =	vst v63  }
0x103: {  	_ =	swait.ge [sflag:s7], $0x800  }
0x104: {  	p4 =	seq.s32 s8, $0x4000;
	[sflag:s7] =	ssyncset.done $0x0  }
.Ltmp6:
0x105: {  	s4 =	sadd.s32 $0x1780, s16;
	[sflag:s7] =	ssyncadd.s32 $0xFFFFF800;
	(pc) =	sbr.rel @p4 .LBB2_10-.Ltmp6, $4  }
0x106: {  	[spmem:s3] =	stream.indirect.scatter.add.f32 [tilespmem:s1], [sflag:$0x10], $0x10, s4, s18, $0xb8;
	[tilespmem:$0x9000] =	vst v63  }
0x107: {  	_ =	swait.ge [sflag:s9], $0x800  }
0x108: {  	[sflag:s9] =	ssyncset.done $0x0  }
0x109: {  	[sflag:s9] =	ssyncadd.s32 $0xFFFFF800  }
0x10a: {  	s4 =	sadd.s32 $0x400, s16  }
0x10b: {  	[tilespmem:s19], [sflag:$0x1] =	stream.indirect.gather [hbm4b:s5+s18], $0x10, s4, s18, $0xb8;
	[tilespmem:$0x9000] =	vst v63  }
0x10c: {  	_ =	swait.ge [sflag:s10], $0x800  }
0x10d: {  	[sflag:s10] =	ssyncset.done $0x0  }
0x10e: {  	s4 =	sadd.s32 $0x480, s16;
	[sflag:s10] =	ssyncadd.s32 $0xFFFFF800  }
0x10f: {  	[tilespmem:s20], [sflag:$0x2] =	stream.indirect.gather [hbm4b:s5+s18], $0x10, s4, s18, $0xb8;
	[tilespmem:$0x9000] =	vst v63  }
0x110: {  	_ =	swait.ge [sflag:s11], $0x800  }
0x111: {  	[sflag:s11] =	ssyncset.done $0x0  }
0x112: {  	s4 =	sadd.s32 $0x500, s16;
	[sflag:s11] =	ssyncadd.s32 $0xFFFFF800  }
0x113: {  	[tilespmem:s22], [sflag:$0x3] =	stream.indirect.gather [hbm4b:s5+s18], $0x10, s4, s18, $0xb8;
	[tilespmem:$0x9000] =	vst v63  }
0x114: {  	_ =	swait.ge [sflag:s12], $0x800  }
0x115: {  	[sflag:s12] =	ssyncset.done $0x0  }
0x116: {  	s4 =	sadd.s32 $0x580, s16;
	[sflag:s12] =	ssyncadd.s32 $0xFFFFF800  }
0x117: {  	[tilespmem:s25], [sflag:$0x4] =	stream.indirect.gather [hbm4b:s5+s18], $0x10, s4, s18, $0xb8;
	[tilespmem:$0x9000] =	vst v63  }
0x118: {  	_ =	swait.ge [sflag:s13], $0x800  }
0x119: {  	[sflag:s13] =	ssyncset.done $0x0  }
0x11a: {  	s4 =	sadd.s32 $0x600, s16;
	[sflag:s13] =	ssyncadd.s32 $0xFFFFF800  }
0x11b: {  	[tilespmem:s28], [sflag:$0x5] =	stream.indirect.gather [hbm4b:s5+s18], $0x10, s4, s18, $0xb8;
	[tilespmem:$0x9000] =	vst v63  }
0x11c: {  	_ =	swait.ge [sflag:s14], $0x800  }
0x11d: {  	[sflag:s14] =	ssyncset.done $0x0  }
0x11e: {  	s4 =	sadd.s32 $0x680, s16;
	[sflag:s14] =	ssyncadd.s32 $0xFFFFF800  }
0x11f: {  	[tilespmem:s30], [sflag:$0x6] =	stream.indirect.gather [hbm4b:s5+s18], $0x10, s4, s18, $0xb8;
	[tilespmem:$0x9000] =	vst v63  }
0x120: {  	_ =	swait.ge [sflag:s15], $0x800  }
0x121: {  	[sflag:s15] =	ssyncset.done $0x0  }
0x122: {  	s4 =	sadd.s32 $0x700, s16;
	[sflag:s15] =	ssyncadd.s32 $0xFFFFF800  }
0x123: {  	[tilespmem:s0], [sflag:$0x7] =	stream.indirect.gather [hbm4b:s5+s18], $0x10, s4, s18, $0xb8;
	[tilespmem:$0x9000] =	vst v63  }
.Ltmp7:
0x124: {  	_ = 	snop;
	(pc) =	sbr.rel .LBB2_8-.Ltmp7, $4  }
0x125: {  	_ =	swait.ge [sflag:s24], $0x800  }
0x126: {  	[sflag:s24] =	ssyncset.done $0x0  }
0x127: {  	s8 =	sadd.s32 $0x1000, s8;
	s16 =	sadd.s32 $0x780, s16;
	[sflag:s24] =	ssyncadd.s32 $0xFFFFF800  }
0x128: {  	[tilespmem:s1], [sflag:$0x8] =	stream.indirect.gather [hbm4b:s5+s18], $0x10, s16, s18, $0xb8;
	[tilespmem:$0x9000] =	vst v63  }
.LBB2_12:
0x129: {  	_ =	sfence.sel $0x180000  }
0x12a: {  	[bflag:$0x0] =	sbarrier.arrive $0xFFFF  }
0x12b: {  	_ =	strace $0x9000004D  }
0x12c: {  	s0 =	stileid.u32;
	[bflag:$0x2] =	sbarrier.arrive $0xFFFF  }
0x12d: {  	p0 =	sne.s32 s0, $0x0;
	s0 =	rddreg [dreg:$0x4]  }
0x12e: {  	s0 =	sadd.s32 @!p0 $0x100000, s0  }
0x12f: {  	[sflag:s0] =	ssyncadd.tile.s32 @!p0 $0x1;
	_ =	shalt  }
.Lfunc_end2:
_tile_overlayer_lowered:
.L_overlay_start_2:
0x130: {  	(tag) =	ssettag $0x2  }
0x131: {  	s0 =	rddreg [dreg:$0x0];
	s2 =	stileid.u32  }
0x132: {  	s1 =	rddreg [dreg:$0x1];
	p0 =	sne.s32 s2, $0x0  }
0x133: {  	s3 =	rddreg [dreg:$0x2];
	[bflag:$0x3] =	sbarrier.arrive $0xFFFF;
	s2 =	simm.s32 @!p0 $0x1C11  }
0x134: {  	[timem:s3], [sflag:s2] =	dma.local @!p0 [hbm:s0], s1  }
0x135: {  	s0 =	simm.s32 @!p0 $0x11  }
0x136: {  	_ =	swait.ge @!p0 [sflag:s0], s1  }
0x137: {  	s1 =	ssub.s32 @!p0 $0x0, s1;
	[sflag:s0] =	ssyncset.done @!p0 $0x0  }
0x138: {  	[sflag:s0] =	ssyncadd.s32 @!p0 s1  }
0x139: {  	[bflag:$0x3] =	sbarrier.arrive $0xFFFF  }
0x13a: {  	_ =	shalt  }

// kernel: kernel.8.cloned.1.call-start
scs
__scs_entry_jumppad:
0x0: {  	(pc) =	sbr.rel $0x88, $3  }
0x1: {  	(tag) =	ssettag $0x0;
	lr =	simm.s32 $0x1  }
0x2: {  	[smem:$0x3F9B] =	sst lr;
	_ =	strace $0xD0000000  }
0x3: {  	_ = 	snop  }
0x4: {  	_ = 	snop  }
0x5: {  	_ = 	snop  }
0x6: {  	_ = 	snop  }
0x7: {  	_ = 	snop  }
__scs_overlays_trampoline_lowered:
0x8: {  	[smem:$0x3FAA] =	sst s0  }
0x9: {  	[smem:$0x3FAB] =	sst s1  }
0xa: {  	[smem:$0x3FAC] =	sst s2  }
0xb: {  	[smem:$0x3FAD] =	sst s3  }
0xc: {  	[smem:$0x3FAE] =	sst s4  }
0xd: {  	[smem:$0x3FAF] =	sst s5  }
0xe: {  	[smem:$0x3FB0] =	sst s6  }
0xf: {  	[smem:$0x3FB1] =	sst s7  }
0x10: {  	[smem:$0x3FB2] =	sst s8  }
0x11: {  	[smem:$0x3FB3] =	sst s9;
	s0 =	simm.s32 @!p0 $0x0  }
0x12: {  	s1 =	sld [smem:$0x3F99];
	s0 =	simm.s32 @p0 $0x1  }
0x13: {  	[smem:$0x3FB4] =	sst s0;
	s0 =	simm.s32 @!p1 $0x0  }
0x14: {  	s2 =	sld [smem:$0x3F98];
	s0 =	simm.s32 @p1 $0x1  }
0x15: {  	[smem:$0x3FB5] =	sst s0;
	s0 =	simm.s32 @!p2 $0x0  }
0x16: {  	s3 =	sld [smem:$0x3FDB];
	s0 =	simm.s32 @p2 $0x1  }
0x17: {  	s4 =	simm.s32 $0x1BF5;
	[smem:$0x3FB7] =	sst s0  }
0x18: {  	s0 =	sld [smem:$0x3F9A];
	_ =	swait.ge [sflag:s4], $0x0  }
0x19: {  	s7 =	sld [smem:$0x3F9B]  }
0x1a: {  	s8 =	sadd.s32 $0xFFFFE003, lr  }
0x1b: {  	s9 =	sadd.s32 $0xFFFFFEF7, lr;
	s5 =	simm.s32 $0xFFFFFFFF;
	p2 =	slt.u32 s8, $0xFFFFF086  }
0x1c: {  	p1 =	slt.u32 s9, $0xF7A;
	s5 =	simm.s32 @!p2 $0x0  }
0x1d: {  	s5 =	simm.s32 @p1 $0x1;
	p0 =	seq.s32 s7, s2  }
0x1e: {  	s7 =	smul.u32 @!p0 $0xF7A, s2;
	p2 =	seq.s32 @!p0 s5, $0x0  }
0x1f: {  	s9 =	smul.u32 $0xF7A, s1;
	s8 =	simm.s32 @!p0 $0x1BF5;
	p2 =	por !p2, p0  }
0x20: {  	[sflag:s8] =	ssyncset.s32 @!p0 $0xFFFFF086;
	s6 =	sadd.s32 @!p0 s3, s7;
	s7 =	simm.s32 @!p0 $0x108  }
0x21: {  	s3 =	sadd.s32 s3, s9;
	s6 =	sadd.s32 @!p0 $0x88, s6;
	s7 =	simm.s32 @p2 $0x1082  }
0x22: {  	[simem:s7], [sflag:s8] =	dma.local @!p0 [hbm:s6], $0xF7A  }
0x23: {  	s9 =	sor.u32 $0xD0000000, s2;
	s6 =	simm.s32 $0x108;
	_ =	swait.ge @!p0 [sflag:s8], $0x0  }
0x24: {  	s3 =	sadd.s32 $0x88, s3;
	s6 =	simm.s32 @!p1 $0x1082;
	[sflag:s4] =	ssyncset.s32 $0xFFFFF086  }
0x25: {  	[simem:s6], [sflag:s4] =	dma.local [hbm:s3], $0xF7A  }
0x26: {  	[smem:$0x3F9B] =	sst s1;
	(tag) =	ssettag s2;
	_ =	strace s9  }
0x27: {  	s1 =	sld [smem:$0x3FAB]  }
0x28: {  	s2 =	sld [smem:$0x3FAC]  }
0x29: {  	s4 =	sld [smem:$0x3FAE]  }
0x2a: {  	p0 =	seq.s32 s5, $0x0;
	s5 =	sld [smem:$0x3FAF]  }
0x2b: {  	s6 =	sld [smem:$0x3FB0]  }
0x2c: {  	s7 =	sld [smem:$0x3FB1]  }
0x2d: {  	s3 =	simm.s32 $0x108;
	s8 =	sld [smem:$0x3FB2]  }
0x2e: {  	s3 =	simm.s32 @!p0 $0x1082;
	s9 =	sld [smem:$0x3FB3]  }
0x2f: {  	lr =	sadd.s32 s0, s3;
	s0 =	sld [smem:$0x3FAA]  }
0x30: {  	s3 =	sld [smem:$0x3FAD]  }
0x31: {  	[smem:$0x3FB6] =	sst s10  }
0x32: {  	s10 =	sld [smem:$0x3FB4];
	_ =	sdelay $0x3  }
0x33: {  	p0 =	seq.s32 s10, $0x1;
	s10 =	sld [smem:$0x3FB6];
	_ =	sdelay $0x3  }
0x34: {  	[smem:$0x3FB6] =	sst s10  }
0x35: {  	s10 =	sld [smem:$0x3FB5];
	_ =	sdelay $0x3  }
0x36: {  	p1 =	seq.s32 s10, $0x1;
	s10 =	sld [smem:$0x3FB6];
	_ =	sdelay $0x3  }
0x37: {  	[smem:$0x3FB6] =	sst s10  }
0x38: {  	s10 =	sld [smem:$0x3FB7]  }
0x39: {  	_ = 	snop;
	(pc) =	sbr.ind lr, $3  }
0x3a: {  	_ = 	snop  }
0x3b: {  	_ = 	snop  }
0x3c: {  	p2 =	seq.s32 s10, $0x1;
	s10 =	sld [smem:$0x3FB6]  }
0x3d: {  	_ =	shalt  }
0x3e: {  	_ =	shalt  }
0x3f: {  	_ =	shalt  }
0x40: {  	_ =	shalt  }
0x41: {  	_ =	shalt  }
0x42: {  	_ =	shalt  }
0x43: {  	_ =	shalt  }
0x44: {  	_ =	shalt  }
0x45: {  	_ =	shalt  }
0x46: {  	_ =	shalt  }
0x47: {  	_ =	shalt  }
0x48: {  	_ =	shalt  }
0x49: {  	_ =	shalt  }
0x4a: {  	_ =	shalt  }
0x4b: {  	_ =	shalt  }
0x4c: {  	_ =	shalt  }
0x4d: {  	_ =	shalt  }
0x4e: {  	_ =	shalt  }
0x4f: {  	_ =	shalt  }
0x50: {  	_ =	shalt  }
0x51: {  	_ =	shalt  }
0x52: {  	_ =	shalt  }
0x53: {  	_ =	shalt  }
0x54: {  	_ =	shalt  }
0x55: {  	_ =	shalt  }
0x56: {  	_ =	shalt  }
0x57: {  	_ =	shalt  }
0x58: {  	_ =	shalt  }
0x59: {  	_ =	shalt  }
0x5a: {  	_ =	shalt  }
0x5b: {  	_ =	shalt  }
0x5c: {  	_ =	shalt  }
0x5d: {  	_ =	shalt  }
0x5e: {  	_ =	shalt  }
0x5f: {  	_ =	shalt  }
0x60: {  	_ =	shalt  }
0x61: {  	_ =	shalt  }
0x62: {  	_ =	shalt  }
0x63: {  	_ =	shalt  }
0x64: {  	_ =	shalt  }
0x65: {  	_ =	shalt  }
0x66: {  	_ =	shalt  }
0x67: {  	_ =	shalt  }
0x68: {  	_ =	shalt  }
0x69: {  	_ =	shalt  }
0x6a: {  	_ =	shalt  }
0x6b: {  	_ =	shalt  }
0x6c: {  	_ =	shalt  }
0x6d: {  	_ =	shalt  }
0x6e: {  	_ =	shalt  }
0x6f: {  	_ =	shalt  }
0x70: {  	_ =	shalt  }
0x71: {  	_ =	shalt  }
0x72: {  	_ =	shalt  }
0x73: {  	_ =	shalt  }
0x74: {  	_ =	shalt  }
0x75: {  	_ =	shalt  }
0x76: {  	_ =	shalt  }
0x77: {  	_ =	shalt  }
0x78: {  	_ =	shalt  }
0x79: {  	_ =	shalt  }
0x7a: {  	_ =	shalt  }
0x7b: {  	_ =	shalt  }
0x7c: {  	_ =	shalt  }
0x7d: {  	_ =	shalt  }
0x7e: {  	_ =	shalt  }
0x7f: {  	_ =	shalt  }
0x80: {  	_ =	shalt  }
0x81: {  	_ =	shalt  }
0x82: {  	_ =	shalt  }
0x83: {  	_ =	shalt  }
0x84: {  	_ =	shalt  }
0x85: {  	_ =	shalt  }
0x86: {  	_ =	shalt  }
0x87: {  	_ =	shalt  }
.Lfunc_end0:
.L_simem_size_0:
called_computation_lowered:
.L_overlay_start_0:
0x88: {  	s2 =	sld [smem:$0x3FD9]  }
0x89: {  	s3 =	sld [smem:$0x3FFE];
	_ =	sdelay $0x1  }
0x8a: {  	s1 =	srdreg.scid  }
0x8b: {  	s0 =	sand.u32 $0x1, s1  }
0x8c: {  	s14 =	sshll.u32 s0, $0xA;
	s2 =	sadd.s32 s3, s2  }
0x8d: {  	s2 =	sadd.s32 s2, s14  }
0x8e: {  	[smem:$0x3FC2] =	sst s2  }
0x8f: {  	_ = 	snop  }
0x90: {  	s2 =	sld [smem:$0x3FD0];
	_ =	sdelay $0x2  }
0x91: {  	s15 =	simm.s32 $0xA;
	s4 =	simm.s32 $0x10  }
0x92: {  	[smem:s4], [sflag:s15] =	dma.local [hbm:s2], $0x1  }
0x93: {  	_ =	swait.eq [sflag:s15], $0x1  }
0x94: {  	s16 =	sld [smem:$0x10]  }
0x95: {  	s17 =	sld [smem:$0x11];
	[sflag:s15] =	ssyncset.done $0x0  }
0x96: {  	s5 =	sld [smem:$0x12];
	[sflag:s15] =	ssyncadd.s32 $0xFFFFFFFF  }
0x97: {  	s18 =	sld [smem:$0x13];
	(tm) =	ssettm $0x1  }
0x98: {  	s6 =	sld [smem:$0x3FFB];
	_ =	sdelay $0x3  }
0x99: {  	_ =	strace s6  }
0x9a: {  	s6 =	sld [smem:$0x3FFC];
	_ =	sdelay $0x3  }
0x9b: {  	_ =	strace s6  }
0x9c: {  	s6 =	sld [smem:$0x3FFD];
	_ =	sdelay $0x3  }
0x9d: {  	_ =	strace s6  }
0x9e: {  	_ =	strace $0x8FFFFFFF  }
0x9f: {  	s19 =	sld [smem:$0x3FDB];
	_ =	sdelay $0x1  }
0xa0: {  	s7 =	simm.s32 $_scs_section_size  }
0xa1: {  	s8 =	simm.s32 $_size__tile_overlayer_lowered;
	s9 =	simm.s32 $_tile_overlayer_lowered  }
0xa2: {  	s22 =	simm.s32 $0x1BFF;
	s21 =	sshll.u32 s9, $0x1;
	s6 =	sadd.s32 s7, s19  }
0xa3: {  	s10 =	simm.s32 $0x0;
	s20 =	sshll.u32 s8, $0x1;
	s8 =	sadd.s32 s21, s6  }
0xa4: {  	[timem:s10], [sflag:s22] =	dma.local [hbm:s8], s20  }
0xa5: {  	_ =	swait.ge [sflag:s22], s20  }
0xa6: {  	s7 =	ssub.s32 $0x0, s20;
	[sflag:s22] =	ssyncset.done $0x0  }
0xa7: {  	[sflag:s22] =	ssyncadd.s32 s7;
	_ =	sdelay $0x1  }
0xa8: {  	s23 =	simm.s32 $0x1B8B  }
0xa9: {  	_ =	swait.ge [sflag:s23], $0x1  }
0xaa: {  	[sflag:s23] =	ssyncset.done $0x0  }
0xab: {  	s25 =	simm.s32 $0x1B8E;
	s24 =	sld [smem:$0x3FFE];
	[sflag:s23] =	ssyncadd.s32 $0xFFFFFFFF  }
0xac: {  	s26 =	simm.s32 $execute0_lowered;
	[smem:$0x3FD2] =	sst s25  }
0xad: {  	s8 =	sshll.u32 s26, $0x1;
	_ =	strace $0x80000046;
	[dreg:$0x1] =	wrdreg $0xFFFFFFFF  }
0xae: {  	s28 =	simm.s32 $_size_execute0_lowered;
	s6 =	sadd.s32 s6, s8;
	[dreg:$0x0] =	wrdreg $0x0  }
0xaf: {  	s8 =	sshll.u32 s28, $0x1;
	[dreg:$0x2] =	wrdreg s6  }
0xb0: {  	[dreg:$0x3] =	wrdreg s8  }
0xb1: {  	[dreg:$0x4] =	wrdreg $0xC0  }
0xb2: {  	_ =	task [dreg:s10], $0x5FFFF  }
0xb3: {  	[dreg:$0x1] =	wrdreg $0xFFFFFFFF  }
0xb4: {  	[dreg:$0x0] =	wrdreg $0x60  }
0xb5: {  	[dreg:$0x2] =	wrdreg s24  }
0xb6: {  	[dreg:$0x3] =	wrdreg s16  }
0xb7: {  	[dreg:$0x4] =	wrdreg s5  }
0xb8: {  	[dreg:$0x5] =	wrdreg s18  }
0xb9: {  	[dreg:$0x6] =	wrdreg s17  }
0xba: {  	[dreg:$0x7] =	wrdreg $0x1C000  }
0xbb: {  	[dreg:$0x8] =	wrdreg $0x9  }
0xbc: {  	_ =	task.clear_ibuf [dreg:s10], $0x9FFFF;
	_ =	strace $0x90000046  }
0xbd: {  	s29 =	simm.s32 $0x9;
	_ =	strace $0x80000048  }
0xbe: {  	_ =	swait.ge [sflag:s29], $0x1  }
0xbf: {  	[sflag:s29] =	ssyncadd.s32 $0xFFFFFFFF  }
0xc0: {  	_ =	strace $0x90000048  }
0xc1: {  	_ =	sfence  }
0xc2: {  	s30 =	sld [smem:$0x0];
	_ =	sdelay $0x2  }
0xc3: {  	s31 =	sshll.u32 s1, $0xD;
	s1 =	sshrl.u32 s1, $0x2  }
0xc4: {  	s3 =	sand.u32 $0x4000, s31;
	s1 =	sadd.s32 s1, s30  }
0xc5: {  	s0 =	sor.u32 s3, s0;
	s1 =	sshll.u32 s1, $0x11  }
0xc6: {  	s0 =	sor.u32 s1, s0  }
0xc7: {  	s0 =	sadd.s32 $0x8F2B, s0  }
0xc8: {  	[sflag:s0] =	ssyncadd.remote.s32 $0x1  }
0xc9: {  	_ =	sfence.sel $0xFFFF  }
0xca: {  	[dreg:$0x0] =	wrdreg $0xFFFFFFFF;
	(pc) =	sbr.abs _section_cstart, $3  }
0xcb: {  	[dreg:$0x1] =	wrdreg $0xFFFFFFFF  }
0xcc: {  	_ =	task.clear_ibuf [dreg:s10], $0x2FFFF;
	_ =	strace $0x9FFFFFFF  }
0xcd: {  	(tm) =	ssettm $0x7FFFFFFF  }
tec
execute0_lowered:
.L_overlay_start_1:
0x0: {  	(tag) =	ssettag $0x1  }
0x1: {  	s9 =	rddreg [dreg:$0x0]  }
0x2: {  	s1 =	rddreg [dreg:$0x1]  }
0x3: {  	s2 =	rddreg [dreg:$0x2]  }
0x4: {  	s3 =	rddreg [dreg:$0x3]  }
0x5: {  	s11 =	rddreg [dreg:$0x4]  }
0x6: {  	s4 =	rddreg [dreg:$0x5];
	s5 =	srdreg.scid  }
0x7: {  	s0 =	rddreg [dreg:$0x6];
	s6 =	simm.s32 $0x0;
	s17 =	simm.s32 $0x180  }
0x8: {  	s18 =	simm.s32 $0x200;
	s19 =	simm.s32 $0x280;
	s20 =	simm.s32 $0x300  }
0x9: {  	s21 =	simm.s32 $0x380;
	s22 =	simm.s32 $0x1;
	s12 =	sand.u32 $0x1, s5  }
0xa: {  	s5 =	stileid.u32;
	[smem:$0x7FF] =	sst s6;
	s10 =	sadd.s32 $0x7200, s9  }
0xb: {  	s9 =	sadd.s32 $0xBF80, s9;
	s7 =	ssub.s32 $0x2, s12;
	s13 =	smul.u32 $0x2800, s5  }
0xc: {  	_ =	strace $0x80000047;
	s29 =	sshll.u32 s5, $0x6;
	s30 =	smul.u32 $0x280, s5  }
0xd: {  	p0 =	seq.s32 s12, $0x1;
	p1 =	sne.s32 s5, $0xF;
	s16 =	smul.u32 $0x1400, s5  }
0xe: {  	p2 =	seq.s32 s5, $0xF;
	s31 =	smul.u32 $0x5000, s12;
	s8 =	sshrl.u32 s7, $0x1  }
0xf: {  	p1 =	por !p1, !p0;
	p2 =	por !p2, !p0;
	s14 =	ssub.s32 s7, s8  }
0x10: {  	s15 =	sadd.s32 s13, s4;
	s7 =	sor.u32 $0x1C02, s29;
	s8 =	sadd.s32 s10, s30  }
0x11: {  	p1 =	por !p1, !p1;
	s16 =	sshrl.u32 s16, $0x3;
	p3 =	por !p2, !p2  }
.Ltmp0:
0x12: {  	s23 =	sadd.s32 s11, s31;
	s24 =	sshrl.u32 s13, $0x3;
	(pc) =	sbr.rel .LBB2_1-.Ltmp0, $4  }
0x13: {  	p2 =	sne.s32 s12, $0x0;
	s13 =	simm.s32 $0x2;
	s10 =	sadd.s32 s10, s16  }
0x14: {  	s11 =	smax.u32 s14, $0x1;
	s12 =	sshrl.u32 s15, $0x3;
	s14 =	simm.s32 $0x1400  }
0x15: {  	p3 =	por !p3, p1;
	s15 =	simm.s32 $0x80;
	s16 =	simm.s32 $0x100  }
0x16: {  	s23 =	sadd.s32 s24, s23;
	s24 =	simm.s32 $0x0;
	s10 =	sadd.s32 $0x2800, s10  }
.LBB2_8:
0x17: {  	[spmem:s4] =	stream.indirect.scatter.add.f32 [tilespmem:s14], [sflag:$0x1], $0x10, s26, s15, $0xb8;
	[tilespmem:$0x4400] =	vst v63  }
0x18: {  	_ =	swait.ge [sflag:s22], $0x800  }
0x19: {  	[sflag:s22] =	ssyncset.done $0x0  }
0x1a: {  	[sflag:s22] =	ssyncadd.s32 $0xFFFFF800  }
0x1b: {  	_ =	swait.ge [sflag:s22], $0x800  }
0x1c: {  	[sflag:s22] =	ssyncset.done $0x0  }
0x1d: {  	[sflag:s22] =	ssyncadd.s32 $0xFFFFF800  }
0x1e: {  	_ =	swait.ge [sflag:s22], $0x800  }
0x1f: {  	[sflag:s22] =	ssyncset.done $0x0  }
0x20: {  	[sflag:s22] =	ssyncadd.s32 $0xFFFFF800  }
0x21: {  	_ =	swait.ge [sflag:s22], $0x800  }
0x22: {  	[sflag:s22] =	ssyncset.done $0x0  }
0x23: {  	[sflag:s22] =	ssyncadd.s32 $0xFFFFF800  }
0x24: {  	_ =	swait.ge [sflag:s22], $0x800  }
0x25: {  	[sflag:s22] =	ssyncset.done $0x0  }
0x26: {  	[sflag:s22] =	ssyncadd.s32 $0xFFFFF800  }
0x27: {  	_ =	swait.ge [sflag:s22], $0x800  }
0x28: {  	[sflag:s22] =	ssyncset.done $0x0  }
0x29: {  	[sflag:s22] =	ssyncadd.s32 $0xFFFFF800  }
0x2a: {  	_ =	swait.ge [sflag:s22], $0x800  }
0x2b: {  	[sflag:s22] =	ssyncset.done $0x0  }
0x2c: {  	[sflag:s22] =	ssyncadd.s32 $0xFFFFF800  }
0x2d: {  	_ =	swait.ge [sflag:s22], $0x800  }
0x2e: {  	[sflag:s22] =	ssyncset.done $0x0  }
0x2f: {  	[sflag:s22] =	ssyncadd.s32 $0xFFFFF800  }
.LBB2_9:
0x30: {  	s24 =	sadd.s32 $0x1, s24  }
0x31: {  	p4 =	sne.s32 s24, s11  }
.Ltmp1:
0x32: {  	[bflag:$0x0] =	sbarrier.arrive $0xFFFF;
	(pc) =	sbr.rel @!p4 .LBB2_10-.Ltmp1, $4  }
0x33: {  	[hbm:s23], [sflag:s7] =	dma.local [spmem:s12], $0x500  }
0x34: {  	_ =	swait.ge [sflag:s13], $0x500  }
0x35: {  	[sflag:s13] =	ssyncset.done $0x0  }
0x36: {  	[sflag:s13] =	ssyncadd.s32 $0xFFFFFB00  }
.LBB2_1:
0x37: {  	[spmem:s12], [sflag:s7] =	dma.local [hbm:s3], $0x500  }
0x38: {  	_ =	swait.ge [sflag:s13], $0x500  }
0x39: {  	[sflag:s13] =	ssyncset.done $0x0  }
0x3a: {  	[sflag:s13] =	ssyncadd.s32 $0xFFFFFB00  }
0x3b: {  	[tilespmem:s14], [sflag:$0x2] =	stream.linear.gather [hbm4b:s2+s6], $0x800, $0x38;
	[tilespmem:$0x4400] =	vst v63  }
0x3c: {  	_ =	swait.ge [sflag:s13], $0x800  }
0x3d: {  	[sflag:s13] =	ssyncset.done $0x0  }
0x3e: {  	s25 =	simm.s32 @!p2 $0x0;
	[sflag:s13] =	ssyncadd.s32 $0xFFFFF800  }
0x3f: {  	[tilespmem:s25], [sflag:$0x2] =	stream.linear.gather @!p2 [hbm4b:s8+s25], $0x1400, $0x38;
	[tilespmem:$0x4400] =	vst v63  }
0x40: {  	s25 =	simm.s32 @!p2 $0x2  }
0x41: {  	_ =	swait.ge @!p2 [sflag:s25], $0x1400  }
0x42: {  	[sflag:s25] =	ssyncset.done @!p2 $0x0  }
0x43: {  	s26 =	simm.s32 @!p3 $0x2;
	[sflag:s25] =	ssyncadd.s32 @!p2 $0xFFFFEC00;
	s25 =	simm.s32 @!p3 $0x0  }
0x44: {  	[tilespmem:s25], [sflag:$0x2] =	stream.linear.gather @!p3 [hbm4b:s9+s25], $0x500, $0x38;
	[tilespmem:$0x4400] =	vst v63  }
0x45: {  	_ =	swait.ge @!p3 [sflag:s26], $0x500  }
0x46: {  	[sflag:s26] =	ssyncset.done @!p3 $0x0  }
0x47: {  	s28 =	simm.s32 @!p3 $0x500;
	[sflag:s26] =	ssyncadd.s32 @!p3 $0xFFFFFB00  }
0x48: {  	[tilespmem:s28], [sflag:$0x2] =	stream.linear.gather @!p3 [hbm4b:s1+s25], $0xF00, $0x38;
	[tilespmem:$0x4400] =	vst v63  }
0x49: {  	_ =	swait.ge @!p3 [sflag:s26], $0xF00  }
0x4a: {  	[sflag:s26] =	ssyncset.done @!p3 $0x0  }
0x4b: {  	s25 =	simm.s32 @p1 $0x0;
	[sflag:s26] =	ssyncadd.s32 @!p3 $0xFFFFF100  }
0x4c: {  	[tilespmem:s25], [sflag:$0x2] =	stream.linear.gather @p1 [hbm4b:s10+s25], $0x1400, $0x38;
	[tilespmem:$0x4400] =	vst v63  }
0x4d: {  	s25 =	simm.s32 @p1 $0x2  }
.Ltmp2:
0x4e: {  	_ =	swait.ge @p1 [sflag:s25], $0x1400;
	(pc) =	sbr.rel @p2 .LBB2_5-.Ltmp2, $3  }
0x4f: {  	[sflag:s25] =	ssyncset.done @p1 $0x0  }
0x50: {  	[sflag:s25] =	ssyncadd.s32 @p1 $0xFFFFEC00  }
0x51: {  	[bflag:$0x0] =	sbarrier.arrive $0xFFFF;
	_ =	sdelay $0x1  }
0x52: {  	s25 =	simm.s32 $0x0  }
0x53: {  	[spmem:s4] =	stream.indirect.scatter.add.f32 [tilespmem:s14], [sflag:$0x1], $0x10, s25, s15, $0xb8;
	[tilespmem:$0x4400] =	vst v63  }
0x54: {  	_ = 	snop  }
0x55: {  	[spmem:s4] =	stream.indirect.scatter.add.f32 [tilespmem:s14], [sflag:$0x1], $0x10, s15, s15, $0xb8;
	[tilespmem:$0x4400] =	vst v63  }
0x56: {  	_ = 	snop  }
0x57: {  	[spmem:s4] =	stream.indirect.scatter.add.f32 [tilespmem:s14], [sflag:$0x1], $0x10, s16, s15, $0xb8;
	[tilespmem:$0x4400] =	vst v63  }
0x58: {  	_ = 	snop  }
0x59: {  	[spmem:s4] =	stream.indirect.scatter.add.f32 [tilespmem:s14], [sflag:$0x1], $0x10, s17, s15, $0xb8;
	[tilespmem:$0x4400] =	vst v63  }
0x5a: {  	_ = 	snop  }
0x5b: {  	[spmem:s4] =	stream.indirect.scatter.add.f32 [tilespmem:s14], [sflag:$0x1], $0x10, s18, s15, $0xb8;
	[tilespmem:$0x4400] =	vst v63  }
0x5c: {  	_ = 	snop  }
0x5d: {  	[spmem:s4] =	stream.indirect.scatter.add.f32 [tilespmem:s14], [sflag:$0x1], $0x10, s19, s15, $0xb8;
	[tilespmem:$0x4400] =	vst v63  }
0x5e: {  	_ = 	snop  }
0x5f: {  	[spmem:s4] =	stream.indirect.scatter.add.f32 [tilespmem:s14], [sflag:$0x1], $0x10, s20, s15, $0xb8;
	[tilespmem:$0x4400] =	vst v63  }
0x60: {  	_ = 	snop  }
0x61: {  	[spmem:s4] =	stream.indirect.scatter.add.f32 [tilespmem:s14], [sflag:$0x1], $0x10, s21, s15, $0xb8;
	[tilespmem:$0x4400] =	vst v63  }
0x62: {  	_ =	swait.ge [sflag:s22], $0x800  }
0x63: {  	[sflag:s22] =	ssyncset.done $0x0  }
0x64: {  	s26 =	simm.s32 $0x400;
	s25 =	simm.s32 $0x200;
	[sflag:s22] =	ssyncadd.s32 $0xFFFFF800  }
.LBB2_3:
0x65: {  	[spmem:s4] =	stream.indirect.scatter.add.f32 [tilespmem:s14], [sflag:$0x1], $0x10, s26, s15, $0xb8;
	[tilespmem:$0x4400] =	vst v63  }
0x66: {  	s26 =	smov.u32 s25;
	p4 =	sne.s32 s25, $0x3E00  }
.Ltmp3:
0x67: {  	s25 =	sadd.s32 $0x200, s25;
	(pc) =	sbr.rel @p4 .LBB2_3-.Ltmp3, $4  }
0x68: {  	_ = 	snop  }
0x69: {  	_ =	swait.ge [sflag:s22], $0x800  }
0x6a: {  	s26 =	sshra.s32 s26, $0x2;
	[sflag:s22] =	ssyncset.done $0x0  }
0x6b: {  	s26 =	sadd.s32 $0x400, s26;
	[sflag:s22] =	ssyncadd.s32 $0xFFFFF800  }
0x6c: {  	[spmem:s4] =	stream.indirect.scatter.add.f32 [tilespmem:s14], [sflag:$0x1], $0x10, s26, s15, $0xb8;
	[tilespmem:$0x4400] =	vst v63  }
0x6d: {  	_ =	swait.ge [sflag:s22], $0x800  }
0x6e: {  	[sflag:s22] =	ssyncset.done $0x0  }
0x6f: {  	[sflag:s22] =	ssyncadd.s32 $0xFFFFF800  }
0x70: {  	_ =	swait.ge [sflag:s22], $0x800  }
0x71: {  	[sflag:s22] =	ssyncset.done $0x0  }
0x72: {  	[sflag:s22] =	ssyncadd.s32 $0xFFFFF800  }
0x73: {  	_ =	swait.ge [sflag:s22], $0x800  }
0x74: {  	[sflag:s22] =	ssyncset.done $0x0  }
0x75: {  	[sflag:s22] =	ssyncadd.s32 $0xFFFFF800  }
0x76: {  	_ =	swait.ge [sflag:s22], $0x800  }
0x77: {  	[sflag:s22] =	ssyncset.done $0x0  }
0x78: {  	[sflag:s22] =	ssyncadd.s32 $0xFFFFF800  }
0x79: {  	_ =	swait.ge [sflag:s22], $0x800  }
0x7a: {  	[sflag:s22] =	ssyncset.done $0x0  }
0x7b: {  	[sflag:s22] =	ssyncadd.s32 $0xFFFFF800  }
0x7c: {  	_ =	swait.ge [sflag:s22], $0x800  }
0x7d: {  	[sflag:s22] =	ssyncset.done $0x0  }
0x7e: {  	[sflag:s22] =	ssyncadd.s32 $0xFFFFF800  }
0x7f: {  	_ =	swait.ge [sflag:s22], $0x800  }
0x80: {  	[sflag:s22] =	ssyncset.done $0x0  }
0x81: {  	[sflag:s22] =	ssyncadd.s32 $0xFFFFF800  }
0x82: {  	_ =	swait.ge [sflag:s22], $0x800  }
0x83: {  	[sflag:s22] =	ssyncset.done $0x0  }
0x84: {  	[sflag:s22] =	ssyncadd.s32 $0xFFFFF800  }
.LBB2_5:
.Ltmp4:
0x85: {  	(pc) =	sbr.rel @!p0 .LBB2_9-.Ltmp4, $1  }
0x86: {  	_ =	sdelay $0x3  }
0x87: {  	s25 =	simm.s32 $0x0  }
0x88: {  	[spmem:s4] =	stream.indirect.scatter.add.f32 [tilespmem:s14], [sflag:$0x1], $0x10, s25, s15, $0xb8;
	[tilespmem:$0x4400] =	vst v63  }
0x89: {  	_ = 	snop  }
0x8a: {  	[spmem:s4] =	stream.indirect.scatter.add.f32 [tilespmem:s14], [sflag:$0x1], $0x10, s15, s15, $0xb8;
	[tilespmem:$0x4400] =	vst v63  }
0x8b: {  	_ = 	snop  }
0x8c: {  	[spmem:s4] =	stream.indirect.scatter.add.f32 [tilespmem:s14], [sflag:$0x1], $0x10, s16, s15, $0xb8;
	[tilespmem:$0x4400] =	vst v63  }
0x8d: {  	_ = 	snop  }
0x8e: {  	[spmem:s4] =	stream.indirect.scatter.add.f32 [tilespmem:s14], [sflag:$0x1], $0x10, s17, s15, $0xb8;
	[tilespmem:$0x4400] =	vst v63  }
0x8f: {  	_ = 	snop  }
0x90: {  	[spmem:s4] =	stream.indirect.scatter.add.f32 [tilespmem:s14], [sflag:$0x1], $0x10, s18, s15, $0xb8;
	[tilespmem:$0x4400] =	vst v63  }
0x91: {  	_ = 	snop  }
0x92: {  	[spmem:s4] =	stream.indirect.scatter.add.f32 [tilespmem:s14], [sflag:$0x1], $0x10, s19, s15, $0xb8;
	[tilespmem:$0x4400] =	vst v63  }
0x93: {  	_ = 	snop  }
0x94: {  	[spmem:s4] =	stream.indirect.scatter.add.f32 [tilespmem:s14], [sflag:$0x1], $0x10, s20, s15, $0xb8;
	[tilespmem:$0x4400] =	vst v63  }
0x95: {  	_ = 	snop  }
0x96: {  	[spmem:s4] =	stream.indirect.scatter.add.f32 [tilespmem:s14], [sflag:$0x1], $0x10, s21, s15, $0xb8;
	[tilespmem:$0x4400] =	vst v63  }
0x97: {  	_ =	swait.ge [sflag:s22], $0x800  }
0x98: {  	[sflag:s22] =	ssyncset.done $0x0  }
0x99: {  	s26 =	simm.s32 $0x400;
	s25 =	simm.s32 $0x200;
	[sflag:s22] =	ssyncadd.s32 $0xFFFFF800  }
.LBB2_7:
0x9a: {  	[spmem:s4] =	stream.indirect.scatter.add.f32 [tilespmem:s14], [sflag:$0x1], $0x10, s26, s15, $0xb8;
	[tilespmem:$0x4400] =	vst v63  }
0x9b: {  	s26 =	smov.u32 s25;
	p4 =	sne.s32 s25, $0x3E00  }
.Ltmp5:
0x9c: {  	s25 =	sadd.s32 $0x200, s25;
	(pc) =	sbr.rel @p4 .LBB2_7-.Ltmp5, $4  }
0x9d: {  	_ = 	snop  }
0x9e: {  	_ =	swait.ge [sflag:s22], $0x800  }
0x9f: {  	s26 =	sshra.s32 s26, $0x2;
	[sflag:s22] =	ssyncset.done $0x0  }
0xa0: {  	s26 =	sadd.s32 $0x400, s26;
	[sflag:s22] =	ssyncadd.s32 $0xFFFFF800  }
.Ltmp6:
0xa1: {  	_ = 	snop;
	(pc) =	sbr.rel .LBB2_8-.Ltmp6, $1  }
0xa2: {  	_ =	sdelay $0x3  }
.LBB2_10:
0xa3: {  	_ =	sfence.sel $0x180000  }
0xa4: {  	[bflag:$0x0] =	sbarrier.arrive $0xFFFF  }
0xa5: {  	p0 =	sne.s32 s5, $0x0;
	_ =	strace $0x90000047  }
0xa6: {  	s0 =	sadd.s32 @!p0 $0x100000, s0;
	[bflag:$0x2] =	sbarrier.arrive $0xFFFF  }
0xa7: {  	[sflag:s0] =	ssyncadd.tile.s32 @!p0 $0x1;
	_ =	shalt  }
.Lfunc_end2:
_tile_overlayer_lowered:
.L_overlay_start_2:
0xa8: {  	(tag) =	ssettag $0x2  }
0xa9: {  	s0 =	rddreg [dreg:$0x0];
	s2 =	stileid.u32  }
0xaa: {  	s1 =	rddreg [dreg:$0x1];
	p0 =	sne.s32 s2, $0x0  }
0xab: {  	s3 =	rddreg [dreg:$0x2];
	[bflag:$0x3] =	sbarrier.arrive $0xFFFF;
	s2 =	simm.s32 @!p0 $0x1C02  }
0xac: {  	[timem:s3], [sflag:s2] =	dma.local @!p0 [hbm:s0], s1  }
0xad: {  	s0 =	simm.s32 @!p0 $0x2  }
0xae: {  	_ =	swait.ge @!p0 [sflag:s0], s1  }
0xaf: {  	s1 =	ssub.s32 @!p0 $0x0, s1;
	[sflag:s0] =	ssyncset.done @!p0 $0x0  }
0xb0: {  	[sflag:s0] =	ssyncadd.s32 @!p0 s1  }
0xb1: {  	[bflag:$0x3] =	sbarrier.arrive $0xFFFF  }
0xb2: {  	_ =	shalt  }

</sc_bundles>
